<compile_context>
chip_gen: v7x
topology: tpu7x:2x2x1
jax: 0.10.2.dev20260603
libtpu: 0.0.44.dev20260713+nightly
codegen_flags: <defaults>
</compile_context>

<pallas_src>
import functools

import jax
import jax.numpy as jnp
from jax import lax
from jax.experimental import pallas as pl
from jax.experimental.pallas import tpu as pltpu
from jax.experimental.pallas import tpu_sc as plsc

N = 16384
K = 1024
DIM = 256
BN = 2048
HALF = N // 2
HGRID = HALF // BN


def _dist_argmin(x, ct_ref, b2_ref):
    t = x * x
    u = t[:, 0:128] + t[:, 128:256]
    ut = jnp.transpose(u)
    acc = ut[0:8, :]
    for v in range(1, 16):
        acc = acc + ut[8 * v:8 * v + 8, :]
    h4 = acc[0:4, :] + acc[4:8, :]
    h2 = h4[0:2, :] + h4[2:4, :]
    a2 = jnp.transpose(h2[0:1, :] + h2[1:2, :])
    s = lax.dot_general(
        x.astype(jnp.bfloat16), ct_ref[...],
        dimension_numbers=(((1,), (0,)), ((), ())),
        preferred_element_type=jnp.float32,
    )
    b2 = b2_ref[0:1, :]
    d2 = (a2 + b2) - 2.0 * s
    dc = jnp.clip(d2, 0.0, None)
    dist = dc * lax.rsqrt(dc)
    m = dist[:, 0:128]
    cid = jnp.zeros((BN, 128), jnp.int32)
    for j in range(1, K // 128):
        c = dist[:, j * 128:(j + 1) * 128]
        lt = c < m
        m = jnp.where(lt, c, m)
        cid = jnp.where(lt, j, cid)
    mm = jnp.min(m, axis=1, keepdims=True)
    lane = lax.broadcasted_iota(jnp.int32, (BN, 128), 1)
    cand = jnp.where(m == mm, cid * 128 + lane, jnp.int32(K))
    return jnp.reshape(jnp.min(cand, axis=1, keepdims=True), (BN // 128, 128))


def _round0_body(x_ref, ct_ref, b2_ref, idx_ref):
    idx_ref[...] = _dist_argmin(x_ref[...], ct_ref, b2_ref)


def _round_body(x_ref, g_ref, ct_ref, b2_ref, idx_ref, xout_ref):
    x = x_ref[...] - g_ref[...]
    xout_ref[...] = x
    idx_ref[...] = _dist_argmin(x, ct_ref, b2_ref)


def _sub_body(x_ref, g_ref, out_ref):
    out_ref[...] = x_ref[...] - g_ref[...]


_CTSPEC = pl.BlockSpec((DIM, K), lambda i: (0, 0))
_B2SPEC = pl.BlockSpec((8, K), lambda i: (0, 0))
_IDXSPEC = pl.BlockSpec((BN // 128, 128), lambda i: (i, 0))
_HSPEC = pl.BlockSpec((BN, DIM), lambda i: (i, 0))

_IDX_SHAPE = jax.ShapeDtypeStruct((HALF // 128, 128), jnp.int32)
_X_SHAPE = jax.ShapeDtypeStruct((HALF, DIM), jnp.float32)


def _xfull_spec(off):
    return pl.BlockSpec((BN, DIM), lambda i, o=off: (i + o, 0))


def _make_round0(off):
    return pl.pallas_call(
        _round0_body,
        grid=(HGRID,),
        in_specs=[_xfull_spec(off), _CTSPEC, _B2SPEC],
        out_specs=_IDXSPEC,
        out_shape=_IDX_SHAPE,
    )


def _make_round1(off):
    return pl.pallas_call(
        _round_body,
        grid=(HGRID,),
        in_specs=[_xfull_spec(off), _HSPEC, _CTSPEC, _B2SPEC],
        out_specs=[_IDXSPEC, _HSPEC],
        out_shape=[_IDX_SHAPE, _X_SHAPE],
    )


_round0_a = _make_round0(0)
_round0_b = _make_round0(HGRID)
_round1_a = _make_round1(0)
_round1_b = _make_round1(HGRID)

_round_h = pl.pallas_call(
    _round_body,
    grid=(HGRID,),
    in_specs=[_HSPEC, _HSPEC, _CTSPEC, _B2SPEC],
    out_specs=[_IDXSPEC, _HSPEC],
    out_shape=[_IDX_SHAPE, _X_SHAPE],
)

_sub_h = pl.pallas_call(
    _sub_body,
    grid=(HGRID,),
    in_specs=[_HSPEC, _HSPEC],
    out_specs=_HSPEC,
    out_shape=_X_SHAPE,
)


def _make_gather(rows):
    info = plsc.get_sparse_core_info()
    nc, ns = info.num_cores, info.num_subcores
    nw = nc * ns
    b_per_w = rows // nw
    mesh = plsc.VectorSubcoreMesh(core_axis_name="c", subcore_axis_name="s")

    @functools.partial(
        pl.kernel,
        out_type=jax.ShapeDtypeStruct((rows, DIM), jnp.float32),
        mesh=mesh,
        scratch_types=[
            pltpu.VMEM((b_per_w,), jnp.int32),
            pltpu.VMEM((b_per_w, DIM), jnp.float32),
            pltpu.SemaphoreType.DMA,
        ],
    )
    def gather(table_hbm, idx_hbm, out_hbm, idx_v, rows_v, sem):
        wid = lax.axis_index("s") * nc + lax.axis_index("c")
        base = wid * b_per_w
        pltpu.sync_copy(idx_hbm.at[pl.ds(base, b_per_w)], idx_v)
        half = b_per_w // 2
        g0 = pltpu.async_copy(table_hbm.at[idx_v.at[pl.ds(0, half)]],
                              rows_v.at[pl.ds(0, half)], sem)
        g1 = pltpu.async_copy(table_hbm.at[idx_v.at[pl.ds(half, half)]],
                              rows_v.at[pl.ds(half, half)], sem)
        g0.wait()
        g1.wait()
        pltpu.sync_copy(rows_v, out_hbm.at[pl.ds(base, b_per_w)])

    return gather


_gather = _make_gather(HALF)


def kernel(input, codebook_0, codebook_1, codebook_2, codebook_3):
    books = [codebook_0, codebook_1, codebook_2, codebook_3]
    cts = [jnp.transpose(c).astype(jnp.bfloat16) for c in books]
    b2s = [
        jnp.broadcast_to(jnp.sum(c * c, axis=-1)[None, :], (8, K)) for c in books
    ]

    ia0 = _round0_a(input, cts[0], b2s[0])
    ib0 = _round0_b(input, cts[0], b2s[0])
    ga0 = _gather(books[0], jnp.reshape(ia0, (HALF,)))
    gb0 = _gather(books[0], jnp.reshape(ib0, (HALF,)))
    ia1, xa1 = _round1_a(input, ga0, cts[1], b2s[1])
    ib1, xb1 = _round1_b(input, gb0, cts[1], b2s[1])
    ga1 = _gather(books[1], jnp.reshape(ia1, (HALF,)))
    gb1 = _gather(books[1], jnp.reshape(ib1, (HALF,)))
    ia2, xa2 = _round_h(xa1, ga1, cts[2], b2s[2])
    ib2, xb2 = _round_h(xb1, gb1, cts[2], b2s[2])
    ga2 = _gather(books[2], jnp.reshape(ia2, (HALF,)))
    gb2 = _gather(books[2], jnp.reshape(ib2, (HALF,)))
    ia3, xa3 = _round_h(xa2, ga2, cts[3], b2s[3])
    ib3, xb3 = _round_h(xb2, gb2, cts[3], b2s[3])
    ga3 = _gather(books[3], jnp.reshape(ia3, (HALF,)))
    gb3 = _gather(books[3], jnp.reshape(ib3, (HALF,)))
    res_a = _sub_h(xa3, ga3)
    res_b = _sub_h(xb3, gb3)

    out_a = jnp.stack([jnp.reshape(i, (HALF,)) for i in (ia0, ia1, ia2, ia3)],
                      axis=-1)
    out_b = jnp.stack([jnp.reshape(i, (HALF,)) for i in (ib0, ib1, ib2, ib3)],
                      axis=-1)
    output = jnp.concatenate([out_a, out_b], axis=0)
    res = jnp.concatenate([res_a, res_b], axis=0)
    return (output, res)

# --- scband reference (transcript-rebuilt; emitter-appended) ---
"""Pipeline reference for scband-rqkmeans-54992761258888 (READ-ONLY COPY).

The authoritative reference and input builder live on the scoring server;
editing this copy changes nothing except your own understanding.
"""

import jax, jax.numpy as jnp
import numpy as np

NUM_BOOK = 4
K = 1024
DIM = 256
N = 16384


def setup_inputs(seed: int = 0) -> dict:
    key = jax.random.key(seed)
    ks = jax.random.split(key, NUM_BOOK + 1)
    inp = {"input": jax.random.normal(ks[0], (N, DIM), dtype=jnp.float32)}
    for i in range(NUM_BOOK):
        inp[f"codebook_{i}"] = jax.random.normal(ks[i + 1], (K, DIM), dtype=jnp.float32)
    return inp


def _cdist(a, b):
    # Euclidean (p=2) pairwise distance, matmul-based like torch.cdist
    a2 = jnp.sum(a * a, axis=-1, keepdims=True)          # [N, 1]
    b2 = jnp.sum(b * b, axis=-1)                          # [K]
    d2 = a2 + b2[None, :] - 2.0 * (a @ b.T)               # [N, K]
    return jnp.sqrt(jnp.clip(d2, 0.0, None))


def reference(input, codebook_0, codebook_1, codebook_2, codebook_3):
    books = [codebook_0, codebook_1, codebook_2, codebook_3]
    x = input
    out = []
    for C in books:
        dist = _cdist(x, C)
        idx = jnp.argmin(dist, axis=-1)
        x = x - jnp.take(C, idx, axis=0)
        out.append(idx)
    output = jnp.stack(out, axis=-1)  # [N, NUM_BOOK] int
    res = x                            # [N, DIM] residual
    return (output, res)

if __name__ == "__main__":
    import jax
    _d = setup_inputs()
    print(jax.jit(kernel)(*tuple(_d.values())))

</pallas_src>

<mosaic_0001>
#map = affine_map<(d0, d1) -> (0, 0)>
#map1 = affine_map<(d0, d1) -> (0)>
module attributes {stable_mosaic.version = 14 : i64} {
  func.func @gather(%arg0: i32, %arg1: i32, %arg2: memref<1024x256xf32, #tpu.memory_space<hbm>>, %arg3: memref<8192xi32, #tpu.memory_space<hbm>>, %arg4: memref<8192x256xf32, #tpu.memory_space<hbm>>, %arg5: memref<256xi32, #tpu.memory_space<vmem>>, %arg6: memref<256x256xf32, #tpu.memory_space<vmem>>, %arg7: memref<!tpu.dma_semaphore, #tpu.memory_space<semaphore_mem>>) attributes {dimension_semantics = [#tpu.dimension_semantics<core_parallel>, #tpu.dimension_semantics<subcore_parallel>], iteration_bounds = array<i64: 2, 16>, scalar_prefetch = 0 : i64, scratch_operands = 3 : i64, tpu.core_type = #tpu.core_type<sc_vector_subcore>, window_params = [{transform_indices = #map}, {transform_indices = #map1}, {transform_indices = #map}]} {
    %mul3A = arith.constant 2 : i32
    %mul3A_0 = arith.muli %arg1, %mul3A : i32
    %add3A = arith.addi %mul3A_0, %arg0 : i32
    %mul3A_1 = arith.constant 256 : i32
    %mul3A_2 = arith.muli %add3A, %mul3A_1 : i32
    "tpu.region"() ({
      %run_scoped3A = tpu.sem_alloc : memref<!tpu.dma_semaphore, #tpu.memory_space<semaphore_mem>>
      %dma_start3A_33 = tpu.memref_slice %arg3[%mul3A_2] : memref<8192xi32, #tpu.memory_space<hbm>> -> memref<256xi32, #tpu.memory_space<hbm>>
      %dma_start3A_34 = tpu.memref_slice %arg3[%mul3A_2] : memref<8192xi32, #tpu.memory_space<hbm>> -> memref<256xi32, #tpu.memory_space<hbm>>
      tpu.enqueue_dma source(%dma_start3A_34 : memref<256xi32, #tpu.memory_space<hbm>>) target(%arg5 : memref<256xi32, #tpu.memory_space<vmem>>) target_semaphore(%run_scoped3A : memref<!tpu.dma_semaphore, #tpu.memory_space<semaphore_mem>>)
      %dma_wait3A_35 = tpu.memref_slice %arg3[%mul3A_2] : memref<8192xi32, #tpu.memory_space<hbm>> -> memref<256xi32, #tpu.memory_space<hbm>>
      %dma_wait3A_36 = tpu.memref_slice %arg3[%mul3A_2] : memref<8192xi32, #tpu.memory_space<hbm>> -> memref<256xi32, #tpu.memory_space<hbm>>
      tpu.wait_dma2 semaphore(%run_scoped3A : memref<!tpu.dma_semaphore, #tpu.memory_space<semaphore_mem>>) src(%dma_wait3A_36 : memref<256xi32, #tpu.memory_space<hbm>>) dst(%arg5 : memref<256xi32, #tpu.memory_space<vmem>>)
      tpu.yield
    }) : () -> ()
    %dma_start3A = arith.constant 0 : i32
    %dma_start3A_3 = arith.constant 0 : i32
    %dma_start3A_4 = tpu.memref_slice %arg6[%dma_start3A, %dma_start3A_3] : memref<256x256xf32, #tpu.memory_space<vmem>> -> memref<128x256xf32, #tpu.memory_space<vmem>>
    %dma_start3A_5 = arith.constant 0 : i32
    %dma_start3A_6 = tpu.memref_slice %arg5[%dma_start3A_5] : memref<256xi32, #tpu.memory_space<vmem>> -> memref<128xi32, #tpu.memory_space<vmem>>
    %dma_start3A_7 = arith.constant 0 : i32
    %dma_start3A_8 = arith.constant 0 : i32
    %dma_start3A_9 = tpu.memref_slice %arg2[%dma_start3A_7, %dma_start3A_8] : memref<1024x256xf32, #tpu.memory_space<hbm>> -> memref<1024x256xf32, #tpu.memory_space<hbm>>
    tpu.enqueue_indirect_dma source(%dma_start3A_9 : memref<1024x256xf32, #tpu.memory_space<hbm>>) target(%dma_start3A_4 : memref<128x256xf32, #tpu.memory_space<vmem>>) offsets(%dma_start3A_6 : memref<128xi32, #tpu.memory_space<vmem>>) semaphore(%arg7 : memref<!tpu.dma_semaphore, #tpu.memory_space<semaphore_mem>>)
    %dma_start3A_10 = arith.constant 128 : i32
    %dma_start3A_11 = arith.constant 0 : i32
    %dma_start3A_12 = tpu.memref_slice %arg6[%dma_start3A_10, %dma_start3A_11] : memref<256x256xf32, #tpu.memory_space<vmem>> -> memref<128x256xf32, #tpu.memory_space<vmem>>
    %dma_start3A_13 = arith.constant 128 : i32
    %dma_start3A_14 = tpu.memref_slice %arg5[%dma_start3A_13] : memref<256xi32, #tpu.memory_space<vmem>> -> memref<128xi32, #tpu.memory_space<vmem>>
    %dma_start3A_15 = arith.constant 0 : i32
    %dma_start3A_16 = arith.constant 0 : i32
    %dma_start3A_17 = tpu.memref_slice %arg2[%dma_start3A_15, %dma_start3A_16] : memref<1024x256xf32, #tpu.memory_space<hbm>> -> memref<1024x256xf32, #tpu.memory_space<hbm>>
    tpu.enqueue_indirect_dma source(%dma_start3A_17 : memref<1024x256xf32, #tpu.memory_space<hbm>>) target(%dma_start3A_12 : memref<128x256xf32, #tpu.memory_space<vmem>>) offsets(%dma_start3A_14 : memref<128xi32, #tpu.memory_space<vmem>>) semaphore(%arg7 : memref<!tpu.dma_semaphore, #tpu.memory_space<semaphore_mem>>)
    %dma_wait3A = arith.constant 0 : i32
    %dma_wait3A_18 = arith.constant 0 : i32
    %dma_wait3A_19 = tpu.memref_slice %arg6[%dma_wait3A, %dma_wait3A_18] : memref<256x256xf32, #tpu.memory_space<vmem>> -> memref<128x256xf32, #tpu.memory_space<vmem>>
    %dma_wait3A_20 = arith.constant 0 : i32
    %dma_wait3A_21 = tpu.memref_slice %arg5[%dma_wait3A_20] : memref<256xi32, #tpu.memory_space<vmem>> -> memref<128xi32, #tpu.memory_space<vmem>>
    %dma_wait3A_22 = arith.constant 0 : i32
    %dma_wait3A_23 = arith.constant 0 : i32
    %dma_wait3A_24 = tpu.memref_slice %arg2[%dma_wait3A_22, %dma_wait3A_23] : memref<1024x256xf32, #tpu.memory_space<hbm>> -> memref<1024x256xf32, #tpu.memory_space<hbm>>
    tpu.wait_indirect_dma semaphore(%arg7 : memref<!tpu.dma_semaphore, #tpu.memory_space<semaphore_mem>>) src(%dma_wait3A_24 : memref<1024x256xf32, #tpu.memory_space<hbm>>) dst(%dma_wait3A_19 : memref<128x256xf32, #tpu.memory_space<vmem>>)
    %dma_wait3A_25 = arith.constant 128 : i32
    %dma_wait3A_26 = arith.constant 0 : i32
    %dma_wait3A_27 = tpu.memref_slice %arg6[%dma_wait3A_25, %dma_wait3A_26] : memref<256x256xf32, #tpu.memory_space<vmem>> -> memref<128x256xf32, #tpu.memory_space<vmem>>
    %dma_wait3A_28 = arith.constant 128 : i32
    %dma_wait3A_29 = tpu.memref_slice %arg5[%dma_wait3A_28] : memref<256xi32, #tpu.memory_space<vmem>> -> memref<128xi32, #tpu.memory_space<vmem>>
    %dma_wait3A_30 = arith.constant 0 : i32
    %dma_wait3A_31 = arith.constant 0 : i32
    %dma_wait3A_32 = tpu.memref_slice %arg2[%dma_wait3A_30, %dma_wait3A_31] : memref<1024x256xf32, #tpu.memory_space<hbm>> -> memref<1024x256xf32, #tpu.memory_space<hbm>>
    tpu.wait_indirect_dma semaphore(%arg7 : memref<!tpu.dma_semaphore, #tpu.memory_space<semaphore_mem>>) src(%dma_wait3A_32 : memref<1024x256xf32, #tpu.memory_space<hbm>>) dst(%dma_wait3A_27 : memref<128x256xf32, #tpu.memory_space<vmem>>)
    "tpu.region"() ({
      %run_scoped3A = tpu.sem_alloc : memref<!tpu.dma_semaphore, #tpu.memory_space<semaphore_mem>>
      %dma_start3A_33 = arith.constant 0 : i32
      %dma_start3A_34 = tpu.memref_slice %arg4[%mul3A_2, %dma_start3A_33] : memref<8192x256xf32, #tpu.memory_space<hbm>> -> memref<256x256xf32, #tpu.memory_space<hbm>>
      %dma_start3A_35 = arith.constant 0 : i32
      %dma_start3A_36 = tpu.memref_slice %arg4[%mul3A_2, %dma_start3A_35] : memref<8192x256xf32, #tpu.memory_space<hbm>> -> memref<256x256xf32, #tpu.memory_space<hbm>>
      tpu.enqueue_dma source(%arg6 : memref<256x256xf32, #tpu.memory_space<vmem>>) target(%dma_start3A_36 : memref<256x256xf32, #tpu.memory_space<hbm>>) target_semaphore(%run_scoped3A : memref<!tpu.dma_semaphore, #tpu.memory_space<semaphore_mem>>)
      %dma_wait3A_37 = arith.constant 0 : i32
      %dma_wait3A_38 = tpu.memref_slice %arg4[%mul3A_2, %dma_wait3A_37] : memref<8192x256xf32, #tpu.memory_space<hbm>> -> memref<256x256xf32, #tpu.memory_space<hbm>>
      %dma_wait3A_39 = arith.constant 0 : i32
      %dma_wait3A_40 = tpu.memref_slice %arg4[%mul3A_2, %dma_wait3A_39] : memref<8192x256xf32, #tpu.memory_space<hbm>> -> memref<256x256xf32, #tpu.memory_space<hbm>>
      tpu.wait_dma2 semaphore(%run_scoped3A : memref<!tpu.dma_semaphore, #tpu.memory_space<semaphore_mem>>) src(%arg6 : memref<256x256xf32, #tpu.memory_space<vmem>>) dst(%dma_wait3A_40 : memref<256x256xf32, #tpu.memory_space<hbm>>)
      tpu.yield
    }) : () -> ()
    return
  }
}

#map = affine_map<(d0, d1) -> (0, 0)>
#map1 = affine_map<(d0, d1) -> (0)>
module attributes {stable_mosaic.version = 14 : i64} {
  func.func @gather(%arg0: i32, %arg1: i32, %arg2: memref<1024x256xf32, #tpu.memory_space<hbm>>, %arg3: memref<8192xi32, #tpu.memory_space<hbm>>, %arg4: memref<8192x256xf32, #tpu.memory_space<hbm>>, %arg5: memref<256xi32, #tpu.memory_space<vmem>>, %arg6: memref<256x256xf32, #tpu.memory_space<vmem>>, %arg7: memref<!tpu.dma_semaphore, #tpu.memory_space<semaphore_mem>>) attributes {dimension_semantics = [#tpu.dimension_semantics<core_parallel>, #tpu.dimension_semantics<subcore_parallel>], iteration_bounds = array<i64: 2, 16>, scalar_prefetch = 0 : i64, scratch_operands = 3 : i64, tpu.core_type = #tpu.core_type<sc_vector_subcore>, window_params = [{transform_indices = #map}, {transform_indices = #map1}, {transform_indices = #map}]} {
    %mul3A = arith.constant 2 : i32
    %mul3A_0 = arith.muli %arg1, %mul3A : i32
    %add3A = arith.addi %mul3A_0, %arg0 : i32
    %mul3A_1 = arith.constant 256 : i32
    %mul3A_2 = arith.muli %add3A, %mul3A_1 : i32
    "tpu.region"() ({
      %run_scoped3A = tpu.sem_alloc : memref<!tpu.dma_semaphore, #tpu.memory_space<semaphore_mem>>
      %dma_start3A_33 = tpu.memref_slice %arg3[%mul3A_2] : memref<8192xi32, #tpu.memory_space<hbm>> -> memref<256xi32, #tpu.memory_space<hbm>>
      %dma_start3A_34 = tpu.memref_slice %arg3[%mul3A_2] : memref<8192xi32, #tpu.memory_space<hbm>> -> memref<256xi32, #tpu.memory_space<hbm>>
      tpu.enqueue_dma source(%dma_start3A_34 : memref<256xi32, #tpu.memory_space<hbm>>) target(%arg5 : memref<256xi32, #tpu.memory_space<vmem>>) target_semaphore(%run_scoped3A : memref<!tpu.dma_semaphore, #tpu.memory_space<semaphore_mem>>)
      %dma_wait3A_35 = tpu.memref_slice %arg3[%mul3A_2] : memref<8192xi32, #tpu.memory_space<hbm>> -> memref<256xi32, #tpu.memory_space<hbm>>
      %dma_wait3A_36 = tpu.memref_slice %arg3[%mul3A_2] : memref<8192xi32, #tpu.memory_space<hbm>> -> memref<256xi32, #tpu.memory_space<hbm>>
      tpu.wait_dma2 semaphore(%run_scoped3A : memref<!tpu.dma_semaphore, #tpu.memory_space<semaphore_mem>>) src(%dma_wait3A_36 : memref<256xi32, #tpu.memory_space<hbm>>) dst(%arg5 : memref<256xi32, #tpu.memory_space<vmem>>)
      tpu.yield
    }) : () -> ()
    %dma_start3A = arith.constant 0 : i32
    %dma_start3A_3 = arith.constant 0 : i32
    %dma_start3A_4 = tpu.memref_slice %arg6[%dma_start3A, %dma_start3A_3] : memref<256x256xf32, #tpu.memory_space<vmem>> -> memref<128x256xf32, #tpu.memory_space<vmem>>
    %dma_start3A_5 = arith.constant 0 : i32
    %dma_start3A_6 = tpu.memref_slice %arg5[%dma_start3A_5] : memref<256xi32, #tpu.memory_space<vmem>> -> memref<128xi32, #tpu.memory_space<vmem>>
    %dma_start3A_7 = arith.constant 0 : i32
    %dma_start3A_8 = arith.constant 0 : i32
    %dma_start3A_9 = tpu.memref_slice %arg2[%dma_start3A_7, %dma_start3A_8] : memref<1024x256xf32, #tpu.memory_space<hbm>> -> memref<1024x256xf32, #tpu.memory_space<hbm>>
    tpu.enqueue_indirect_dma source(%dma_start3A_9 : memref<1024x256xf32, #tpu.memory_space<hbm>>) target(%dma_start3A_4 : memref<128x256xf32, #tpu.memory_space<vmem>>) offsets(%dma_start3A_6 : memref<128xi32, #tpu.memory_space<vmem>>) semaphore(%arg7 : memref<!tpu.dma_semaphore, #tpu.memory_space<semaphore_mem>>)
    %dma_start3A_10 = arith.constant 128 : i32
    %dma_start3A_11 = arith.constant 0 : i32
    %dma_start3A_12 = tpu.memref_slice %arg6[%dma_start3A_10, %dma_start3A_11] : memref<256x256xf32, #tpu.memory_space<vmem>> -> memref<128x256xf32, #tpu.memory_space<vmem>>
    %dma_start3A_13 = arith.constant 128 : i32
    %dma_start3A_14 = tpu.memref_slice %arg5[%dma_start3A_13] : memref<256xi32, #tpu.memory_space<vmem>> -> memref<128xi32, #tpu.memory_space<vmem>>
    %dma_start3A_15 = arith.constant 0 : i32
    %dma_start3A_16 = arith.constant 0 : i32
    %dma_start3A_17 = tpu.memref_slice %arg2[%dma_start3A_15, %dma_start3A_16] : memref<1024x256xf32, #tpu.memory_space<hbm>> -> memref<1024x256xf32, #tpu.memory_space<hbm>>
    tpu.enqueue_indirect_dma source(%dma_start3A_17 : memref<1024x256xf32, #tpu.memory_space<hbm>>) target(%dma_start3A_12 : memref<128x256xf32, #tpu.memory_space<vmem>>) offsets(%dma_start3A_14 : memref<128xi32, #tpu.memory_space<vmem>>) semaphore(%arg7 : memref<!tpu.dma_semaphore, #tpu.memory_space<semaphore_mem>>)
    %dma_wait3A = arith.constant 0 : i32
    %dma_wait3A_18 = arith.constant 0 : i32
    %dma_wait3A_19 = tpu.memref_slice %arg6[%dma_wait3A, %dma_wait3A_18] : memref<256x256xf32, #tpu.memory_space<vmem>> -> memref<128x256xf32, #tpu.memory_space<vmem>>
    %dma_wait3A_20 = arith.constant 0 : i32
    %dma_wait3A_21 = tpu.memref_slice %arg5[%dma_wait3A_20] : memref<256xi32, #tpu.memory_space<vmem>> -> memref<128xi32, #tpu.memory_space<vmem>>
    %dma_wait3A_22 = arith.constant 0 : i32
    %dma_wait3A_23 = arith.constant 0 : i32
    %dma_wait3A_24 = tpu.memref_slice %arg2[%dma_wait3A_22, %dma_wait3A_23] : memref<1024x256xf32, #tpu.memory_space<hbm>> -> memref<1024x256xf32, #tpu.memory_space<hbm>>
    tpu.wait_indirect_dma semaphore(%arg7 : memref<!tpu.dma_semaphore, #tpu.memory_space<semaphore_mem>>) src(%dma_wait3A_24 : memref<1024x256xf32, #tpu.memory_space<hbm>>) dst(%dma_wait3A_19 : memref<128x256xf32, #tpu.memory_space<vmem>>)
    %dma_wait3A_25 = arith.constant 128 : i32
    %dma_wait3A_26 = arith.constant 0 : i32
    %dma_wait3A_27 = tpu.memref_slice %arg6[%dma_wait3A_25, %dma_wait3A_26] : memref<256x256xf32, #tpu.memory_space<vmem>> -> memref<128x256xf32, #tpu.memory_space<vmem>>
    %dma_wait3A_28 = arith.constant 128 : i32
    %dma_wait3A_29 = tpu.memref_slice %arg5[%dma_wait3A_28] : memref<256xi32, #tpu.memory_space<vmem>> -> memref<128xi32, #tpu.memory_space<vmem>>
    %dma_wait3A_30 = arith.constant 0 : i32
    %dma_wait3A_31 = arith.constant 0 : i32
    %dma_wait3A_32 = tpu.memref_slice %arg2[%dma_wait3A_30, %dma_wait3A_31] : memref<1024x256xf32, #tpu.memory_space<hbm>> -> memref<1024x256xf32, #tpu.memory_space<hbm>>
    tpu.wait_indirect_dma semaphore(%arg7 : memref<!tpu.dma_semaphore, #tpu.memory_space<semaphore_mem>>) src(%dma_wait3A_32 : memref<1024x256xf32, #tpu.memory_space<hbm>>) dst(%dma_wait3A_27 : memref<128x256xf32, #tpu.memory_space<vmem>>)
    "tpu.region"() ({
      %run_scoped3A = tpu.sem_alloc : memref<!tpu.dma_semaphore, #tpu.memory_space<semaphore_mem>>
      %dma_start3A_33 = arith.constant 0 : i32
      %dma_start3A_34 = tpu.memref_slice %arg4[%mul3A_2, %dma_start3A_33] : memref<8192x256xf32, #tpu.memory_space<hbm>> -> memref<256x256xf32, #tpu.memory_space<hbm>>
      %dma_start3A_35 = arith.constant 0 : i32
      %dma_start3A_36 = tpu.memref_slice %arg4[%mul3A_2, %dma_start3A_35] : memref<8192x256xf32, #tpu.memory_space<hbm>> -> memref<256x256xf32, #tpu.memory_space<hbm>>
      tpu.enqueue_dma source(%arg6 : memref<256x256xf32, #tpu.memory_space<vmem>>) target(%dma_start3A_36 : memref<256x256xf32, #tpu.memory_space<hbm>>) target_semaphore(%run_scoped3A : memref<!tpu.dma_semaphore, #tpu.memory_space<semaphore_mem>>)
      %dma_wait3A_37 = arith.constant 0 : i32
      %dma_wait3A_38 = tpu.memref_slice %arg4[%mul3A_2, %dma_wait3A_37] : memref<8192x256xf32, #tpu.memory_space<hbm>> -> memref<256x256xf32, #tpu.memory_space<hbm>>
      %dma_wait3A_39 = arith.constant 0 : i32
      %dma_wait3A_40 = tpu.memref_slice %arg4[%mul3A_2, %dma_wait3A_39] : memref<8192x256xf32, #tpu.memory_space<hbm>> -> memref<256x256xf32, #tpu.memory_space<hbm>>
      tpu.wait_dma2 semaphore(%run_scoped3A : memref<!tpu.dma_semaphore, #tpu.memory_space<semaphore_mem>>) src(%arg6 : memref<256x256xf32, #tpu.memory_space<vmem>>) dst(%dma_wait3A_40 : memref<256x256xf32, #tpu.memory_space<hbm>>)
      tpu.yield
    }) : () -> ()
    return
  }
}

#map = affine_map<(d0, d1) -> (0, 0)>
#map1 = affine_map<(d0, d1) -> (0)>
module attributes {stable_mosaic.version = 14 : i64} {
  func.func @gather(%arg0: i32, %arg1: i32, %arg2: memref<1024x256xf32, #tpu.memory_space<hbm>>, %arg3: memref<8192xi32, #tpu.memory_space<hbm>>, %arg4: memref<8192x256xf32, #tpu.memory_space<hbm>>, %arg5: memref<256xi32, #tpu.memory_space<vmem>>, %arg6: memref<256x256xf32, #tpu.memory_space<vmem>>, %arg7: memref<!tpu.dma_semaphore, #tpu.memory_space<semaphore_mem>>) attributes {dimension_semantics = [#tpu.dimension_semantics<core_parallel>, #tpu.dimension_semantics<subcore_parallel>], iteration_bounds = array<i64: 2, 16>, scalar_prefetch = 0 : i64, scratch_operands = 3 : i64, tpu.core_type = #tpu.core_type<sc_vector_subcore>, window_params = [{transform_indices = #map}, {transform_indices = #map1}, {transform_indices = #map}]} {
    %mul3A = arith.constant 2 : i32
    %mul3A_0 = arith.muli %arg1, %mul3A : i32
    %add3A = arith.addi %mul3A_0, %arg0 : i32
    %mul3A_1 = arith.constant 256 : i32
    %mul3A_2 = arith.muli %add3A, %mul3A_1 : i32
    "tpu.region"() ({
      %run_scoped3A = tpu.sem_alloc : memref<!tpu.dma_semaphore, #tpu.memory_space<semaphore_mem>>
      %dma_start3A_33 = tpu.memref_slice %arg3[%mul3A_2] : memref<8192xi32, #tpu.memory_space<hbm>> -> memref<256xi32, #tpu.memory_space<hbm>>
      %dma_start3A_34 = tpu.memref_slice %arg3[%mul3A_2] : memref<8192xi32, #tpu.memory_space<hbm>> -> memref<256xi32, #tpu.memory_space<hbm>>
      tpu.enqueue_dma source(%dma_start3A_34 : memref<256xi32, #tpu.memory_space<hbm>>) target(%arg5 : memref<256xi32, #tpu.memory_space<vmem>>) target_semaphore(%run_scoped3A : memref<!tpu.dma_semaphore, #tpu.memory_space<semaphore_mem>>)
      %dma_wait3A_35 = tpu.memref_slice %arg3[%mul3A_2] : memref<8192xi32, #tpu.memory_space<hbm>> -> memref<256xi32, #tpu.memory_space<hbm>>
      %dma_wait3A_36 = tpu.memref_slice %arg3[%mul3A_2] : memref<8192xi32, #tpu.memory_space<hbm>> -> memref<256xi32, #tpu.memory_space<hbm>>
      tpu.wait_dma2 semaphore(%run_scoped3A : memref<!tpu.dma_semaphore, #tpu.memory_space<semaphore_mem>>) src(%dma_wait3A_36 : memref<256xi32, #tpu.memory_space<hbm>>) dst(%arg5 : memref<256xi32, #tpu.memory_space<vmem>>)
      tpu.yield
    }) : () -> ()
    %dma_start3A = arith.constant 0 : i32
    %dma_start3A_3 = arith.constant 0 : i32
    %dma_start3A_4 = tpu.memref_slice %arg6[%dma_start3A, %dma_start3A_3] : memref<256x256xf32, #tpu.memory_space<vmem>> -> memref<128x256xf32, #tpu.memory_space<vmem>>
    %dma_start3A_5 = arith.constant 0 : i32
    %dma_start3A_6 = tpu.memref_slice %arg5[%dma_start3A_5] : memref<256xi32, #tpu.memory_space<vmem>> -> memref<128xi32, #tpu.memory_space<vmem>>
    %dma_start3A_7 = arith.constant 0 : i32
    %dma_start3A_8 = arith.constant 0 : i32
    %dma_start3A_9 = tpu.memref_slice %arg2[%dma_start3A_7, %dma_start3A_8] : memref<1024x256xf32, #tpu.memory_space<hbm>> -> memref<1024x256xf32, #tpu.memory_space<hbm>>
    tpu.enqueue_indirect_dma source(%dma_start3A_9 : memref<1024x256xf32, #tpu.memory_space<hbm>>) target(%dma_start3A_4 : memref<128x256xf32, #tpu.memory_space<vmem>>) offsets(%dma_start3A_6 : memref<128xi32, #tpu.memory_space<vmem>>) semaphore(%arg7 : memref<!tpu.dma_semaphore, #tpu.memory_space<semaphore_mem>>)
    %dma_start3A_10 = arith.constant 128 : i32
    %dma_start3A_11 = arith.constant 0 : i32
    %dma_start3A_12 = tpu.memref_slice %arg6[%dma_start3A_10, %dma_start3A_11] : memref<256x256xf32, #tpu.memory_space<vmem>> -> memref<128x256xf32, #tpu.memory_space<vmem>>
    %dma_start3A_13 = arith.constant 128 : i32
    %dma_start3A_14 = tpu.memref_slice %arg5[%dma_start3A_13] : memref<256xi32, #tpu.memory_space<vmem>> -> memref<128xi32, #tpu.memory_space<vmem>>
    %dma_start3A_15 = arith.constant 0 : i32
    %dma_start3A_16 = arith.constant 0 : i32
    %dma_start3A_17 = tpu.memref_slice %arg2[%dma_start3A_15, %dma_start3A_16] : memref<1024x256xf32, #tpu.memory_space<hbm>> -> memref<1024x256xf32, #tpu.memory_space<hbm>>
    tpu.enqueue_indirect_dma source(%dma_start3A_17 : memref<1024x256xf32, #tpu.memory_space<hbm>>) target(%dma_start3A_12 : memref<128x256xf32, #tpu.memory_space<vmem>>) offsets(%dma_start3A_14 : memref<128xi32, #tpu.memory_space<vmem>>) semaphore(%arg7 : memref<!tpu.dma_semaphore, #tpu.memory_space<semaphore_mem>>)
    %dma_wait3A = arith.constant 0 : i32
    %dma_wait3A_18 = arith.constant 0 : i32
    %dma_wait3A_19 = tpu.memref_slice %arg6[%dma_wait3A, %dma_wait3A_18] : memref<256x256xf32, #tpu.memory_space<vmem>> -> memref<128x256xf32, #tpu.memory_space<vmem>>
    %dma_wait3A_20 = arith.constant 0 : i32
    %dma_wait3A_21 = tpu.memref_slice %arg5[%dma_wait3A_20] : memref<256xi32, #tpu.memory_space<vmem>> -> memref<128xi32, #tpu.memory_space<vmem>>
    %dma_wait3A_22 = arith.constant 0 : i32
    %dma_wait3A_23 = arith.constant 0 : i32
    %dma_wait3A_24 = tpu.memref_slice %arg2[%dma_wait3A_22, %dma_wait3A_23] : memref<1024x256xf32, #tpu.memory_space<hbm>> -> memref<1024x256xf32, #tpu.memory_space<hbm>>
    tpu.wait_indirect_dma semaphore(%arg7 : memref<!tpu.dma_semaphore, #tpu.memory_space<semaphore_mem>>) src(%dma_wait3A_24 : memref<1024x256xf32, #tpu.memory_space<hbm>>) dst(%dma_wait3A_19 : memref<128x256xf32, #tpu.memory_space<vmem>>)
    %dma_wait3A_25 = arith.constant 128 : i32
    %dma_wait3A_26 = arith.constant 0 : i32
    %dma_wait3A_27 = tpu.memref_slice %arg6[%dma_wait3A_25, %dma_wait3A_26] : memref<256x256xf32, #tpu.memory_space<vmem>> -> memref<128x256xf32, #tpu.memory_space<vmem>>
    %dma_wait3A_28 = arith.constant 128 : i32
    %dma_wait3A_29 = tpu.memref_slice %arg5[%dma_wait3A_28] : memref<256xi32, #tpu.memory_space<vmem>> -> memref<128xi32, #tpu.memory_space<vmem>>
    %dma_wait3A_30 = arith.constant 0 : i32
    %dma_wait3A_31 = arith.constant 0 : i32
    %dma_wait3A_32 = tpu.memref_slice %arg2[%dma_wait3A_30, %dma_wait3A_31] : memref<1024x256xf32, #tpu.memory_space<hbm>> -> memref<1024x256xf32, #tpu.memory_space<hbm>>
    tpu.wait_indirect_dma semaphore(%arg7 : memref<!tpu.dma_semaphore, #tpu.memory_space<semaphore_mem>>) src(%dma_wait3A_32 : memref<1024x256xf32, #tpu.memory_space<hbm>>) dst(%dma_wait3A_27 : memref<128x256xf32, #tpu.memory_space<vmem>>)
    "tpu.region"() ({
      %run_scoped3A = tpu.sem_alloc : memref<!tpu.dma_semaphore, #tpu.memory_space<semaphore_mem>>
      %dma_start3A_33 = arith.constant 0 : i32
      %dma_start3A_34 = tpu.memref_slice %arg4[%mul3A_2, %dma_start3A_33] : memref<8192x256xf32, #tpu.memory_space<hbm>> -> memref<256x256xf32, #tpu.memory_space<hbm>>
      %dma_start3A_35 = arith.constant 0 : i32
      %dma_start3A_36 = tpu.memref_slice %arg4[%mul3A_2, %dma_start3A_35] : memref<8192x256xf32, #tpu.memory_space<hbm>> -> memref<256x256xf32, #tpu.memory_space<hbm>>
      tpu.enqueue_dma source(%arg6 : memref<256x256xf32, #tpu.memory_space<vmem>>) target(%dma_start3A_36 : memref<256x256xf32, #tpu.memory_space<hbm>>) target_semaphore(%run_scoped3A : memref<!tpu.dma_semaphore, #tpu.memory_space<semaphore_mem>>)
      %dma_wait3A_37 = arith.constant 0 : i32
      %dma_wait3A_38 = tpu.memref_slice %arg4[%mul3A_2, %dma_wait3A_37] : memref<8192x256xf32, #tpu.memory_space<hbm>> -> memref<256x256xf32, #tpu.memory_space<hbm>>
      %dma_wait3A_39 = arith.constant 0 : i32
      %dma_wait3A_40 = tpu.memref_slice %arg4[%mul3A_2, %dma_wait3A_39] : memref<8192x256xf32, #tpu.memory_space<hbm>> -> memref<256x256xf32, #tpu.memory_space<hbm>>
      tpu.wait_dma2 semaphore(%run_scoped3A : memref<!tpu.dma_semaphore, #tpu.memory_space<semaphore_mem>>) src(%arg6 : memref<256x256xf32, #tpu.memory_space<vmem>>) dst(%dma_wait3A_40 : memref<256x256xf32, #tpu.memory_space<hbm>>)
      tpu.yield
    }) : () -> ()
    return
  }
}

#map = affine_map<(d0, d1) -> (0, 0)>
#map1 = affine_map<(d0, d1) -> (0)>
module attributes {stable_mosaic.version = 14 : i64} {
  func.func @gather(%arg0: i32, %arg1: i32, %arg2: memref<1024x256xf32, #tpu.memory_space<hbm>>, %arg3: memref<8192xi32, #tpu.memory_space<hbm>>, %arg4: memref<8192x256xf32, #tpu.memory_space<hbm>>, %arg5: memref<256xi32, #tpu.memory_space<vmem>>, %arg6: memref<256x256xf32, #tpu.memory_space<vmem>>, %arg7: memref<!tpu.dma_semaphore, #tpu.memory_space<semaphore_mem>>) attributes {dimension_semantics = [#tpu.dimension_semantics<core_parallel>, #tpu.dimension_semantics<subcore_parallel>], iteration_bounds = array<i64: 2, 16>, scalar_prefetch = 0 : i64, scratch_operands = 3 : i64, tpu.core_type = #tpu.core_type<sc_vector_subcore>, window_params = [{transform_indices = #map}, {transform_indices = #map1}, {transform_indices = #map}]} {
    %mul3A = arith.constant 2 : i32
    %mul3A_0 = arith.muli %arg1, %mul3A : i32
    %add3A = arith.addi %mul3A_0, %arg0 : i32
    %mul3A_1 = arith.constant 256 : i32
    %mul3A_2 = arith.muli %add3A, %mul3A_1 : i32
    "tpu.region"() ({
      %run_scoped3A = tpu.sem_alloc : memref<!tpu.dma_semaphore, #tpu.memory_space<semaphore_mem>>
      %dma_start3A_33 = tpu.memref_slice %arg3[%mul3A_2] : memref<8192xi32, #tpu.memory_space<hbm>> -> memref<256xi32, #tpu.memory_space<hbm>>
      %dma_start3A_34 = tpu.memref_slice %arg3[%mul3A_2] : memref<8192xi32, #tpu.memory_space<hbm>> -> memref<256xi32, #tpu.memory_space<hbm>>
      tpu.enqueue_dma source(%dma_start3A_34 : memref<256xi32, #tpu.memory_space<hbm>>) target(%arg5 : memref<256xi32, #tpu.memory_space<vmem>>) target_semaphore(%run_scoped3A : memref<!tpu.dma_semaphore, #tpu.memory_space<semaphore_mem>>)
      %dma_wait3A_35 = tpu.memref_slice %arg3[%mul3A_2] : memref<8192xi32, #tpu.memory_space<hbm>> -> memref<256xi32, #tpu.memory_space<hbm>>
      %dma_wait3A_36 = tpu.memref_slice %arg3[%mul3A_2] : memref<8192xi32, #tpu.memory_space<hbm>> -> memref<256xi32, #tpu.memory_space<hbm>>
      tpu.wait_dma2 semaphore(%run_scoped3A : memref<!tpu.dma_semaphore, #tpu.memory_space<semaphore_mem>>) src(%dma_wait3A_36 : memref<256xi32, #tpu.memory_space<hbm>>) dst(%arg5 : memref<256xi32, #tpu.memory_space<vmem>>)
      tpu.yield
    }) : () -> ()
    %dma_start3A = arith.constant 0 : i32
    %dma_start3A_3 = arith.constant 0 : i32
    %dma_start3A_4 = tpu.memref_slice %arg6[%dma_start3A, %dma_start3A_3] : memref<256x256xf32, #tpu.memory_space<vmem>> -> memref<128x256xf32, #tpu.memory_space<vmem>>
    %dma_start3A_5 = arith.constant 0 : i32
    %dma_start3A_6 = tpu.memref_slice %arg5[%dma_start3A_5] : memref<256xi32, #tpu.memory_space<vmem>> -> memref<128xi32, #tpu.memory_space<vmem>>
    %dma_start3A_7 = arith.constant 0 : i32
    %dma_start3A_8 = arith.constant 0 : i32
    %dma_start3A_9 = tpu.memref_slice %arg2[%dma_start3A_7, %dma_start3A_8] : memref<1024x256xf32, #tpu.memory_space<hbm>> -> memref<1024x256xf32, #tpu.memory_space<hbm>>
    tpu.enqueue_indirect_dma source(%dma_start3A_9 : memref<1024x256xf32, #tpu.memory_space<hbm>>) target(%dma_start3A_4 : memref<128x256xf32, #tpu.memory_space<vmem>>) offsets(%dma_start3A_6 : memref<128xi32, #tpu.memory_space<vmem>>) semaphore(%arg7 : memref<!tpu.dma_semaphore, #tpu.memory_space<semaphore_mem>>)
    %dma_start3A_10 = arith.constant 128 : i32
    %dma_start3A_11 = arith.constant 0 : i32
    %dma_start3A_12 = tpu.memref_slice %arg6[%dma_start3A_10, %dma_start3A_11] : memref<256x256xf32, #tpu.memory_space<vmem>> -> memref<128x256xf32, #tpu.memory_space<vmem>>
    %dma_start3A_13 = arith.constant 128 : i32
    %dma_start3A_14 = tpu.memref_slice %arg5[%dma_start3A_13] : memref<256xi32, #tpu.memory_space<vmem>> -> memref<128xi32, #tpu.memory_space<vmem>>
    %dma_start3A_15 = arith.constant 0 : i32
    %dma_start3A_16 = arith.constant 0 : i32
    %dma_start3A_17 = tpu.memref_slice %arg2[%dma_start3A_15, %dma_start3A_16] : memref<1024x256xf32, #tpu.memory_space<hbm>> -> memref<1024x256xf32, #tpu.memory_space<hbm>>
    tpu.enqueue_indirect_dma source(%dma_start3A_17 : memref<1024x256xf32, #tpu.memory_space<hbm>>) target(%dma_start3A_12 : memref<128x256xf32, #tpu.memory_space<vmem>>) offsets(%dma_start3A_14 : memref<128xi32, #tpu.memory_space<vmem>>) semaphore(%arg7 : memref<!tpu.dma_semaphore, #tpu.memory_space<semaphore_mem>>)
    %dma_wait3A = arith.constant 0 : i32
    %dma_wait3A_18 = arith.constant 0 : i32
    %dma_wait3A_19 = tpu.memref_slice %arg6[%dma_wait3A, %dma_wait3A_18] : memref<256x256xf32, #tpu.memory_space<vmem>> -> memref<128x256xf32, #tpu.memory_space<vmem>>
    %dma_wait3A_20 = arith.constant 0 : i32
    %dma_wait3A_21 = tpu.memref_slice %arg5[%dma_wait3A_20] : memref<256xi32, #tpu.memory_space<vmem>> -> memref<128xi32, #tpu.memory_space<vmem>>
    %dma_wait3A_22 = arith.constant 0 : i32
    %dma_wait3A_23 = arith.constant 0 : i32
    %dma_wait3A_24 = tpu.memref_slice %arg2[%dma_wait3A_22, %dma_wait3A_23] : memref<1024x256xf32, #tpu.memory_space<hbm>> -> memref<1024x256xf32, #tpu.memory_space<hbm>>
    tpu.wait_indirect_dma semaphore(%arg7 : memref<!tpu.dma_semaphore, #tpu.memory_space<semaphore_mem>>) src(%dma_wait3A_24 : memref<1024x256xf32, #tpu.memory_space<hbm>>) dst(%dma_wait3A_19 : memref<128x256xf32, #tpu.memory_space<vmem>>)
    %dma_wait3A_25 = arith.constant 128 : i32
    %dma_wait3A_26 = arith.constant 0 : i32
    %dma_wait3A_27 = tpu.memref_slice %arg6[%dma_wait3A_25, %dma_wait3A_26] : memref<256x256xf32, #tpu.memory_space<vmem>> -> memref<128x256xf32, #tpu.memory_space<vmem>>
    %dma_wait3A_28 = arith.constant 128 : i32
    %dma_wait3A_29 = tpu.memref_slice %arg5[%dma_wait3A_28] : memref<256xi32, #tpu.memory_space<vmem>> -> memref<128xi32, #tpu.memory_space<vmem>>
    %dma_wait3A_30 = arith.constant 0 : i32
    %dma_wait3A_31 = arith.constant 0 : i32
    %dma_wait3A_32 = tpu.memref_slice %arg2[%dma_wait3A_30, %dma_wait3A_31] : memref<1024x256xf32, #tpu.memory_space<hbm>> -> memref<1024x256xf32, #tpu.memory_space<hbm>>
    tpu.wait_indirect_dma semaphore(%arg7 : memref<!tpu.dma_semaphore, #tpu.memory_space<semaphore_mem>>) src(%dma_wait3A_32 : memref<1024x256xf32, #tpu.memory_space<hbm>>) dst(%dma_wait3A_27 : memref<128x256xf32, #tpu.memory_space<vmem>>)
    "tpu.region"() ({
      %run_scoped3A = tpu.sem_alloc : memref<!tpu.dma_semaphore, #tpu.memory_space<semaphore_mem>>
      %dma_start3A_33 = arith.constant 0 : i32
      %dma_start3A_34 = tpu.memref_slice %arg4[%mul3A_2, %dma_start3A_33] : memref<8192x256xf32, #tpu.memory_space<hbm>> -> memref<256x256xf32, #tpu.memory_space<hbm>>
      %dma_start3A_35 = arith.constant 0 : i32
      %dma_start3A_36 = tpu.memref_slice %arg4[%mul3A_2, %dma_start3A_35] : memref<8192x256xf32, #tpu.memory_space<hbm>> -> memref<256x256xf32, #tpu.memory_space<hbm>>
      tpu.enqueue_dma source(%arg6 : memref<256x256xf32, #tpu.memory_space<vmem>>) target(%dma_start3A_36 : memref<256x256xf32, #tpu.memory_space<hbm>>) target_semaphore(%run_scoped3A : memref<!tpu.dma_semaphore, #tpu.memory_space<semaphore_mem>>)
      %dma_wait3A_37 = arith.constant 0 : i32
      %dma_wait3A_38 = tpu.memref_slice %arg4[%mul3A_2, %dma_wait3A_37] : memref<8192x256xf32, #tpu.memory_space<hbm>> -> memref<256x256xf32, #tpu.memory_space<hbm>>
      %dma_wait3A_39 = arith.constant 0 : i32
      %dma_wait3A_40 = tpu.memref_slice %arg4[%mul3A_2, %dma_wait3A_39] : memref<8192x256xf32, #tpu.memory_space<hbm>> -> memref<256x256xf32, #tpu.memory_space<hbm>>
      tpu.wait_dma2 semaphore(%run_scoped3A : memref<!tpu.dma_semaphore, #tpu.memory_space<semaphore_mem>>) src(%arg6 : memref<256x256xf32, #tpu.memory_space<vmem>>) dst(%dma_wait3A_40 : memref<256x256xf32, #tpu.memory_space<hbm>>)
      tpu.yield
    }) : () -> ()
    return
  }
}

#map = affine_map<(d0, d1) -> (0, 0)>
#map1 = affine_map<(d0, d1) -> (0)>
module attributes {stable_mosaic.version = 14 : i64} {
  func.func @gather(%arg0: i32, %arg1: i32, %arg2: memref<1024x256xf32, #tpu.memory_space<hbm>>, %arg3: memref<8192xi32, #tpu.memory_space<hbm>>, %arg4: memref<8192x256xf32, #tpu.memory_space<hbm>>, %arg5: memref<256xi32, #tpu.memory_space<vmem>>, %arg6: memref<256x256xf32, #tpu.memory_space<vmem>>, %arg7: memref<!tpu.dma_semaphore, #tpu.memory_space<semaphore_mem>>) attributes {dimension_semantics = [#tpu.dimension_semantics<core_parallel>, #tpu.dimension_semantics<subcore_parallel>], iteration_bounds = array<i64: 2, 16>, scalar_prefetch = 0 : i64, scratch_operands = 3 : i64, tpu.core_type = #tpu.core_type<sc_vector_subcore>, window_params = [{transform_indices = #map}, {transform_indices = #map1}, {transform_indices = #map}]} {
    %mul3A = arith.constant 2 : i32
    %mul3A_0 = arith.muli %arg1, %mul3A : i32
    %add3A = arith.addi %mul3A_0, %arg0 : i32
    %mul3A_1 = arith.constant 256 : i32
    %mul3A_2 = arith.muli %add3A, %mul3A_1 : i32
    "tpu.region"() ({
      %run_scoped3A = tpu.sem_alloc : memref<!tpu.dma_semaphore, #tpu.memory_space<semaphore_mem>>
      %dma_start3A_33 = tpu.memref_slice %arg3[%mul3A_2] : memref<8192xi32, #tpu.memory_space<hbm>> -> memref<256xi32, #tpu.memory_space<hbm>>
      %dma_start3A_34 = tpu.memref_slice %arg3[%mul3A_2] : memref<8192xi32, #tpu.memory_space<hbm>> -> memref<256xi32, #tpu.memory_space<hbm>>
      tpu.enqueue_dma source(%dma_start3A_34 : memref<256xi32, #tpu.memory_space<hbm>>) target(%arg5 : memref<256xi32, #tpu.memory_space<vmem>>) target_semaphore(%run_scoped3A : memref<!tpu.dma_semaphore, #tpu.memory_space<semaphore_mem>>)
      %dma_wait3A_35 = tpu.memref_slice %arg3[%mul3A_2] : memref<8192xi32, #tpu.memory_space<hbm>> -> memref<256xi32, #tpu.memory_space<hbm>>
      %dma_wait3A_36 = tpu.memref_slice %arg3[%mul3A_2] : memref<8192xi32, #tpu.memory_space<hbm>> -> memref<256xi32, #tpu.memory_space<hbm>>
      tpu.wait_dma2 semaphore(%run_scoped3A : memref<!tpu.dma_semaphore, #tpu.memory_space<semaphore_mem>>) src(%dma_wait3A_36 : memref<256xi32, #tpu.memory_space<hbm>>) dst(%arg5 : memref<256xi32, #tpu.memory_space<vmem>>)
      tpu.yield
    }) : () -> ()
    %dma_start3A = arith.constant 0 : i32
    %dma_start3A_3 = arith.constant 0 : i32
    %dma_start3A_4 = tpu.memref_slice %arg6[%dma_start3A, %dma_start3A_3] : memref<256x256xf32, #tpu.memory_space<vmem>> -> memref<128x256xf32, #tpu.memory_space<vmem>>
    %dma_start3A_5 = arith.constant 0 : i32
    %dma_start3A_6 = tpu.memref_slice %arg5[%dma_start3A_5] : memref<256xi32, #tpu.memory_space<vmem>> -> memref<128xi32, #tpu.memory_space<vmem>>
    %dma_start3A_7 = arith.constant 0 : i32
    %dma_start3A_8 = arith.constant 0 : i32
    %dma_start3A_9 = tpu.memref_slice %arg2[%dma_start3A_7, %dma_start3A_8] : memref<1024x256xf32, #tpu.memory_space<hbm>> -> memref<1024x256xf32, #tpu.memory_space<hbm>>
    tpu.enqueue_indirect_dma source(%dma_start3A_9 : memref<1024x256xf32, #tpu.memory_space<hbm>>) target(%dma_start3A_4 : memref<128x256xf32, #tpu.memory_space<vmem>>) offsets(%dma_start3A_6 : memref<128xi32, #tpu.memory_space<vmem>>) semaphore(%arg7 : memref<!tpu.dma_semaphore, #tpu.memory_space<semaphore_mem>>)
    %dma_start3A_10 = arith.constant 128 : i32
    %dma_start3A_11 = arith.constant 0 : i32
    %dma_start3A_12 = tpu.memref_slice %arg6[%dma_start3A_10, %dma_start3A_11] : memref<256x256xf32, #tpu.memory_space<vmem>> -> memref<128x256xf32, #tpu.memory_space<vmem>>
    %dma_start3A_13 = arith.constant 128 : i32
    %dma_start3A_14 = tpu.memref_slice %arg5[%dma_start3A_13] : memref<256xi32, #tpu.memory_space<vmem>> -> memref<128xi32, #tpu.memory_space<vmem>>
    %dma_start3A_15 = arith.constant 0 : i32
    %dma_start3A_16 = arith.constant 0 : i32
    %dma_start3A_17 = tpu.memref_slice %arg2[%dma_start3A_15, %dma_start3A_16] : memref<1024x256xf32, #tpu.memory_space<hbm>> -> memref<1024x256xf32, #tpu.memory_space<hbm>>
    tpu.enqueue_indirect_dma source(%dma_start3A_17 : memref<1024x256xf32, #tpu.memory_space<hbm>>) target(%dma_start3A_12 : memref<128x256xf32, #tpu.memory_space<vmem>>) offsets(%dma_start3A_14 : memref<128xi32, #tpu.memory_space<vmem>>) semaphore(%arg7 : memref<!tpu.dma_semaphore, #tpu.memory_space<semaphore_mem>>)
    %dma_wait3A = arith.constant 0 : i32
    %dma_wait3A_18 = arith.constant 0 : i32
    %dma_wait3A_19 = tpu.memref_slice %arg6[%dma_wait3A, %dma_wait3A_18] : memref<256x256xf32, #tpu.memory_space<vmem>> -> memref<128x256xf32, #tpu.memory_space<vmem>>
    %dma_wait3A_20 = arith.constant 0 : i32
    %dma_wait3A_21 = tpu.memref_slice %arg5[%dma_wait3A_20] : memref<256xi32, #tpu.memory_space<vmem>> -> memref<128xi32, #tpu.memory_space<vmem>>
    %dma_wait3A_22 = arith.constant 0 : i32
    %dma_wait3A_23 = arith.constant 0 : i32
    %dma_wait3A_24 = tpu.memref_slice %arg2[%dma_wait3A_22, %dma_wait3A_23] : memref<1024x256xf32, #tpu.memory_space<hbm>> -> memref<1024x256xf32, #tpu.memory_space<hbm>>
    tpu.wait_indirect_dma semaphore(%arg7 : memref<!tpu.dma_semaphore, #tpu.memory_space<semaphore_mem>>) src(%dma_wait3A_24 : memref<1024x256xf32, #tpu.memory_space<hbm>>) dst(%dma_wait3A_19 : memref<128x256xf32, #tpu.memory_space<vmem>>)
    %dma_wait3A_25 = arith.constant 128 : i32
    %dma_wait3A_26 = arith.constant 0 : i32
    %dma_wait3A_27 = tpu.memref_slice %arg6[%dma_wait3A_25, %dma_wait3A_26] : memref<256x256xf32, #tpu.memory_space<vmem>> -> memref<128x256xf32, #tpu.memory_space<vmem>>
    %dma_wait3A_28 = arith.constant 128 : i32
    %dma_wait3A_29 = tpu.memref_slice %arg5[%dma_wait3A_28] : memref<256xi32, #tpu.memory_space<vmem>> -> memref<128xi32, #tpu.memory_space<vmem>>
    %dma_wait3A_30 = arith.constant 0 : i32
    %dma_wait3A_31 = arith.constant 0 : i32
    %dma_wait3A_32 = tpu.memref_slice %arg2[%dma_wait3A_30, %dma_wait3A_31] : memref<1024x256xf32, #tpu.memory_space<hbm>> -> memref<1024x256xf32, #tpu.memory_space<hbm>>
    tpu.wait_indirect_dma semaphore(%arg7 : memref<!tpu.dma_semaphore, #tpu.memory_space<semaphore_mem>>) src(%dma_wait3A_32 : memref<1024x256xf32, #tpu.memory_space<hbm>>) dst(%dma_wait3A_27 : memref<128x256xf32, #tpu.memory_space<vmem>>)
    "tpu.region"() ({
      %run_scoped3A = tpu.sem_alloc : memref<!tpu.dma_semaphore, #tpu.memory_space<semaphore_mem>>
      %dma_start3A_33 = arith.constant 0 : i32
      %dma_start3A_34 = tpu.memref_slice %arg4[%mul3A_2, %dma_start3A_33] : memref<8192x256xf32, #tpu.memory_space<hbm>> -> memref<256x256xf32, #tpu.memory_space<hbm>>
      %dma_start3A_35 = arith.constant 0 : i32
      %dma_start3A_36 = tpu.memref_slice %arg4[%mul3A_2, %dma_start3A_35] : memref<8192x256xf32, #tpu.memory_space<hbm>> -> memref<256x256xf32, #tpu.memory_space<hbm>>
      tpu.enqueue_dma source(%arg6 : memref<256x256xf32, #tpu.memory_space<vmem>>) target(%dma_start3A_36 : memref<256x256xf32, #tpu.memory_space<hbm>>) target_semaphore(%run_scoped3A : memref<!tpu.dma_semaphore, #tpu.memory_space<semaphore_mem>>)
      %dma_wait3A_37 = arith.constant 0 : i32
      %dma_wait3A_38 = tpu.memref_slice %arg4[%mul3A_2, %dma_wait3A_37] : memref<8192x256xf32, #tpu.memory_space<hbm>> -> memref<256x256xf32, #tpu.memory_space<hbm>>
      %dma_wait3A_39 = arith.constant 0 : i32
      %dma_wait3A_40 = tpu.memref_slice %arg4[%mul3A_2, %dma_wait3A_39] : memref<8192x256xf32, #tpu.memory_space<hbm>> -> memref<256x256xf32, #tpu.memory_space<hbm>>
      tpu.wait_dma2 semaphore(%run_scoped3A : memref<!tpu.dma_semaphore, #tpu.memory_space<semaphore_mem>>) src(%arg6 : memref<256x256xf32, #tpu.memory_space<vmem>>) dst(%dma_wait3A_40 : memref<256x256xf32, #tpu.memory_space<hbm>>)
      tpu.yield
    }) : () -> ()
    return
  }
}

#map = affine_map<(d0, d1) -> (0, 0)>
#map1 = affine_map<(d0, d1) -> (0)>
module attributes {stable_mosaic.version = 14 : i64} {
  func.func @gather(%arg0: i32, %arg1: i32, %arg2: memref<1024x256xf32, #tpu.memory_space<hbm>>, %arg3: memref<8192xi32, #tpu.memory_space<hbm>>, %arg4: memref<8192x256xf32, #tpu.memory_space<hbm>>, %arg5: memref<256xi32, #tpu.memory_space<vmem>>, %arg6: memref<256x256xf32, #tpu.memory_space<vmem>>, %arg7: memref<!tpu.dma_semaphore, #tpu.memory_space<semaphore_mem>>) attributes {dimension_semantics = [#tpu.dimension_semantics<core_parallel>, #tpu.dimension_semantics<subcore_parallel>], iteration_bounds = array<i64: 2, 16>, scalar_prefetch = 0 : i64, scratch_operands = 3 : i64, tpu.core_type = #tpu.core_type<sc_vector_subcore>, window_params = [{transform_indices = #map}, {transform_indices = #map1}, {transform_indices = #map}]} {
    %mul3A = arith.constant 2 : i32
    %mul3A_0 = arith.muli %arg1, %mul3A : i32
    %add3A = arith.addi %mul3A_0, %arg0 : i32
    %mul3A_1 = arith.constant 256 : i32
    %mul3A_2 = arith.muli %add3A, %mul3A_1 : i32
    "tpu.region"() ({
      %run_scoped3A = tpu.sem_alloc : memref<!tpu.dma_semaphore, #tpu.memory_space<semaphore_mem>>
      %dma_start3A_33 = tpu.memref_slice %arg3[%mul3A_2] : memref<8192xi32, #tpu.memory_space<hbm>> -> memref<256xi32, #tpu.memory_space<hbm>>
      %dma_start3A_34 = tpu.memref_slice %arg3[%mul3A_2] : memref<8192xi32, #tpu.memory_space<hbm>> -> memref<256xi32, #tpu.memory_space<hbm>>
      tpu.enqueue_dma source(%dma_start3A_34 : memref<256xi32, #tpu.memory_space<hbm>>) target(%arg5 : memref<256xi32, #tpu.memory_space<vmem>>) target_semaphore(%run_scoped3A : memref<!tpu.dma_semaphore, #tpu.memory_space<semaphore_mem>>)
      %dma_wait3A_35 = tpu.memref_slice %arg3[%mul3A_2] : memref<8192xi32, #tpu.memory_space<hbm>> -> memref<256xi32, #tpu.memory_space<hbm>>
      %dma_wait3A_36 = tpu.memref_slice %arg3[%mul3A_2] : memref<8192xi32, #tpu.memory_space<hbm>> -> memref<256xi32, #tpu.memory_space<hbm>>
      tpu.wait_dma2 semaphore(%run_scoped3A : memref<!tpu.dma_semaphore, #tpu.memory_space<semaphore_mem>>) src(%dma_wait3A_36 : memref<256xi32, #tpu.memory_space<hbm>>) dst(%arg5 : memref<256xi32, #tpu.memory_space<vmem>>)
      tpu.yield
    }) : () -> ()
    %dma_start3A = arith.constant 0 : i32
    %dma_start3A_3 = arith.constant 0 : i32
    %dma_start3A_4 = tpu.memref_slice %arg6[%dma_start3A, %dma_start3A_3] : memref<256x256xf32, #tpu.memory_space<vmem>> -> memref<128x256xf32, #tpu.memory_space<vmem>>
    %dma_start3A_5 = arith.constant 0 : i32
    %dma_start3A_6 = tpu.memref_slice %arg5[%dma_start3A_5] : memref<256xi32, #tpu.memory_space<vmem>> -> memref<128xi32, #tpu.memory_space<vmem>>
    %dma_start3A_7 = arith.constant 0 : i32
    %dma_start3A_8 = arith.constant 0 : i32
    %dma_start3A_9 = tpu.memref_slice %arg2[%dma_start3A_7, %dma_start3A_8] : memref<1024x256xf32, #tpu.memory_space<hbm>> -> memref<1024x256xf32, #tpu.memory_space<hbm>>
    tpu.enqueue_indirect_dma source(%dma_start3A_9 : memref<1024x256xf32, #tpu.memory_space<hbm>>) target(%dma_start3A_4 : memref<128x256xf32, #tpu.memory_space<vmem>>) offsets(%dma_start3A_6 : memref<128xi32, #tpu.memory_space<vmem>>) semaphore(%arg7 : memref<!tpu.dma_semaphore, #tpu.memory_space<semaphore_mem>>)
    %dma_start3A_10 = arith.constant 128 : i32
    %dma_start3A_11 = arith.constant 0 : i32
    %dma_start3A_12 = tpu.memref_slice %arg6[%dma_start3A_10, %dma_start3A_11] : memref<256x256xf32, #tpu.memory_space<vmem>> -> memref<128x256xf32, #tpu.memory_space<vmem>>
    %dma_start3A_13 = arith.constant 128 : i32
    %dma_start3A_14 = tpu.memref_slice %arg5[%dma_start3A_13] : memref<256xi32, #tpu.memory_space<vmem>> -> memref<128xi32, #tpu.memory_space<vmem>>
    %dma_start3A_15 = arith.constant 0 : i32
    %dma_start3A_16 = arith.constant 0 : i32
    %dma_start3A_17 = tpu.memref_slice %arg2[%dma_start3A_15, %dma_start3A_16] : memref<1024x256xf32, #tpu.memory_space<hbm>> -> memref<1024x256xf32, #tpu.memory_space<hbm>>
    tpu.enqueue_indirect_dma source(%dma_start3A_17 : memref<1024x256xf32, #tpu.memory_space<hbm>>) target(%dma_start3A_12 : memref<128x256xf32, #tpu.memory_space<vmem>>) offsets(%dma_start3A_14 : memref<128xi32, #tpu.memory_space<vmem>>) semaphore(%arg7 : memref<!tpu.dma_semaphore, #tpu.memory_space<semaphore_mem>>)
    %dma_wait3A = arith.constant 0 : i32
    %dma_wait3A_18 = arith.constant 0 : i32
    %dma_wait3A_19 = tpu.memref_slice %arg6[%dma_wait3A, %dma_wait3A_18] : memref<256x256xf32, #tpu.memory_space<vmem>> -> memref<128x256xf32, #tpu.memory_space<vmem>>
    %dma_wait3A_20 = arith.constant 0 : i32
    %dma_wait3A_21 = tpu.memref_slice %arg5[%dma_wait3A_20] : memref<256xi32, #tpu.memory_space<vmem>> -> memref<128xi32, #tpu.memory_space<vmem>>
    %dma_wait3A_22 = arith.constant 0 : i32
    %dma_wait3A_23 = arith.constant 0 : i32
    %dma_wait3A_24 = tpu.memref_slice %arg2[%dma_wait3A_22, %dma_wait3A_23] : memref<1024x256xf32, #tpu.memory_space<hbm>> -> memref<1024x256xf32, #tpu.memory_space<hbm>>
    tpu.wait_indirect_dma semaphore(%arg7 : memref<!tpu.dma_semaphore, #tpu.memory_space<semaphore_mem>>) src(%dma_wait3A_24 : memref<1024x256xf32, #tpu.memory_space<hbm>>) dst(%dma_wait3A_19 : memref<128x256xf32, #tpu.memory_space<vmem>>)
    %dma_wait3A_25 = arith.constant 128 : i32
    %dma_wait3A_26 = arith.constant 0 : i32
    %dma_wait3A_27 = tpu.memref_slice %arg6[%dma_wait3A_25, %dma_wait3A_26] : memref<256x256xf32, #tpu.memory_space<vmem>> -> memref<128x256xf32, #tpu.memory_space<vmem>>
    %dma_wait3A_28 = arith.constant 128 : i32
    %dma_wait3A_29 = tpu.memref_slice %arg5[%dma_wait3A_28] : memref<256xi32, #tpu.memory_space<vmem>> -> memref<128xi32, #tpu.memory_space<vmem>>
    %dma_wait3A_30 = arith.constant 0 : i32
    %dma_wait3A_31 = arith.constant 0 : i32
    %dma_wait3A_32 = tpu.memref_slice %arg2[%dma_wait3A_30, %dma_wait3A_31] : memref<1024x256xf32, #tpu.memory_space<hbm>> -> memref<1024x256xf32, #tpu.memory_space<hbm>>
    tpu.wait_indirect_dma semaphore(%arg7 : memref<!tpu.dma_semaphore, #tpu.memory_space<semaphore_mem>>) src(%dma_wait3A_32 : memref<1024x256xf32, #tpu.memory_space<hbm>>) dst(%dma_wait3A_27 : memref<128x256xf32, #tpu.memory_space<vmem>>)
    "tpu.region"() ({
      %run_scoped3A = tpu.sem_alloc : memref<!tpu.dma_semaphore, #tpu.memory_space<semaphore_mem>>
      %dma_start3A_33 = arith.constant 0 : i32
      %dma_start3A_34 = tpu.memref_slice %arg4[%mul3A_2, %dma_start3A_33] : memref<8192x256xf32, #tpu.memory_space<hbm>> -> memref<256x256xf32, #tpu.memory_space<hbm>>
      %dma_start3A_35 = arith.constant 0 : i32
      %dma_start3A_36 = tpu.memref_slice %arg4[%mul3A_2, %dma_start3A_35] : memref<8192x256xf32, #tpu.memory_space<hbm>> -> memref<256x256xf32, #tpu.memory_space<hbm>>
      tpu.enqueue_dma source(%arg6 : memref<256x256xf32, #tpu.memory_space<vmem>>) target(%dma_start3A_36 : memref<256x256xf32, #tpu.memory_space<hbm>>) target_semaphore(%run_scoped3A : memref<!tpu.dma_semaphore, #tpu.memory_space<semaphore_mem>>)
      %dma_wait3A_37 = arith.constant 0 : i32
      %dma_wait3A_38 = tpu.memref_slice %arg4[%mul3A_2, %dma_wait3A_37] : memref<8192x256xf32, #tpu.memory_space<hbm>> -> memref<256x256xf32, #tpu.memory_space<hbm>>
      %dma_wait3A_39 = arith.constant 0 : i32
      %dma_wait3A_40 = tpu.memref_slice %arg4[%mul3A_2, %dma_wait3A_39] : memref<8192x256xf32, #tpu.memory_space<hbm>> -> memref<256x256xf32, #tpu.memory_space<hbm>>
      tpu.wait_dma2 semaphore(%run_scoped3A : memref<!tpu.dma_semaphore, #tpu.memory_space<semaphore_mem>>) src(%arg6 : memref<256x256xf32, #tpu.memory_space<vmem>>) dst(%dma_wait3A_40 : memref<256x256xf32, #tpu.memory_space<hbm>>)
      tpu.yield
    }) : () -> ()
    return
  }
}

#map = affine_map<(d0, d1) -> (0, 0)>
#map1 = affine_map<(d0, d1) -> (0)>
module attributes {stable_mosaic.version = 14 : i64} {
  func.func @gather(%arg0: i32, %arg1: i32, %arg2: memref<1024x256xf32, #tpu.memory_space<hbm>>, %arg3: memref<8192xi32, #tpu.memory_space<hbm>>, %arg4: memref<8192x256xf32, #tpu.memory_space<hbm>>, %arg5: memref<256xi32, #tpu.memory_space<vmem>>, %arg6: memref<256x256xf32, #tpu.memory_space<vmem>>, %arg7: memref<!tpu.dma_semaphore, #tpu.memory_space<semaphore_mem>>) attributes {dimension_semantics = [#tpu.dimension_semantics<core_parallel>, #tpu.dimension_semantics<subcore_parallel>], iteration_bounds = array<i64: 2, 16>, scalar_prefetch = 0 : i64, scratch_operands = 3 : i64, tpu.core_type = #tpu.core_type<sc_vector_subcore>, window_params = [{transform_indices = #map}, {transform_indices = #map1}, {transform_indices = #map}]} {
    %mul3A = arith.constant 2 : i32
    %mul3A_0 = arith.muli %arg1, %mul3A : i32
    %add3A = arith.addi %mul3A_0, %arg0 : i32
    %mul3A_1 = arith.constant 256 : i32
    %mul3A_2 = arith.muli %add3A, %mul3A_1 : i32
    "tpu.region"() ({
      %run_scoped3A = tpu.sem_alloc : memref<!tpu.dma_semaphore, #tpu.memory_space<semaphore_mem>>
      %dma_start3A_33 = tpu.memref_slice %arg3[%mul3A_2] : memref<8192xi32, #tpu.memory_space<hbm>> -> memref<256xi32, #tpu.memory_space<hbm>>
      %dma_start3A_34 = tpu.memref_slice %arg3[%mul3A_2] : memref<8192xi32, #tpu.memory_space<hbm>> -> memref<256xi32, #tpu.memory_space<hbm>>
      tpu.enqueue_dma source(%dma_start3A_34 : memref<256xi32, #tpu.memory_space<hbm>>) target(%arg5 : memref<256xi32, #tpu.memory_space<vmem>>) target_semaphore(%run_scoped3A : memref<!tpu.dma_semaphore, #tpu.memory_space<semaphore_mem>>)
      %dma_wait3A_35 = tpu.memref_slice %arg3[%mul3A_2] : memref<8192xi32, #tpu.memory_space<hbm>> -> memref<256xi32, #tpu.memory_space<hbm>>
      %dma_wait3A_36 = tpu.memref_slice %arg3[%mul3A_2] : memref<8192xi32, #tpu.memory_space<hbm>> -> memref<256xi32, #tpu.memory_space<hbm>>
      tpu.wait_dma2 semaphore(%run_scoped3A : memref<!tpu.dma_semaphore, #tpu.memory_space<semaphore_mem>>) src(%dma_wait3A_36 : memref<256xi32, #tpu.memory_space<hbm>>) dst(%arg5 : memref<256xi32, #tpu.memory_space<vmem>>)
      tpu.yield
    }) : () -> ()
    %dma_start3A = arith.constant 0 : i32
    %dma_start3A_3 = arith.constant 0 : i32
    %dma_start3A_4 = tpu.memref_slice %arg6[%dma_start3A, %dma_start3A_3] : memref<256x256xf32, #tpu.memory_space<vmem>> -> memref<128x256xf32, #tpu.memory_space<vmem>>
    %dma_start3A_5 = arith.constant 0 : i32
    %dma_start3A_6 = tpu.memref_slice %arg5[%dma_start3A_5] : memref<256xi32, #tpu.memory_space<vmem>> -> memref<128xi32, #tpu.memory_space<vmem>>
    %dma_start3A_7 = arith.constant 0 : i32
    %dma_start3A_8 = arith.constant 0 : i32
    %dma_start3A_9 = tpu.memref_slice %arg2[%dma_start3A_7, %dma_start3A_8] : memref<1024x256xf32, #tpu.memory_space<hbm>> -> memref<1024x256xf32, #tpu.memory_space<hbm>>
    tpu.enqueue_indirect_dma source(%dma_start3A_9 : memref<1024x256xf32, #tpu.memory_space<hbm>>) target(%dma_start3A_4 : memref<128x256xf32, #tpu.memory_space<vmem>>) offsets(%dma_start3A_6 : memref<128xi32, #tpu.memory_space<vmem>>) semaphore(%arg7 : memref<!tpu.dma_semaphore, #tpu.memory_space<semaphore_mem>>)
    %dma_start3A_10 = arith.constant 128 : i32
    %dma_start3A_11 = arith.constant 0 : i32
    %dma_start3A_12 = tpu.memref_slice %arg6[%dma_start3A_10, %dma_start3A_11] : memref<256x256xf32, #tpu.memory_space<vmem>> -> memref<128x256xf32, #tpu.memory_space<vmem>>
    %dma_start3A_13 = arith.constant 128 : i32
    %dma_start3A_14 = tpu.memref_slice %arg5[%dma_start3A_13] : memref<256xi32, #tpu.memory_space<vmem>> -> memref<128xi32, #tpu.memory_space<vmem>>
    %dma_start3A_15 = arith.constant 0 : i32
    %dma_start3A_16 = arith.constant 0 : i32
    %dma_start3A_17 = tpu.memref_slice %arg2[%dma_start3A_15, %dma_start3A_16] : memref<1024x256xf32, #tpu.memory_space<hbm>> -> memref<1024x256xf32, #tpu.memory_space<hbm>>
    tpu.enqueue_indirect_dma source(%dma_start3A_17 : memref<1024x256xf32, #tpu.memory_space<hbm>>) target(%dma_start3A_12 : memref<128x256xf32, #tpu.memory_space<vmem>>) offsets(%dma_start3A_14 : memref<128xi32, #tpu.memory_space<vmem>>) semaphore(%arg7 : memref<!tpu.dma_semaphore, #tpu.memory_space<semaphore_mem>>)
    %dma_wait3A = arith.constant 0 : i32
    %dma_wait3A_18 = arith.constant 0 : i32
    %dma_wait3A_19 = tpu.memref_slice %arg6[%dma_wait3A, %dma_wait3A_18] : memref<256x256xf32, #tpu.memory_space<vmem>> -> memref<128x256xf32, #tpu.memory_space<vmem>>
    %dma_wait3A_20 = arith.constant 0 : i32
    %dma_wait3A_21 = tpu.memref_slice %arg5[%dma_wait3A_20] : memref<256xi32, #tpu.memory_space<vmem>> -> memref<128xi32, #tpu.memory_space<vmem>>
    %dma_wait3A_22 = arith.constant 0 : i32
    %dma_wait3A_23 = arith.constant 0 : i32
    %dma_wait3A_24 = tpu.memref_slice %arg2[%dma_wait3A_22, %dma_wait3A_23] : memref<1024x256xf32, #tpu.memory_space<hbm>> -> memref<1024x256xf32, #tpu.memory_space<hbm>>
    tpu.wait_indirect_dma semaphore(%arg7 : memref<!tpu.dma_semaphore, #tpu.memory_space<semaphore_mem>>) src(%dma_wait3A_24 : memref<1024x256xf32, #tpu.memory_space<hbm>>) dst(%dma_wait3A_19 : memref<128x256xf32, #tpu.memory_space<vmem>>)
    %dma_wait3A_25 = arith.constant 128 : i32
    %dma_wait3A_26 = arith.constant 0 : i32
    %dma_wait3A_27 = tpu.memref_slice %arg6[%dma_wait3A_25, %dma_wait3A_26] : memref<256x256xf32, #tpu.memory_space<vmem>> -> memref<128x256xf32, #tpu.memory_space<vmem>>
    %dma_wait3A_28 = arith.constant 128 : i32
    %dma_wait3A_29 = tpu.memref_slice %arg5[%dma_wait3A_28] : memref<256xi32, #tpu.memory_space<vmem>> -> memref<128xi32, #tpu.memory_space<vmem>>
    %dma_wait3A_30 = arith.constant 0 : i32
    %dma_wait3A_31 = arith.constant 0 : i32
    %dma_wait3A_32 = tpu.memref_slice %arg2[%dma_wait3A_30, %dma_wait3A_31] : memref<1024x256xf32, #tpu.memory_space<hbm>> -> memref<1024x256xf32, #tpu.memory_space<hbm>>
    tpu.wait_indirect_dma semaphore(%arg7 : memref<!tpu.dma_semaphore, #tpu.memory_space<semaphore_mem>>) src(%dma_wait3A_32 : memref<1024x256xf32, #tpu.memory_space<hbm>>) dst(%dma_wait3A_27 : memref<128x256xf32, #tpu.memory_space<vmem>>)
    "tpu.region"() ({
      %run_scoped3A = tpu.sem_alloc : memref<!tpu.dma_semaphore, #tpu.memory_space<semaphore_mem>>
      %dma_start3A_33 = arith.constant 0 : i32
      %dma_start3A_34 = tpu.memref_slice %arg4[%mul3A_2, %dma_start3A_33] : memref<8192x256xf32, #tpu.memory_space<hbm>> -> memref<256x256xf32, #tpu.memory_space<hbm>>
      %dma_start3A_35 = arith.constant 0 : i32
      %dma_start3A_36 = tpu.memref_slice %arg4[%mul3A_2, %dma_start3A_35] : memref<8192x256xf32, #tpu.memory_space<hbm>> -> memref<256x256xf32, #tpu.memory_space<hbm>>
      tpu.enqueue_dma source(%arg6 : memref<256x256xf32, #tpu.memory_space<vmem>>) target(%dma_start3A_36 : memref<256x256xf32, #tpu.memory_space<hbm>>) target_semaphore(%run_scoped3A : memref<!tpu.dma_semaphore, #tpu.memory_space<semaphore_mem>>)
      %dma_wait3A_37 = arith.constant 0 : i32
      %dma_wait3A_38 = tpu.memref_slice %arg4[%mul3A_2, %dma_wait3A_37] : memref<8192x256xf32, #tpu.memory_space<hbm>> -> memref<256x256xf32, #tpu.memory_space<hbm>>
      %dma_wait3A_39 = arith.constant 0 : i32
      %dma_wait3A_40 = tpu.memref_slice %arg4[%mul3A_2, %dma_wait3A_39] : memref<8192x256xf32, #tpu.memory_space<hbm>> -> memref<256x256xf32, #tpu.memory_space<hbm>>
      tpu.wait_dma2 semaphore(%run_scoped3A : memref<!tpu.dma_semaphore, #tpu.memory_space<semaphore_mem>>) src(%arg6 : memref<256x256xf32, #tpu.memory_space<vmem>>) dst(%dma_wait3A_40 : memref<256x256xf32, #tpu.memory_space<hbm>>)
      tpu.yield
    }) : () -> ()
    return
  }
}

#map = affine_map<(d0, d1) -> (0, 0)>
#map1 = affine_map<(d0, d1) -> (0)>
module attributes {stable_mosaic.version = 14 : i64} {
  func.func @gather(%arg0: i32, %arg1: i32, %arg2: memref<1024x256xf32, #tpu.memory_space<hbm>>, %arg3: memref<8192xi32, #tpu.memory_space<hbm>>, %arg4: memref<8192x256xf32, #tpu.memory_space<hbm>>, %arg5: memref<256xi32, #tpu.memory_space<vmem>>, %arg6: memref<256x256xf32, #tpu.memory_space<vmem>>, %arg7: memref<!tpu.dma_semaphore, #tpu.memory_space<semaphore_mem>>) attributes {dimension_semantics = [#tpu.dimension_semantics<core_parallel>, #tpu.dimension_semantics<subcore_parallel>], iteration_bounds = array<i64: 2, 16>, scalar_prefetch = 0 : i64, scratch_operands = 3 : i64, tpu.core_type = #tpu.core_type<sc_vector_subcore>, window_params = [{transform_indices = #map}, {transform_indices = #map1}, {transform_indices = #map}]} {
    %mul3A = arith.constant 2 : i32
    %mul3A_0 = arith.muli %arg1, %mul3A : i32
    %add3A = arith.addi %mul3A_0, %arg0 : i32
    %mul3A_1 = arith.constant 256 : i32
    %mul3A_2 = arith.muli %add3A, %mul3A_1 : i32
    "tpu.region"() ({
      %run_scoped3A = tpu.sem_alloc : memref<!tpu.dma_semaphore, #tpu.memory_space<semaphore_mem>>
      %dma_start3A_33 = tpu.memref_slice %arg3[%mul3A_2] : memref<8192xi32, #tpu.memory_space<hbm>> -> memref<256xi32, #tpu.memory_space<hbm>>
      %dma_start3A_34 = tpu.memref_slice %arg3[%mul3A_2] : memref<8192xi32, #tpu.memory_space<hbm>> -> memref<256xi32, #tpu.memory_space<hbm>>
      tpu.enqueue_dma source(%dma_start3A_34 : memref<256xi32, #tpu.memory_space<hbm>>) target(%arg5 : memref<256xi32, #tpu.memory_space<vmem>>) target_semaphore(%run_scoped3A : memref<!tpu.dma_semaphore, #tpu.memory_space<semaphore_mem>>)
      %dma_wait3A_35 = tpu.memref_slice %arg3[%mul3A_2] : memref<8192xi32, #tpu.memory_space<hbm>> -> memref<256xi32, #tpu.memory_space<hbm>>
      %dma_wait3A_36 = tpu.memref_slice %arg3[%mul3A_2] : memref<8192xi32, #tpu.memory_space<hbm>> -> memref<256xi32, #tpu.memory_space<hbm>>
      tpu.wait_dma2 semaphore(%run_scoped3A : memref<!tpu.dma_semaphore, #tpu.memory_space<semaphore_mem>>) src(%dma_wait3A_36 : memref<256xi32, #tpu.memory_space<hbm>>) dst(%arg5 : memref<256xi32, #tpu.memory_space<vmem>>)
      tpu.yield
    }) : () -> ()
    %dma_start3A = arith.constant 0 : i32
    %dma_start3A_3 = arith.constant 0 : i32
    %dma_start3A_4 = tpu.memref_slice %arg6[%dma_start3A, %dma_start3A_3] : memref<256x256xf32, #tpu.memory_space<vmem>> -> memref<128x256xf32, #tpu.memory_space<vmem>>
    %dma_start3A_5 = arith.constant 0 : i32
    %dma_start3A_6 = tpu.memref_slice %arg5[%dma_start3A_5] : memref<256xi32, #tpu.memory_space<vmem>> -> memref<128xi32, #tpu.memory_space<vmem>>
    %dma_start3A_7 = arith.constant 0 : i32
    %dma_start3A_8 = arith.constant 0 : i32
    %dma_start3A_9 = tpu.memref_slice %arg2[%dma_start3A_7, %dma_start3A_8] : memref<1024x256xf32, #tpu.memory_space<hbm>> -> memref<1024x256xf32, #tpu.memory_space<hbm>>
    tpu.enqueue_indirect_dma source(%dma_start3A_9 : memref<1024x256xf32, #tpu.memory_space<hbm>>) target(%dma_start3A_4 : memref<128x256xf32, #tpu.memory_space<vmem>>) offsets(%dma_start3A_6 : memref<128xi32, #tpu.memory_space<vmem>>) semaphore(%arg7 : memref<!tpu.dma_semaphore, #tpu.memory_space<semaphore_mem>>)
    %dma_start3A_10 = arith.constant 128 : i32
    %dma_start3A_11 = arith.constant 0 : i32
    %dma_start3A_12 = tpu.memref_slice %arg6[%dma_start3A_10, %dma_start3A_11] : memref<256x256xf32, #tpu.memory_space<vmem>> -> memref<128x256xf32, #tpu.memory_space<vmem>>
    %dma_start3A_13 = arith.constant 128 : i32
    %dma_start3A_14 = tpu.memref_slice %arg5[%dma_start3A_13] : memref<256xi32, #tpu.memory_space<vmem>> -> memref<128xi32, #tpu.memory_space<vmem>>
    %dma_start3A_15 = arith.constant 0 : i32
    %dma_start3A_16 = arith.constant 0 : i32
    %dma_start3A_17 = tpu.memref_slice %arg2[%dma_start3A_15, %dma_start3A_16] : memref<1024x256xf32, #tpu.memory_space<hbm>> -> memref<1024x256xf32, #tpu.memory_space<hbm>>
    tpu.enqueue_indirect_dma source(%dma_start3A_17 : memref<1024x256xf32, #tpu.memory_space<hbm>>) target(%dma_start3A_12 : memref<128x256xf32, #tpu.memory_space<vmem>>) offsets(%dma_start3A_14 : memref<128xi32, #tpu.memory_space<vmem>>) semaphore(%arg7 : memref<!tpu.dma_semaphore, #tpu.memory_space<semaphore_mem>>)
    %dma_wait3A = arith.constant 0 : i32
    %dma_wait3A_18 = arith.constant 0 : i32
    %dma_wait3A_19 = tpu.memref_slice %arg6[%dma_wait3A, %dma_wait3A_18] : memref<256x256xf32, #tpu.memory_space<vmem>> -> memref<128x256xf32, #tpu.memory_space<vmem>>
    %dma_wait3A_20 = arith.constant 0 : i32
    %dma_wait3A_21 = tpu.memref_slice %arg5[%dma_wait3A_20] : memref<256xi32, #tpu.memory_space<vmem>> -> memref<128xi32, #tpu.memory_space<vmem>>
    %dma_wait3A_22 = arith.constant 0 : i32
    %dma_wait3A_23 = arith.constant 0 : i32
    %dma_wait3A_24 = tpu.memref_slice %arg2[%dma_wait3A_22, %dma_wait3A_23] : memref<1024x256xf32, #tpu.memory_space<hbm>> -> memref<1024x256xf32, #tpu.memory_space<hbm>>
    tpu.wait_indirect_dma semaphore(%arg7 : memref<!tpu.dma_semaphore, #tpu.memory_space<semaphore_mem>>) src(%dma_wait3A_24 : memref<1024x256xf32, #tpu.memory_space<hbm>>) dst(%dma_wait3A_19 : memref<128x256xf32, #tpu.memory_space<vmem>>)
    %dma_wait3A_25 = arith.constant 128 : i32
    %dma_wait3A_26 = arith.constant 0 : i32
    %dma_wait3A_27 = tpu.memref_slice %arg6[%dma_wait3A_25, %dma_wait3A_26] : memref<256x256xf32, #tpu.memory_space<vmem>> -> memref<128x256xf32, #tpu.memory_space<vmem>>
    %dma_wait3A_28 = arith.constant 128 : i32
    %dma_wait3A_29 = tpu.memref_slice %arg5[%dma_wait3A_28] : memref<256xi32, #tpu.memory_space<vmem>> -> memref<128xi32, #tpu.memory_space<vmem>>
    %dma_wait3A_30 = arith.constant 0 : i32
    %dma_wait3A_31 = arith.constant 0 : i32
    %dma_wait3A_32 = tpu.memref_slice %arg2[%dma_wait3A_30, %dma_wait3A_31] : memref<1024x256xf32, #tpu.memory_space<hbm>> -> memref<1024x256xf32, #tpu.memory_space<hbm>>
    tpu.wait_indirect_dma semaphore(%arg7 : memref<!tpu.dma_semaphore, #tpu.memory_space<semaphore_mem>>) src(%dma_wait3A_32 : memref<1024x256xf32, #tpu.memory_space<hbm>>) dst(%dma_wait3A_27 : memref<128x256xf32, #tpu.memory_space<vmem>>)
    "tpu.region"() ({
      %run_scoped3A = tpu.sem_alloc : memref<!tpu.dma_semaphore, #tpu.memory_space<semaphore_mem>>
      %dma_start3A_33 = arith.constant 0 : i32
      %dma_start3A_34 = tpu.memref_slice %arg4[%mul3A_2, %dma_start3A_33] : memref<8192x256xf32, #tpu.memory_space<hbm>> -> memref<256x256xf32, #tpu.memory_space<hbm>>
      %dma_start3A_35 = arith.constant 0 : i32
      %dma_start3A_36 = tpu.memref_slice %arg4[%mul3A_2, %dma_start3A_35] : memref<8192x256xf32, #tpu.memory_space<hbm>> -> memref<256x256xf32, #tpu.memory_space<hbm>>
      tpu.enqueue_dma source(%arg6 : memref<256x256xf32, #tpu.memory_space<vmem>>) target(%dma_start3A_36 : memref<256x256xf32, #tpu.memory_space<hbm>>) target_semaphore(%run_scoped3A : memref<!tpu.dma_semaphore, #tpu.memory_space<semaphore_mem>>)
      %dma_wait3A_37 = arith.constant 0 : i32
      %dma_wait3A_38 = tpu.memref_slice %arg4[%mul3A_2, %dma_wait3A_37] : memref<8192x256xf32, #tpu.memory_space<hbm>> -> memref<256x256xf32, #tpu.memory_space<hbm>>
      %dma_wait3A_39 = arith.constant 0 : i32
      %dma_wait3A_40 = tpu.memref_slice %arg4[%mul3A_2, %dma_wait3A_39] : memref<8192x256xf32, #tpu.memory_space<hbm>> -> memref<256x256xf32, #tpu.memory_space<hbm>>
      tpu.wait_dma2 semaphore(%run_scoped3A : memref<!tpu.dma_semaphore, #tpu.memory_space<semaphore_mem>>) src(%arg6 : memref<256x256xf32, #tpu.memory_space<vmem>>) dst(%dma_wait3A_40 : memref<256x256xf32, #tpu.memory_space<hbm>>)
      tpu.yield
    }) : () -> ()
    return
  }
}

module attributes {stable_mosaic.version = 14 : i64} {
  func.func @_round0_body(%arg0: i32, %arg1: memref<2048x256xf32, #tpu.memory_space<vmem>>, %arg2: memref<256x1024xbf16, #tpu.memory_space<vmem>>, %arg3: memref<8x1024xf32, #tpu.memory_space<vmem>>, %arg4: memref<16x128xi32, #tpu.memory_space<vmem>>) attributes {dimension_semantics = [#tpu.dimension_semantics<arbitrary>], iteration_bounds = array<i64: 4>, scalar_prefetch = 0 : i64, scratch_operands = 0 : i64, tpu.core_type = #tpu.core_type<tc>, window_params = [{transform_indices = @transform_0, window_bounds = array<i64: 2048, 256>}, {pipeline_mode = #tpu.pipeline_mode<synchronous>, transform_indices = @transform_1, window_bounds = array<i64: 256, 1024>}, {pipeline_mode = #tpu.pipeline_mode<synchronous>, transform_indices = @transform_2, window_bounds = array<i64: 8, 1024>}, {transform_indices = @transform_3, window_bounds = array<i64: 16, 128>}]} {
    %get3A = arith.constant 0 : index
    %get3A_0 = arith.constant 0 : index
    %get3A_1 = vector.load %arg1[%get3A, %get3A_0] : memref<2048x256xf32, #tpu.memory_space<vmem>>, vector<2048x256xf32>
    %mul3A = arith.mulf %get3A_1, %get3A_1 : vector<2048x256xf32>
    %slice3A = vector.extract_strided_slice %mul3A {offsets = [0, 0], sizes = [2048, 128], strides = [1, 1]} : vector<2048x256xf32> to vector<2048x128xf32>
    %slice3A_2 = vector.extract_strided_slice %mul3A {offsets = [0, 128], sizes = [2048, 128], strides = [1, 1]} : vector<2048x256xf32> to vector<2048x128xf32>
    %add3A = arith.addf %slice3A, %slice3A_2 : vector<2048x128xf32>
    %transpose3A = tpu.transpose %add3A, [1, 0] : vector<2048x128xf32> -> vector<128x2048xf32>
    %slice3A_3 = vector.extract_strided_slice %transpose3A {offsets = [0, 0], sizes = [8, 2048], strides = [1, 1]} : vector<128x2048xf32> to vector<8x2048xf32>
    %slice3A_4 = vector.extract_strided_slice %transpose3A {offsets = [8, 0], sizes = [8, 2048], strides = [1, 1]} : vector<128x2048xf32> to vector<8x2048xf32>
    %add3A_5 = arith.addf %slice3A_3, %slice3A_4 : vector<8x2048xf32>
    %slice3A_6 = vector.extract_strided_slice %transpose3A {offsets = [16, 0], sizes = [8, 2048], strides = [1, 1]} : vector<128x2048xf32> to vector<8x2048xf32>
    %add3A_7 = arith.addf %add3A_5, %slice3A_6 : vector<8x2048xf32>
    %slice3A_8 = vector.extract_strided_slice %transpose3A {offsets = [24, 0], sizes = [8, 2048], strides = [1, 1]} : vector<128x2048xf32> to vector<8x2048xf32>
    %add3A_9 = arith.addf %add3A_7, %slice3A_8 : vector<8x2048xf32>
    %slice3A_10 = vector.extract_strided_slice %transpose3A {offsets = [32, 0], sizes = [8, 2048], strides = [1, 1]} : vector<128x2048xf32> to vector<8x2048xf32>
    %add3A_11 = arith.addf %add3A_9, %slice3A_10 : vector<8x2048xf32>
    %slice3A_12 = vector.extract_strided_slice %transpose3A {offsets = [40, 0], sizes = [8, 2048], strides = [1, 1]} : vector<128x2048xf32> to vector<8x2048xf32>
    %add3A_13 = arith.addf %add3A_11, %slice3A_12 : vector<8x2048xf32>
    %slice3A_14 = vector.extract_strided_slice %transpose3A {offsets = [48, 0], sizes = [8, 2048], strides = [1, 1]} : vector<128x2048xf32> to vector<8x2048xf32>
    %add3A_15 = arith.addf %add3A_13, %slice3A_14 : vector<8x2048xf32>
    %slice3A_16 = vector.extract_strided_slice %transpose3A {offsets = [56, 0], sizes = [8, 2048], strides = [1, 1]} : vector<128x2048xf32> to vector<8x2048xf32>
    %add3A_17 = arith.addf %add3A_15, %slice3A_16 : vector<8x2048xf32>
    %slice3A_18 = vector.extract_strided_slice %transpose3A {offsets = [64, 0], sizes = [8, 2048], strides = [1, 1]} : vector<128x2048xf32> to vector<8x2048xf32>
    %add3A_19 = arith.addf %add3A_17, %slice3A_18 : vector<8x2048xf32>
    %slice3A_20 = vector.extract_strided_slice %transpose3A {offsets = [72, 0], sizes = [8, 2048], strides = [1, 1]} : vector<128x2048xf32> to vector<8x2048xf32>
    %add3A_21 = arith.addf %add3A_19, %slice3A_20 : vector<8x2048xf32>
    %slice3A_22 = vector.extract_strided_slice %transpose3A {offsets = [80, 0], sizes = [8, 2048], strides = [1, 1]} : vector<128x2048xf32> to vector<8x2048xf32>
    %add3A_23 = arith.addf %add3A_21, %slice3A_22 : vector<8x2048xf32>
    %slice3A_24 = vector.extract_strided_slice %transpose3A {offsets = [88, 0], sizes = [8, 2048], strides = [1, 1]} : vector<128x2048xf32> to vector<8x2048xf32>
    %add3A_25 = arith.addf %add3A_23, %slice3A_24 : vector<8x2048xf32>
    %slice3A_26 = vector.extract_strided_slice %transpose3A {offsets = [96, 0], sizes = [8, 2048], strides = [1, 1]} : vector<128x2048xf32> to vector<8x2048xf32>
    %add3A_27 = arith.addf %add3A_25, %slice3A_26 : vector<8x2048xf32>
    %slice3A_28 = vector.extract_strided_slice %transpose3A {offsets = [104, 0], sizes = [8, 2048], strides = [1, 1]} : vector<128x2048xf32> to vector<8x2048xf32>
    %add3A_29 = arith.addf %add3A_27, %slice3A_28 : vector<8x2048xf32>
    %slice3A_30 = vector.extract_strided_slice %transpose3A {offsets = [112, 0], sizes = [8, 2048], strides = [1, 1]} : vector<128x2048xf32> to vector<8x2048xf32>
    %add3A_31 = arith.addf %add3A_29, %slice3A_30 : vector<8x2048xf32>
    %slice3A_32 = vector.extract_strided_slice %transpose3A {offsets = [120, 0], sizes = [8, 2048], strides = [1, 1]} : vector<128x2048xf32> to vector<8x2048xf32>
    %add3A_33 = arith.addf %add3A_31, %slice3A_32 : vector<8x2048xf32>
    %slice3A_34 = vector.extract_strided_slice %add3A_33 {offsets = [0, 0], sizes = [4, 2048], strides = [1, 1]} : vector<8x2048xf32> to vector<4x2048xf32>
    %slice3A_35 = vector.extract_strided_slice %add3A_33 {offsets = [4, 0], sizes = [4, 2048], strides = [1, 1]} : vector<8x2048xf32> to vector<4x2048xf32>
    %add3A_36 = arith.addf %slice3A_34, %slice3A_35 : vector<4x2048xf32>
    %slice3A_37 = vector.extract_strided_slice %add3A_36 {offsets = [0, 0], sizes = [2, 2048], strides = [1, 1]} : vector<4x2048xf32> to vector<2x2048xf32>
    %slice3A_38 = vector.extract_strided_slice %add3A_36 {offsets = [2, 0], sizes = [2, 2048], strides = [1, 1]} : vector<4x2048xf32> to vector<2x2048xf32>
    %add3A_39 = arith.addf %slice3A_37, %slice3A_38 : vector<2x2048xf32>
    %slice3A_40 = vector.extract_strided_slice %add3A_39 {offsets = [0, 0], sizes = [1, 2048], strides = [1, 1]} : vector<2x2048xf32> to vector<1x2048xf32>
    %slice3A_41 = vector.extract_strided_slice %add3A_39 {offsets = [1, 0], sizes = [1, 2048], strides = [1, 1]} : vector<2x2048xf32> to vector<1x2048xf32>
    %add3A_42 = arith.addf %slice3A_40, %slice3A_41 : vector<1x2048xf32>
    %transpose3A_43 = tpu.transpose %add3A_42, [1, 0] : vector<1x2048xf32> -> vector<2048x1xf32>
    %convert_element_type3A = arith.truncf %get3A_1 : vector<2048x256xf32> to vector<2048x256xbf16>
    %get3A_44 = arith.constant 0 : index
    %get3A_45 = arith.constant 0 : index
    %get3A_46 = vector.load %arg2[%get3A_44, %get3A_45] : memref<256x1024xbf16, #tpu.memory_space<vmem>>, vector<256x1024xbf16>
    %dot_general3A = arith.constant dense<0.000000e+00> : vector<2048x1024xf32>
    %dot_general3A_47 = tpu.matmul %convert_element_type3A, %get3A_46, %dot_general3A {dimension_numbers = #tpu.dot_dimension_numbers<[1], [0], [0], [1], [0, 0, 1, 1], [], []>, transpose_lhs_hint = false} : vector<2048x256xbf16>, vector<256x1024xbf16>, vector<2048x1024xf32> -> vector<2048x1024xf32>
    %get3A_48 = arith.constant 0 : index
    %get3A_49 = arith.constant 0 : index
    %get3A_50 = vector.load %arg3[%get3A_48, %get3A_49] : memref<8x1024xf32, #tpu.memory_space<vmem>>, vector<1x1024xf32>
    %add3A_51 = vector.broadcast %transpose3A_43 : vector<2048x1xf32> to vector<2048x1024xf32>
    %add3A_52 = vector.broadcast %get3A_50 : vector<1x1024xf32> to vector<2048x1024xf32>
    %add3A_53 = arith.addf %add3A_51, %add3A_52 : vector<2048x1024xf32>
    %mul3A_54 = arith.constant 2.000000e+00 : f32
    %mul3A_55 = vector.broadcast %mul3A_54 : f32 to vector<2048x1024xf32>
    %mul3A_56 = arith.mulf %mul3A_55, %dot_general3A_47 : vector<2048x1024xf32>
    %sub3A = arith.subf %add3A_53, %mul3A_56 : vector<2048x1024xf32>
    %jit3A = arith.constant 0.000000e+00 : f32
    %max3A = vector.broadcast %jit3A : f32 to vector<2048x1024xf32>
    %max3A_57 = arith.maximumf %max3A, %sub3A : vector<2048x1024xf32>
    %rsqrt3A = math.rsqrt %max3A_57 : vector<2048x1024xf32>
    %mul3A_58 = arith.mulf %max3A_57, %rsqrt3A : vector<2048x1024xf32>
    %slice3A_59 = vector.extract_strided_slice %mul3A_58 {offsets = [0, 0], sizes = [2048, 128], strides = [1, 1]} : vector<2048x1024xf32> to vector<2048x128xf32>
    %broadcast_in_dim3A = arith.constant 0 : i32
    %broadcast_in_dim3A_60 = vector.broadcast %broadcast_in_dim3A : i32 to vector<2048x128xi32>
    %slice3A_61 = vector.extract_strided_slice %mul3A_58 {offsets = [0, 128], sizes = [2048, 128], strides = [1, 1]} : vector<2048x1024xf32> to vector<2048x128xf32>
    %lt3A = arith.cmpf olt, %slice3A_61, %slice3A_59 : vector<2048x128xf32>
    %select_n3A = arith.select %lt3A, %slice3A_61, %slice3A_59 : vector<2048x128xi1>, vector<2048x128xf32>
    %jit3A_62 = arith.constant 1 : i32
    %broadcast_in_dim3A_63 = vector.broadcast %jit3A_62 : i32 to vector<2048x128xi32>
    %select_n3A_64 = arith.select %lt3A, %broadcast_in_dim3A_63, %broadcast_in_dim3A_60 : vector<2048x128xi1>, vector<2048x128xi32>
    %slice3A_65 = vector.extract_strided_slice %mul3A_58 {offsets = [0, 256], sizes = [2048, 128], strides = [1, 1]} : vector<2048x1024xf32> to vector<2048x128xf32>
    %lt3A_66 = arith.cmpf olt, %slice3A_65, %select_n3A : vector<2048x128xf32>
    %select_n3A_67 = arith.select %lt3A_66, %slice3A_65, %select_n3A : vector<2048x128xi1>, vector<2048x128xf32>
    %jit3A_68 = arith.constant 2 : i32
    %broadcast_in_dim3A_69 = vector.broadcast %jit3A_68 : i32 to vector<2048x128xi32>
    %select_n3A_70 = arith.select %lt3A_66, %broadcast_in_dim3A_69, %select_n3A_64 : vector<2048x128xi1>, vector<2048x128xi32>
    %slice3A_71 = vector.extract_strided_slice %mul3A_58 {offsets = [0, 384], sizes = [2048, 128], strides = [1, 1]} : vector<2048x1024xf32> to vector<2048x128xf32>
    %lt3A_72 = arith.cmpf olt, %slice3A_71, %select_n3A_67 : vector<2048x128xf32>
    %select_n3A_73 = arith.select %lt3A_72, %slice3A_71, %select_n3A_67 : vector<2048x128xi1>, vector<2048x128xf32>
    %jit3A_74 = arith.constant 3 : i32
    %broadcast_in_dim3A_75 = vector.broadcast %jit3A_74 : i32 to vector<2048x128xi32>
    %select_n3A_76 = arith.select %lt3A_72, %broadcast_in_dim3A_75, %select_n3A_70 : vector<2048x128xi1>, vector<2048x128xi32>
    %slice3A_77 = vector.extract_strided_slice %mul3A_58 {offsets = [0, 512], sizes = [2048, 128], strides = [1, 1]} : vector<2048x1024xf32> to vector<2048x128xf32>
    %lt3A_78 = arith.cmpf olt, %slice3A_77, %select_n3A_73 : vector<2048x128xf32>
    %select_n3A_79 = arith.select %lt3A_78, %slice3A_77, %select_n3A_73 : vector<2048x128xi1>, vector<2048x128xf32>
    %jit3A_80 = arith.constant 4 : i32
    %broadcast_in_dim3A_81 = vector.broadcast %jit3A_80 : i32 to vector<2048x128xi32>
    %select_n3A_82 = arith.select %lt3A_78, %broadcast_in_dim3A_81, %select_n3A_76 : vector<2048x128xi1>, vector<2048x128xi32>
    %slice3A_83 = vector.extract_strided_slice %mul3A_58 {offsets = [0, 640], sizes = [2048, 128], strides = [1, 1]} : vector<2048x1024xf32> to vector<2048x128xf32>
    %lt3A_84 = arith.cmpf olt, %slice3A_83, %select_n3A_79 : vector<2048x128xf32>
    %select_n3A_85 = arith.select %lt3A_84, %slice3A_83, %select_n3A_79 : vector<2048x128xi1>, vector<2048x128xf32>
    %jit3A_86 = arith.constant 5 : i32
    %broadcast_in_dim3A_87 = vector.broadcast %jit3A_86 : i32 to vector<2048x128xi32>
    %select_n3A_88 = arith.select %lt3A_84, %broadcast_in_dim3A_87, %select_n3A_82 : vector<2048x128xi1>, vector<2048x128xi32>
    %slice3A_89 = vector.extract_strided_slice %mul3A_58 {offsets = [0, 768], sizes = [2048, 128], strides = [1, 1]} : vector<2048x1024xf32> to vector<2048x128xf32>
    %lt3A_90 = arith.cmpf olt, %slice3A_89, %select_n3A_85 : vector<2048x128xf32>
    %select_n3A_91 = arith.select %lt3A_90, %slice3A_89, %select_n3A_85 : vector<2048x128xi1>, vector<2048x128xf32>
    %jit3A_92 = arith.constant 6 : i32
    %broadcast_in_dim3A_93 = vector.broadcast %jit3A_92 : i32 to vector<2048x128xi32>
    %select_n3A_94 = arith.select %lt3A_90, %broadcast_in_dim3A_93, %select_n3A_88 : vector<2048x128xi1>, vector<2048x128xi32>
    %slice3A_95 = vector.extract_strided_slice %mul3A_58 {offsets = [0, 896], sizes = [2048, 128], strides = [1, 1]} : vector<2048x1024xf32> to vector<2048x128xf32>
    %lt3A_96 = arith.cmpf olt, %slice3A_95, %select_n3A_91 : vector<2048x128xf32>
    %select_n3A_97 = arith.select %lt3A_96, %slice3A_95, %select_n3A_91 : vector<2048x128xi1>, vector<2048x128xf32>
    %jit3A_98 = arith.constant 7 : i32
    %broadcast_in_dim3A_99 = vector.broadcast %jit3A_98 : i32 to vector<2048x128xi32>
    %select_n3A_100 = arith.select %lt3A_96, %broadcast_in_dim3A_99, %select_n3A_94 : vector<2048x128xi1>, vector<2048x128xi32>
    %reduce_min3A = arith.constant dense<0x7F800000> : vector<2048xf32>
    %reduce_min3A_101 = vector.multi_reduction <minimumf>, %select_n3A_97, %reduce_min3A [1] : vector<2048x128xf32> to vector<2048xf32>
    %broadcast_in_dim3A_102 = vector.shape_cast %reduce_min3A_101 : vector<2048xf32> to vector<2048x1xf32>
    %iota3A = tpu.iota {dimensions = array<i32: 1>} : vector<2048x128xi32>
    %eq3A = vector.broadcast %broadcast_in_dim3A_102 : vector<2048x1xf32> to vector<2048x128xf32>
    %eq3A_103 = arith.cmpf oeq, %select_n3A_97, %eq3A : vector<2048x128xf32>
    %mul3A_104 = arith.constant 128 : i32
    %mul3A_105 = vector.broadcast %mul3A_104 : i32 to vector<2048x128xi32>
    %mul3A_106 = arith.muli %select_n3A_100, %mul3A_105 : vector<2048x128xi32>
    %add3A_107 = arith.addi %mul3A_106, %iota3A : vector<2048x128xi32>
    %jit3A_108 = arith.constant 1024 : i32
    %broadcast_in_dim3A_109 = vector.broadcast %jit3A_108 : i32 to vector<2048x128xi32>
    %select_n3A_110 = arith.select %eq3A_103, %add3A_107, %broadcast_in_dim3A_109 : vector<2048x128xi1>, vector<2048x128xi32>
    %reduce_min3A_111 = arith.constant dense<2147483647> : vector<2048xi32>
    %reduce_min3A_112 = vector.multi_reduction <minsi>, %select_n3A_110, %reduce_min3A_111 [1] : vector<2048x128xi32> to vector<2048xi32>
    %broadcast_in_dim3A_113 = vector.shape_cast %reduce_min3A_112 : vector<2048xi32> to vector<2048x1xi32>
    %reshape3A = vector.shape_cast %broadcast_in_dim3A_113 : vector<2048x1xi32> to vector<16x128xi32>
    %swap3A = arith.constant 0 : index
    %swap3A_114 = arith.constant 0 : index
    %swap3A_115 = vector.load %arg4[%swap3A, %swap3A_114] : memref<16x128xi32, #tpu.memory_space<vmem>>, vector<16x128xi32>
    tpu.vector_store %arg4[%swap3A, %swap3A_114], %reshape3A {strides = array<i32>} : memref<16x128xi32, #tpu.memory_space<vmem>>, vector<16x128xi32>,
    return
  }
  func.func @transform_0(%arg0: i32) -> (i32, i32) {
    %add3A = arith.constant 4 : i32
    %add3A_0 = arith.addi %arg0, %add3A : i32
    %c0_i32 = arith.constant 0 : i32
    %c0_i32_1 = arith.constant 0 : i32
    return %add3A_0, %c0_i32 : i32, i32
  }
  func.func @transform_1(%arg0: i32) -> (i32, i32) {
    %c0_i32 = arith.constant 0 : i32
    %c0_i32_0 = arith.constant 0 : i32
    %c0_i32_1 = arith.constant 0 : i32
    return %c0_i32, %c0_i32_0 : i32, i32
  }
  func.func @transform_2(%arg0: i32) -> (i32, i32) {
    %c0_i32 = arith.constant 0 : i32
    %c0_i32_0 = arith.constant 0 : i32
    %c0_i32_1 = arith.constant 0 : i32
    return %c0_i32, %c0_i32_0 : i32, i32
  }
  func.func @transform_3(%arg0: i32) -> (i32, i32) {
    %c0_i32 = arith.constant 0 : i32
    %c0_i32_0 = arith.constant 0 : i32
    return %arg0, %c0_i32 : i32, i32
  }
}

module attributes {stable_mosaic.version = 14 : i64} {
  func.func @_round0_body(%arg0: i32, %arg1: memref<2048x256xf32, #tpu.memory_space<vmem>>, %arg2: memref<256x1024xbf16, #tpu.memory_space<vmem>>, %arg3: memref<8x1024xf32, #tpu.memory_space<vmem>>, %arg4: memref<16x128xi32, #tpu.memory_space<vmem>>) attributes {dimension_semantics = [#tpu.dimension_semantics<arbitrary>], iteration_bounds = array<i64: 4>, scalar_prefetch = 0 : i64, scratch_operands = 0 : i64, tpu.core_type = #tpu.core_type<tc>, window_params = [{transform_indices = @transform_0, window_bounds = array<i64: 2048, 256>}, {pipeline_mode = #tpu.pipeline_mode<synchronous>, transform_indices = @transform_1, window_bounds = array<i64: 256, 1024>}, {pipeline_mode = #tpu.pipeline_mode<synchronous>, transform_indices = @transform_2, window_bounds = array<i64: 8, 1024>}, {transform_indices = @transform_3, window_bounds = array<i64: 16, 128>}]} {
    %get3A = arith.constant 0 : index
    %get3A_0 = arith.constant 0 : index
    %get3A_1 = vector.load %arg1[%get3A, %get3A_0] : memref<2048x256xf32, #tpu.memory_space<vmem>>, vector<2048x256xf32>
    %mul3A = arith.mulf %get3A_1, %get3A_1 : vector<2048x256xf32>
    %slice3A = vector.extract_strided_slice %mul3A {offsets = [0, 0], sizes = [2048, 128], strides = [1, 1]} : vector<2048x256xf32> to vector<2048x128xf32>
    %slice3A_2 = vector.extract_strided_slice %mul3A {offsets = [0, 128], sizes = [2048, 128], strides = [1, 1]} : vector<2048x256xf32> to vector<2048x128xf32>
    %add3A = arith.addf %slice3A, %slice3A_2 : vector<2048x128xf32>
    %transpose3A = tpu.transpose %add3A, [1, 0] : vector<2048x128xf32> -> vector<128x2048xf32>
    %slice3A_3 = vector.extract_strided_slice %transpose3A {offsets = [0, 0], sizes = [8, 2048], strides = [1, 1]} : vector<128x2048xf32> to vector<8x2048xf32>
    %slice3A_4 = vector.extract_strided_slice %transpose3A {offsets = [8, 0], sizes = [8, 2048], strides = [1, 1]} : vector<128x2048xf32> to vector<8x2048xf32>
    %add3A_5 = arith.addf %slice3A_3, %slice3A_4 : vector<8x2048xf32>
    %slice3A_6 = vector.extract_strided_slice %transpose3A {offsets = [16, 0], sizes = [8, 2048], strides = [1, 1]} : vector<128x2048xf32> to vector<8x2048xf32>
    %add3A_7 = arith.addf %add3A_5, %slice3A_6 : vector<8x2048xf32>
    %slice3A_8 = vector.extract_strided_slice %transpose3A {offsets = [24, 0], sizes = [8, 2048], strides = [1, 1]} : vector<128x2048xf32> to vector<8x2048xf32>
    %add3A_9 = arith.addf %add3A_7, %slice3A_8 : vector<8x2048xf32>
    %slice3A_10 = vector.extract_strided_slice %transpose3A {offsets = [32, 0], sizes = [8, 2048], strides = [1, 1]} : vector<128x2048xf32> to vector<8x2048xf32>
    %add3A_11 = arith.addf %add3A_9, %slice3A_10 : vector<8x2048xf32>
    %slice3A_12 = vector.extract_strided_slice %transpose3A {offsets = [40, 0], sizes = [8, 2048], strides = [1, 1]} : vector<128x2048xf32> to vector<8x2048xf32>
    %add3A_13 = arith.addf %add3A_11, %slice3A_12 : vector<8x2048xf32>
    %slice3A_14 = vector.extract_strided_slice %transpose3A {offsets = [48, 0], sizes = [8, 2048], strides = [1, 1]} : vector<128x2048xf32> to vector<8x2048xf32>
    %add3A_15 = arith.addf %add3A_13, %slice3A_14 : vector<8x2048xf32>
    %slice3A_16 = vector.extract_strided_slice %transpose3A {offsets = [56, 0], sizes = [8, 2048], strides = [1, 1]} : vector<128x2048xf32> to vector<8x2048xf32>
    %add3A_17 = arith.addf %add3A_15, %slice3A_16 : vector<8x2048xf32>
    %slice3A_18 = vector.extract_strided_slice %transpose3A {offsets = [64, 0], sizes = [8, 2048], strides = [1, 1]} : vector<128x2048xf32> to vector<8x2048xf32>
    %add3A_19 = arith.addf %add3A_17, %slice3A_18 : vector<8x2048xf32>
    %slice3A_20 = vector.extract_strided_slice %transpose3A {offsets = [72, 0], sizes = [8, 2048], strides = [1, 1]} : vector<128x2048xf32> to vector<8x2048xf32>
    %add3A_21 = arith.addf %add3A_19, %slice3A_20 : vector<8x2048xf32>
    %slice3A_22 = vector.extract_strided_slice %transpose3A {offsets = [80, 0], sizes = [8, 2048], strides = [1, 1]} : vector<128x2048xf32> to vector<8x2048xf32>
    %add3A_23 = arith.addf %add3A_21, %slice3A_22 : vector<8x2048xf32>
    %slice3A_24 = vector.extract_strided_slice %transpose3A {offsets = [88, 0], sizes = [8, 2048], strides = [1, 1]} : vector<128x2048xf32> to vector<8x2048xf32>
    %add3A_25 = arith.addf %add3A_23, %slice3A_24 : vector<8x2048xf32>
    %slice3A_26 = vector.extract_strided_slice %transpose3A {offsets = [96, 0], sizes = [8, 2048], strides = [1, 1]} : vector<128x2048xf32> to vector<8x2048xf32>
    %add3A_27 = arith.addf %add3A_25, %slice3A_26 : vector<8x2048xf32>
    %slice3A_28 = vector.extract_strided_slice %transpose3A {offsets = [104, 0], sizes = [8, 2048], strides = [1, 1]} : vector<128x2048xf32> to vector<8x2048xf32>
    %add3A_29 = arith.addf %add3A_27, %slice3A_28 : vector<8x2048xf32>
    %slice3A_30 = vector.extract_strided_slice %transpose3A {offsets = [112, 0], sizes = [8, 2048], strides = [1, 1]} : vector<128x2048xf32> to vector<8x2048xf32>
    %add3A_31 = arith.addf %add3A_29, %slice3A_30 : vector<8x2048xf32>
    %slice3A_32 = vector.extract_strided_slice %transpose3A {offsets = [120, 0], sizes = [8, 2048], strides = [1, 1]} : vector<128x2048xf32> to vector<8x2048xf32>
    %add3A_33 = arith.addf %add3A_31, %slice3A_32 : vector<8x2048xf32>
    %slice3A_34 = vector.extract_strided_slice %add3A_33 {offsets = [0, 0], sizes = [4, 2048], strides = [1, 1]} : vector<8x2048xf32> to vector<4x2048xf32>
    %slice3A_35 = vector.extract_strided_slice %add3A_33 {offsets = [4, 0], sizes = [4, 2048], strides = [1, 1]} : vector<8x2048xf32> to vector<4x2048xf32>
    %add3A_36 = arith.addf %slice3A_34, %slice3A_35 : vector<4x2048xf32>
    %slice3A_37 = vector.extract_strided_slice %add3A_36 {offsets = [0, 0], sizes = [2, 2048], strides = [1, 1]} : vector<4x2048xf32> to vector<2x2048xf32>
    %slice3A_38 = vector.extract_strided_slice %add3A_36 {offsets = [2, 0], sizes = [2, 2048], strides = [1, 1]} : vector<4x2048xf32> to vector<2x2048xf32>
    %add3A_39 = arith.addf %slice3A_37, %slice3A_38 : vector<2x2048xf32>
    %slice3A_40 = vector.extract_strided_slice %add3A_39 {offsets = [0, 0], sizes = [1, 2048], strides = [1, 1]} : vector<2x2048xf32> to vector<1x2048xf32>
    %slice3A_41 = vector.extract_strided_slice %add3A_39 {offsets = [1, 0], sizes = [1, 2048], strides = [1, 1]} : vector<2x2048xf32> to vector<1x2048xf32>
    %add3A_42 = arith.addf %slice3A_40, %slice3A_41 : vector<1x2048xf32>
    %transpose3A_43 = tpu.transpose %add3A_42, [1, 0] : vector<1x2048xf32> -> vector<2048x1xf32>
    %convert_element_type3A = arith.truncf %get3A_1 : vector<2048x256xf32> to vector<2048x256xbf16>
    %get3A_44 = arith.constant 0 : index
    %get3A_45 = arith.constant 0 : index
    %get3A_46 = vector.load %arg2[%get3A_44, %get3A_45] : memref<256x1024xbf16, #tpu.memory_space<vmem>>, vector<256x1024xbf16>
    %dot_general3A = arith.constant dense<0.000000e+00> : vector<2048x1024xf32>
    %dot_general3A_47 = tpu.matmul %convert_element_type3A, %get3A_46, %dot_general3A {dimension_numbers = #tpu.dot_dimension_numbers<[1], [0], [0], [1], [0, 0, 1, 1], [], []>, transpose_lhs_hint = false} : vector<2048x256xbf16>, vector<256x1024xbf16>, vector<2048x1024xf32> -> vector<2048x1024xf32>
    %get3A_48 = arith.constant 0 : index
    %get3A_49 = arith.constant 0 : index
    %get3A_50 = vector.load %arg3[%get3A_48, %get3A_49] : memref<8x1024xf32, #tpu.memory_space<vmem>>, vector<1x1024xf32>
    %add3A_51 = vector.broadcast %transpose3A_43 : vector<2048x1xf32> to vector<2048x1024xf32>
    %add3A_52 = vector.broadcast %get3A_50 : vector<1x1024xf32> to vector<2048x1024xf32>
    %add3A_53 = arith.addf %add3A_51, %add3A_52 : vector<2048x1024xf32>
    %mul3A_54 = arith.constant 2.000000e+00 : f32
    %mul3A_55 = vector.broadcast %mul3A_54 : f32 to vector<2048x1024xf32>
    %mul3A_56 = arith.mulf %mul3A_55, %dot_general3A_47 : vector<2048x1024xf32>
    %sub3A = arith.subf %add3A_53, %mul3A_56 : vector<2048x1024xf32>
    %jit3A = arith.constant 0.000000e+00 : f32
    %max3A = vector.broadcast %jit3A : f32 to vector<2048x1024xf32>
    %max3A_57 = arith.maximumf %max3A, %sub3A : vector<2048x1024xf32>
    %rsqrt3A = math.rsqrt %max3A_57 : vector<2048x1024xf32>
    %mul3A_58 = arith.mulf %max3A_57, %rsqrt3A : vector<2048x1024xf32>
    %slice3A_59 = vector.extract_strided_slice %mul3A_58 {offsets = [0, 0], sizes = [2048, 128], strides = [1, 1]} : vector<2048x1024xf32> to vector<2048x128xf32>
    %broadcast_in_dim3A = arith.constant 0 : i32
    %broadcast_in_dim3A_60 = vector.broadcast %broadcast_in_dim3A : i32 to vector<2048x128xi32>
    %slice3A_61 = vector.extract_strided_slice %mul3A_58 {offsets = [0, 128], sizes = [2048, 128], strides = [1, 1]} : vector<2048x1024xf32> to vector<2048x128xf32>
    %lt3A = arith.cmpf olt, %slice3A_61, %slice3A_59 : vector<2048x128xf32>
    %select_n3A = arith.select %lt3A, %slice3A_61, %slice3A_59 : vector<2048x128xi1>, vector<2048x128xf32>
    %jit3A_62 = arith.constant 1 : i32
    %broadcast_in_dim3A_63 = vector.broadcast %jit3A_62 : i32 to vector<2048x128xi32>
    %select_n3A_64 = arith.select %lt3A, %broadcast_in_dim3A_63, %broadcast_in_dim3A_60 : vector<2048x128xi1>, vector<2048x128xi32>
    %slice3A_65 = vector.extract_strided_slice %mul3A_58 {offsets = [0, 256], sizes = [2048, 128], strides = [1, 1]} : vector<2048x1024xf32> to vector<2048x128xf32>
    %lt3A_66 = arith.cmpf olt, %slice3A_65, %select_n3A : vector<2048x128xf32>
    %select_n3A_67 = arith.select %lt3A_66, %slice3A_65, %select_n3A : vector<2048x128xi1>, vector<2048x128xf32>
    %jit3A_68 = arith.constant 2 : i32
    %broadcast_in_dim3A_69 = vector.broadcast %jit3A_68 : i32 to vector<2048x128xi32>
    %select_n3A_70 = arith.select %lt3A_66, %broadcast_in_dim3A_69, %select_n3A_64 : vector<2048x128xi1>, vector<2048x128xi32>
    %slice3A_71 = vector.extract_strided_slice %mul3A_58 {offsets = [0, 384], sizes = [2048, 128], strides = [1, 1]} : vector<2048x1024xf32> to vector<2048x128xf32>
    %lt3A_72 = arith.cmpf olt, %slice3A_71, %select_n3A_67 : vector<2048x128xf32>
    %select_n3A_73 = arith.select %lt3A_72, %slice3A_71, %select_n3A_67 : vector<2048x128xi1>, vector<2048x128xf32>
    %jit3A_74 = arith.constant 3 : i32
    %broadcast_in_dim3A_75 = vector.broadcast %jit3A_74 : i32 to vector<2048x128xi32>
    %select_n3A_76 = arith.select %lt3A_72, %broadcast_in_dim3A_75, %select_n3A_70 : vector<2048x128xi1>, vector<2048x128xi32>
    %slice3A_77 = vector.extract_strided_slice %mul3A_58 {offsets = [0, 512], sizes = [2048, 128], strides = [1, 1]} : vector<2048x1024xf32> to vector<2048x128xf32>
    %lt3A_78 = arith.cmpf olt, %slice3A_77, %select_n3A_73 : vector<2048x128xf32>
    %select_n3A_79 = arith.select %lt3A_78, %slice3A_77, %select_n3A_73 : vector<2048x128xi1>, vector<2048x128xf32>
    %jit3A_80 = arith.constant 4 : i32
    %broadcast_in_dim3A_81 = vector.broadcast %jit3A_80 : i32 to vector<2048x128xi32>
    %select_n3A_82 = arith.select %lt3A_78, %broadcast_in_dim3A_81, %select_n3A_76 : vector<2048x128xi1>, vector<2048x128xi32>
    %slice3A_83 = vector.extract_strided_slice %mul3A_58 {offsets = [0, 640], sizes = [2048, 128], strides = [1, 1]} : vector<2048x1024xf32> to vector<2048x128xf32>
    %lt3A_84 = arith.cmpf olt, %slice3A_83, %select_n3A_79 : vector<2048x128xf32>
    %select_n3A_85 = arith.select %lt3A_84, %slice3A_83, %select_n3A_79 : vector<2048x128xi1>, vector<2048x128xf32>
    %jit3A_86 = arith.constant 5 : i32
    %broadcast_in_dim3A_87 = vector.broadcast %jit3A_86 : i32 to vector<2048x128xi32>
    %select_n3A_88 = arith.select %lt3A_84, %broadcast_in_dim3A_87, %select_n3A_82 : vector<2048x128xi1>, vector<2048x128xi32>
    %slice3A_89 = vector.extract_strided_slice %mul3A_58 {offsets = [0, 768], sizes = [2048, 128], strides = [1, 1]} : vector<2048x1024xf32> to vector<2048x128xf32>
    %lt3A_90 = arith.cmpf olt, %slice3A_89, %select_n3A_85 : vector<2048x128xf32>
    %select_n3A_91 = arith.select %lt3A_90, %slice3A_89, %select_n3A_85 : vector<2048x128xi1>, vector<2048x128xf32>
    %jit3A_92 = arith.constant 6 : i32
    %broadcast_in_dim3A_93 = vector.broadcast %jit3A_92 : i32 to vector<2048x128xi32>
    %select_n3A_94 = arith.select %lt3A_90, %broadcast_in_dim3A_93, %select_n3A_88 : vector<2048x128xi1>, vector<2048x128xi32>
    %slice3A_95 = vector.extract_strided_slice %mul3A_58 {offsets = [0, 896], sizes = [2048, 128], strides = [1, 1]} : vector<2048x1024xf32> to vector<2048x128xf32>
    %lt3A_96 = arith.cmpf olt, %slice3A_95, %select_n3A_91 : vector<2048x128xf32>
    %select_n3A_97 = arith.select %lt3A_96, %slice3A_95, %select_n3A_91 : vector<2048x128xi1>, vector<2048x128xf32>
    %jit3A_98 = arith.constant 7 : i32
    %broadcast_in_dim3A_99 = vector.broadcast %jit3A_98 : i32 to vector<2048x128xi32>
    %select_n3A_100 = arith.select %lt3A_96, %broadcast_in_dim3A_99, %select_n3A_94 : vector<2048x128xi1>, vector<2048x128xi32>
    %reduce_min3A = arith.constant dense<0x7F800000> : vector<2048xf32>
    %reduce_min3A_101 = vector.multi_reduction <minimumf>, %select_n3A_97, %reduce_min3A [1] : vector<2048x128xf32> to vector<2048xf32>
    %broadcast_in_dim3A_102 = vector.shape_cast %reduce_min3A_101 : vector<2048xf32> to vector<2048x1xf32>
    %iota3A = tpu.iota {dimensions = array<i32: 1>} : vector<2048x128xi32>
    %eq3A = vector.broadcast %broadcast_in_dim3A_102 : vector<2048x1xf32> to vector<2048x128xf32>
    %eq3A_103 = arith.cmpf oeq, %select_n3A_97, %eq3A : vector<2048x128xf32>
    %mul3A_104 = arith.constant 128 : i32
    %mul3A_105 = vector.broadcast %mul3A_104 : i32 to vector<2048x128xi32>
    %mul3A_106 = arith.muli %select_n3A_100, %mul3A_105 : vector<2048x128xi32>
    %add3A_107 = arith.addi %mul3A_106, %iota3A : vector<2048x128xi32>
    %jit3A_108 = arith.constant 1024 : i32
    %broadcast_in_dim3A_109 = vector.broadcast %jit3A_108 : i32 to vector<2048x128xi32>
    %select_n3A_110 = arith.select %eq3A_103, %add3A_107, %broadcast_in_dim3A_109 : vector<2048x128xi1>, vector<2048x128xi32>
    %reduce_min3A_111 = arith.constant dense<2147483647> : vector<2048xi32>
    %reduce_min3A_112 = vector.multi_reduction <minsi>, %select_n3A_110, %reduce_min3A_111 [1] : vector<2048x128xi32> to vector<2048xi32>
    %broadcast_in_dim3A_113 = vector.shape_cast %reduce_min3A_112 : vector<2048xi32> to vector<2048x1xi32>
    %reshape3A = vector.shape_cast %broadcast_in_dim3A_113 : vector<2048x1xi32> to vector<16x128xi32>
    %swap3A = arith.constant 0 : index
    %swap3A_114 = arith.constant 0 : index
    %swap3A_115 = vector.load %arg4[%swap3A, %swap3A_114] : memref<16x128xi32, #tpu.memory_space<vmem>>, vector<16x128xi32>
    tpu.vector_store %arg4[%swap3A, %swap3A_114], %reshape3A {strides = array<i32>} : memref<16x128xi32, #tpu.memory_space<vmem>>, vector<16x128xi32>,
    return
  }
  func.func @transform_0(%arg0: i32) -> (i32, i32) {
    %add3A = arith.constant 0 : i32
    %add3A_0 = arith.addi %arg0, %add3A : i32
    %c0_i32 = arith.constant 0 : i32
    %c0_i32_1 = arith.constant 0 : i32
    return %add3A_0, %c0_i32 : i32, i32
  }
  func.func @transform_1(%arg0: i32) -> (i32, i32) {
    %c0_i32 = arith.constant 0 : i32
    %c0_i32_0 = arith.constant 0 : i32
    %c0_i32_1 = arith.constant 0 : i32
    return %c0_i32, %c0_i32_0 : i32, i32
  }
  func.func @transform_2(%arg0: i32) -> (i32, i32) {
    %c0_i32 = arith.constant 0 : i32
    %c0_i32_0 = arith.constant 0 : i32
    %c0_i32_1 = arith.constant 0 : i32
    return %c0_i32, %c0_i32_0 : i32, i32
  }
  func.func @transform_3(%arg0: i32) -> (i32, i32) {
    %c0_i32 = arith.constant 0 : i32
    %c0_i32_0 = arith.constant 0 : i32
    return %arg0, %c0_i32 : i32, i32
  }
}

module attributes {stable_mosaic.version = 14 : i64} {
  func.func @_round_body(%arg0: i32, %arg1: memref<2048x256xf32, #tpu.memory_space<vmem>>, %arg2: memref<2048x256xf32, #tpu.memory_space<vmem>>, %arg3: memref<256x1024xbf16, #tpu.memory_space<vmem>>, %arg4: memref<8x1024xf32, #tpu.memory_space<vmem>>, %arg5: memref<16x128xi32, #tpu.memory_space<vmem>>, %arg6: memref<2048x256xf32, #tpu.memory_space<vmem>>) attributes {dimension_semantics = [#tpu.dimension_semantics<arbitrary>], iteration_bounds = array<i64: 4>, scalar_prefetch = 0 : i64, scratch_operands = 0 : i64, tpu.core_type = #tpu.core_type<tc>, window_params = [{transform_indices = @transform_0, window_bounds = array<i64: 2048, 256>}, {transform_indices = @transform_1, window_bounds = array<i64: 2048, 256>}, {pipeline_mode = #tpu.pipeline_mode<synchronous>, transform_indices = @transform_2, window_bounds = array<i64: 256, 1024>}, {pipeline_mode = #tpu.pipeline_mode<synchronous>, transform_indices = @transform_3, window_bounds = array<i64: 8, 1024>}, {transform_indices = @transform_4, window_bounds = array<i64: 16, 128>}, {transform_indices = @transform_5, window_bounds = array<i64: 2048, 256>}]} {
    %get3A = arith.constant 0 : index
    %get3A_0 = arith.constant 0 : index
    %get3A_1 = vector.load %arg1[%get3A, %get3A_0] : memref<2048x256xf32, #tpu.memory_space<vmem>>, vector<2048x256xf32>
    %get3A_2 = arith.constant 0 : index
    %get3A_3 = arith.constant 0 : index
    %get3A_4 = vector.load %arg2[%get3A_2, %get3A_3] : memref<2048x256xf32, #tpu.memory_space<vmem>>, vector<2048x256xf32>
    %sub3A = arith.subf %get3A_1, %get3A_4 : vector<2048x256xf32>
    %swap3A = arith.constant 0 : index
    %swap3A_5 = arith.constant 0 : index
    %swap3A_6 = vector.load %arg6[%swap3A, %swap3A_5] : memref<2048x256xf32, #tpu.memory_space<vmem>>, vector<2048x256xf32>
    tpu.vector_store %arg6[%swap3A, %swap3A_5], %sub3A {strides = array<i32>} : memref<2048x256xf32, #tpu.memory_space<vmem>>, vector<2048x256xf32>,
    %mul3A = arith.mulf %sub3A, %sub3A : vector<2048x256xf32>
    %slice3A = vector.extract_strided_slice %mul3A {offsets = [0, 0], sizes = [2048, 128], strides = [1, 1]} : vector<2048x256xf32> to vector<2048x128xf32>
    %slice3A_7 = vector.extract_strided_slice %mul3A {offsets = [0, 128], sizes = [2048, 128], strides = [1, 1]} : vector<2048x256xf32> to vector<2048x128xf32>
    %add3A = arith.addf %slice3A, %slice3A_7 : vector<2048x128xf32>
    %transpose3A = tpu.transpose %add3A, [1, 0] : vector<2048x128xf32> -> vector<128x2048xf32>
    %slice3A_8 = vector.extract_strided_slice %transpose3A {offsets = [0, 0], sizes = [8, 2048], strides = [1, 1]} : vector<128x2048xf32> to vector<8x2048xf32>
    %slice3A_9 = vector.extract_strided_slice %transpose3A {offsets = [8, 0], sizes = [8, 2048], strides = [1, 1]} : vector<128x2048xf32> to vector<8x2048xf32>
    %add3A_10 = arith.addf %slice3A_8, %slice3A_9 : vector<8x2048xf32>
    %slice3A_11 = vector.extract_strided_slice %transpose3A {offsets = [16, 0], sizes = [8, 2048], strides = [1, 1]} : vector<128x2048xf32> to vector<8x2048xf32>
    %add3A_12 = arith.addf %add3A_10, %slice3A_11 : vector<8x2048xf32>
    %slice3A_13 = vector.extract_strided_slice %transpose3A {offsets = [24, 0], sizes = [8, 2048], strides = [1, 1]} : vector<128x2048xf32> to vector<8x2048xf32>
    %add3A_14 = arith.addf %add3A_12, %slice3A_13 : vector<8x2048xf32>
    %slice3A_15 = vector.extract_strided_slice %transpose3A {offsets = [32, 0], sizes = [8, 2048], strides = [1, 1]} : vector<128x2048xf32> to vector<8x2048xf32>
    %add3A_16 = arith.addf %add3A_14, %slice3A_15 : vector<8x2048xf32>
    %slice3A_17 = vector.extract_strided_slice %transpose3A {offsets = [40, 0], sizes = [8, 2048], strides = [1, 1]} : vector<128x2048xf32> to vector<8x2048xf32>
    %add3A_18 = arith.addf %add3A_16, %slice3A_17 : vector<8x2048xf32>
    %slice3A_19 = vector.extract_strided_slice %transpose3A {offsets = [48, 0], sizes = [8, 2048], strides = [1, 1]} : vector<128x2048xf32> to vector<8x2048xf32>
    %add3A_20 = arith.addf %add3A_18, %slice3A_19 : vector<8x2048xf32>
    %slice3A_21 = vector.extract_strided_slice %transpose3A {offsets = [56, 0], sizes = [8, 2048], strides = [1, 1]} : vector<128x2048xf32> to vector<8x2048xf32>
    %add3A_22 = arith.addf %add3A_20, %slice3A_21 : vector<8x2048xf32>
    %slice3A_23 = vector.extract_strided_slice %transpose3A {offsets = [64, 0], sizes = [8, 2048], strides = [1, 1]} : vector<128x2048xf32> to vector<8x2048xf32>
    %add3A_24 = arith.addf %add3A_22, %slice3A_23 : vector<8x2048xf32>
    %slice3A_25 = vector.extract_strided_slice %transpose3A {offsets = [72, 0], sizes = [8, 2048], strides = [1, 1]} : vector<128x2048xf32> to vector<8x2048xf32>
    %add3A_26 = arith.addf %add3A_24, %slice3A_25 : vector<8x2048xf32>
    %slice3A_27 = vector.extract_strided_slice %transpose3A {offsets = [80, 0], sizes = [8, 2048], strides = [1, 1]} : vector<128x2048xf32> to vector<8x2048xf32>
    %add3A_28 = arith.addf %add3A_26, %slice3A_27 : vector<8x2048xf32>
    %slice3A_29 = vector.extract_strided_slice %transpose3A {offsets = [88, 0], sizes = [8, 2048], strides = [1, 1]} : vector<128x2048xf32> to vector<8x2048xf32>
    %add3A_30 = arith.addf %add3A_28, %slice3A_29 : vector<8x2048xf32>
    %slice3A_31 = vector.extract_strided_slice %transpose3A {offsets = [96, 0], sizes = [8, 2048], strides = [1, 1]} : vector<128x2048xf32> to vector<8x2048xf32>
    %add3A_32 = arith.addf %add3A_30, %slice3A_31 : vector<8x2048xf32>
    %slice3A_33 = vector.extract_strided_slice %transpose3A {offsets = [104, 0], sizes = [8, 2048], strides = [1, 1]} : vector<128x2048xf32> to vector<8x2048xf32>
    %add3A_34 = arith.addf %add3A_32, %slice3A_33 : vector<8x2048xf32>
    %slice3A_35 = vector.extract_strided_slice %transpose3A {offsets = [112, 0], sizes = [8, 2048], strides = [1, 1]} : vector<128x2048xf32> to vector<8x2048xf32>
    %add3A_36 = arith.addf %add3A_34, %slice3A_35 : vector<8x2048xf32>
    %slice3A_37 = vector.extract_strided_slice %transpose3A {offsets = [120, 0], sizes = [8, 2048], strides = [1, 1]} : vector<128x2048xf32> to vector<8x2048xf32>
    %add3A_38 = arith.addf %add3A_36, %slice3A_37 : vector<8x2048xf32>
    %slice3A_39 = vector.extract_strided_slice %add3A_38 {offsets = [0, 0], sizes = [4, 2048], strides = [1, 1]} : vector<8x2048xf32> to vector<4x2048xf32>
    %slice3A_40 = vector.extract_strided_slice %add3A_38 {offsets = [4, 0], sizes = [4, 2048], strides = [1, 1]} : vector<8x2048xf32> to vector<4x2048xf32>
    %add3A_41 = arith.addf %slice3A_39, %slice3A_40 : vector<4x2048xf32>
    %slice3A_42 = vector.extract_strided_slice %add3A_41 {offsets = [0, 0], sizes = [2, 2048], strides = [1, 1]} : vector<4x2048xf32> to vector<2x2048xf32>
    %slice3A_43 = vector.extract_strided_slice %add3A_41 {offsets = [2, 0], sizes = [2, 2048], strides = [1, 1]} : vector<4x2048xf32> to vector<2x2048xf32>
    %add3A_44 = arith.addf %slice3A_42, %slice3A_43 : vector<2x2048xf32>
    %slice3A_45 = vector.extract_strided_slice %add3A_44 {offsets = [0, 0], sizes = [1, 2048], strides = [1, 1]} : vector<2x2048xf32> to vector<1x2048xf32>
    %slice3A_46 = vector.extract_strided_slice %add3A_44 {offsets = [1, 0], sizes = [1, 2048], strides = [1, 1]} : vector<2x2048xf32> to vector<1x2048xf32>
    %add3A_47 = arith.addf %slice3A_45, %slice3A_46 : vector<1x2048xf32>
    %transpose3A_48 = tpu.transpose %add3A_47, [1, 0] : vector<1x2048xf32> -> vector<2048x1xf32>
    %convert_element_type3A = arith.truncf %sub3A : vector<2048x256xf32> to vector<2048x256xbf16>
    %get3A_49 = arith.constant 0 : index
    %get3A_50 = arith.constant 0 : index
    %get3A_51 = vector.load %arg3[%get3A_49, %get3A_50] : memref<256x1024xbf16, #tpu.memory_space<vmem>>, vector<256x1024xbf16>
    %dot_general3A = arith.constant dense<0.000000e+00> : vector<2048x1024xf32>
    %dot_general3A_52 = tpu.matmul %convert_element_type3A, %get3A_51, %dot_general3A {dimension_numbers = #tpu.dot_dimension_numbers<[1], [0], [0], [1], [0, 0, 1, 1], [], []>, transpose_lhs_hint = false} : vector<2048x256xbf16>, vector<256x1024xbf16>, vector<2048x1024xf32> -> vector<2048x1024xf32>
    %get3A_53 = arith.constant 0 : index
    %get3A_54 = arith.constant 0 : index
    %get3A_55 = vector.load %arg4[%get3A_53, %get3A_54] : memref<8x1024xf32, #tpu.memory_space<vmem>>, vector<1x1024xf32>
    %add3A_56 = vector.broadcast %transpose3A_48 : vector<2048x1xf32> to vector<2048x1024xf32>
    %add3A_57 = vector.broadcast %get3A_55 : vector<1x1024xf32> to vector<2048x1024xf32>
    %add3A_58 = arith.addf %add3A_56, %add3A_57 : vector<2048x1024xf32>
    %mul3A_59 = arith.constant 2.000000e+00 : f32
    %mul3A_60 = vector.broadcast %mul3A_59 : f32 to vector<2048x1024xf32>
    %mul3A_61 = arith.mulf %mul3A_60, %dot_general3A_52 : vector<2048x1024xf32>
    %sub3A_62 = arith.subf %add3A_58, %mul3A_61 : vector<2048x1024xf32>
    %jit3A = arith.constant 0.000000e+00 : f32
    %max3A = vector.broadcast %jit3A : f32 to vector<2048x1024xf32>
    %max3A_63 = arith.maximumf %max3A, %sub3A_62 : vector<2048x1024xf32>
    %rsqrt3A = math.rsqrt %max3A_63 : vector<2048x1024xf32>
    %mul3A_64 = arith.mulf %max3A_63, %rsqrt3A : vector<2048x1024xf32>
    %slice3A_65 = vector.extract_strided_slice %mul3A_64 {offsets = [0, 0], sizes = [2048, 128], strides = [1, 1]} : vector<2048x1024xf32> to vector<2048x128xf32>
    %broadcast_in_dim3A = arith.constant 0 : i32
    %broadcast_in_dim3A_66 = vector.broadcast %broadcast_in_dim3A : i32 to vector<2048x128xi32>
    %slice3A_67 = vector.extract_strided_slice %mul3A_64 {offsets = [0, 128], sizes = [2048, 128], strides = [1, 1]} : vector<2048x1024xf32> to vector<2048x128xf32>
    %lt3A = arith.cmpf olt, %slice3A_67, %slice3A_65 : vector<2048x128xf32>
    %select_n3A = arith.select %lt3A, %slice3A_67, %slice3A_65 : vector<2048x128xi1>, vector<2048x128xf32>
    %jit3A_68 = arith.constant 1 : i32
    %broadcast_in_dim3A_69 = vector.broadcast %jit3A_68 : i32 to vector<2048x128xi32>
    %select_n3A_70 = arith.select %lt3A, %broadcast_in_dim3A_69, %broadcast_in_dim3A_66 : vector<2048x128xi1>, vector<2048x128xi32>
    %slice3A_71 = vector.extract_strided_slice %mul3A_64 {offsets = [0, 256], sizes = [2048, 128], strides = [1, 1]} : vector<2048x1024xf32> to vector<2048x128xf32>
    %lt3A_72 = arith.cmpf olt, %slice3A_71, %select_n3A : vector<2048x128xf32>
    %select_n3A_73 = arith.select %lt3A_72, %slice3A_71, %select_n3A : vector<2048x128xi1>, vector<2048x128xf32>
    %jit3A_74 = arith.constant 2 : i32
    %broadcast_in_dim3A_75 = vector.broadcast %jit3A_74 : i32 to vector<2048x128xi32>
    %select_n3A_76 = arith.select %lt3A_72, %broadcast_in_dim3A_75, %select_n3A_70 : vector<2048x128xi1>, vector<2048x128xi32>
    %slice3A_77 = vector.extract_strided_slice %mul3A_64 {offsets = [0, 384], sizes = [2048, 128], strides = [1, 1]} : vector<2048x1024xf32> to vector<2048x128xf32>
    %lt3A_78 = arith.cmpf olt, %slice3A_77, %select_n3A_73 : vector<2048x128xf32>
    %select_n3A_79 = arith.select %lt3A_78, %slice3A_77, %select_n3A_73 : vector<2048x128xi1>, vector<2048x128xf32>
    %jit3A_80 = arith.constant 3 : i32
    %broadcast_in_dim3A_81 = vector.broadcast %jit3A_80 : i32 to vector<2048x128xi32>
    %select_n3A_82 = arith.select %lt3A_78, %broadcast_in_dim3A_81, %select_n3A_76 : vector<2048x128xi1>, vector<2048x128xi32>
    %slice3A_83 = vector.extract_strided_slice %mul3A_64 {offsets = [0, 512], sizes = [2048, 128], strides = [1, 1]} : vector<2048x1024xf32> to vector<2048x128xf32>
    %lt3A_84 = arith.cmpf olt, %slice3A_83, %select_n3A_79 : vector<2048x128xf32>
    %select_n3A_85 = arith.select %lt3A_84, %slice3A_83, %select_n3A_79 : vector<2048x128xi1>, vector<2048x128xf32>
    %jit3A_86 = arith.constant 4 : i32
    %broadcast_in_dim3A_87 = vector.broadcast %jit3A_86 : i32 to vector<2048x128xi32>
    %select_n3A_88 = arith.select %lt3A_84, %broadcast_in_dim3A_87, %select_n3A_82 : vector<2048x128xi1>, vector<2048x128xi32>
    %slice3A_89 = vector.extract_strided_slice %mul3A_64 {offsets = [0, 640], sizes = [2048, 128], strides = [1, 1]} : vector<2048x1024xf32> to vector<2048x128xf32>
    %lt3A_90 = arith.cmpf olt, %slice3A_89, %select_n3A_85 : vector<2048x128xf32>
    %select_n3A_91 = arith.select %lt3A_90, %slice3A_89, %select_n3A_85 : vector<2048x128xi1>, vector<2048x128xf32>
    %jit3A_92 = arith.constant 5 : i32
    %broadcast_in_dim3A_93 = vector.broadcast %jit3A_92 : i32 to vector<2048x128xi32>
    %select_n3A_94 = arith.select %lt3A_90, %broadcast_in_dim3A_93, %select_n3A_88 : vector<2048x128xi1>, vector<2048x128xi32>
    %slice3A_95 = vector.extract_strided_slice %mul3A_64 {offsets = [0, 768], sizes = [2048, 128], strides = [1, 1]} : vector<2048x1024xf32> to vector<2048x128xf32>
    %lt3A_96 = arith.cmpf olt, %slice3A_95, %select_n3A_91 : vector<2048x128xf32>
    %select_n3A_97 = arith.select %lt3A_96, %slice3A_95, %select_n3A_91 : vector<2048x128xi1>, vector<2048x128xf32>
    %jit3A_98 = arith.constant 6 : i32
    %broadcast_in_dim3A_99 = vector.broadcast %jit3A_98 : i32 to vector<2048x128xi32>
    %select_n3A_100 = arith.select %lt3A_96, %broadcast_in_dim3A_99, %select_n3A_94 : vector<2048x128xi1>, vector<2048x128xi32>
    %slice3A_101 = vector.extract_strided_slice %mul3A_64 {offsets = [0, 896], sizes = [2048, 128], strides = [1, 1]} : vector<2048x1024xf32> to vector<2048x128xf32>
    %lt3A_102 = arith.cmpf olt, %slice3A_101, %select_n3A_97 : vector<2048x128xf32>
    %select_n3A_103 = arith.select %lt3A_102, %slice3A_101, %select_n3A_97 : vector<2048x128xi1>, vector<2048x128xf32>
    %jit3A_104 = arith.constant 7 : i32
    %broadcast_in_dim3A_105 = vector.broadcast %jit3A_104 : i32 to vector<2048x128xi32>
    %select_n3A_106 = arith.select %lt3A_102, %broadcast_in_dim3A_105, %select_n3A_100 : vector<2048x128xi1>, vector<2048x128xi32>
    %reduce_min3A = arith.constant dense<0x7F800000> : vector<2048xf32>
    %reduce_min3A_107 = vector.multi_reduction <minimumf>, %select_n3A_103, %reduce_min3A [1] : vector<2048x128xf32> to vector<2048xf32>
    %broadcast_in_dim3A_108 = vector.shape_cast %reduce_min3A_107 : vector<2048xf32> to vector<2048x1xf32>
    %iota3A = tpu.iota {dimensions = array<i32: 1>} : vector<2048x128xi32>
    %eq3A = vector.broadcast %broadcast_in_dim3A_108 : vector<2048x1xf32> to vector<2048x128xf32>
    %eq3A_109 = arith.cmpf oeq, %select_n3A_103, %eq3A : vector<2048x128xf32>
    %mul3A_110 = arith.constant 128 : i32
    %mul3A_111 = vector.broadcast %mul3A_110 : i32 to vector<2048x128xi32>
    %mul3A_112 = arith.muli %select_n3A_106, %mul3A_111 : vector<2048x128xi32>
    %add3A_113 = arith.addi %mul3A_112, %iota3A : vector<2048x128xi32>
    %jit3A_114 = arith.constant 1024 : i32
    %broadcast_in_dim3A_115 = vector.broadcast %jit3A_114 : i32 to vector<2048x128xi32>
    %select_n3A_116 = arith.select %eq3A_109, %add3A_113, %broadcast_in_dim3A_115 : vector<2048x128xi1>, vector<2048x128xi32>
    %reduce_min3A_117 = arith.constant dense<2147483647> : vector<2048xi32>
    %reduce_min3A_118 = vector.multi_reduction <minsi>, %select_n3A_116, %reduce_min3A_117 [1] : vector<2048x128xi32> to vector<2048xi32>
    %broadcast_in_dim3A_119 = vector.shape_cast %reduce_min3A_118 : vector<2048xi32> to vector<2048x1xi32>
    %reshape3A = vector.shape_cast %broadcast_in_dim3A_119 : vector<2048x1xi32> to vector<16x128xi32>
    %swap3A_120 = arith.constant 0 : index
    %swap3A_121 = arith.constant 0 : index
    %swap3A_122 = vector.load %arg5[%swap3A_120, %swap3A_121] : memref<16x128xi32, #tpu.memory_space<vmem>>, vector<16x128xi32>
    tpu.vector_store %arg5[%swap3A_120, %swap3A_121], %reshape3A {strides = array<i32>} : memref<16x128xi32, #tpu.memory_space<vmem>>, vector<16x128xi32>,
    return
  }
  func.func @transform_0(%arg0: i32) -> (i32, i32) {
    %add3A = arith.constant 0 : i32
    %add3A_0 = arith.addi %arg0, %add3A : i32
    %c0_i32 = arith.constant 0 : i32
    %c0_i32_1 = arith.constant 0 : i32
    return %add3A_0, %c0_i32 : i32, i32
  }
  func.func @transform_1(%arg0: i32) -> (i32, i32) {
    %c0_i32 = arith.constant 0 : i32
    %c0_i32_0 = arith.constant 0 : i32
    return %arg0, %c0_i32 : i32, i32
  }
  func.func @transform_2(%arg0: i32) -> (i32, i32) {
    %c0_i32 = arith.constant 0 : i32
    %c0_i32_0 = arith.constant 0 : i32
    %c0_i32_1 = arith.constant 0 : i32
    return %c0_i32, %c0_i32_0 : i32, i32
  }
  func.func @transform_3(%arg0: i32) -> (i32, i32) {
    %c0_i32 = arith.constant 0 : i32
    %c0_i32_0 = arith.constant 0 : i32
    %c0_i32_1 = arith.constant 0 : i32
    return %c0_i32, %c0_i32_0 : i32, i32
  }
  func.func @transform_4(%arg0: i32) -> (i32, i32) {
    %c0_i32 = arith.constant 0 : i32
    %c0_i32_0 = arith.constant 0 : i32
    return %arg0, %c0_i32 : i32, i32
  }
  func.func @transform_5(%arg0: i32) -> (i32, i32) {
    %c0_i32 = arith.constant 0 : i32
    %c0_i32_0 = arith.constant 0 : i32
    return %arg0, %c0_i32 : i32, i32
  }
}

module attributes {stable_mosaic.version = 14 : i64} {
  func.func @_round_body(%arg0: i32, %arg1: memref<2048x256xf32, #tpu.memory_space<vmem>>, %arg2: memref<2048x256xf32, #tpu.memory_space<vmem>>, %arg3: memref<256x1024xbf16, #tpu.memory_space<vmem>>, %arg4: memref<8x1024xf32, #tpu.memory_space<vmem>>, %arg5: memref<16x128xi32, #tpu.memory_space<vmem>>, %arg6: memref<2048x256xf32, #tpu.memory_space<vmem>>) attributes {dimension_semantics = [#tpu.dimension_semantics<arbitrary>], iteration_bounds = array<i64: 4>, scalar_prefetch = 0 : i64, scratch_operands = 0 : i64, tpu.core_type = #tpu.core_type<tc>, window_params = [{transform_indices = @transform_0, window_bounds = array<i64: 2048, 256>}, {transform_indices = @transform_1, window_bounds = array<i64: 2048, 256>}, {pipeline_mode = #tpu.pipeline_mode<synchronous>, transform_indices = @transform_2, window_bounds = array<i64: 256, 1024>}, {pipeline_mode = #tpu.pipeline_mode<synchronous>, transform_indices = @transform_3, window_bounds = array<i64: 8, 1024>}, {transform_indices = @transform_4, window_bounds = array<i64: 16, 128>}, {transform_indices = @transform_5, window_bounds = array<i64: 2048, 256>}]} {
    %get3A = arith.constant 0 : index
    %get3A_0 = arith.constant 0 : index
    %get3A_1 = vector.load %arg1[%get3A, %get3A_0] : memref<2048x256xf32, #tpu.memory_space<vmem>>, vector<2048x256xf32>
    %get3A_2 = arith.constant 0 : index
    %get3A_3 = arith.constant 0 : index
    %get3A_4 = vector.load %arg2[%get3A_2, %get3A_3] : memref<2048x256xf32, #tpu.memory_space<vmem>>, vector<2048x256xf32>
    %sub3A = arith.subf %get3A_1, %get3A_4 : vector<2048x256xf32>
    %swap3A = arith.constant 0 : index
    %swap3A_5 = arith.constant 0 : index
    %swap3A_6 = vector.load %arg6[%swap3A, %swap3A_5] : memref<2048x256xf32, #tpu.memory_space<vmem>>, vector<2048x256xf32>
    tpu.vector_store %arg6[%swap3A, %swap3A_5], %sub3A {strides = array<i32>} : memref<2048x256xf32, #tpu.memory_space<vmem>>, vector<2048x256xf32>,
    %mul3A = arith.mulf %sub3A, %sub3A : vector<2048x256xf32>
    %slice3A = vector.extract_strided_slice %mul3A {offsets = [0, 0], sizes = [2048, 128], strides = [1, 1]} : vector<2048x256xf32> to vector<2048x128xf32>
    %slice3A_7 = vector.extract_strided_slice %mul3A {offsets = [0, 128], sizes = [2048, 128], strides = [1, 1]} : vector<2048x256xf32> to vector<2048x128xf32>
    %add3A = arith.addf %slice3A, %slice3A_7 : vector<2048x128xf32>
    %transpose3A = tpu.transpose %add3A, [1, 0] : vector<2048x128xf32> -> vector<128x2048xf32>
    %slice3A_8 = vector.extract_strided_slice %transpose3A {offsets = [0, 0], sizes = [8, 2048], strides = [1, 1]} : vector<128x2048xf32> to vector<8x2048xf32>
    %slice3A_9 = vector.extract_strided_slice %transpose3A {offsets = [8, 0], sizes = [8, 2048], strides = [1, 1]} : vector<128x2048xf32> to vector<8x2048xf32>
    %add3A_10 = arith.addf %slice3A_8, %slice3A_9 : vector<8x2048xf32>
    %slice3A_11 = vector.extract_strided_slice %transpose3A {offsets = [16, 0], sizes = [8, 2048], strides = [1, 1]} : vector<128x2048xf32> to vector<8x2048xf32>
    %add3A_12 = arith.addf %add3A_10, %slice3A_11 : vector<8x2048xf32>
    %slice3A_13 = vector.extract_strided_slice %transpose3A {offsets = [24, 0], sizes = [8, 2048], strides = [1, 1]} : vector<128x2048xf32> to vector<8x2048xf32>
    %add3A_14 = arith.addf %add3A_12, %slice3A_13 : vector<8x2048xf32>
    %slice3A_15 = vector.extract_strided_slice %transpose3A {offsets = [32, 0], sizes = [8, 2048], strides = [1, 1]} : vector<128x2048xf32> to vector<8x2048xf32>
    %add3A_16 = arith.addf %add3A_14, %slice3A_15 : vector<8x2048xf32>
    %slice3A_17 = vector.extract_strided_slice %transpose3A {offsets = [40, 0], sizes = [8, 2048], strides = [1, 1]} : vector<128x2048xf32> to vector<8x2048xf32>
    %add3A_18 = arith.addf %add3A_16, %slice3A_17 : vector<8x2048xf32>
    %slice3A_19 = vector.extract_strided_slice %transpose3A {offsets = [48, 0], sizes = [8, 2048], strides = [1, 1]} : vector<128x2048xf32> to vector<8x2048xf32>
    %add3A_20 = arith.addf %add3A_18, %slice3A_19 : vector<8x2048xf32>
    %slice3A_21 = vector.extract_strided_slice %transpose3A {offsets = [56, 0], sizes = [8, 2048], strides = [1, 1]} : vector<128x2048xf32> to vector<8x2048xf32>
    %add3A_22 = arith.addf %add3A_20, %slice3A_21 : vector<8x2048xf32>
    %slice3A_23 = vector.extract_strided_slice %transpose3A {offsets = [64, 0], sizes = [8, 2048], strides = [1, 1]} : vector<128x2048xf32> to vector<8x2048xf32>
    %add3A_24 = arith.addf %add3A_22, %slice3A_23 : vector<8x2048xf32>
    %slice3A_25 = vector.extract_strided_slice %transpose3A {offsets = [72, 0], sizes = [8, 2048], strides = [1, 1]} : vector<128x2048xf32> to vector<8x2048xf32>
    %add3A_26 = arith.addf %add3A_24, %slice3A_25 : vector<8x2048xf32>
    %slice3A_27 = vector.extract_strided_slice %transpose3A {offsets = [80, 0], sizes = [8, 2048], strides = [1, 1]} : vector<128x2048xf32> to vector<8x2048xf32>
    %add3A_28 = arith.addf %add3A_26, %slice3A_27 : vector<8x2048xf32>
    %slice3A_29 = vector.extract_strided_slice %transpose3A {offsets = [88, 0], sizes = [8, 2048], strides = [1, 1]} : vector<128x2048xf32> to vector<8x2048xf32>
    %add3A_30 = arith.addf %add3A_28, %slice3A_29 : vector<8x2048xf32>
    %slice3A_31 = vector.extract_strided_slice %transpose3A {offsets = [96, 0], sizes = [8, 2048], strides = [1, 1]} : vector<128x2048xf32> to vector<8x2048xf32>
    %add3A_32 = arith.addf %add3A_30, %slice3A_31 : vector<8x2048xf32>
    %slice3A_33 = vector.extract_strided_slice %transpose3A {offsets = [104, 0], sizes = [8, 2048], strides = [1, 1]} : vector<128x2048xf32> to vector<8x2048xf32>
    %add3A_34 = arith.addf %add3A_32, %slice3A_33 : vector<8x2048xf32>
    %slice3A_35 = vector.extract_strided_slice %transpose3A {offsets = [112, 0], sizes = [8, 2048], strides = [1, 1]} : vector<128x2048xf32> to vector<8x2048xf32>
    %add3A_36 = arith.addf %add3A_34, %slice3A_35 : vector<8x2048xf32>
    %slice3A_37 = vector.extract_strided_slice %transpose3A {offsets = [120, 0], sizes = [8, 2048], strides = [1, 1]} : vector<128x2048xf32> to vector<8x2048xf32>
    %add3A_38 = arith.addf %add3A_36, %slice3A_37 : vector<8x2048xf32>
    %slice3A_39 = vector.extract_strided_slice %add3A_38 {offsets = [0, 0], sizes = [4, 2048], strides = [1, 1]} : vector<8x2048xf32> to vector<4x2048xf32>
    %slice3A_40 = vector.extract_strided_slice %add3A_38 {offsets = [4, 0], sizes = [4, 2048], strides = [1, 1]} : vector<8x2048xf32> to vector<4x2048xf32>
    %add3A_41 = arith.addf %slice3A_39, %slice3A_40 : vector<4x2048xf32>
    %slice3A_42 = vector.extract_strided_slice %add3A_41 {offsets = [0, 0], sizes = [2, 2048], strides = [1, 1]} : vector<4x2048xf32> to vector<2x2048xf32>
    %slice3A_43 = vector.extract_strided_slice %add3A_41 {offsets = [2, 0], sizes = [2, 2048], strides = [1, 1]} : vector<4x2048xf32> to vector<2x2048xf32>
    %add3A_44 = arith.addf %slice3A_42, %slice3A_43 : vector<2x2048xf32>
    %slice3A_45 = vector.extract_strided_slice %add3A_44 {offsets = [0, 0], sizes = [1, 2048], strides = [1, 1]} : vector<2x2048xf32> to vector<1x2048xf32>
    %slice3A_46 = vector.extract_strided_slice %add3A_44 {offsets = [1, 0], sizes = [1, 2048], strides = [1, 1]} : vector<2x2048xf32> to vector<1x2048xf32>
    %add3A_47 = arith.addf %slice3A_45, %slice3A_46 : vector<1x2048xf32>
    %transpose3A_48 = tpu.transpose %add3A_47, [1, 0] : vector<1x2048xf32> -> vector<2048x1xf32>
    %convert_element_type3A = arith.truncf %sub3A : vector<2048x256xf32> to vector<2048x256xbf16>
    %get3A_49 = arith.constant 0 : index
    %get3A_50 = arith.constant 0 : index
    %get3A_51 = vector.load %arg3[%get3A_49, %get3A_50] : memref<256x1024xbf16, #tpu.memory_space<vmem>>, vector<256x1024xbf16>
    %dot_general3A = arith.constant dense<0.000000e+00> : vector<2048x1024xf32>
    %dot_general3A_52 = tpu.matmul %convert_element_type3A, %get3A_51, %dot_general3A {dimension_numbers = #tpu.dot_dimension_numbers<[1], [0], [0], [1], [0, 0, 1, 1], [], []>, transpose_lhs_hint = false} : vector<2048x256xbf16>, vector<256x1024xbf16>, vector<2048x1024xf32> -> vector<2048x1024xf32>
    %get3A_53 = arith.constant 0 : index
    %get3A_54 = arith.constant 0 : index
    %get3A_55 = vector.load %arg4[%get3A_53, %get3A_54] : memref<8x1024xf32, #tpu.memory_space<vmem>>, vector<1x1024xf32>
    %add3A_56 = vector.broadcast %transpose3A_48 : vector<2048x1xf32> to vector<2048x1024xf32>
    %add3A_57 = vector.broadcast %get3A_55 : vector<1x1024xf32> to vector<2048x1024xf32>
    %add3A_58 = arith.addf %add3A_56, %add3A_57 : vector<2048x1024xf32>
    %mul3A_59 = arith.constant 2.000000e+00 : f32
    %mul3A_60 = vector.broadcast %mul3A_59 : f32 to vector<2048x1024xf32>
    %mul3A_61 = arith.mulf %mul3A_60, %dot_general3A_52 : vector<2048x1024xf32>
    %sub3A_62 = arith.subf %add3A_58, %mul3A_61 : vector<2048x1024xf32>
    %jit3A = arith.constant 0.000000e+00 : f32
    %max3A = vector.broadcast %jit3A : f32 to vector<2048x1024xf32>
    %max3A_63 = arith.maximumf %max3A, %sub3A_62 : vector<2048x1024xf32>
    %rsqrt3A = math.rsqrt %max3A_63 : vector<2048x1024xf32>
    %mul3A_64 = arith.mulf %max3A_63, %rsqrt3A : vector<2048x1024xf32>
    %slice3A_65 = vector.extract_strided_slice %mul3A_64 {offsets = [0, 0], sizes = [2048, 128], strides = [1, 1]} : vector<2048x1024xf32> to vector<2048x128xf32>
    %broadcast_in_dim3A = arith.constant 0 : i32
    %broadcast_in_dim3A_66 = vector.broadcast %broadcast_in_dim3A : i32 to vector<2048x128xi32>
    %slice3A_67 = vector.extract_strided_slice %mul3A_64 {offsets = [0, 128], sizes = [2048, 128], strides = [1, 1]} : vector<2048x1024xf32> to vector<2048x128xf32>
    %lt3A = arith.cmpf olt, %slice3A_67, %slice3A_65 : vector<2048x128xf32>
    %select_n3A = arith.select %lt3A, %slice3A_67, %slice3A_65 : vector<2048x128xi1>, vector<2048x128xf32>
    %jit3A_68 = arith.constant 1 : i32
    %broadcast_in_dim3A_69 = vector.broadcast %jit3A_68 : i32 to vector<2048x128xi32>
    %select_n3A_70 = arith.select %lt3A, %broadcast_in_dim3A_69, %broadcast_in_dim3A_66 : vector<2048x128xi1>, vector<2048x128xi32>
    %slice3A_71 = vector.extract_strided_slice %mul3A_64 {offsets = [0, 256], sizes = [2048, 128], strides = [1, 1]} : vector<2048x1024xf32> to vector<2048x128xf32>
    %lt3A_72 = arith.cmpf olt, %slice3A_71, %select_n3A : vector<2048x128xf32>
    %select_n3A_73 = arith.select %lt3A_72, %slice3A_71, %select_n3A : vector<2048x128xi1>, vector<2048x128xf32>
    %jit3A_74 = arith.constant 2 : i32
    %broadcast_in_dim3A_75 = vector.broadcast %jit3A_74 : i32 to vector<2048x128xi32>
    %select_n3A_76 = arith.select %lt3A_72, %broadcast_in_dim3A_75, %select_n3A_70 : vector<2048x128xi1>, vector<2048x128xi32>
    %slice3A_77 = vector.extract_strided_slice %mul3A_64 {offsets = [0, 384], sizes = [2048, 128], strides = [1, 1]} : vector<2048x1024xf32> to vector<2048x128xf32>
    %lt3A_78 = arith.cmpf olt, %slice3A_77, %select_n3A_73 : vector<2048x128xf32>
    %select_n3A_79 = arith.select %lt3A_78, %slice3A_77, %select_n3A_73 : vector<2048x128xi1>, vector<2048x128xf32>
    %jit3A_80 = arith.constant 3 : i32
    %broadcast_in_dim3A_81 = vector.broadcast %jit3A_80 : i32 to vector<2048x128xi32>
    %select_n3A_82 = arith.select %lt3A_78, %broadcast_in_dim3A_81, %select_n3A_76 : vector<2048x128xi1>, vector<2048x128xi32>
    %slice3A_83 = vector.extract_strided_slice %mul3A_64 {offsets = [0, 512], sizes = [2048, 128], strides = [1, 1]} : vector<2048x1024xf32> to vector<2048x128xf32>
    %lt3A_84 = arith.cmpf olt, %slice3A_83, %select_n3A_79 : vector<2048x128xf32>
    %select_n3A_85 = arith.select %lt3A_84, %slice3A_83, %select_n3A_79 : vector<2048x128xi1>, vector<2048x128xf32>
    %jit3A_86 = arith.constant 4 : i32
    %broadcast_in_dim3A_87 = vector.broadcast %jit3A_86 : i32 to vector<2048x128xi32>
    %select_n3A_88 = arith.select %lt3A_84, %broadcast_in_dim3A_87, %select_n3A_82 : vector<2048x128xi1>, vector<2048x128xi32>
    %slice3A_89 = vector.extract_strided_slice %mul3A_64 {offsets = [0, 640], sizes = [2048, 128], strides = [1, 1]} : vector<2048x1024xf32> to vector<2048x128xf32>
    %lt3A_90 = arith.cmpf olt, %slice3A_89, %select_n3A_85 : vector<2048x128xf32>
    %select_n3A_91 = arith.select %lt3A_90, %slice3A_89, %select_n3A_85 : vector<2048x128xi1>, vector<2048x128xf32>
    %jit3A_92 = arith.constant 5 : i32
    %broadcast_in_dim3A_93 = vector.broadcast %jit3A_92 : i32 to vector<2048x128xi32>
    %select_n3A_94 = arith.select %lt3A_90, %broadcast_in_dim3A_93, %select_n3A_88 : vector<2048x128xi1>, vector<2048x128xi32>
    %slice3A_95 = vector.extract_strided_slice %mul3A_64 {offsets = [0, 768], sizes = [2048, 128], strides = [1, 1]} : vector<2048x1024xf32> to vector<2048x128xf32>
    %lt3A_96 = arith.cmpf olt, %slice3A_95, %select_n3A_91 : vector<2048x128xf32>
    %select_n3A_97 = arith.select %lt3A_96, %slice3A_95, %select_n3A_91 : vector<2048x128xi1>, vector<2048x128xf32>
    %jit3A_98 = arith.constant 6 : i32
    %broadcast_in_dim3A_99 = vector.broadcast %jit3A_98 : i32 to vector<2048x128xi32>
    %select_n3A_100 = arith.select %lt3A_96, %broadcast_in_dim3A_99, %select_n3A_94 : vector<2048x128xi1>, vector<2048x128xi32>
    %slice3A_101 = vector.extract_strided_slice %mul3A_64 {offsets = [0, 896], sizes = [2048, 128], strides = [1, 1]} : vector<2048x1024xf32> to vector<2048x128xf32>
    %lt3A_102 = arith.cmpf olt, %slice3A_101, %select_n3A_97 : vector<2048x128xf32>
    %select_n3A_103 = arith.select %lt3A_102, %slice3A_101, %select_n3A_97 : vector<2048x128xi1>, vector<2048x128xf32>
    %jit3A_104 = arith.constant 7 : i32
    %broadcast_in_dim3A_105 = vector.broadcast %jit3A_104 : i32 to vector<2048x128xi32>
    %select_n3A_106 = arith.select %lt3A_102, %broadcast_in_dim3A_105, %select_n3A_100 : vector<2048x128xi1>, vector<2048x128xi32>
    %reduce_min3A = arith.constant dense<0x7F800000> : vector<2048xf32>
    %reduce_min3A_107 = vector.multi_reduction <minimumf>, %select_n3A_103, %reduce_min3A [1] : vector<2048x128xf32> to vector<2048xf32>
    %broadcast_in_dim3A_108 = vector.shape_cast %reduce_min3A_107 : vector<2048xf32> to vector<2048x1xf32>
    %iota3A = tpu.iota {dimensions = array<i32: 1>} : vector<2048x128xi32>
    %eq3A = vector.broadcast %broadcast_in_dim3A_108 : vector<2048x1xf32> to vector<2048x128xf32>
    %eq3A_109 = arith.cmpf oeq, %select_n3A_103, %eq3A : vector<2048x128xf32>
    %mul3A_110 = arith.constant 128 : i32
    %mul3A_111 = vector.broadcast %mul3A_110 : i32 to vector<2048x128xi32>
    %mul3A_112 = arith.muli %select_n3A_106, %mul3A_111 : vector<2048x128xi32>
    %add3A_113 = arith.addi %mul3A_112, %iota3A : vector<2048x128xi32>
    %jit3A_114 = arith.constant 1024 : i32
    %broadcast_in_dim3A_115 = vector.broadcast %jit3A_114 : i32 to vector<2048x128xi32>
    %select_n3A_116 = arith.select %eq3A_109, %add3A_113, %broadcast_in_dim3A_115 : vector<2048x128xi1>, vector<2048x128xi32>
    %reduce_min3A_117 = arith.constant dense<2147483647> : vector<2048xi32>
    %reduce_min3A_118 = vector.multi_reduction <minsi>, %select_n3A_116, %reduce_min3A_117 [1] : vector<2048x128xi32> to vector<2048xi32>
    %broadcast_in_dim3A_119 = vector.shape_cast %reduce_min3A_118 : vector<2048xi32> to vector<2048x1xi32>
    %reshape3A = vector.shape_cast %broadcast_in_dim3A_119 : vector<2048x1xi32> to vector<16x128xi32>
    %swap3A_120 = arith.constant 0 : index
    %swap3A_121 = arith.constant 0 : index
    %swap3A_122 = vector.load %arg5[%swap3A_120, %swap3A_121] : memref<16x128xi32, #tpu.memory_space<vmem>>, vector<16x128xi32>
    tpu.vector_store %arg5[%swap3A_120, %swap3A_121], %reshape3A {strides = array<i32>} : memref<16x128xi32, #tpu.memory_space<vmem>>, vector<16x128xi32>,
    return
  }
  func.func @transform_0(%arg0: i32) -> (i32, i32) {
    %add3A = arith.constant 4 : i32
    %add3A_0 = arith.addi %arg0, %add3A : i32
    %c0_i32 = arith.constant 0 : i32
    %c0_i32_1 = arith.constant 0 : i32
    return %add3A_0, %c0_i32 : i32, i32
  }
  func.func @transform_1(%arg0: i32) -> (i32, i32) {
    %c0_i32 = arith.constant 0 : i32
    %c0_i32_0 = arith.constant 0 : i32
    return %arg0, %c0_i32 : i32, i32
  }
  func.func @transform_2(%arg0: i32) -> (i32, i32) {
    %c0_i32 = arith.constant 0 : i32
    %c0_i32_0 = arith.constant 0 : i32
    %c0_i32_1 = arith.constant 0 : i32
    return %c0_i32, %c0_i32_0 : i32, i32
  }
  func.func @transform_3(%arg0: i32) -> (i32, i32) {
    %c0_i32 = arith.constant 0 : i32
    %c0_i32_0 = arith.constant 0 : i32
    %c0_i32_1 = arith.constant 0 : i32
    return %c0_i32, %c0_i32_0 : i32, i32
  }
  func.func @transform_4(%arg0: i32) -> (i32, i32) {
    %c0_i32 = arith.constant 0 : i32
    %c0_i32_0 = arith.constant 0 : i32
    return %arg0, %c0_i32 : i32, i32
  }
  func.func @transform_5(%arg0: i32) -> (i32, i32) {
    %c0_i32 = arith.constant 0 : i32
    %c0_i32_0 = arith.constant 0 : i32
    return %arg0, %c0_i32 : i32, i32
  }
}

module attributes {stable_mosaic.version = 14 : i64} {
  func.func @_round_body(%arg0: i32, %arg1: memref<2048x256xf32, #tpu.memory_space<vmem>>, %arg2: memref<2048x256xf32, #tpu.memory_space<vmem>>, %arg3: memref<256x1024xbf16, #tpu.memory_space<vmem>>, %arg4: memref<8x1024xf32, #tpu.memory_space<vmem>>, %arg5: memref<16x128xi32, #tpu.memory_space<vmem>>, %arg6: memref<2048x256xf32, #tpu.memory_space<vmem>>) attributes {dimension_semantics = [#tpu.dimension_semantics<arbitrary>], iteration_bounds = array<i64: 4>, scalar_prefetch = 0 : i64, scratch_operands = 0 : i64, tpu.core_type = #tpu.core_type<tc>, window_params = [{transform_indices = @transform_0, window_bounds = array<i64: 2048, 256>}, {transform_indices = @transform_1, window_bounds = array<i64: 2048, 256>}, {pipeline_mode = #tpu.pipeline_mode<synchronous>, transform_indices = @transform_2, window_bounds = array<i64: 256, 1024>}, {pipeline_mode = #tpu.pipeline_mode<synchronous>, transform_indices = @transform_3, window_bounds = array<i64: 8, 1024>}, {transform_indices = @transform_4, window_bounds = array<i64: 16, 128>}, {transform_indices = @transform_5, window_bounds = array<i64: 2048, 256>}]} {
    %get3A = arith.constant 0 : index
    %get3A_0 = arith.constant 0 : index
    %get3A_1 = vector.load %arg1[%get3A, %get3A_0] : memref<2048x256xf32, #tpu.memory_space<vmem>>, vector<2048x256xf32>
    %get3A_2 = arith.constant 0 : index
    %get3A_3 = arith.constant 0 : index
    %get3A_4 = vector.load %arg2[%get3A_2, %get3A_3] : memref<2048x256xf32, #tpu.memory_space<vmem>>, vector<2048x256xf32>
    %sub3A = arith.subf %get3A_1, %get3A_4 : vector<2048x256xf32>
    %swap3A = arith.constant 0 : index
    %swap3A_5 = arith.constant 0 : index
    %swap3A_6 = vector.load %arg6[%swap3A, %swap3A_5] : memref<2048x256xf32, #tpu.memory_space<vmem>>, vector<2048x256xf32>
    tpu.vector_store %arg6[%swap3A, %swap3A_5], %sub3A {strides = array<i32>} : memref<2048x256xf32, #tpu.memory_space<vmem>>, vector<2048x256xf32>,
    %mul3A = arith.mulf %sub3A, %sub3A : vector<2048x256xf32>
    %slice3A = vector.extract_strided_slice %mul3A {offsets = [0, 0], sizes = [2048, 128], strides = [1, 1]} : vector<2048x256xf32> to vector<2048x128xf32>
    %slice3A_7 = vector.extract_strided_slice %mul3A {offsets = [0, 128], sizes = [2048, 128], strides = [1, 1]} : vector<2048x256xf32> to vector<2048x128xf32>
    %add3A = arith.addf %slice3A, %slice3A_7 : vector<2048x128xf32>
    %transpose3A = tpu.transpose %add3A, [1, 0] : vector<2048x128xf32> -> vector<128x2048xf32>
    %slice3A_8 = vector.extract_strided_slice %transpose3A {offsets = [0, 0], sizes = [8, 2048], strides = [1, 1]} : vector<128x2048xf32> to vector<8x2048xf32>
    %slice3A_9 = vector.extract_strided_slice %transpose3A {offsets = [8, 0], sizes = [8, 2048], strides = [1, 1]} : vector<128x2048xf32> to vector<8x2048xf32>
    %add3A_10 = arith.addf %slice3A_8, %slice3A_9 : vector<8x2048xf32>
    %slice3A_11 = vector.extract_strided_slice %transpose3A {offsets = [16, 0], sizes = [8, 2048], strides = [1, 1]} : vector<128x2048xf32> to vector<8x2048xf32>
    %add3A_12 = arith.addf %add3A_10, %slice3A_11 : vector<8x2048xf32>
    %slice3A_13 = vector.extract_strided_slice %transpose3A {offsets = [24, 0], sizes = [8, 2048], strides = [1, 1]} : vector<128x2048xf32> to vector<8x2048xf32>
    %add3A_14 = arith.addf %add3A_12, %slice3A_13 : vector<8x2048xf32>
    %slice3A_15 = vector.extract_strided_slice %transpose3A {offsets = [32, 0], sizes = [8, 2048], strides = [1, 1]} : vector<128x2048xf32> to vector<8x2048xf32>
    %add3A_16 = arith.addf %add3A_14, %slice3A_15 : vector<8x2048xf32>
    %slice3A_17 = vector.extract_strided_slice %transpose3A {offsets = [40, 0], sizes = [8, 2048], strides = [1, 1]} : vector<128x2048xf32> to vector<8x2048xf32>
    %add3A_18 = arith.addf %add3A_16, %slice3A_17 : vector<8x2048xf32>
    %slice3A_19 = vector.extract_strided_slice %transpose3A {offsets = [48, 0], sizes = [8, 2048], strides = [1, 1]} : vector<128x2048xf32> to vector<8x2048xf32>
    %add3A_20 = arith.addf %add3A_18, %slice3A_19 : vector<8x2048xf32>
    %slice3A_21 = vector.extract_strided_slice %transpose3A {offsets = [56, 0], sizes = [8, 2048], strides = [1, 1]} : vector<128x2048xf32> to vector<8x2048xf32>
    %add3A_22 = arith.addf %add3A_20, %slice3A_21 : vector<8x2048xf32>
    %slice3A_23 = vector.extract_strided_slice %transpose3A {offsets = [64, 0], sizes = [8, 2048], strides = [1, 1]} : vector<128x2048xf32> to vector<8x2048xf32>
    %add3A_24 = arith.addf %add3A_22, %slice3A_23 : vector<8x2048xf32>
    %slice3A_25 = vector.extract_strided_slice %transpose3A {offsets = [72, 0], sizes = [8, 2048], strides = [1, 1]} : vector<128x2048xf32> to vector<8x2048xf32>
    %add3A_26 = arith.addf %add3A_24, %slice3A_25 : vector<8x2048xf32>
    %slice3A_27 = vector.extract_strided_slice %transpose3A {offsets = [80, 0], sizes = [8, 2048], strides = [1, 1]} : vector<128x2048xf32> to vector<8x2048xf32>
    %add3A_28 = arith.addf %add3A_26, %slice3A_27 : vector<8x2048xf32>
    %slice3A_29 = vector.extract_strided_slice %transpose3A {offsets = [88, 0], sizes = [8, 2048], strides = [1, 1]} : vector<128x2048xf32> to vector<8x2048xf32>
    %add3A_30 = arith.addf %add3A_28, %slice3A_29 : vector<8x2048xf32>
    %slice3A_31 = vector.extract_strided_slice %transpose3A {offsets = [96, 0], sizes = [8, 2048], strides = [1, 1]} : vector<128x2048xf32> to vector<8x2048xf32>
    %add3A_32 = arith.addf %add3A_30, %slice3A_31 : vector<8x2048xf32>
    %slice3A_33 = vector.extract_strided_slice %transpose3A {offsets = [104, 0], sizes = [8, 2048], strides = [1, 1]} : vector<128x2048xf32> to vector<8x2048xf32>
    %add3A_34 = arith.addf %add3A_32, %slice3A_33 : vector<8x2048xf32>
    %slice3A_35 = vector.extract_strided_slice %transpose3A {offsets = [112, 0], sizes = [8, 2048], strides = [1, 1]} : vector<128x2048xf32> to vector<8x2048xf32>
    %add3A_36 = arith.addf %add3A_34, %slice3A_35 : vector<8x2048xf32>
    %slice3A_37 = vector.extract_strided_slice %transpose3A {offsets = [120, 0], sizes = [8, 2048], strides = [1, 1]} : vector<128x2048xf32> to vector<8x2048xf32>
    %add3A_38 = arith.addf %add3A_36, %slice3A_37 : vector<8x2048xf32>
    %slice3A_39 = vector.extract_strided_slice %add3A_38 {offsets = [0, 0], sizes = [4, 2048], strides = [1, 1]} : vector<8x2048xf32> to vector<4x2048xf32>
    %slice3A_40 = vector.extract_strided_slice %add3A_38 {offsets = [4, 0], sizes = [4, 2048], strides = [1, 1]} : vector<8x2048xf32> to vector<4x2048xf32>
    %add3A_41 = arith.addf %slice3A_39, %slice3A_40 : vector<4x2048xf32>
    %slice3A_42 = vector.extract_strided_slice %add3A_41 {offsets = [0, 0], sizes = [2, 2048], strides = [1, 1]} : vector<4x2048xf32> to vector<2x2048xf32>
    %slice3A_43 = vector.extract_strided_slice %add3A_41 {offsets = [2, 0], sizes = [2, 2048], strides = [1, 1]} : vector<4x2048xf32> to vector<2x2048xf32>
    %add3A_44 = arith.addf %slice3A_42, %slice3A_43 : vector<2x2048xf32>
    %slice3A_45 = vector.extract_strided_slice %add3A_44 {offsets = [0, 0], sizes = [1, 2048], strides = [1, 1]} : vector<2x2048xf32> to vector<1x2048xf32>
    %slice3A_46 = vector.extract_strided_slice %add3A_44 {offsets = [1, 0], sizes = [1, 2048], strides = [1, 1]} : vector<2x2048xf32> to vector<1x2048xf32>
    %add3A_47 = arith.addf %slice3A_45, %slice3A_46 : vector<1x2048xf32>
    %transpose3A_48 = tpu.transpose %add3A_47, [1, 0] : vector<1x2048xf32> -> vector<2048x1xf32>
    %convert_element_type3A = arith.truncf %sub3A : vector<2048x256xf32> to vector<2048x256xbf16>
    %get3A_49 = arith.constant 0 : index
    %get3A_50 = arith.constant 0 : index
    %get3A_51 = vector.load %arg3[%get3A_49, %get3A_50] : memref<256x1024xbf16, #tpu.memory_space<vmem>>, vector<256x1024xbf16>
    %dot_general3A = arith.constant dense<0.000000e+00> : vector<2048x1024xf32>
    %dot_general3A_52 = tpu.matmul %convert_element_type3A, %get3A_51, %dot_general3A {dimension_numbers = #tpu.dot_dimension_numbers<[1], [0], [0], [1], [0, 0, 1, 1], [], []>, transpose_lhs_hint = false} : vector<2048x256xbf16>, vector<256x1024xbf16>, vector<2048x1024xf32> -> vector<2048x1024xf32>
    %get3A_53 = arith.constant 0 : index
    %get3A_54 = arith.constant 0 : index
    %get3A_55 = vector.load %arg4[%get3A_53, %get3A_54] : memref<8x1024xf32, #tpu.memory_space<vmem>>, vector<1x1024xf32>
    %add3A_56 = vector.broadcast %transpose3A_48 : vector<2048x1xf32> to vector<2048x1024xf32>
    %add3A_57 = vector.broadcast %get3A_55 : vector<1x1024xf32> to vector<2048x1024xf32>
    %add3A_58 = arith.addf %add3A_56, %add3A_57 : vector<2048x1024xf32>
    %mul3A_59 = arith.constant 2.000000e+00 : f32
    %mul3A_60 = vector.broadcast %mul3A_59 : f32 to vector<2048x1024xf32>
    %mul3A_61 = arith.mulf %mul3A_60, %dot_general3A_52 : vector<2048x1024xf32>
    %sub3A_62 = arith.subf %add3A_58, %mul3A_61 : vector<2048x1024xf32>
    %jit3A = arith.constant 0.000000e+00 : f32
    %max3A = vector.broadcast %jit3A : f32 to vector<2048x1024xf32>
    %max3A_63 = arith.maximumf %max3A, %sub3A_62 : vector<2048x1024xf32>
    %rsqrt3A = math.rsqrt %max3A_63 : vector<2048x1024xf32>
    %mul3A_64 = arith.mulf %max3A_63, %rsqrt3A : vector<2048x1024xf32>
    %slice3A_65 = vector.extract_strided_slice %mul3A_64 {offsets = [0, 0], sizes = [2048, 128], strides = [1, 1]} : vector<2048x1024xf32> to vector<2048x128xf32>
    %broadcast_in_dim3A = arith.constant 0 : i32
    %broadcast_in_dim3A_66 = vector.broadcast %broadcast_in_dim3A : i32 to vector<2048x128xi32>
    %slice3A_67 = vector.extract_strided_slice %mul3A_64 {offsets = [0, 128], sizes = [2048, 128], strides = [1, 1]} : vector<2048x1024xf32> to vector<2048x128xf32>
    %lt3A = arith.cmpf olt, %slice3A_67, %slice3A_65 : vector<2048x128xf32>
    %select_n3A = arith.select %lt3A, %slice3A_67, %slice3A_65 : vector<2048x128xi1>, vector<2048x128xf32>
    %jit3A_68 = arith.constant 1 : i32
    %broadcast_in_dim3A_69 = vector.broadcast %jit3A_68 : i32 to vector<2048x128xi32>
    %select_n3A_70 = arith.select %lt3A, %broadcast_in_dim3A_69, %broadcast_in_dim3A_66 : vector<2048x128xi1>, vector<2048x128xi32>
    %slice3A_71 = vector.extract_strided_slice %mul3A_64 {offsets = [0, 256], sizes = [2048, 128], strides = [1, 1]} : vector<2048x1024xf32> to vector<2048x128xf32>
    %lt3A_72 = arith.cmpf olt, %slice3A_71, %select_n3A : vector<2048x128xf32>
    %select_n3A_73 = arith.select %lt3A_72, %slice3A_71, %select_n3A : vector<2048x128xi1>, vector<2048x128xf32>
    %jit3A_74 = arith.constant 2 : i32
    %broadcast_in_dim3A_75 = vector.broadcast %jit3A_74 : i32 to vector<2048x128xi32>
    %select_n3A_76 = arith.select %lt3A_72, %broadcast_in_dim3A_75, %select_n3A_70 : vector<2048x128xi1>, vector<2048x128xi32>
    %slice3A_77 = vector.extract_strided_slice %mul3A_64 {offsets = [0, 384], sizes = [2048, 128], strides = [1, 1]} : vector<2048x1024xf32> to vector<2048x128xf32>
    %lt3A_78 = arith.cmpf olt, %slice3A_77, %select_n3A_73 : vector<2048x128xf32>
    %select_n3A_79 = arith.select %lt3A_78, %slice3A_77, %select_n3A_73 : vector<2048x128xi1>, vector<2048x128xf32>
    %jit3A_80 = arith.constant 3 : i32
    %broadcast_in_dim3A_81 = vector.broadcast %jit3A_80 : i32 to vector<2048x128xi32>
    %select_n3A_82 = arith.select %lt3A_78, %broadcast_in_dim3A_81, %select_n3A_76 : vector<2048x128xi1>, vector<2048x128xi32>
    %slice3A_83 = vector.extract_strided_slice %mul3A_64 {offsets = [0, 512], sizes = [2048, 128], strides = [1, 1]} : vector<2048x1024xf32> to vector<2048x128xf32>
    %lt3A_84 = arith.cmpf olt, %slice3A_83, %select_n3A_79 : vector<2048x128xf32>
    %select_n3A_85 = arith.select %lt3A_84, %slice3A_83, %select_n3A_79 : vector<2048x128xi1>, vector<2048x128xf32>
    %jit3A_86 = arith.constant 4 : i32
    %broadcast_in_dim3A_87 = vector.broadcast %jit3A_86 : i32 to vector<2048x128xi32>
    %select_n3A_88 = arith.select %lt3A_84, %broadcast_in_dim3A_87, %select_n3A_82 : vector<2048x128xi1>, vector<2048x128xi32>
    %slice3A_89 = vector.extract_strided_slice %mul3A_64 {offsets = [0, 640], sizes = [2048, 128], strides = [1, 1]} : vector<2048x1024xf32> to vector<2048x128xf32>
    %lt3A_90 = arith.cmpf olt, %slice3A_89, %select_n3A_85 : vector<2048x128xf32>
    %select_n3A_91 = arith.select %lt3A_90, %slice3A_89, %select_n3A_85 : vector<2048x128xi1>, vector<2048x128xf32>
    %jit3A_92 = arith.constant 5 : i32
    %broadcast_in_dim3A_93 = vector.broadcast %jit3A_92 : i32 to vector<2048x128xi32>
    %select_n3A_94 = arith.select %lt3A_90, %broadcast_in_dim3A_93, %select_n3A_88 : vector<2048x128xi1>, vector<2048x128xi32>
    %slice3A_95 = vector.extract_strided_slice %mul3A_64 {offsets = [0, 768], sizes = [2048, 128], strides = [1, 1]} : vector<2048x1024xf32> to vector<2048x128xf32>
    %lt3A_96 = arith.cmpf olt, %slice3A_95, %select_n3A_91 : vector<2048x128xf32>
    %select_n3A_97 = arith.select %lt3A_96, %slice3A_95, %select_n3A_91 : vector<2048x128xi1>, vector<2048x128xf32>
    %jit3A_98 = arith.constant 6 : i32
    %broadcast_in_dim3A_99 = vector.broadcast %jit3A_98 : i32 to vector<2048x128xi32>
    %select_n3A_100 = arith.select %lt3A_96, %broadcast_in_dim3A_99, %select_n3A_94 : vector<2048x128xi1>, vector<2048x128xi32>
    %slice3A_101 = vector.extract_strided_slice %mul3A_64 {offsets = [0, 896], sizes = [2048, 128], strides = [1, 1]} : vector<2048x1024xf32> to vector<2048x128xf32>
    %lt3A_102 = arith.cmpf olt, %slice3A_101, %select_n3A_97 : vector<2048x128xf32>
    %select_n3A_103 = arith.select %lt3A_102, %slice3A_101, %select_n3A_97 : vector<2048x128xi1>, vector<2048x128xf32>
    %jit3A_104 = arith.constant 7 : i32
    %broadcast_in_dim3A_105 = vector.broadcast %jit3A_104 : i32 to vector<2048x128xi32>
    %select_n3A_106 = arith.select %lt3A_102, %broadcast_in_dim3A_105, %select_n3A_100 : vector<2048x128xi1>, vector<2048x128xi32>
    %reduce_min3A = arith.constant dense<0x7F800000> : vector<2048xf32>
    %reduce_min3A_107 = vector.multi_reduction <minimumf>, %select_n3A_103, %reduce_min3A [1] : vector<2048x128xf32> to vector<2048xf32>
    %broadcast_in_dim3A_108 = vector.shape_cast %reduce_min3A_107 : vector<2048xf32> to vector<2048x1xf32>
    %iota3A = tpu.iota {dimensions = array<i32: 1>} : vector<2048x128xi32>
    %eq3A = vector.broadcast %broadcast_in_dim3A_108 : vector<2048x1xf32> to vector<2048x128xf32>
    %eq3A_109 = arith.cmpf oeq, %select_n3A_103, %eq3A : vector<2048x128xf32>
    %mul3A_110 = arith.constant 128 : i32
    %mul3A_111 = vector.broadcast %mul3A_110 : i32 to vector<2048x128xi32>
    %mul3A_112 = arith.muli %select_n3A_106, %mul3A_111 : vector<2048x128xi32>
    %add3A_113 = arith.addi %mul3A_112, %iota3A : vector<2048x128xi32>
    %jit3A_114 = arith.constant 1024 : i32
    %broadcast_in_dim3A_115 = vector.broadcast %jit3A_114 : i32 to vector<2048x128xi32>
    %select_n3A_116 = arith.select %eq3A_109, %add3A_113, %broadcast_in_dim3A_115 : vector<2048x128xi1>, vector<2048x128xi32>
    %reduce_min3A_117 = arith.constant dense<2147483647> : vector<2048xi32>
    %reduce_min3A_118 = vector.multi_reduction <minsi>, %select_n3A_116, %reduce_min3A_117 [1] : vector<2048x128xi32> to vector<2048xi32>
    %broadcast_in_dim3A_119 = vector.shape_cast %reduce_min3A_118 : vector<2048xi32> to vector<2048x1xi32>
    %reshape3A = vector.shape_cast %broadcast_in_dim3A_119 : vector<2048x1xi32> to vector<16x128xi32>
    %swap3A_120 = arith.constant 0 : index
    %swap3A_121 = arith.constant 0 : index
    %swap3A_122 = vector.load %arg5[%swap3A_120, %swap3A_121] : memref<16x128xi32, #tpu.memory_space<vmem>>, vector<16x128xi32>
    tpu.vector_store %arg5[%swap3A_120, %swap3A_121], %reshape3A {strides = array<i32>} : memref<16x128xi32, #tpu.memory_space<vmem>>, vector<16x128xi32>,
    return
  }
  func.func @transform_0(%arg0: i32) -> (i32, i32) {
    %c0_i32 = arith.constant 0 : i32
    %c0_i32_0 = arith.constant 0 : i32
    return %arg0, %c0_i32 : i32, i32
  }
  func.func @transform_1(%arg0: i32) -> (i32, i32) {
    %c0_i32 = arith.constant 0 : i32
    %c0_i32_0 = arith.constant 0 : i32
    return %arg0, %c0_i32 : i32, i32
  }
  func.func @transform_2(%arg0: i32) -> (i32, i32) {
    %c0_i32 = arith.constant 0 : i32
    %c0_i32_0 = arith.constant 0 : i32
    %c0_i32_1 = arith.constant 0 : i32
    return %c0_i32, %c0_i32_0 : i32, i32
  }
  func.func @transform_3(%arg0: i32) -> (i32, i32) {
    %c0_i32 = arith.constant 0 : i32
    %c0_i32_0 = arith.constant 0 : i32
    %c0_i32_1 = arith.constant 0 : i32
    return %c0_i32, %c0_i32_0 : i32, i32
  }
  func.func @transform_4(%arg0: i32) -> (i32, i32) {
    %c0_i32 = arith.constant 0 : i32
    %c0_i32_0 = arith.constant 0 : i32
    return %arg0, %c0_i32 : i32, i32
  }
  func.func @transform_5(%arg0: i32) -> (i32, i32) {
    %c0_i32 = arith.constant 0 : i32
    %c0_i32_0 = arith.constant 0 : i32
    return %arg0, %c0_i32 : i32, i32
  }
}

module attributes {stable_mosaic.version = 14 : i64} {
  func.func @_sub_body(%arg0: i32, %arg1: memref<2048x256xf32, #tpu.memory_space<vmem>>, %arg2: memref<2048x256xf32, #tpu.memory_space<vmem>>, %arg3: memref<2048x256xf32, #tpu.memory_space<vmem>>) attributes {dimension_semantics = [#tpu.dimension_semantics<arbitrary>], iteration_bounds = array<i64: 4>, scalar_prefetch = 0 : i64, scratch_operands = 0 : i64, tpu.core_type = #tpu.core_type<tc>, window_params = [{transform_indices = @transform_0, window_bounds = array<i64: 2048, 256>}, {transform_indices = @transform_1, window_bounds = array<i64: 2048, 256>}, {transform_indices = @transform_2, window_bounds = array<i64: 2048, 256>}]} {
    %get3A = arith.constant 0 : index
    %get3A_0 = arith.constant 0 : index
    %get3A_1 = vector.load %arg1[%get3A, %get3A_0] : memref<2048x256xf32, #tpu.memory_space<vmem>>, vector<2048x256xf32>
    %get3A_2 = arith.constant 0 : index
    %get3A_3 = arith.constant 0 : index
    %get3A_4 = vector.load %arg2[%get3A_2, %get3A_3] : memref<2048x256xf32, #tpu.memory_space<vmem>>, vector<2048x256xf32>
    %sub3A = arith.subf %get3A_1, %get3A_4 : vector<2048x256xf32>
    %swap3A = arith.constant 0 : index
    %swap3A_5 = arith.constant 0 : index
    %swap3A_6 = vector.load %arg3[%swap3A, %swap3A_5] : memref<2048x256xf32, #tpu.memory_space<vmem>>, vector<2048x256xf32>
    tpu.vector_store %arg3[%swap3A, %swap3A_5], %sub3A {strides = array<i32>} : memref<2048x256xf32, #tpu.memory_space<vmem>>, vector<2048x256xf32>,
    return
  }
  func.func @transform_0(%arg0: i32) -> (i32, i32) {
    %c0_i32 = arith.constant 0 : i32
    %c0_i32_0 = arith.constant 0 : i32
    return %arg0, %c0_i32 : i32, i32
  }
  func.func @transform_1(%arg0: i32) -> (i32, i32) {
    %c0_i32 = arith.constant 0 : i32
    %c0_i32_0 = arith.constant 0 : i32
    return %arg0, %c0_i32 : i32, i32
  }
  func.func @transform_2(%arg0: i32) -> (i32, i32) {
    %c0_i32 = arith.constant 0 : i32
    %c0_i32_0 = arith.constant 0 : i32
    return %arg0, %c0_i32 : i32, i32
  }
}

</mosaic_0001>

<sc_bundles>
// kernel: kernel.20.cloned.1.call-start
scs
__scs_entry_jumppad:
0x0: {  	(pc) =	sbr.rel $0x88, $3  }
0x1: {  	(tag) =	ssettag $0x0;
	lr =	simm.s32 $0x1  }
0x2: {  	[smem:$0x3F9C] =	sst lr;
	_ =	strace $0xD0000000  }
0x3: {  	_ = 	snop  }
0x4: {  	_ = 	snop  }
0x5: {  	_ = 	snop  }
0x6: {  	_ = 	snop  }
0x7: {  	_ = 	snop  }
__scs_overlays_trampoline_lowered:
0x8: {  	[smem:$0x3FAB] =	sst s0  }
0x9: {  	[smem:$0x3FAC] =	sst s1  }
0xa: {  	[smem:$0x3FAD] =	sst s2  }
0xb: {  	[smem:$0x3FAE] =	sst s3  }
0xc: {  	[smem:$0x3FAF] =	sst s4  }
0xd: {  	[smem:$0x3FB0] =	sst s5  }
0xe: {  	[smem:$0x3FB1] =	sst s6  }
0xf: {  	[smem:$0x3FB2] =	sst s7  }
0x10: {  	[smem:$0x3FB3] =	sst s8  }
0x11: {  	[smem:$0x3FB4] =	sst s9;
	s0 =	simm.s32 @!p0 $0x0  }
0x12: {  	s1 =	sld [smem:$0x3F9A];
	s0 =	simm.s32 @p0 $0x1  }
0x13: {  	[smem:$0x3FB5] =	sst s0;
	s0 =	simm.s32 @!p1 $0x0  }
0x14: {  	s2 =	sld [smem:$0x3F99];
	s0 =	simm.s32 @p1 $0x1  }
0x15: {  	[smem:$0x3FB6] =	sst s0;
	s0 =	simm.s32 @!p2 $0x0  }
0x16: {  	s3 =	sld [smem:$0x3FDB];
	s0 =	simm.s32 @p2 $0x1  }
0x17: {  	s4 =	simm.s32 $0x1BF5;
	[smem:$0x3FB8] =	sst s0  }
0x18: {  	s0 =	sld [smem:$0x3F9B];
	_ =	swait.ge [sflag:s4], $0x0  }
0x19: {  	s7 =	sld [smem:$0x3F9C]  }
0x1a: {  	s8 =	sadd.s32 $0xFFFFE003, lr  }
0x1b: {  	s9 =	sadd.s32 $0xFFFFFEF7, lr;
	s5 =	simm.s32 $0xFFFFFFFF;
	p2 =	slt.u32 s8, $0xFFFFF086  }
0x1c: {  	p1 =	slt.u32 s9, $0xF7A;
	s5 =	simm.s32 @!p2 $0x0  }
0x1d: {  	s5 =	simm.s32 @p1 $0x1;
	p0 =	seq.s32 s7, s2  }
0x1e: {  	s7 =	smul.u32 @!p0 $0xF7A, s2;
	p2 =	seq.s32 @!p0 s5, $0x0  }
0x1f: {  	s9 =	smul.u32 $0xF7A, s1;
	s8 =	simm.s32 @!p0 $0x1BF5;
	p2 =	por !p2, p0  }
0x20: {  	[sflag:s8] =	ssyncset.s32 @!p0 $0xFFFFF086;
	s6 =	sadd.s32 @!p0 s3, s7;
	s7 =	simm.s32 @!p0 $0x108  }
0x21: {  	s3 =	sadd.s32 s3, s9;
	s6 =	sadd.s32 @!p0 $0x88, s6;
	s7 =	simm.s32 @p2 $0x1082  }
0x22: {  	[simem:s7], [sflag:s8] =	dma.local @!p0 [hbm:s6], $0xF7A  }
0x23: {  	s9 =	sor.u32 $0xD0000000, s2;
	s6 =	simm.s32 $0x108;
	_ =	swait.ge @!p0 [sflag:s8], $0x0  }
0x24: {  	s3 =	sadd.s32 $0x88, s3;
	s6 =	simm.s32 @!p1 $0x1082;
	[sflag:s4] =	ssyncset.s32 $0xFFFFF086  }
0x25: {  	[simem:s6], [sflag:s4] =	dma.local [hbm:s3], $0xF7A  }
0x26: {  	[smem:$0x3F9C] =	sst s1;
	(tag) =	ssettag s2;
	_ =	strace s9  }
0x27: {  	s1 =	sld [smem:$0x3FAC]  }
0x28: {  	s2 =	sld [smem:$0x3FAD]  }
0x29: {  	s4 =	sld [smem:$0x3FAF]  }
0x2a: {  	p0 =	seq.s32 s5, $0x0;
	s5 =	sld [smem:$0x3FB0]  }
0x2b: {  	s6 =	sld [smem:$0x3FB1]  }
0x2c: {  	s7 =	sld [smem:$0x3FB2]  }
0x2d: {  	s3 =	simm.s32 $0x108;
	s8 =	sld [smem:$0x3FB3]  }
0x2e: {  	s3 =	simm.s32 @!p0 $0x1082;
	s9 =	sld [smem:$0x3FB4]  }
0x2f: {  	lr =	sadd.s32 s0, s3;
	s0 =	sld [smem:$0x3FAB]  }
0x30: {  	s3 =	sld [smem:$0x3FAE]  }
0x31: {  	[smem:$0x3FB7] =	sst s10  }
0x32: {  	s10 =	sld [smem:$0x3FB5];
	_ =	sdelay $0x3  }
0x33: {  	p0 =	seq.s32 s10, $0x1;
	s10 =	sld [smem:$0x3FB7];
	_ =	sdelay $0x3  }
0x34: {  	[smem:$0x3FB7] =	sst s10  }
0x35: {  	s10 =	sld [smem:$0x3FB6];
	_ =	sdelay $0x3  }
0x36: {  	p1 =	seq.s32 s10, $0x1;
	s10 =	sld [smem:$0x3FB7];
	_ =	sdelay $0x3  }
0x37: {  	[smem:$0x3FB7] =	sst s10  }
0x38: {  	s10 =	sld [smem:$0x3FB8]  }
0x39: {  	_ = 	snop;
	(pc) =	sbr.ind lr, $3  }
0x3a: {  	_ = 	snop  }
0x3b: {  	_ = 	snop  }
0x3c: {  	p2 =	seq.s32 s10, $0x1;
	s10 =	sld [smem:$0x3FB7]  }
0x3d: {  	_ =	shalt  }
0x3e: {  	_ =	shalt  }
0x3f: {  	_ =	shalt  }
0x40: {  	_ =	shalt  }
0x41: {  	_ =	shalt  }
0x42: {  	_ =	shalt  }
0x43: {  	_ =	shalt  }
0x44: {  	_ =	shalt  }
0x45: {  	_ =	shalt  }
0x46: {  	_ =	shalt  }
0x47: {  	_ =	shalt  }
0x48: {  	_ =	shalt  }
0x49: {  	_ =	shalt  }
0x4a: {  	_ =	shalt  }
0x4b: {  	_ =	shalt  }
0x4c: {  	_ =	shalt  }
0x4d: {  	_ =	shalt  }
0x4e: {  	_ =	shalt  }
0x4f: {  	_ =	shalt  }
0x50: {  	_ =	shalt  }
0x51: {  	_ =	shalt  }
0x52: {  	_ =	shalt  }
0x53: {  	_ =	shalt  }
0x54: {  	_ =	shalt  }
0x55: {  	_ =	shalt  }
0x56: {  	_ =	shalt  }
0x57: {  	_ =	shalt  }
0x58: {  	_ =	shalt  }
0x59: {  	_ =	shalt  }
0x5a: {  	_ =	shalt  }
0x5b: {  	_ =	shalt  }
0x5c: {  	_ =	shalt  }
0x5d: {  	_ =	shalt  }
0x5e: {  	_ =	shalt  }
0x5f: {  	_ =	shalt  }
0x60: {  	_ =	shalt  }
0x61: {  	_ =	shalt  }
0x62: {  	_ =	shalt  }
0x63: {  	_ =	shalt  }
0x64: {  	_ =	shalt  }
0x65: {  	_ =	shalt  }
0x66: {  	_ =	shalt  }
0x67: {  	_ =	shalt  }
0x68: {  	_ =	shalt  }
0x69: {  	_ =	shalt  }
0x6a: {  	_ =	shalt  }
0x6b: {  	_ =	shalt  }
0x6c: {  	_ =	shalt  }
0x6d: {  	_ =	shalt  }
0x6e: {  	_ =	shalt  }
0x6f: {  	_ =	shalt  }
0x70: {  	_ =	shalt  }
0x71: {  	_ =	shalt  }
0x72: {  	_ =	shalt  }
0x73: {  	_ =	shalt  }
0x74: {  	_ =	shalt  }
0x75: {  	_ =	shalt  }
0x76: {  	_ =	shalt  }
0x77: {  	_ =	shalt  }
0x78: {  	_ =	shalt  }
0x79: {  	_ =	shalt  }
0x7a: {  	_ =	shalt  }
0x7b: {  	_ =	shalt  }
0x7c: {  	_ =	shalt  }
0x7d: {  	_ =	shalt  }
0x7e: {  	_ =	shalt  }
0x7f: {  	_ =	shalt  }
0x80: {  	_ =	shalt  }
0x81: {  	_ =	shalt  }
0x82: {  	_ =	shalt  }
0x83: {  	_ =	shalt  }
0x84: {  	_ =	shalt  }
0x85: {  	_ =	shalt  }
0x86: {  	_ =	shalt  }
0x87: {  	_ =	shalt  }
.Lfunc_end0:
.L_simem_size_0:
called_computation_lowered:
.L_overlay_start_0:
0x88: {  	s2 =	sld [smem:$0x3FD9]  }
0x89: {  	s3 =	sld [smem:$0x3FFE];
	_ =	sdelay $0x1  }
0x8a: {  	s1 =	srdreg.scid  }
0x8b: {  	s0 =	sand.u32 $0x1, s1  }
0x8c: {  	s17 =	sshll.u32 s0, $0xA;
	s2 =	sadd.s32 s3, s2  }
0x8d: {  	s2 =	sadd.s32 s2, s17  }
0x8e: {  	[smem:$0x3FC3] =	sst s2  }
0x8f: {  	_ = 	snop  }
0x90: {  	s18 =	sld [smem:$0x3FC8];
	(tm) =	ssettm $0x1  }
0x91: {  	s19 =	sld [smem:$0x3FFB];
	_ =	sdelay $0x3  }
0x92: {  	_ =	strace s19  }
0x93: {  	s2 =	sld [smem:$0x3FFC];
	_ =	sdelay $0x3  }
0x94: {  	_ =	strace s2  }
0x95: {  	s2 =	sld [smem:$0x3FFD];
	_ =	sdelay $0x3  }
0x96: {  	_ =	strace s2  }
0x97: {  	_ =	strace $0x8FFFFFFF  }
0x98: {  	s20 =	sld [smem:$0x3FDB];
	_ =	sdelay $0x1  }
0x99: {  	s4 =	simm.s32 $_scs_section_size  }
0x9a: {  	s5 =	simm.s32 $_size__tile_overlayer_lowered;
	s6 =	simm.s32 $_tile_overlayer_lowered  }
0x9b: {  	s7 =	simm.s32 $0x1BFF;
	s21 =	sshll.u32 s6, $0x1;
	s4 =	sadd.s32 s4, s20  }
0x9c: {  	s22 =	simm.s32 $0x0;
	s5 =	sshll.u32 s5, $0x1;
	s6 =	sadd.s32 s21, s4  }
0x9d: {  	[timem:s22], [sflag:s7] =	dma.local [hbm:s6], s5  }
0x9e: {  	_ =	swait.ge [sflag:s7], s5  }
0x9f: {  	s5 =	ssub.s32 $0x0, s5;
	[sflag:s7] =	ssyncset.done $0x0  }
0xa0: {  	[sflag:s7] =	ssyncadd.s32 s5;
	_ =	sdelay $0x1  }
0xa1: {  	s23 =	simm.s32 $0x1B8B  }
0xa2: {  	_ =	swait.ge [sflag:s23], $0x1  }
0xa3: {  	[sflag:s23] =	ssyncset.done $0x0  }
0xa4: {  	[sflag:s23] =	ssyncadd.s32 $0xFFFFFFFF  }
0xa5: {  	s5 =	sld [smem:$0x0]  }
0xa6: {  	s6 =	sand.u32 $0xFFFFFFFE, s1  }
0xa7: {  	p0 =	sne.s32 s1, s6  }
0xa8: {  	s6 =	sshll.u32 @p0 s6, $0xE  }
0xa9: {  	s6 =	sadd.s32 @p0 $0x11B8D, s6;
	s7 =	sshll.u32 @p0 s5, $0x11  }
0xaa: {  	s6 =	sor.u32 @p0 s7, s6  }
0xab: {  	[sflag:s6] =	ssyncadd.remote.s32 @p0 $0x1;
	_ =	sdelay $0x1  }
0xac: {  	s6 =	simm.s32 @p0 $0x1B8D  }
0xad: {  	_ =	swait.eq @p0 [sflag:s6], $0x1  }
0xae: {  	[sflag:s6] =	ssyncadd.s32 @p0 $0xFFFFFFFF  }
0xaf: {  	s7 =	sshll.u32 @!p0 s1, $0xE  }
0xb0: {  	s7 =	sor.u32 @!p0 $0x4000, s7;
	s6 =	simm.s32 @!p0 $0x1B8D  }
0xb1: {  	s5 =	sshll.u32 @!p0 s5, $0x11;
	s7 =	sadd.s32 @!p0 $0x11B8D, s7;
	_ =	swait.eq @!p0 [sflag:s6], $0x1  }
0xb2: {  	s5 =	sor.u32 @!p0 s5, s7;
	[sflag:s6] =	ssyncadd.s32 @!p0 $0xFFFFFFFF  }
0xb3: {  	s25 =	simm.s32 $0x1B8E;
	s24 =	sld [smem:$0x3FFE];
	[sflag:s5] =	ssyncadd.remote.s32 @!p0 $0x1  }
0xb4: {  	s26 =	simm.s32 $execute0_lowered;
	[smem:$0x3FD2] =	sst s25  }
0xb5: {  	s6 =	sshll.u32 s26, $0x1;
	_ =	strace $0x80000049;
	[dreg:$0x1] =	wrdreg $0xFFFFFFFF  }
0xb6: {  	s28 =	simm.s32 $_size_execute0_lowered;
	s4 =	sadd.s32 s4, s6;
	[dreg:$0x0] =	wrdreg $0x0  }
0xb7: {  	s6 =	sshll.u32 s28, $0x1;
	[dreg:$0x2] =	wrdreg s4  }
0xb8: {  	[dreg:$0x3] =	wrdreg s6  }
0xb9: {  	[dreg:$0x4] =	wrdreg $0xC0  }
0xba: {  	_ =	task [dreg:s22], $0x5FFFF  }
0xbb: {  	[dreg:$0x1] =	wrdreg $0xFFFFFFFF  }
0xbc: {  	[dreg:$0x0] =	wrdreg $0x60  }
0xbd: {  	[dreg:$0x2] =	wrdreg s18  }
0xbe: {  	[dreg:$0x3] =	wrdreg s24  }
0xbf: {  	[dreg:$0x4] =	wrdreg $0x9  }
0xc0: {  	_ =	task.clear_ibuf [dreg:s22], $0x5FFFF;
	_ =	strace $0x90000049  }
0xc1: {  	s29 =	simm.s32 $0x9;
	_ =	strace $0x8000004B  }
0xc2: {  	_ =	swait.ge [sflag:s29], $0x1  }
0xc3: {  	[sflag:s29] =	ssyncadd.s32 $0xFFFFFFFF  }
0xc4: {  	_ =	strace $0x9000004B  }
0xc5: {  	_ =	sfence  }
0xc6: {  	s30 =	sld [smem:$0x0];
	_ =	sdelay $0x2  }
0xc7: {  	s31 =	sshll.u32 s1, $0xD;
	s1 =	sshrl.u32 s1, $0x2  }
0xc8: {  	s4 =	sand.u32 $0x4000, s31;
	s1 =	sadd.s32 s1, s30  }
0xc9: {  	s0 =	sor.u32 s4, s0;
	s1 =	sshll.u32 s1, $0x11  }
0xca: {  	s0 =	sor.u32 s1, s0  }
0xcb: {  	s0 =	sadd.s32 $0x8F2B, s0  }
0xcc: {  	[sflag:s0] =	ssyncadd.remote.s32 $0x1  }
0xcd: {  	_ =	sfence.sel $0xFFFF  }
0xce: {  	[dreg:$0x0] =	wrdreg $0xFFFFFFFF;
	(pc) =	sbr.abs _section_cstart, $3  }
0xcf: {  	[dreg:$0x1] =	wrdreg $0xFFFFFFFF  }
0xd0: {  	_ =	task.clear_ibuf [dreg:s22], $0x2FFFF;
	_ =	strace $0x9FFFFFFF  }
0xd1: {  	(tm) =	ssettm $0x7FFFFFFF  }
tec
execute0_lowered:
.L_overlay_start_1:
0x0: {  	(tag) =	ssettag $0x1  }
0x1: {  	s1 =	srdreg.scid  }
0x2: {  	s0 =	stileid.u32;
	s2 =	rddreg [dreg:$0x0]  }
0x3: {  	s5 =	rddreg [dreg:$0x1];
	s19 =	simm.s32 $0x900;
	s20 =	simm.s32 $0x1100  }
0x4: {  	s21 =	simm.s32 $0x1900;
	s23 =	simm.s32 $0x2100;
	s24 =	simm.s32 $0x2900  }
0x5: {  	s25 =	simm.s32 $0x3100;
	s26 =	simm.s32 $0x3900;
	s8 =	simm.s32 $0x4900  }
0x6: {  	s9 =	simm.s32 $0x5100;
	s10 =	simm.s32 $0x5900;
	s11 =	simm.s32 $0x6100  }
0x7: {  	s12 =	simm.s32 $0x6900;
	s13 =	simm.s32 $0x7100;
	s1 =	sand.u32 $0x1, s1  }
0x8: {  	s14 =	simm.s32 $0x7900;
	s3 =	sshll.u32 s0, $0x9;
	s4 =	sshll.u32 s1, $0x8  }
0x9: {  	s15 =	simm.s32 $0x8100;
	s4 =	sor.u32 s4, s3;
	s3 =	simm.s32 $0x0  }
0xa: {  	s16 =	simm.s32 $0x8900;
	s17 =	simm.s32 $0x9100;
	[smem:$0x7FF] =	sst s3  }
0xb: {  	s28 =	simm.s32 $0xE100;
	_ =	strace $0x8000004A;
	[dreg:$0x5] =	wrdreg s19  }
0xc: {  	s29 =	simm.s32 $0xE900;
	s30 =	simm.s32 $0xF100;
	[dreg:$0x6] =	wrdreg s20  }
0xd: {  	s31 =	simm.s32 $0xF900;
	s1 =	ssub.s32 $0x2, s1;
	[dreg:$0x7] =	wrdreg s21  }
0xe: {  	s22 =	sshrl.u32 s1, $0x1;
	s6 =	sshrl.u32 s4, $0x3;
	[dreg:$0x8] =	wrdreg s23  }
0xf: {  	s4 =	sshll.u32 s4, $0x5;
	s1 =	ssub.s32 s1, s22;
	[dreg:$0x9] =	wrdreg s24  }
0x10: {  	s22 =	simm.s32 $0xB900;
	s6 =	sadd.s32 s6, s5;
	[dreg:$0xa] =	wrdreg s25  }
0x11: {  	s4 =	sadd.s32 s4, s5;
	s5 =	simm.s32 $0x2;
	[dreg:$0xb] =	wrdreg s26  }
0x12: {  	s19 =	simm.s32 $0xA100;
	s20 =	simm.s32 $0xA900;
	s21 =	simm.s32 $0xB100  }
0x13: {  	s23 =	simm.s32 $0xC100;
	s24 =	simm.s32 $0xC900;
	s18 =	sadd.s32 $0x5C00, s6  }
0x14: {  	v2 =	vlaneseq.u32;
	s25 =	simm.s32 $0xD100;
	s4 =	sadd.s32 $0x6000, s4;
	[dreg:$0x3] =	wrdreg s18  }
0x15: {  	vm0 =	vmmov $0xffff;
	v1 =	vshrl.u32 v2, $0x3;
	s26 =	simm.s32 $0xD900;
	s6 =	simm.s32 $0x100;
	[dreg:$0x4] =	wrdreg s4  }
0x16: {  	v0 =	vand.u32 $0x7, v2;
	v2 =	vor.u32 $0x8, v2;
	v1 =	vmul.u32 $0x8, v1;
	s4 =	smax.u32 s1, $0x1;
	s18 =	simm.s32 $0x9900;
	s1 =	simm.s32 $0x1  }
.LBB2_1:
0x17: {  	s0 =	rddreg [dreg:$0x3]  }
0x18: {  	[tilespmem:s3], [sflag:$0x2] =	stream.linear.gather [hbm4b:s0+s3], $0x100, $0x38;
	[tilespmem:$0x10100] =	vst v63  }
0x19: {  	_ =	swait.ge [sflag:s5], $0x100  }
0x1a: {  	[sflag:s5] =	ssyncset.done $0x0  }
0x1b: {  	[sflag:s5] =	ssyncadd.s32 $0xFFFFFF00  }
0x1c: {  	v3 =	vld [tilespmem:$0x0];
	_ =	sdelay $0x4  }
0x1d: {  	v4 =	vshll.u32 v3, $0x1  }
0x1e: {  	v3 =	vand.u32 $0x7, v3;
	v4 =	vand.u32 $0xFFFFFFF0, v4  }
0x1f: {  	v3 =	vor.u32 v3, v4  }
0x20: {  	v4 =	vperm.xlane v3, v0;
	_ =	sdelay $0x1  }
0x21: {  	v3 =	vperm.xlane v3, v2;
	v4 =	vadd.s32 v1, v4;
	_ =	sdelay $0x1  }
0x22: {  	v3 =	vadd.s32 v1, v3;
	_ =	sdelay $0x2  }
0x23: {  	[tilespmem:s6], [sflag:$0x1] =	stream.indirect_vreg.gather [hbm4b:s2+s3], $0x80, v4, vm0, $0xb8;
	[tilespmem:$0x10100] =	vst v63  }
0x24: {  	s7 =	rddreg [dreg:$0x5]  }
0x25: {  	[tilespmem:s7], [sflag:$0x1] =	stream.indirect_vreg.gather [hbm4b:s2+s3], $0x80, v3, vm0, $0xb8;
	[tilespmem:$0x10100] =	vst v63  }
0x26: {  	v3 =	vld [tilespmem:$0x10];
	_ =	sdelay $0x4  }
0x27: {  	v49 =	vshll.u32 v3, $0x1  }
0x28: {  	v3 =	vand.u32 $0x7, v3;
	v4 =	vand.u32 $0xFFFFFFF0, v49  }
0x29: {  	v3 =	vor.u32 v3, v4  }
0x2a: {  	v4 =	vperm.xlane v3, v0;
	_ =	sdelay $0x1  }
0x2b: {  	v3 =	vperm.xlane v3, v2;
	v4 =	vadd.s32 v1, v4;
	_ =	sdelay $0x1  }
0x2c: {  	v3 =	vadd.s32 v1, v3;
	_ =	sdelay $0x1  }
0x2d: {  	s0 =	rddreg [dreg:$0x6]  }
0x2e: {  	[tilespmem:s0], [sflag:$0x1] =	stream.indirect_vreg.gather [hbm4b:s2+s3], $0x80, v4, vm0, $0xb8;
	[tilespmem:$0x10100] =	vst v63  }
0x2f: {  	s7 =	rddreg [dreg:$0x7]  }
0x30: {  	[tilespmem:s7], [sflag:$0x1] =	stream.indirect_vreg.gather [hbm4b:s2+s3], $0x80, v3, vm0, $0xb8;
	[tilespmem:$0x10100] =	vst v63  }
0x31: {  	v3 =	vld [tilespmem:$0x20];
	_ =	sdelay $0x4  }
0x32: {  	v50 =	vshll.u32 v3, $0x1  }
0x33: {  	v3 =	vand.u32 $0x7, v3;
	v4 =	vand.u32 $0xFFFFFFF0, v50  }
0x34: {  	v3 =	vor.u32 v3, v4  }
0x35: {  	v4 =	vperm.xlane v3, v0;
	_ =	sdelay $0x1  }
0x36: {  	v3 =	vperm.xlane v3, v2;
	v4 =	vadd.s32 v1, v4;
	_ =	sdelay $0x1  }
0x37: {  	v3 =	vadd.s32 v1, v3;
	_ =	sdelay $0x1  }
0x38: {  	s0 =	rddreg [dreg:$0x8]  }
0x39: {  	[tilespmem:s0], [sflag:$0x1] =	stream.indirect_vreg.gather [hbm4b:s2+s3], $0x80, v4, vm0, $0xb8;
	[tilespmem:$0x10100] =	vst v63  }
0x3a: {  	s7 =	rddreg [dreg:$0x9]  }
0x3b: {  	[tilespmem:s7], [sflag:$0x1] =	stream.indirect_vreg.gather [hbm4b:s2+s3], $0x80, v3, vm0, $0xb8;
	[tilespmem:$0x10100] =	vst v63  }
0x3c: {  	v3 =	vld [tilespmem:$0x30];
	_ =	sdelay $0x4  }
0x3d: {  	v51 =	vshll.u32 v3, $0x1  }
0x3e: {  	v3 =	vand.u32 $0x7, v3;
	v4 =	vand.u32 $0xFFFFFFF0, v51  }
0x3f: {  	v3 =	vor.u32 v3, v4  }
0x40: {  	v4 =	vperm.xlane v3, v0;
	_ =	sdelay $0x1  }
0x41: {  	v3 =	vperm.xlane v3, v2;
	v4 =	vadd.s32 v1, v4;
	_ =	sdelay $0x1  }
0x42: {  	v3 =	vadd.s32 v1, v3;
	_ =	sdelay $0x1  }
0x43: {  	s0 =	rddreg [dreg:$0xa]  }
0x44: {  	[tilespmem:s0], [sflag:$0x1] =	stream.indirect_vreg.gather [hbm4b:s2+s3], $0x80, v4, vm0, $0xb8;
	[tilespmem:$0x10100] =	vst v63  }
0x45: {  	s7 =	rddreg [dreg:$0xb]  }
0x46: {  	[tilespmem:s7], [sflag:$0x1] =	stream.indirect_vreg.gather [hbm4b:s2+s3], $0x80, v3, vm0, $0xb8;
	[tilespmem:$0x10100] =	vst v63  }
0x47: {  	v3 =	vld [tilespmem:$0x40];
	_ =	sdelay $0x4  }
0x48: {  	v52 =	vshll.u32 v3, $0x1  }
0x49: {  	v3 =	vand.u32 $0x7, v3;
	v4 =	vand.u32 $0xFFFFFFF0, v52  }
0x4a: {  	v3 =	vor.u32 v3, v4  }
0x4b: {  	v4 =	vperm.xlane v3, v0;
	_ =	sdelay $0x1  }
0x4c: {  	v3 =	vperm.xlane v3, v2;
	v4 =	vadd.s32 v1, v4;
	_ =	sdelay $0x1  }
0x4d: {  	v3 =	vadd.s32 v1, v3;
	_ =	sdelay $0x1  }
0x4e: {  	s7 =	simm.s32 $0x4100  }
0x4f: {  	[tilespmem:s7], [sflag:$0x1] =	stream.indirect_vreg.gather [hbm4b:s2+s3], $0x80, v4, vm0, $0xb8;
	[tilespmem:$0x10100] =	vst v63  }
0x50: {  	_ = 	snop  }
0x51: {  	[tilespmem:s8], [sflag:$0x1] =	stream.indirect_vreg.gather [hbm4b:s2+s3], $0x80, v3, vm0, $0xb8;
	[tilespmem:$0x10100] =	vst v63  }
0x52: {  	v3 =	vld [tilespmem:$0x50];
	_ =	sdelay $0x4  }
0x53: {  	v53 =	vshll.u32 v3, $0x1  }
0x54: {  	v3 =	vand.u32 $0x7, v3;
	v4 =	vand.u32 $0xFFFFFFF0, v53  }
0x55: {  	v3 =	vor.u32 v3, v4  }
0x56: {  	v4 =	vperm.xlane v3, v0;
	_ =	sdelay $0x1  }
0x57: {  	v3 =	vperm.xlane v3, v2;
	v4 =	vadd.s32 v1, v4;
	_ =	sdelay $0x1  }
0x58: {  	v3 =	vadd.s32 v1, v3;
	_ =	sdelay $0x2  }
0x59: {  	[tilespmem:s9], [sflag:$0x1] =	stream.indirect_vreg.gather [hbm4b:s2+s3], $0x80, v4, vm0, $0xb8;
	[tilespmem:$0x10100] =	vst v63  }
0x5a: {  	_ = 	snop  }
0x5b: {  	[tilespmem:s10], [sflag:$0x1] =	stream.indirect_vreg.gather [hbm4b:s2+s3], $0x80, v3, vm0, $0xb8;
	[tilespmem:$0x10100] =	vst v63  }
0x5c: {  	v3 =	vld [tilespmem:$0x60];
	_ =	sdelay $0x4  }
0x5d: {  	v54 =	vshll.u32 v3, $0x1  }
0x5e: {  	v3 =	vand.u32 $0x7, v3;
	v4 =	vand.u32 $0xFFFFFFF0, v54  }
0x5f: {  	v3 =	vor.u32 v3, v4  }
0x60: {  	v4 =	vperm.xlane v3, v0;
	_ =	sdelay $0x1  }
0x61: {  	v3 =	vperm.xlane v3, v2;
	v4 =	vadd.s32 v1, v4;
	_ =	sdelay $0x1  }
0x62: {  	v3 =	vadd.s32 v1, v3;
	_ =	sdelay $0x2  }
0x63: {  	[tilespmem:s11], [sflag:$0x1] =	stream.indirect_vreg.gather [hbm4b:s2+s3], $0x80, v4, vm0, $0xb8;
	[tilespmem:$0x10100] =	vst v63  }
0x64: {  	_ = 	snop  }
0x65: {  	[tilespmem:s12], [sflag:$0x1] =	stream.indirect_vreg.gather [hbm4b:s2+s3], $0x80, v3, vm0, $0xb8;
	[tilespmem:$0x10100] =	vst v63  }
0x66: {  	v3 =	vld [tilespmem:$0x70];
	_ =	sdelay $0x4  }
0x67: {  	v55 =	vshll.u32 v3, $0x1  }
0x68: {  	v3 =	vand.u32 $0x7, v3;
	v4 =	vand.u32 $0xFFFFFFF0, v55  }
0x69: {  	v3 =	vor.u32 v3, v4  }
0x6a: {  	v4 =	vperm.xlane v3, v0;
	_ =	sdelay $0x1  }
0x6b: {  	v3 =	vperm.xlane v3, v2;
	v4 =	vadd.s32 v1, v4;
	_ =	sdelay $0x1  }
0x6c: {  	v3 =	vadd.s32 v1, v3;
	_ =	sdelay $0x2  }
0x6d: {  	[tilespmem:s13], [sflag:$0x1] =	stream.indirect_vreg.gather [hbm4b:s2+s3], $0x80, v4, vm0, $0xb8;
	[tilespmem:$0x10100] =	vst v63  }
0x6e: {  	_ = 	snop  }
0x6f: {  	[tilespmem:s14], [sflag:$0x1] =	stream.indirect_vreg.gather [hbm4b:s2+s3], $0x80, v3, vm0, $0xb8;
	[tilespmem:$0x10100] =	vst v63  }
0x70: {  	v3 =	vld [tilespmem:$0x80];
	_ =	sdelay $0x4  }
0x71: {  	v56 =	vshll.u32 v3, $0x1  }
0x72: {  	v3 =	vand.u32 $0x7, v3;
	v4 =	vand.u32 $0xFFFFFFF0, v56  }
0x73: {  	v3 =	vor.u32 v3, v4  }
0x74: {  	v4 =	vperm.xlane v3, v0;
	_ =	sdelay $0x1  }
0x75: {  	v3 =	vperm.xlane v3, v2;
	v4 =	vadd.s32 v1, v4;
	_ =	sdelay $0x1  }
0x76: {  	v3 =	vadd.s32 v1, v3;
	_ =	sdelay $0x2  }
0x77: {  	[tilespmem:s15], [sflag:$0x1] =	stream.indirect_vreg.gather [hbm4b:s2+s3], $0x80, v4, vm0, $0xb8;
	[tilespmem:$0x10100] =	vst v63  }
0x78: {  	_ = 	snop  }
0x79: {  	[tilespmem:s16], [sflag:$0x1] =	stream.indirect_vreg.gather [hbm4b:s2+s3], $0x80, v3, vm0, $0xb8;
	[tilespmem:$0x10100] =	vst v63  }
0x7a: {  	v3 =	vld [tilespmem:$0x90];
	_ =	sdelay $0x4  }
0x7b: {  	v57 =	vshll.u32 v3, $0x1  }
0x7c: {  	v3 =	vand.u32 $0x7, v3;
	v4 =	vand.u32 $0xFFFFFFF0, v57  }
0x7d: {  	v3 =	vor.u32 v3, v4  }
0x7e: {  	v4 =	vperm.xlane v3, v0;
	_ =	sdelay $0x1  }
0x7f: {  	v3 =	vperm.xlane v3, v2;
	v4 =	vadd.s32 v1, v4;
	_ =	sdelay $0x1  }
0x80: {  	v3 =	vadd.s32 v1, v3;
	_ =	sdelay $0x2  }
0x81: {  	[tilespmem:s17], [sflag:$0x1] =	stream.indirect_vreg.gather [hbm4b:s2+s3], $0x80, v4, vm0, $0xb8;
	[tilespmem:$0x10100] =	vst v63  }
0x82: {  	_ = 	snop  }
0x83: {  	[tilespmem:s18], [sflag:$0x1] =	stream.indirect_vreg.gather [hbm4b:s2+s3], $0x80, v3, vm0, $0xb8;
	[tilespmem:$0x10100] =	vst v63  }
0x84: {  	v3 =	vld [tilespmem:$0xA0];
	_ =	sdelay $0x4  }
0x85: {  	v58 =	vshll.u32 v3, $0x1  }
0x86: {  	v3 =	vand.u32 $0x7, v3;
	v4 =	vand.u32 $0xFFFFFFF0, v58  }
0x87: {  	v3 =	vor.u32 v3, v4  }
0x88: {  	v4 =	vperm.xlane v3, v0;
	_ =	sdelay $0x1  }
0x89: {  	v3 =	vperm.xlane v3, v2;
	v4 =	vadd.s32 v1, v4;
	_ =	sdelay $0x1  }
0x8a: {  	v3 =	vadd.s32 v1, v3;
	_ =	sdelay $0x2  }
0x8b: {  	[tilespmem:s19], [sflag:$0x1] =	stream.indirect_vreg.gather [hbm4b:s2+s3], $0x80, v4, vm0, $0xb8;
	[tilespmem:$0x10100] =	vst v63  }
0x8c: {  	_ = 	snop  }
0x8d: {  	[tilespmem:s20], [sflag:$0x1] =	stream.indirect_vreg.gather [hbm4b:s2+s3], $0x80, v3, vm0, $0xb8;
	[tilespmem:$0x10100] =	vst v63  }
0x8e: {  	v3 =	vld [tilespmem:$0xB0];
	_ =	sdelay $0x4  }
0x8f: {  	v59 =	vshll.u32 v3, $0x1  }
0x90: {  	v3 =	vand.u32 $0x7, v3;
	v4 =	vand.u32 $0xFFFFFFF0, v59  }
0x91: {  	v3 =	vor.u32 v3, v4  }
0x92: {  	v4 =	vperm.xlane v3, v0;
	_ =	sdelay $0x1  }
0x93: {  	v3 =	vperm.xlane v3, v2;
	v4 =	vadd.s32 v1, v4;
	_ =	sdelay $0x1  }
0x94: {  	v3 =	vadd.s32 v1, v3;
	_ =	sdelay $0x2  }
0x95: {  	[tilespmem:s21], [sflag:$0x1] =	stream.indirect_vreg.gather [hbm4b:s2+s3], $0x80, v4, vm0, $0xb8;
	[tilespmem:$0x10100] =	vst v63  }
0x96: {  	_ = 	snop  }
0x97: {  	[tilespmem:s22], [sflag:$0x1] =	stream.indirect_vreg.gather [hbm4b:s2+s3], $0x80, v3, vm0, $0xb8;
	[tilespmem:$0x10100] =	vst v63  }
0x98: {  	v3 =	vld [tilespmem:$0xC0];
	_ =	sdelay $0x4  }
0x99: {  	v60 =	vshll.u32 v3, $0x1  }
0x9a: {  	v3 =	vand.u32 $0x7, v3;
	v4 =	vand.u32 $0xFFFFFFF0, v60  }
0x9b: {  	v3 =	vor.u32 v3, v4  }
0x9c: {  	v4 =	vperm.xlane v3, v0;
	_ =	sdelay $0x1  }
0x9d: {  	v3 =	vperm.xlane v3, v2;
	v4 =	vadd.s32 v1, v4;
	_ =	sdelay $0x1  }
0x9e: {  	v3 =	vadd.s32 v1, v3;
	_ =	sdelay $0x2  }
0x9f: {  	[tilespmem:s23], [sflag:$0x1] =	stream.indirect_vreg.gather [hbm4b:s2+s3], $0x80, v4, vm0, $0xb8;
	[tilespmem:$0x10100] =	vst v63  }
0xa0: {  	_ = 	snop  }
0xa1: {  	[tilespmem:s24], [sflag:$0x1] =	stream.indirect_vreg.gather [hbm4b:s2+s3], $0x80, v3, vm0, $0xb8;
	[tilespmem:$0x10100] =	vst v63  }
0xa2: {  	v3 =	vld [tilespmem:$0xD0];
	_ =	sdelay $0x4  }
0xa3: {  	v61 =	vshll.u32 v3, $0x1  }
0xa4: {  	v3 =	vand.u32 $0x7, v3;
	v4 =	vand.u32 $0xFFFFFFF0, v61  }
0xa5: {  	v3 =	vor.u32 v3, v4  }
0xa6: {  	v4 =	vperm.xlane v3, v0;
	_ =	sdelay $0x1  }
0xa7: {  	v3 =	vperm.xlane v3, v2;
	v4 =	vadd.s32 v1, v4;
	_ =	sdelay $0x1  }
0xa8: {  	v3 =	vadd.s32 v1, v3;
	_ =	sdelay $0x2  }
0xa9: {  	[tilespmem:s25], [sflag:$0x1] =	stream.indirect_vreg.gather [hbm4b:s2+s3], $0x80, v4, vm0, $0xb8;
	[tilespmem:$0x10100] =	vst v63  }
0xaa: {  	_ = 	snop  }
0xab: {  	[tilespmem:s26], [sflag:$0x1] =	stream.indirect_vreg.gather [hbm4b:s2+s3], $0x80, v3, vm0, $0xb8;
	[tilespmem:$0x10100] =	vst v63  }
0xac: {  	v3 =	vld [tilespmem:$0xE0];
	_ =	sdelay $0x4  }
0xad: {  	v62 =	vshll.u32 v3, $0x1  }
0xae: {  	v3 =	vand.u32 $0x7, v3;
	v4 =	vand.u32 $0xFFFFFFF0, v62  }
0xaf: {  	v3 =	vor.u32 v3, v4  }
0xb0: {  	v4 =	vperm.xlane v3, v0;
	_ =	sdelay $0x1  }
0xb1: {  	v3 =	vperm.xlane v3, v2;
	v4 =	vadd.s32 v1, v4;
	_ =	sdelay $0x1  }
0xb2: {  	v3 =	vadd.s32 v1, v3;
	_ =	sdelay $0x2  }
0xb3: {  	[tilespmem:s28], [sflag:$0x1] =	stream.indirect_vreg.gather [hbm4b:s2+s3], $0x80, v4, vm0, $0xb8;
	[tilespmem:$0x10100] =	vst v63  }
0xb4: {  	_ = 	snop  }
0xb5: {  	[tilespmem:s29], [sflag:$0x1] =	stream.indirect_vreg.gather [hbm4b:s2+s3], $0x80, v3, vm0, $0xb8;
	[tilespmem:$0x10100] =	vst v63  }
0xb6: {  	v3 =	vld [tilespmem:$0xF0];
	_ =	sdelay $0x4  }
0xb7: {  	v63 =	vshll.u32 v3, $0x1  }
0xb8: {  	v3 =	vand.u32 $0x7, v3;
	v4 =	vand.u32 $0xFFFFFFF0, v63  }
0xb9: {  	v3 =	vor.u32 v3, v4  }
0xba: {  	v4 =	vperm.xlane v3, v0;
	_ =	sdelay $0x1  }
0xbb: {  	v3 =	vperm.xlane v3, v2;
	v4 =	vadd.s32 v1, v4;
	_ =	sdelay $0x1  }
0xbc: {  	v3 =	vadd.s32 v1, v3;
	_ =	sdelay $0x2  }
0xbd: {  	[tilespmem:s30], [sflag:$0x1] =	stream.indirect_vreg.gather [hbm4b:s2+s3], $0x80, v4, vm0, $0xb8;
	[tilespmem:$0x10100] =	vst v63  }
0xbe: {  	_ = 	snop  }
0xbf: {  	[tilespmem:s31], [sflag:$0x1] =	stream.indirect_vreg.gather [hbm4b:s2+s3], $0x80, v3, vm0, $0xb8;
	[tilespmem:$0x10100] =	vst v63  }
0xc0: {  	_ =	swait.ge [sflag:s1], $0x8000  }
0xc1: {  	[sflag:s1] =	ssyncset.done $0x0  }
0xc2: {  	[sflag:s1] =	ssyncadd.s32 $0xFFFF8000  }
0xc3: {  	_ =	swait.ge [sflag:s1], $0x8000  }
0xc4: {  	p0 =	sne.s32 s4, $0x1;
	[sflag:s1] =	ssyncset.done $0x0  }
.Ltmp0:
0xc5: {  	s7 =	rddreg [dreg:$0x4];
	[sflag:s1] =	ssyncadd.s32 $0xFFFF8000;
	(pc) =	sbr.rel @p0 .LBB2_1-.Ltmp0, $4  }
0xc6: {  	[hbm4b:s7+s3] =	stream.linear.scatter [tilespmem:s6], [sflag:$0x2], $0x10000, $0x38;
	[tilespmem:$0x10100] =	vst v63  }
0xc7: {  	_ =	swait.ge [sflag:s5], $0x10000  }
0xc8: {  	[sflag:s5] =	ssyncset.done $0x0  }
0xc9: {  	s4 =	sadd.s32 $0xFFFFFFFF, s4;
	[sflag:s5] =	ssyncadd.s32 $0xFFFF0000  }
0xca: {  	_ =	sfence.sel $0x180000  }
0xcb: {  	[bflag:$0x0] =	sbarrier.arrive $0xFFFF  }
0xcc: {  	_ =	strace $0x9000004A  }
0xcd: {  	s0 =	stileid.u32;
	[bflag:$0x2] =	sbarrier.arrive $0xFFFF  }
0xce: {  	p0 =	sne.s32 s0, $0x0;
	s0 =	rddreg [dreg:$0x2]  }
0xcf: {  	s0 =	sadd.s32 @!p0 $0x100000, s0  }
0xd0: {  	[sflag:s0] =	ssyncadd.tile.s32 @!p0 $0x1;
	_ =	shalt  }
.Lfunc_end2:
_tile_overlayer_lowered:
.L_overlay_start_2:
0xd1: {  	(tag) =	ssettag $0x2  }
0xd2: {  	s0 =	rddreg [dreg:$0x0];
	s2 =	stileid.u32  }
0xd3: {  	s1 =	rddreg [dreg:$0x1];
	p0 =	sne.s32 s2, $0x0  }
0xd4: {  	s3 =	rddreg [dreg:$0x2];
	[bflag:$0x3] =	sbarrier.arrive $0xFFFF;
	s2 =	simm.s32 @!p0 $0x1C02  }
0xd5: {  	[timem:s3], [sflag:s2] =	dma.local @!p0 [hbm:s0], s1  }
0xd6: {  	s0 =	simm.s32 @!p0 $0x2  }
0xd7: {  	_ =	swait.ge @!p0 [sflag:s0], s1  }
0xd8: {  	s1 =	ssub.s32 @!p0 $0x0, s1;
	[sflag:s0] =	ssyncset.done @!p0 $0x0  }
0xd9: {  	[sflag:s0] =	ssyncadd.s32 @!p0 s1  }
0xda: {  	[bflag:$0x3] =	sbarrier.arrive $0xFFFF  }
0xdb: {  	_ =	shalt  }

// kernel: kernel.23.cloned.1.call-start
scs
__scs_entry_jumppad:
0x0: {  	(pc) =	sbr.rel $0x88, $3  }
0x1: {  	(tag) =	ssettag $0x0;
	lr =	simm.s32 $0x1  }
0x2: {  	[smem:$0x3F9C] =	sst lr;
	_ =	strace $0xD0000000  }
0x3: {  	_ = 	snop  }
0x4: {  	_ = 	snop  }
0x5: {  	_ = 	snop  }
0x6: {  	_ = 	snop  }
0x7: {  	_ = 	snop  }
__scs_overlays_trampoline_lowered:
0x8: {  	[smem:$0x3FAB] =	sst s0  }
0x9: {  	[smem:$0x3FAC] =	sst s1  }
0xa: {  	[smem:$0x3FAD] =	sst s2  }
0xb: {  	[smem:$0x3FAE] =	sst s3  }
0xc: {  	[smem:$0x3FAF] =	sst s4  }
0xd: {  	[smem:$0x3FB0] =	sst s5  }
0xe: {  	[smem:$0x3FB1] =	sst s6  }
0xf: {  	[smem:$0x3FB2] =	sst s7  }
0x10: {  	[smem:$0x3FB3] =	sst s8  }
0x11: {  	[smem:$0x3FB4] =	sst s9;
	s0 =	simm.s32 @!p0 $0x0  }
0x12: {  	s1 =	sld [smem:$0x3F9A];
	s0 =	simm.s32 @p0 $0x1  }
0x13: {  	[smem:$0x3FB5] =	sst s0;
	s0 =	simm.s32 @!p1 $0x0  }
0x14: {  	s2 =	sld [smem:$0x3F99];
	s0 =	simm.s32 @p1 $0x1  }
0x15: {  	[smem:$0x3FB6] =	sst s0;
	s0 =	simm.s32 @!p2 $0x0  }
0x16: {  	s3 =	sld [smem:$0x3FDB];
	s0 =	simm.s32 @p2 $0x1  }
0x17: {  	s4 =	simm.s32 $0x1BF5;
	[smem:$0x3FB8] =	sst s0  }
0x18: {  	s0 =	sld [smem:$0x3F9B];
	_ =	swait.ge [sflag:s4], $0x0  }
0x19: {  	s7 =	sld [smem:$0x3F9C]  }
0x1a: {  	s8 =	sadd.s32 $0xFFFFE003, lr  }
0x1b: {  	s9 =	sadd.s32 $0xFFFFFEF7, lr;
	s5 =	simm.s32 $0xFFFFFFFF;
	p2 =	slt.u32 s8, $0xFFFFF086  }
0x1c: {  	p1 =	slt.u32 s9, $0xF7A;
	s5 =	simm.s32 @!p2 $0x0  }
0x1d: {  	s5 =	simm.s32 @p1 $0x1;
	p0 =	seq.s32 s7, s2  }
0x1e: {  	s7 =	smul.u32 @!p0 $0xF7A, s2;
	p2 =	seq.s32 @!p0 s5, $0x0  }
0x1f: {  	s9 =	smul.u32 $0xF7A, s1;
	s8 =	simm.s32 @!p0 $0x1BF5;
	p2 =	por !p2, p0  }
0x20: {  	[sflag:s8] =	ssyncset.s32 @!p0 $0xFFFFF086;
	s6 =	sadd.s32 @!p0 s3, s7;
	s7 =	simm.s32 @!p0 $0x108  }
0x21: {  	s3 =	sadd.s32 s3, s9;
	s6 =	sadd.s32 @!p0 $0x88, s6;
	s7 =	simm.s32 @p2 $0x1082  }
0x22: {  	[simem:s7], [sflag:s8] =	dma.local @!p0 [hbm:s6], $0xF7A  }
0x23: {  	s9 =	sor.u32 $0xD0000000, s2;
	s6 =	simm.s32 $0x108;
	_ =	swait.ge @!p0 [sflag:s8], $0x0  }
0x24: {  	s3 =	sadd.s32 $0x88, s3;
	s6 =	simm.s32 @!p1 $0x1082;
	[sflag:s4] =	ssyncset.s32 $0xFFFFF086  }
0x25: {  	[simem:s6], [sflag:s4] =	dma.local [hbm:s3], $0xF7A  }
0x26: {  	[smem:$0x3F9C] =	sst s1;
	(tag) =	ssettag s2;
	_ =	strace s9  }
0x27: {  	s1 =	sld [smem:$0x3FAC]  }
0x28: {  	s2 =	sld [smem:$0x3FAD]  }
0x29: {  	s4 =	sld [smem:$0x3FAF]  }
0x2a: {  	p0 =	seq.s32 s5, $0x0;
	s5 =	sld [smem:$0x3FB0]  }
0x2b: {  	s6 =	sld [smem:$0x3FB1]  }
0x2c: {  	s7 =	sld [smem:$0x3FB2]  }
0x2d: {  	s3 =	simm.s32 $0x108;
	s8 =	sld [smem:$0x3FB3]  }
0x2e: {  	s3 =	simm.s32 @!p0 $0x1082;
	s9 =	sld [smem:$0x3FB4]  }
0x2f: {  	lr =	sadd.s32 s0, s3;
	s0 =	sld [smem:$0x3FAB]  }
0x30: {  	s3 =	sld [smem:$0x3FAE]  }
0x31: {  	[smem:$0x3FB7] =	sst s10  }
0x32: {  	s10 =	sld [smem:$0x3FB5];
	_ =	sdelay $0x3  }
0x33: {  	p0 =	seq.s32 s10, $0x1;
	s10 =	sld [smem:$0x3FB7];
	_ =	sdelay $0x3  }
0x34: {  	[smem:$0x3FB7] =	sst s10  }
0x35: {  	s10 =	sld [smem:$0x3FB6];
	_ =	sdelay $0x3  }
0x36: {  	p1 =	seq.s32 s10, $0x1;
	s10 =	sld [smem:$0x3FB7];
	_ =	sdelay $0x3  }
0x37: {  	[smem:$0x3FB7] =	sst s10  }
0x38: {  	s10 =	sld [smem:$0x3FB8]  }
0x39: {  	_ = 	snop;
	(pc) =	sbr.ind lr, $3  }
0x3a: {  	_ = 	snop  }
0x3b: {  	_ = 	snop  }
0x3c: {  	p2 =	seq.s32 s10, $0x1;
	s10 =	sld [smem:$0x3FB7]  }
0x3d: {  	_ =	shalt  }
0x3e: {  	_ =	shalt  }
0x3f: {  	_ =	shalt  }
0x40: {  	_ =	shalt  }
0x41: {  	_ =	shalt  }
0x42: {  	_ =	shalt  }
0x43: {  	_ =	shalt  }
0x44: {  	_ =	shalt  }
0x45: {  	_ =	shalt  }
0x46: {  	_ =	shalt  }
0x47: {  	_ =	shalt  }
0x48: {  	_ =	shalt  }
0x49: {  	_ =	shalt  }
0x4a: {  	_ =	shalt  }
0x4b: {  	_ =	shalt  }
0x4c: {  	_ =	shalt  }
0x4d: {  	_ =	shalt  }
0x4e: {  	_ =	shalt  }
0x4f: {  	_ =	shalt  }
0x50: {  	_ =	shalt  }
0x51: {  	_ =	shalt  }
0x52: {  	_ =	shalt  }
0x53: {  	_ =	shalt  }
0x54: {  	_ =	shalt  }
0x55: {  	_ =	shalt  }
0x56: {  	_ =	shalt  }
0x57: {  	_ =	shalt  }
0x58: {  	_ =	shalt  }
0x59: {  	_ =	shalt  }
0x5a: {  	_ =	shalt  }
0x5b: {  	_ =	shalt  }
0x5c: {  	_ =	shalt  }
0x5d: {  	_ =	shalt  }
0x5e: {  	_ =	shalt  }
0x5f: {  	_ =	shalt  }
0x60: {  	_ =	shalt  }
0x61: {  	_ =	shalt  }
0x62: {  	_ =	shalt  }
0x63: {  	_ =	shalt  }
0x64: {  	_ =	shalt  }
0x65: {  	_ =	shalt  }
0x66: {  	_ =	shalt  }
0x67: {  	_ =	shalt  }
0x68: {  	_ =	shalt  }
0x69: {  	_ =	shalt  }
0x6a: {  	_ =	shalt  }
0x6b: {  	_ =	shalt  }
0x6c: {  	_ =	shalt  }
0x6d: {  	_ =	shalt  }
0x6e: {  	_ =	shalt  }
0x6f: {  	_ =	shalt  }
0x70: {  	_ =	shalt  }
0x71: {  	_ =	shalt  }
0x72: {  	_ =	shalt  }
0x73: {  	_ =	shalt  }
0x74: {  	_ =	shalt  }
0x75: {  	_ =	shalt  }
0x76: {  	_ =	shalt  }
0x77: {  	_ =	shalt  }
0x78: {  	_ =	shalt  }
0x79: {  	_ =	shalt  }
0x7a: {  	_ =	shalt  }
0x7b: {  	_ =	shalt  }
0x7c: {  	_ =	shalt  }
0x7d: {  	_ =	shalt  }
0x7e: {  	_ =	shalt  }
0x7f: {  	_ =	shalt  }
0x80: {  	_ =	shalt  }
0x81: {  	_ =	shalt  }
0x82: {  	_ =	shalt  }
0x83: {  	_ =	shalt  }
0x84: {  	_ =	shalt  }
0x85: {  	_ =	shalt  }
0x86: {  	_ =	shalt  }
0x87: {  	_ =	shalt  }
.Lfunc_end0:
.L_simem_size_0:
called_computation.1_lowered:
.L_overlay_start_0:
0x88: {  	s2 =	sld [smem:$0x3FD9]  }
0x89: {  	s3 =	sld [smem:$0x3FFE];
	_ =	sdelay $0x1  }
0x8a: {  	s1 =	srdreg.scid  }
0x8b: {  	s0 =	sand.u32 $0x1, s1  }
0x8c: {  	s15 =	sshll.u32 s0, $0xA;
	s2 =	sadd.s32 s3, s2  }
0x8d: {  	s2 =	sadd.s32 s2, s15  }
0x8e: {  	[smem:$0x3FC3] =	sst s2  }
0x8f: {  	_ = 	snop  }
0x90: {  	s2 =	sld [smem:$0x3FD0];
	_ =	sdelay $0x2  }
0x91: {  	s4 =	simm.s32 $0xB;
	s5 =	simm.s32 $0x10;
	s16 =	sld [smem:$0x3FC8]  }
0x92: {  	[smem:s5], [sflag:s4] =	dma.local [hbm:s2], $0x1  }
0x93: {  	_ =	swait.eq [sflag:s4], $0x1  }
0x94: {  	[sflag:s4] =	ssyncset.done $0x0  }
0x95: {  	s17 =	sld [smem:$0x10];
	[sflag:s4] =	ssyncadd.s32 $0xFFFFFFFF  }
0x96: {  	s18 =	sld [smem:$0x11];
	(tm) =	ssettm $0x1  }
0x97: {  	s19 =	sld [smem:$0x3FFB];
	_ =	sdelay $0x3  }
0x98: {  	_ =	strace s19  }
0x99: {  	s5 =	sld [smem:$0x3FFC];
	_ =	sdelay $0x3  }
0x9a: {  	_ =	strace s5  }
0x9b: {  	s5 =	sld [smem:$0x3FFD];
	_ =	sdelay $0x3  }
0x9c: {  	_ =	strace s5  }
0x9d: {  	_ =	strace $0x8FFFFFFF  }
0x9e: {  	s20 =	sld [smem:$0x3FDB];
	_ =	sdelay $0x1  }
0x9f: {  	s6 =	simm.s32 $_scs_section_size  }
0xa0: {  	s7 =	simm.s32 $_size__tile_overlayer_lowered;
	s8 =	simm.s32 $_tile_overlayer_lowered  }
0xa1: {  	s23 =	simm.s32 $0x1BFF;
	s22 =	sshll.u32 s8, $0x1;
	s5 =	sadd.s32 s6, s20  }
0xa2: {  	s9 =	simm.s32 $0x0;
	s21 =	sshll.u32 s7, $0x1;
	s7 =	sadd.s32 s22, s5  }
0xa3: {  	[timem:s9], [sflag:s23] =	dma.local [hbm:s7], s21  }
0xa4: {  	_ =	swait.ge [sflag:s23], s21  }
0xa5: {  	s6 =	ssub.s32 $0x0, s21;
	[sflag:s23] =	ssyncset.done $0x0  }
0xa6: {  	[sflag:s23] =	ssyncadd.s32 s6;
	_ =	sdelay $0x1  }
0xa7: {  	s24 =	simm.s32 $0x1B8B  }
0xa8: {  	_ =	swait.ge [sflag:s24], $0x1  }
0xa9: {  	[sflag:s24] =	ssyncset.done $0x0  }
0xaa: {  	s25 =	simm.s32 $0x1B8E;
	[sflag:s24] =	ssyncadd.s32 $0xFFFFFFFF  }
0xab: {  	s26 =	simm.s32 $execute0_lowered;
	[smem:$0x3FD2] =	sst s25  }
0xac: {  	s6 =	sshll.u32 s26, $0x1;
	_ =	strace $0x80000046;
	[dreg:$0x1] =	wrdreg $0xFFFFFFFF  }
0xad: {  	s28 =	simm.s32 $_size_execute0_lowered;
	s5 =	sadd.s32 s5, s6;
	[dreg:$0x0] =	wrdreg $0x0  }
0xae: {  	s6 =	sshll.u32 s28, $0x1;
	[dreg:$0x2] =	wrdreg s5  }
0xaf: {  	[dreg:$0x3] =	wrdreg s6  }
0xb0: {  	[dreg:$0x4] =	wrdreg $0xC0  }
0xb1: {  	_ =	task [dreg:s9], $0x5FFFF  }
0xb2: {  	[dreg:$0x1] =	wrdreg $0xFFFFFFFF  }
0xb3: {  	[dreg:$0x0] =	wrdreg $0x60  }
0xb4: {  	[dreg:$0x2] =	wrdreg s16  }
0xb5: {  	[dreg:$0x3] =	wrdreg s17  }
0xb6: {  	[dreg:$0x4] =	wrdreg s18  }
0xb7: {  	[dreg:$0x5] =	wrdreg $0xA  }
0xb8: {  	_ =	task.clear_ibuf [dreg:s9], $0x6FFFF;
	_ =	strace $0x90000046  }
0xb9: {  	s29 =	simm.s32 $0xA;
	_ =	strace $0x80000048  }
0xba: {  	_ =	swait.ge [sflag:s29], $0x1  }
0xbb: {  	[sflag:s29] =	ssyncadd.s32 $0xFFFFFFFF  }
0xbc: {  	_ =	strace $0x90000048  }
0xbd: {  	_ =	sfence  }
0xbe: {  	s30 =	sld [smem:$0x0];
	_ =	sdelay $0x2  }
0xbf: {  	s31 =	sshll.u32 s1, $0xD;
	s1 =	sshrl.u32 s1, $0x2  }
0xc0: {  	s3 =	sand.u32 $0x4000, s31;
	s1 =	sadd.s32 s1, s30  }
0xc1: {  	s0 =	sor.u32 s3, s0;
	s1 =	sshll.u32 s1, $0x11  }
0xc2: {  	s0 =	sor.u32 s1, s0  }
0xc3: {  	s0 =	sadd.s32 $0x8F2B, s0  }
0xc4: {  	[sflag:s0] =	ssyncadd.remote.s32 $0x1  }
0xc5: {  	_ =	sfence.sel $0xFFFF  }
0xc6: {  	[dreg:$0x0] =	wrdreg $0xFFFFFFFF;
	(pc) =	sbr.abs _section_cstart, $3  }
0xc7: {  	[dreg:$0x1] =	wrdreg $0xFFFFFFFF  }
0xc8: {  	_ =	task.clear_ibuf [dreg:s9], $0x2FFFF;
	_ =	strace $0x9FFFFFFF  }
0xc9: {  	(tm) =	ssettm $0x7FFFFFFF  }
tec
execute0_lowered:
.L_overlay_start_1:
0x0: {  	(tag) =	ssettag $0x1  }
0x1: {  	s1 =	rddreg [dreg:$0x0]  }
0x2: {  	s2 =	srdreg.scid;
	s4 =	rddreg [dreg:$0x1]  }
0x3: {  	s0 =	stileid.u32;
	s5 =	rddreg [dreg:$0x2]  }
0x4: {  	s3 =	simm.s32 $0x0;
	s19 =	simm.s32 $0x900;
	s20 =	simm.s32 $0x1100  }
0x5: {  	s21 =	simm.s32 $0x1900;
	s23 =	simm.s32 $0x2100;
	s24 =	simm.s32 $0x2900  }
0x6: {  	s25 =	simm.s32 $0x3100;
	s26 =	simm.s32 $0x3900;
	s8 =	simm.s32 $0x4900  }
0x7: {  	s9 =	simm.s32 $0x5100;
	s10 =	simm.s32 $0x5900;
	s11 =	simm.s32 $0x6100  }
0x8: {  	s12 =	simm.s32 $0x6900;
	s13 =	simm.s32 $0x7100;
	[smem:$0x7FF] =	sst s3  }
0x9: {  	s14 =	simm.s32 $0x7900;
	_ =	strace $0x80000047;
	[dreg:$0x6] =	wrdreg s19  }
0xa: {  	s15 =	simm.s32 $0x8100;
	s16 =	simm.s32 $0x8900;
	[dreg:$0x7] =	wrdreg s20  }
0xb: {  	s17 =	simm.s32 $0x9100;
	s28 =	simm.s32 $0xE100;
	[dreg:$0x8] =	wrdreg s21  }
0xc: {  	s29 =	simm.s32 $0xE900;
	s30 =	simm.s32 $0xF100;
	[dreg:$0x9] =	wrdreg s23  }
0xd: {  	s31 =	simm.s32 $0xF900;
	s2 =	sand.u32 $0x1, s2;
	[dreg:$0xa] =	wrdreg s24  }
0xe: {  	s6 =	sshll.u32 s0, $0x9;
	s7 =	sshll.u32 s2, $0x8;
	[dreg:$0xb] =	wrdreg s25  }
0xf: {  	s2 =	ssub.s32 $0x2, s2;
	[dreg:$0xc] =	wrdreg s26;
	s19 =	simm.s32 $0xA100  }
0x10: {  	s20 =	simm.s32 $0xA900;
	s21 =	simm.s32 $0xB100;
	s23 =	simm.s32 $0xC100  }
0x11: {  	s24 =	simm.s32 $0xC900;
	s25 =	simm.s32 $0xD100;
	s6 =	sor.u32 s7, s6  }
0x12: {  	s26 =	simm.s32 $0xD900;
	s22 =	sshrl.u32 s2, $0x1;
	s7 =	sshrl.u32 s6, $0x3  }
0x13: {  	s6 =	sshll.u32 s6, $0x5;
	s2 =	ssub.s32 s2, s22;
	s4 =	sadd.s32 s4, s7  }
0x14: {  	v2 =	vlaneseq.u32;
	s22 =	simm.s32 $0xB900;
	s18 =	sadd.s32 s5, s6;
	[dreg:$0x4] =	wrdreg s4  }
0x15: {  	vm0 =	vmmov $0xffff;
	v1 =	vshrl.u32 v2, $0x3;
	s5 =	simm.s32 $0x2;
	s6 =	simm.s32 $0x100;
	[dreg:$0x5] =	wrdreg s18  }
0x16: {  	v0 =	vand.u32 $0x7, v2;
	v2 =	vor.u32 $0x8, v2;
	v1 =	vmul.u32 $0x8, v1;
	s4 =	smax.u32 s2, $0x1;
	s18 =	simm.s32 $0x9900;
	s2 =	simm.s32 $0x1  }
.LBB2_1:
0x17: {  	s0 =	rddreg [dreg:$0x4]  }
0x18: {  	[tilespmem:s3], [sflag:$0x2] =	stream.linear.gather [hbm4b:s0+s3], $0x100, $0x38;
	[tilespmem:$0x10100] =	vst v63  }
0x19: {  	_ =	swait.ge [sflag:s5], $0x100  }
0x1a: {  	[sflag:s5] =	ssyncset.done $0x0  }
0x1b: {  	[sflag:s5] =	ssyncadd.s32 $0xFFFFFF00  }
0x1c: {  	v3 =	vld [tilespmem:$0x0];
	_ =	sdelay $0x4  }
0x1d: {  	v4 =	vshll.u32 v3, $0x1  }
0x1e: {  	v3 =	vand.u32 $0x7, v3;
	v4 =	vand.u32 $0xFFFFFFF0, v4  }
0x1f: {  	v3 =	vor.u32 v3, v4  }
0x20: {  	v4 =	vperm.xlane v3, v0;
	_ =	sdelay $0x1  }
0x21: {  	v3 =	vperm.xlane v3, v2;
	v4 =	vadd.s32 v1, v4;
	_ =	sdelay $0x1  }
0x22: {  	v3 =	vadd.s32 v1, v3;
	_ =	sdelay $0x2  }
0x23: {  	[tilespmem:s6], [sflag:$0x1] =	stream.indirect_vreg.gather [hbm4b:s1+s3], $0x80, v4, vm0, $0xb8;
	[tilespmem:$0x10100] =	vst v63  }
0x24: {  	s7 =	rddreg [dreg:$0x6]  }
0x25: {  	[tilespmem:s7], [sflag:$0x1] =	stream.indirect_vreg.gather [hbm4b:s1+s3], $0x80, v3, vm0, $0xb8;
	[tilespmem:$0x10100] =	vst v63  }
0x26: {  	v3 =	vld [tilespmem:$0x10];
	_ =	sdelay $0x4  }
0x27: {  	v49 =	vshll.u32 v3, $0x1  }
0x28: {  	v3 =	vand.u32 $0x7, v3;
	v4 =	vand.u32 $0xFFFFFFF0, v49  }
0x29: {  	v3 =	vor.u32 v3, v4  }
0x2a: {  	v4 =	vperm.xlane v3, v0;
	_ =	sdelay $0x1  }
0x2b: {  	v3 =	vperm.xlane v3, v2;
	v4 =	vadd.s32 v1, v4;
	_ =	sdelay $0x1  }
0x2c: {  	v3 =	vadd.s32 v1, v3;
	_ =	sdelay $0x1  }
0x2d: {  	s0 =	rddreg [dreg:$0x7]  }
0x2e: {  	[tilespmem:s0], [sflag:$0x1] =	stream.indirect_vreg.gather [hbm4b:s1+s3], $0x80, v4, vm0, $0xb8;
	[tilespmem:$0x10100] =	vst v63  }
0x2f: {  	s7 =	rddreg [dreg:$0x8]  }
0x30: {  	[tilespmem:s7], [sflag:$0x1] =	stream.indirect_vreg.gather [hbm4b:s1+s3], $0x80, v3, vm0, $0xb8;
	[tilespmem:$0x10100] =	vst v63  }
0x31: {  	v3 =	vld [tilespmem:$0x20];
	_ =	sdelay $0x4  }
0x32: {  	v50 =	vshll.u32 v3, $0x1  }
0x33: {  	v3 =	vand.u32 $0x7, v3;
	v4 =	vand.u32 $0xFFFFFFF0, v50  }
0x34: {  	v3 =	vor.u32 v3, v4  }
0x35: {  	v4 =	vperm.xlane v3, v0;
	_ =	sdelay $0x1  }
0x36: {  	v3 =	vperm.xlane v3, v2;
	v4 =	vadd.s32 v1, v4;
	_ =	sdelay $0x1  }
0x37: {  	v3 =	vadd.s32 v1, v3;
	_ =	sdelay $0x1  }
0x38: {  	s0 =	rddreg [dreg:$0x9]  }
0x39: {  	[tilespmem:s0], [sflag:$0x1] =	stream.indirect_vreg.gather [hbm4b:s1+s3], $0x80, v4, vm0, $0xb8;
	[tilespmem:$0x10100] =	vst v63  }
0x3a: {  	s7 =	rddreg [dreg:$0xa]  }
0x3b: {  	[tilespmem:s7], [sflag:$0x1] =	stream.indirect_vreg.gather [hbm4b:s1+s3], $0x80, v3, vm0, $0xb8;
	[tilespmem:$0x10100] =	vst v63  }
0x3c: {  	v3 =	vld [tilespmem:$0x30];
	_ =	sdelay $0x4  }
0x3d: {  	v51 =	vshll.u32 v3, $0x1  }
0x3e: {  	v3 =	vand.u32 $0x7, v3;
	v4 =	vand.u32 $0xFFFFFFF0, v51  }
0x3f: {  	v3 =	vor.u32 v3, v4  }
0x40: {  	v4 =	vperm.xlane v3, v0;
	_ =	sdelay $0x1  }
0x41: {  	v3 =	vperm.xlane v3, v2;
	v4 =	vadd.s32 v1, v4;
	_ =	sdelay $0x1  }
0x42: {  	v3 =	vadd.s32 v1, v3;
	_ =	sdelay $0x1  }
0x43: {  	s0 =	rddreg [dreg:$0xb]  }
0x44: {  	[tilespmem:s0], [sflag:$0x1] =	stream.indirect_vreg.gather [hbm4b:s1+s3], $0x80, v4, vm0, $0xb8;
	[tilespmem:$0x10100] =	vst v63  }
0x45: {  	s7 =	rddreg [dreg:$0xc]  }
0x46: {  	[tilespmem:s7], [sflag:$0x1] =	stream.indirect_vreg.gather [hbm4b:s1+s3], $0x80, v3, vm0, $0xb8;
	[tilespmem:$0x10100] =	vst v63  }
0x47: {  	v3 =	vld [tilespmem:$0x40];
	_ =	sdelay $0x4  }
0x48: {  	v52 =	vshll.u32 v3, $0x1  }
0x49: {  	v3 =	vand.u32 $0x7, v3;
	v4 =	vand.u32 $0xFFFFFFF0, v52  }
0x4a: {  	v3 =	vor.u32 v3, v4  }
0x4b: {  	v4 =	vperm.xlane v3, v0;
	_ =	sdelay $0x1  }
0x4c: {  	v3 =	vperm.xlane v3, v2;
	v4 =	vadd.s32 v1, v4;
	_ =	sdelay $0x1  }
0x4d: {  	v3 =	vadd.s32 v1, v3;
	_ =	sdelay $0x1  }
0x4e: {  	s7 =	simm.s32 $0x4100  }
0x4f: {  	[tilespmem:s7], [sflag:$0x1] =	stream.indirect_vreg.gather [hbm4b:s1+s3], $0x80, v4, vm0, $0xb8;
	[tilespmem:$0x10100] =	vst v63  }
0x50: {  	_ = 	snop  }
0x51: {  	[tilespmem:s8], [sflag:$0x1] =	stream.indirect_vreg.gather [hbm4b:s1+s3], $0x80, v3, vm0, $0xb8;
	[tilespmem:$0x10100] =	vst v63  }
0x52: {  	v3 =	vld [tilespmem:$0x50];
	_ =	sdelay $0x4  }
0x53: {  	v53 =	vshll.u32 v3, $0x1  }
0x54: {  	v3 =	vand.u32 $0x7, v3;
	v4 =	vand.u32 $0xFFFFFFF0, v53  }
0x55: {  	v3 =	vor.u32 v3, v4  }
0x56: {  	v4 =	vperm.xlane v3, v0;
	_ =	sdelay $0x1  }
0x57: {  	v3 =	vperm.xlane v3, v2;
	v4 =	vadd.s32 v1, v4;
	_ =	sdelay $0x1  }
0x58: {  	v3 =	vadd.s32 v1, v3;
	_ =	sdelay $0x2  }
0x59: {  	[tilespmem:s9], [sflag:$0x1] =	stream.indirect_vreg.gather [hbm4b:s1+s3], $0x80, v4, vm0, $0xb8;
	[tilespmem:$0x10100] =	vst v63  }
0x5a: {  	_ = 	snop  }
0x5b: {  	[tilespmem:s10], [sflag:$0x1] =	stream.indirect_vreg.gather [hbm4b:s1+s3], $0x80, v3, vm0, $0xb8;
	[tilespmem:$0x10100] =	vst v63  }
0x5c: {  	v3 =	vld [tilespmem:$0x60];
	_ =	sdelay $0x4  }
0x5d: {  	v54 =	vshll.u32 v3, $0x1  }
0x5e: {  	v3 =	vand.u32 $0x7, v3;
	v4 =	vand.u32 $0xFFFFFFF0, v54  }
0x5f: {  	v3 =	vor.u32 v3, v4  }
0x60: {  	v4 =	vperm.xlane v3, v0;
	_ =	sdelay $0x1  }
0x61: {  	v3 =	vperm.xlane v3, v2;
	v4 =	vadd.s32 v1, v4;
	_ =	sdelay $0x1  }
0x62: {  	v3 =	vadd.s32 v1, v3;
	_ =	sdelay $0x2  }
0x63: {  	[tilespmem:s11], [sflag:$0x1] =	stream.indirect_vreg.gather [hbm4b:s1+s3], $0x80, v4, vm0, $0xb8;
	[tilespmem:$0x10100] =	vst v63  }
0x64: {  	_ = 	snop  }
0x65: {  	[tilespmem:s12], [sflag:$0x1] =	stream.indirect_vreg.gather [hbm4b:s1+s3], $0x80, v3, vm0, $0xb8;
	[tilespmem:$0x10100] =	vst v63  }
0x66: {  	v3 =	vld [tilespmem:$0x70];
	_ =	sdelay $0x4  }
0x67: {  	v55 =	vshll.u32 v3, $0x1  }
0x68: {  	v3 =	vand.u32 $0x7, v3;
	v4 =	vand.u32 $0xFFFFFFF0, v55  }
0x69: {  	v3 =	vor.u32 v3, v4  }
0x6a: {  	v4 =	vperm.xlane v3, v0;
	_ =	sdelay $0x1  }
0x6b: {  	v3 =	vperm.xlane v3, v2;
	v4 =	vadd.s32 v1, v4;
	_ =	sdelay $0x1  }
0x6c: {  	v3 =	vadd.s32 v1, v3;
	_ =	sdelay $0x2  }
0x6d: {  	[tilespmem:s13], [sflag:$0x1] =	stream.indirect_vreg.gather [hbm4b:s1+s3], $0x80, v4, vm0, $0xb8;
	[tilespmem:$0x10100] =	vst v63  }
0x6e: {  	_ = 	snop  }
0x6f: {  	[tilespmem:s14], [sflag:$0x1] =	stream.indirect_vreg.gather [hbm4b:s1+s3], $0x80, v3, vm0, $0xb8;
	[tilespmem:$0x10100] =	vst v63  }
0x70: {  	v3 =	vld [tilespmem:$0x80];
	_ =	sdelay $0x4  }
0x71: {  	v56 =	vshll.u32 v3, $0x1  }
0x72: {  	v3 =	vand.u32 $0x7, v3;
	v4 =	vand.u32 $0xFFFFFFF0, v56  }
0x73: {  	v3 =	vor.u32 v3, v4  }
0x74: {  	v4 =	vperm.xlane v3, v0;
	_ =	sdelay $0x1  }
0x75: {  	v3 =	vperm.xlane v3, v2;
	v4 =	vadd.s32 v1, v4;
	_ =	sdelay $0x1  }
0x76: {  	v3 =	vadd.s32 v1, v3;
	_ =	sdelay $0x2  }
0x77: {  	[tilespmem:s15], [sflag:$0x1] =	stream.indirect_vreg.gather [hbm4b:s1+s3], $0x80, v4, vm0, $0xb8;
	[tilespmem:$0x10100] =	vst v63  }
0x78: {  	_ = 	snop  }
0x79: {  	[tilespmem:s16], [sflag:$0x1] =	stream.indirect_vreg.gather [hbm4b:s1+s3], $0x80, v3, vm0, $0xb8;
	[tilespmem:$0x10100] =	vst v63  }
0x7a: {  	v3 =	vld [tilespmem:$0x90];
	_ =	sdelay $0x4  }
0x7b: {  	v57 =	vshll.u32 v3, $0x1  }
0x7c: {  	v3 =	vand.u32 $0x7, v3;
	v4 =	vand.u32 $0xFFFFFFF0, v57  }
0x7d: {  	v3 =	vor.u32 v3, v4  }
0x7e: {  	v4 =	vperm.xlane v3, v0;
	_ =	sdelay $0x1  }
0x7f: {  	v3 =	vperm.xlane v3, v2;
	v4 =	vadd.s32 v1, v4;
	_ =	sdelay $0x1  }
0x80: {  	v3 =	vadd.s32 v1, v3;
	_ =	sdelay $0x2  }
0x81: {  	[tilespmem:s17], [sflag:$0x1] =	stream.indirect_vreg.gather [hbm4b:s1+s3], $0x80, v4, vm0, $0xb8;
	[tilespmem:$0x10100] =	vst v63  }
0x82: {  	_ = 	snop  }
0x83: {  	[tilespmem:s18], [sflag:$0x1] =	stream.indirect_vreg.gather [hbm4b:s1+s3], $0x80, v3, vm0, $0xb8;
	[tilespmem:$0x10100] =	vst v63  }
0x84: {  	v3 =	vld [tilespmem:$0xA0];
	_ =	sdelay $0x4  }
0x85: {  	v58 =	vshll.u32 v3, $0x1  }
0x86: {  	v3 =	vand.u32 $0x7, v3;
	v4 =	vand.u32 $0xFFFFFFF0, v58  }
0x87: {  	v3 =	vor.u32 v3, v4  }
0x88: {  	v4 =	vperm.xlane v3, v0;
	_ =	sdelay $0x1  }
0x89: {  	v3 =	vperm.xlane v3, v2;
	v4 =	vadd.s32 v1, v4;
	_ =	sdelay $0x1  }
0x8a: {  	v3 =	vadd.s32 v1, v3;
	_ =	sdelay $0x2  }
0x8b: {  	[tilespmem:s19], [sflag:$0x1] =	stream.indirect_vreg.gather [hbm4b:s1+s3], $0x80, v4, vm0, $0xb8;
	[tilespmem:$0x10100] =	vst v63  }
0x8c: {  	_ = 	snop  }
0x8d: {  	[tilespmem:s20], [sflag:$0x1] =	stream.indirect_vreg.gather [hbm4b:s1+s3], $0x80, v3, vm0, $0xb8;
	[tilespmem:$0x10100] =	vst v63  }
0x8e: {  	v3 =	vld [tilespmem:$0xB0];
	_ =	sdelay $0x4  }
0x8f: {  	v59 =	vshll.u32 v3, $0x1  }
0x90: {  	v3 =	vand.u32 $0x7, v3;
	v4 =	vand.u32 $0xFFFFFFF0, v59  }
0x91: {  	v3 =	vor.u32 v3, v4  }
0x92: {  	v4 =	vperm.xlane v3, v0;
	_ =	sdelay $0x1  }
0x93: {  	v3 =	vperm.xlane v3, v2;
	v4 =	vadd.s32 v1, v4;
	_ =	sdelay $0x1  }
0x94: {  	v3 =	vadd.s32 v1, v3;
	_ =	sdelay $0x2  }
0x95: {  	[tilespmem:s21], [sflag:$0x1] =	stream.indirect_vreg.gather [hbm4b:s1+s3], $0x80, v4, vm0, $0xb8;
	[tilespmem:$0x10100] =	vst v63  }
0x96: {  	_ = 	snop  }
0x97: {  	[tilespmem:s22], [sflag:$0x1] =	stream.indirect_vreg.gather [hbm4b:s1+s3], $0x80, v3, vm0, $0xb8;
	[tilespmem:$0x10100] =	vst v63  }
0x98: {  	v3 =	vld [tilespmem:$0xC0];
	_ =	sdelay $0x4  }
0x99: {  	v60 =	vshll.u32 v3, $0x1  }
0x9a: {  	v3 =	vand.u32 $0x7, v3;
	v4 =	vand.u32 $0xFFFFFFF0, v60  }
0x9b: {  	v3 =	vor.u32 v3, v4  }
0x9c: {  	v4 =	vperm.xlane v3, v0;
	_ =	sdelay $0x1  }
0x9d: {  	v3 =	vperm.xlane v3, v2;
	v4 =	vadd.s32 v1, v4;
	_ =	sdelay $0x1  }
0x9e: {  	v3 =	vadd.s32 v1, v3;
	_ =	sdelay $0x2  }
0x9f: {  	[tilespmem:s23], [sflag:$0x1] =	stream.indirect_vreg.gather [hbm4b:s1+s3], $0x80, v4, vm0, $0xb8;
	[tilespmem:$0x10100] =	vst v63  }
0xa0: {  	_ = 	snop  }
0xa1: {  	[tilespmem:s24], [sflag:$0x1] =	stream.indirect_vreg.gather [hbm4b:s1+s3], $0x80, v3, vm0, $0xb8;
	[tilespmem:$0x10100] =	vst v63  }
0xa2: {  	v3 =	vld [tilespmem:$0xD0];
	_ =	sdelay $0x4  }
0xa3: {  	v61 =	vshll.u32 v3, $0x1  }
0xa4: {  	v3 =	vand.u32 $0x7, v3;
	v4 =	vand.u32 $0xFFFFFFF0, v61  }
0xa5: {  	v3 =	vor.u32 v3, v4  }
0xa6: {  	v4 =	vperm.xlane v3, v0;
	_ =	sdelay $0x1  }
0xa7: {  	v3 =	vperm.xlane v3, v2;
	v4 =	vadd.s32 v1, v4;
	_ =	sdelay $0x1  }
0xa8: {  	v3 =	vadd.s32 v1, v3;
	_ =	sdelay $0x2  }
0xa9: {  	[tilespmem:s25], [sflag:$0x1] =	stream.indirect_vreg.gather [hbm4b:s1+s3], $0x80, v4, vm0, $0xb8;
	[tilespmem:$0x10100] =	vst v63  }
0xaa: {  	_ = 	snop  }
0xab: {  	[tilespmem:s26], [sflag:$0x1] =	stream.indirect_vreg.gather [hbm4b:s1+s3], $0x80, v3, vm0, $0xb8;
	[tilespmem:$0x10100] =	vst v63  }
0xac: {  	v3 =	vld [tilespmem:$0xE0];
	_ =	sdelay $0x4  }
0xad: {  	v62 =	vshll.u32 v3, $0x1  }
0xae: {  	v3 =	vand.u32 $0x7, v3;
	v4 =	vand.u32 $0xFFFFFFF0, v62  }
0xaf: {  	v3 =	vor.u32 v3, v4  }
0xb0: {  	v4 =	vperm.xlane v3, v0;
	_ =	sdelay $0x1  }
0xb1: {  	v3 =	vperm.xlane v3, v2;
	v4 =	vadd.s32 v1, v4;
	_ =	sdelay $0x1  }
0xb2: {  	v3 =	vadd.s32 v1, v3;
	_ =	sdelay $0x2  }
0xb3: {  	[tilespmem:s28], [sflag:$0x1] =	stream.indirect_vreg.gather [hbm4b:s1+s3], $0x80, v4, vm0, $0xb8;
	[tilespmem:$0x10100] =	vst v63  }
0xb4: {  	_ = 	snop  }
0xb5: {  	[tilespmem:s29], [sflag:$0x1] =	stream.indirect_vreg.gather [hbm4b:s1+s3], $0x80, v3, vm0, $0xb8;
	[tilespmem:$0x10100] =	vst v63  }
0xb6: {  	v3 =	vld [tilespmem:$0xF0];
	_ =	sdelay $0x4  }
0xb7: {  	v63 =	vshll.u32 v3, $0x1  }
0xb8: {  	v3 =	vand.u32 $0x7, v3;
	v4 =	vand.u32 $0xFFFFFFF0, v63  }
0xb9: {  	v3 =	vor.u32 v3, v4  }
0xba: {  	v4 =	vperm.xlane v3, v0;
	_ =	sdelay $0x1  }
0xbb: {  	v3 =	vperm.xlane v3, v2;
	v4 =	vadd.s32 v1, v4;
	_ =	sdelay $0x1  }
0xbc: {  	v3 =	vadd.s32 v1, v3;
	_ =	sdelay $0x2  }
0xbd: {  	[tilespmem:s30], [sflag:$0x1] =	stream.indirect_vreg.gather [hbm4b:s1+s3], $0x80, v4, vm0, $0xb8;
	[tilespmem:$0x10100] =	vst v63  }
0xbe: {  	_ = 	snop  }
0xbf: {  	[tilespmem:s31], [sflag:$0x1] =	stream.indirect_vreg.gather [hbm4b:s1+s3], $0x80, v3, vm0, $0xb8;
	[tilespmem:$0x10100] =	vst v63  }
0xc0: {  	_ =	swait.ge [sflag:s2], $0x8000  }
0xc1: {  	[sflag:s2] =	ssyncset.done $0x0  }
0xc2: {  	[sflag:s2] =	ssyncadd.s32 $0xFFFF8000  }
0xc3: {  	_ =	swait.ge [sflag:s2], $0x8000  }
0xc4: {  	p0 =	sne.s32 s4, $0x1;
	[sflag:s2] =	ssyncset.done $0x0  }
.Ltmp0:
0xc5: {  	s7 =	rddreg [dreg:$0x5];
	[sflag:s2] =	ssyncadd.s32 $0xFFFF8000;
	(pc) =	sbr.rel @p0 .LBB2_1-.Ltmp0, $4  }
0xc6: {  	[hbm4b:s7+s3] =	stream.linear.scatter [tilespmem:s6], [sflag:$0x2], $0x10000, $0x38;
	[tilespmem:$0x10100] =	vst v63  }
0xc7: {  	_ =	swait.ge [sflag:s5], $0x10000  }
0xc8: {  	[sflag:s5] =	ssyncset.done $0x0  }
0xc9: {  	s4 =	sadd.s32 $0xFFFFFFFF, s4;
	[sflag:s5] =	ssyncadd.s32 $0xFFFF0000  }
0xca: {  	_ =	sfence.sel $0x180000  }
0xcb: {  	[bflag:$0x0] =	sbarrier.arrive $0xFFFF  }
0xcc: {  	_ =	strace $0x90000047  }
0xcd: {  	s0 =	stileid.u32;
	[bflag:$0x2] =	sbarrier.arrive $0xFFFF  }
0xce: {  	p0 =	sne.s32 s0, $0x0;
	s0 =	rddreg [dreg:$0x3]  }
0xcf: {  	s0 =	sadd.s32 @!p0 $0x100000, s0  }
0xd0: {  	[sflag:s0] =	ssyncadd.tile.s32 @!p0 $0x1;
	_ =	shalt  }
.Lfunc_end2:
_tile_overlayer_lowered:
.L_overlay_start_2:
0xd1: {  	(tag) =	ssettag $0x2  }
0xd2: {  	s0 =	rddreg [dreg:$0x0];
	s2 =	stileid.u32  }
0xd3: {  	s1 =	rddreg [dreg:$0x1];
	p0 =	sne.s32 s2, $0x0  }
0xd4: {  	s3 =	rddreg [dreg:$0x2];
	[bflag:$0x3] =	sbarrier.arrive $0xFFFF;
	s2 =	simm.s32 @!p0 $0x1C02  }
0xd5: {  	[timem:s3], [sflag:s2] =	dma.local @!p0 [hbm:s0], s1  }
0xd6: {  	s0 =	simm.s32 @!p0 $0x2  }
0xd7: {  	_ =	swait.ge @!p0 [sflag:s0], s1  }
0xd8: {  	s1 =	ssub.s32 @!p0 $0x0, s1;
	[sflag:s0] =	ssyncset.done @!p0 $0x0  }
0xd9: {  	[sflag:s0] =	ssyncadd.s32 @!p0 s1  }
0xda: {  	[bflag:$0x3] =	sbarrier.arrive $0xFFFF  }
0xdb: {  	_ =	shalt  }

// kernel: kernel.26.cloned.1.call-start
scs
__scs_entry_jumppad:
0x0: {  	(pc) =	sbr.rel $0x88, $3  }
0x1: {  	(tag) =	ssettag $0x0;
	lr =	simm.s32 $0x1  }
0x2: {  	[smem:$0x3F9C] =	sst lr;
	_ =	strace $0xD0000000  }
0x3: {  	_ = 	snop  }
0x4: {  	_ = 	snop  }
0x5: {  	_ = 	snop  }
0x6: {  	_ = 	snop  }
0x7: {  	_ = 	snop  }
__scs_overlays_trampoline_lowered:
0x8: {  	[smem:$0x3FAB] =	sst s0  }
0x9: {  	[smem:$0x3FAC] =	sst s1  }
0xa: {  	[smem:$0x3FAD] =	sst s2  }
0xb: {  	[smem:$0x3FAE] =	sst s3  }
0xc: {  	[smem:$0x3FAF] =	sst s4  }
0xd: {  	[smem:$0x3FB0] =	sst s5  }
0xe: {  	[smem:$0x3FB1] =	sst s6  }
0xf: {  	[smem:$0x3FB2] =	sst s7  }
0x10: {  	[smem:$0x3FB3] =	sst s8  }
0x11: {  	[smem:$0x3FB4] =	sst s9;
	s0 =	simm.s32 @!p0 $0x0  }
0x12: {  	s1 =	sld [smem:$0x3F9A];
	s0 =	simm.s32 @p0 $0x1  }
0x13: {  	[smem:$0x3FB5] =	sst s0;
	s0 =	simm.s32 @!p1 $0x0  }
0x14: {  	s2 =	sld [smem:$0x3F99];
	s0 =	simm.s32 @p1 $0x1  }
0x15: {  	[smem:$0x3FB6] =	sst s0;
	s0 =	simm.s32 @!p2 $0x0  }
0x16: {  	s3 =	sld [smem:$0x3FDB];
	s0 =	simm.s32 @p2 $0x1  }
0x17: {  	s4 =	simm.s32 $0x1BF5;
	[smem:$0x3FB8] =	sst s0  }
0x18: {  	s0 =	sld [smem:$0x3F9B];
	_ =	swait.ge [sflag:s4], $0x0  }
0x19: {  	s7 =	sld [smem:$0x3F9C]  }
0x1a: {  	s8 =	sadd.s32 $0xFFFFE003, lr  }
0x1b: {  	s9 =	sadd.s32 $0xFFFFFEF7, lr;
	s5 =	simm.s32 $0xFFFFFFFF;
	p2 =	slt.u32 s8, $0xFFFFF086  }
0x1c: {  	p1 =	slt.u32 s9, $0xF7A;
	s5 =	simm.s32 @!p2 $0x0  }
0x1d: {  	s5 =	simm.s32 @p1 $0x1;
	p0 =	seq.s32 s7, s2  }
0x1e: {  	s7 =	smul.u32 @!p0 $0xF7A, s2;
	p2 =	seq.s32 @!p0 s5, $0x0  }
0x1f: {  	s9 =	smul.u32 $0xF7A, s1;
	s8 =	simm.s32 @!p0 $0x1BF5;
	p2 =	por !p2, p0  }
0x20: {  	[sflag:s8] =	ssyncset.s32 @!p0 $0xFFFFF086;
	s6 =	sadd.s32 @!p0 s3, s7;
	s7 =	simm.s32 @!p0 $0x108  }
0x21: {  	s3 =	sadd.s32 s3, s9;
	s6 =	sadd.s32 @!p0 $0x88, s6;
	s7 =	simm.s32 @p2 $0x1082  }
0x22: {  	[simem:s7], [sflag:s8] =	dma.local @!p0 [hbm:s6], $0xF7A  }
0x23: {  	s9 =	sor.u32 $0xD0000000, s2;
	s6 =	simm.s32 $0x108;
	_ =	swait.ge @!p0 [sflag:s8], $0x0  }
0x24: {  	s3 =	sadd.s32 $0x88, s3;
	s6 =	simm.s32 @!p1 $0x1082;
	[sflag:s4] =	ssyncset.s32 $0xFFFFF086  }
0x25: {  	[simem:s6], [sflag:s4] =	dma.local [hbm:s3], $0xF7A  }
0x26: {  	[smem:$0x3F9C] =	sst s1;
	(tag) =	ssettag s2;
	_ =	strace s9  }
0x27: {  	s1 =	sld [smem:$0x3FAC]  }
0x28: {  	s2 =	sld [smem:$0x3FAD]  }
0x29: {  	s4 =	sld [smem:$0x3FAF]  }
0x2a: {  	p0 =	seq.s32 s5, $0x0;
	s5 =	sld [smem:$0x3FB0]  }
0x2b: {  	s6 =	sld [smem:$0x3FB1]  }
0x2c: {  	s7 =	sld [smem:$0x3FB2]  }
0x2d: {  	s3 =	simm.s32 $0x108;
	s8 =	sld [smem:$0x3FB3]  }
0x2e: {  	s3 =	simm.s32 @!p0 $0x1082;
	s9 =	sld [smem:$0x3FB4]  }
0x2f: {  	lr =	sadd.s32 s0, s3;
	s0 =	sld [smem:$0x3FAB]  }
0x30: {  	s3 =	sld [smem:$0x3FAE]  }
0x31: {  	[smem:$0x3FB7] =	sst s10  }
0x32: {  	s10 =	sld [smem:$0x3FB5];
	_ =	sdelay $0x3  }
0x33: {  	p0 =	seq.s32 s10, $0x1;
	s10 =	sld [smem:$0x3FB7];
	_ =	sdelay $0x3  }
0x34: {  	[smem:$0x3FB7] =	sst s10  }
0x35: {  	s10 =	sld [smem:$0x3FB6];
	_ =	sdelay $0x3  }
0x36: {  	p1 =	seq.s32 s10, $0x1;
	s10 =	sld [smem:$0x3FB7];
	_ =	sdelay $0x3  }
0x37: {  	[smem:$0x3FB7] =	sst s10  }
0x38: {  	s10 =	sld [smem:$0x3FB8]  }
0x39: {  	_ = 	snop;
	(pc) =	sbr.ind lr, $3  }
0x3a: {  	_ = 	snop  }
0x3b: {  	_ = 	snop  }
0x3c: {  	p2 =	seq.s32 s10, $0x1;
	s10 =	sld [smem:$0x3FB7]  }
0x3d: {  	_ =	shalt  }
0x3e: {  	_ =	shalt  }
0x3f: {  	_ =	shalt  }
0x40: {  	_ =	shalt  }
0x41: {  	_ =	shalt  }
0x42: {  	_ =	shalt  }
0x43: {  	_ =	shalt  }
0x44: {  	_ =	shalt  }
0x45: {  	_ =	shalt  }
0x46: {  	_ =	shalt  }
0x47: {  	_ =	shalt  }
0x48: {  	_ =	shalt  }
0x49: {  	_ =	shalt  }
0x4a: {  	_ =	shalt  }
0x4b: {  	_ =	shalt  }
0x4c: {  	_ =	shalt  }
0x4d: {  	_ =	shalt  }
0x4e: {  	_ =	shalt  }
0x4f: {  	_ =	shalt  }
0x50: {  	_ =	shalt  }
0x51: {  	_ =	shalt  }
0x52: {  	_ =	shalt  }
0x53: {  	_ =	shalt  }
0x54: {  	_ =	shalt  }
0x55: {  	_ =	shalt  }
0x56: {  	_ =	shalt  }
0x57: {  	_ =	shalt  }
0x58: {  	_ =	shalt  }
0x59: {  	_ =	shalt  }
0x5a: {  	_ =	shalt  }
0x5b: {  	_ =	shalt  }
0x5c: {  	_ =	shalt  }
0x5d: {  	_ =	shalt  }
0x5e: {  	_ =	shalt  }
0x5f: {  	_ =	shalt  }
0x60: {  	_ =	shalt  }
0x61: {  	_ =	shalt  }
0x62: {  	_ =	shalt  }
0x63: {  	_ =	shalt  }
0x64: {  	_ =	shalt  }
0x65: {  	_ =	shalt  }
0x66: {  	_ =	shalt  }
0x67: {  	_ =	shalt  }
0x68: {  	_ =	shalt  }
0x69: {  	_ =	shalt  }
0x6a: {  	_ =	shalt  }
0x6b: {  	_ =	shalt  }
0x6c: {  	_ =	shalt  }
0x6d: {  	_ =	shalt  }
0x6e: {  	_ =	shalt  }
0x6f: {  	_ =	shalt  }
0x70: {  	_ =	shalt  }
0x71: {  	_ =	shalt  }
0x72: {  	_ =	shalt  }
0x73: {  	_ =	shalt  }
0x74: {  	_ =	shalt  }
0x75: {  	_ =	shalt  }
0x76: {  	_ =	shalt  }
0x77: {  	_ =	shalt  }
0x78: {  	_ =	shalt  }
0x79: {  	_ =	shalt  }
0x7a: {  	_ =	shalt  }
0x7b: {  	_ =	shalt  }
0x7c: {  	_ =	shalt  }
0x7d: {  	_ =	shalt  }
0x7e: {  	_ =	shalt  }
0x7f: {  	_ =	shalt  }
0x80: {  	_ =	shalt  }
0x81: {  	_ =	shalt  }
0x82: {  	_ =	shalt  }
0x83: {  	_ =	shalt  }
0x84: {  	_ =	shalt  }
0x85: {  	_ =	shalt  }
0x86: {  	_ =	shalt  }
0x87: {  	_ =	shalt  }
.Lfunc_end0:
.L_simem_size_0:
called_computation.2_lowered:
.L_overlay_start_0:
0x88: {  	s2 =	sld [smem:$0x3FD9]  }
0x89: {  	s3 =	sld [smem:$0x3FFE];
	_ =	sdelay $0x1  }
0x8a: {  	s1 =	srdreg.scid  }
0x8b: {  	s0 =	sand.u32 $0x1, s1  }
0x8c: {  	s17 =	sshll.u32 s0, $0xA;
	s2 =	sadd.s32 s3, s2  }
0x8d: {  	s2 =	sadd.s32 s2, s17  }
0x8e: {  	[smem:$0x3FC3] =	sst s2  }
0x8f: {  	_ = 	snop  }
0x90: {  	s18 =	sld [smem:$0x3FC7];
	(tm) =	ssettm $0x1  }
0x91: {  	s19 =	sld [smem:$0x3FFB];
	_ =	sdelay $0x3  }
0x92: {  	_ =	strace s19  }
0x93: {  	s2 =	sld [smem:$0x3FFC];
	_ =	sdelay $0x3  }
0x94: {  	_ =	strace s2  }
0x95: {  	s2 =	sld [smem:$0x3FFD];
	_ =	sdelay $0x3  }
0x96: {  	_ =	strace s2  }
0x97: {  	_ =	strace $0x8FFFFFFF  }
0x98: {  	s20 =	sld [smem:$0x3FDB];
	_ =	sdelay $0x1  }
0x99: {  	s4 =	simm.s32 $_scs_section_size  }
0x9a: {  	s5 =	simm.s32 $_size__tile_overlayer_lowered;
	s6 =	simm.s32 $_tile_overlayer_lowered  }
0x9b: {  	s7 =	simm.s32 $0x1BFF;
	s21 =	sshll.u32 s6, $0x1;
	s4 =	sadd.s32 s4, s20  }
0x9c: {  	s22 =	simm.s32 $0x0;
	s5 =	sshll.u32 s5, $0x1;
	s6 =	sadd.s32 s21, s4  }
0x9d: {  	[timem:s22], [sflag:s7] =	dma.local [hbm:s6], s5  }
0x9e: {  	_ =	swait.ge [sflag:s7], s5  }
0x9f: {  	s5 =	ssub.s32 $0x0, s5;
	[sflag:s7] =	ssyncset.done $0x0  }
0xa0: {  	[sflag:s7] =	ssyncadd.s32 s5;
	_ =	sdelay $0x1  }
0xa1: {  	s23 =	simm.s32 $0x1B8B  }
0xa2: {  	_ =	swait.ge [sflag:s23], $0x1  }
0xa3: {  	[sflag:s23] =	ssyncset.done $0x0  }
0xa4: {  	[sflag:s23] =	ssyncadd.s32 $0xFFFFFFFF  }
0xa5: {  	s5 =	sld [smem:$0x0]  }
0xa6: {  	s6 =	sand.u32 $0xFFFFFFFE, s1  }
0xa7: {  	p0 =	sne.s32 s1, s6  }
0xa8: {  	s6 =	sshll.u32 @p0 s6, $0xE  }
0xa9: {  	s6 =	sadd.s32 @p0 $0x11B8D, s6;
	s7 =	sshll.u32 @p0 s5, $0x11  }
0xaa: {  	s6 =	sor.u32 @p0 s7, s6  }
0xab: {  	[sflag:s6] =	ssyncadd.remote.s32 @p0 $0x1;
	_ =	sdelay $0x1  }
0xac: {  	s6 =	simm.s32 @p0 $0x1B8D  }
0xad: {  	_ =	swait.eq @p0 [sflag:s6], $0x1  }
0xae: {  	[sflag:s6] =	ssyncadd.s32 @p0 $0xFFFFFFFF  }
0xaf: {  	s7 =	sshll.u32 @!p0 s1, $0xE  }
0xb0: {  	s7 =	sor.u32 @!p0 $0x4000, s7;
	s6 =	simm.s32 @!p0 $0x1B8D  }
0xb1: {  	s5 =	sshll.u32 @!p0 s5, $0x11;
	s7 =	sadd.s32 @!p0 $0x11B8D, s7;
	_ =	swait.eq @!p0 [sflag:s6], $0x1  }
0xb2: {  	s5 =	sor.u32 @!p0 s5, s7;
	[sflag:s6] =	ssyncadd.s32 @!p0 $0xFFFFFFFF  }
0xb3: {  	s25 =	simm.s32 $0x1B8E;
	s24 =	sld [smem:$0x3FFE];
	[sflag:s5] =	ssyncadd.remote.s32 @!p0 $0x1  }
0xb4: {  	s26 =	simm.s32 $execute0_lowered;
	[smem:$0x3FD2] =	sst s25  }
0xb5: {  	s6 =	sshll.u32 s26, $0x1;
	_ =	strace $0x8000004F;
	[dreg:$0x1] =	wrdreg $0xFFFFFFFF  }
0xb6: {  	s28 =	simm.s32 $_size_execute0_lowered;
	s4 =	sadd.s32 s4, s6;
	[dreg:$0x0] =	wrdreg $0x0  }
0xb7: {  	s6 =	sshll.u32 s28, $0x1;
	[dreg:$0x2] =	wrdreg s4  }
0xb8: {  	[dreg:$0x3] =	wrdreg s6  }
0xb9: {  	[dreg:$0x4] =	wrdreg $0xC0  }
0xba: {  	_ =	task [dreg:s22], $0x5FFFF  }
0xbb: {  	[dreg:$0x1] =	wrdreg $0xFFFFFFFF  }
0xbc: {  	[dreg:$0x0] =	wrdreg $0x60  }
0xbd: {  	[dreg:$0x2] =	wrdreg s18  }
0xbe: {  	[dreg:$0x3] =	wrdreg s24  }
0xbf: {  	[dreg:$0x4] =	wrdreg $0x9  }
0xc0: {  	_ =	task.clear_ibuf [dreg:s22], $0x5FFFF;
	_ =	strace $0x9000004F  }
0xc1: {  	s29 =	simm.s32 $0x9;
	_ =	strace $0x80000051  }
0xc2: {  	_ =	swait.ge [sflag:s29], $0x1  }
0xc3: {  	[sflag:s29] =	ssyncadd.s32 $0xFFFFFFFF  }
0xc4: {  	_ =	strace $0x90000051  }
0xc5: {  	_ =	sfence  }
0xc6: {  	s30 =	sld [smem:$0x0];
	_ =	sdelay $0x2  }
0xc7: {  	s31 =	sshll.u32 s1, $0xD;
	s1 =	sshrl.u32 s1, $0x2  }
0xc8: {  	s4 =	sand.u32 $0x4000, s31;
	s1 =	sadd.s32 s1, s30  }
0xc9: {  	s0 =	sor.u32 s4, s0;
	s1 =	sshll.u32 s1, $0x11  }
0xca: {  	s0 =	sor.u32 s1, s0  }
0xcb: {  	s0 =	sadd.s32 $0x8F2B, s0  }
0xcc: {  	[sflag:s0] =	ssyncadd.remote.s32 $0x1  }
0xcd: {  	_ =	sfence.sel $0xFFFF  }
0xce: {  	[dreg:$0x0] =	wrdreg $0xFFFFFFFF;
	(pc) =	sbr.abs _section_cstart, $3  }
0xcf: {  	[dreg:$0x1] =	wrdreg $0xFFFFFFFF  }
0xd0: {  	_ =	task.clear_ibuf [dreg:s22], $0x2FFFF;
	_ =	strace $0x9FFFFFFF  }
0xd1: {  	(tm) =	ssettm $0x7FFFFFFF  }
tec
execute0_lowered:
.L_overlay_start_1:
0x0: {  	(tag) =	ssettag $0x1  }
0x1: {  	s1 =	srdreg.scid  }
0x2: {  	s0 =	stileid.u32;
	s2 =	rddreg [dreg:$0x0]  }
0x3: {  	s5 =	rddreg [dreg:$0x1];
	s19 =	simm.s32 $0x900;
	s20 =	simm.s32 $0x1100  }
0x4: {  	s21 =	simm.s32 $0x1900;
	s23 =	simm.s32 $0x2100;
	s24 =	simm.s32 $0x2900  }
0x5: {  	s25 =	simm.s32 $0x3100;
	s26 =	simm.s32 $0x3900;
	s8 =	simm.s32 $0x4900  }
0x6: {  	s9 =	simm.s32 $0x5100;
	s10 =	simm.s32 $0x5900;
	s11 =	simm.s32 $0x6100  }
0x7: {  	s12 =	simm.s32 $0x6900;
	s13 =	simm.s32 $0x7100;
	s1 =	sand.u32 $0x1, s1  }
0x8: {  	s14 =	simm.s32 $0x7900;
	s3 =	sshll.u32 s0, $0x9;
	s4 =	sshll.u32 s1, $0x8  }
0x9: {  	s15 =	simm.s32 $0x8100;
	s4 =	sor.u32 s4, s3;
	s3 =	simm.s32 $0x0  }
0xa: {  	s16 =	simm.s32 $0x8900;
	s17 =	simm.s32 $0x9100;
	[smem:$0x7FF] =	sst s3  }
0xb: {  	s28 =	simm.s32 $0xE100;
	_ =	strace $0x80000050;
	[dreg:$0x5] =	wrdreg s19  }
0xc: {  	s29 =	simm.s32 $0xE900;
	s30 =	simm.s32 $0xF100;
	[dreg:$0x6] =	wrdreg s20  }
0xd: {  	s31 =	simm.s32 $0xF900;
	s1 =	ssub.s32 $0x2, s1;
	[dreg:$0x7] =	wrdreg s21  }
0xe: {  	s22 =	sshrl.u32 s1, $0x1;
	s6 =	sshrl.u32 s4, $0x3;
	[dreg:$0x8] =	wrdreg s23  }
0xf: {  	s4 =	sshll.u32 s4, $0x5;
	s1 =	ssub.s32 s1, s22;
	[dreg:$0x9] =	wrdreg s24  }
0x10: {  	s22 =	simm.s32 $0xB900;
	s6 =	sadd.s32 s6, s5;
	[dreg:$0xa] =	wrdreg s25  }
0x11: {  	s4 =	sadd.s32 s4, s5;
	s5 =	simm.s32 $0x2;
	[dreg:$0xb] =	wrdreg s26  }
0x12: {  	s19 =	simm.s32 $0xA100;
	s20 =	simm.s32 $0xA900;
	s21 =	simm.s32 $0xB100  }
0x13: {  	s23 =	simm.s32 $0xC100;
	s24 =	simm.s32 $0xC900;
	s18 =	sadd.s32 $0x6000, s6  }
0x14: {  	v2 =	vlaneseq.u32;
	s25 =	simm.s32 $0xD100;
	s4 =	sadd.s32 $0xC6400, s4;
	[dreg:$0x3] =	wrdreg s18  }
0x15: {  	vm0 =	vmmov $0xffff;
	v1 =	vshrl.u32 v2, $0x3;
	s26 =	simm.s32 $0xD900;
	s6 =	simm.s32 $0x100;
	[dreg:$0x4] =	wrdreg s4  }
0x16: {  	v0 =	vand.u32 $0x7, v2;
	v2 =	vor.u32 $0x8, v2;
	v1 =	vmul.u32 $0x8, v1;
	s4 =	smax.u32 s1, $0x1;
	s18 =	simm.s32 $0x9900;
	s1 =	simm.s32 $0x1  }
.LBB2_1:
0x17: {  	s0 =	rddreg [dreg:$0x3]  }
0x18: {  	[tilespmem:s3], [sflag:$0x2] =	stream.linear.gather [hbm4b:s0+s3], $0x100, $0x38;
	[tilespmem:$0x10100] =	vst v63  }
0x19: {  	_ =	swait.ge [sflag:s5], $0x100  }
0x1a: {  	[sflag:s5] =	ssyncset.done $0x0  }
0x1b: {  	[sflag:s5] =	ssyncadd.s32 $0xFFFFFF00  }
0x1c: {  	v3 =	vld [tilespmem:$0x0];
	_ =	sdelay $0x4  }
0x1d: {  	v4 =	vshll.u32 v3, $0x1  }
0x1e: {  	v3 =	vand.u32 $0x7, v3;
	v4 =	vand.u32 $0xFFFFFFF0, v4  }
0x1f: {  	v3 =	vor.u32 v3, v4  }
0x20: {  	v4 =	vperm.xlane v3, v0;
	_ =	sdelay $0x1  }
0x21: {  	v3 =	vperm.xlane v3, v2;
	v4 =	vadd.s32 v1, v4;
	_ =	sdelay $0x1  }
0x22: {  	v3 =	vadd.s32 v1, v3;
	_ =	sdelay $0x2  }
0x23: {  	[tilespmem:s6], [sflag:$0x1] =	stream.indirect_vreg.gather [hbm4b:s2+s3], $0x80, v4, vm0, $0xb8;
	[tilespmem:$0x10100] =	vst v63  }
0x24: {  	s7 =	rddreg [dreg:$0x5]  }
0x25: {  	[tilespmem:s7], [sflag:$0x1] =	stream.indirect_vreg.gather [hbm4b:s2+s3], $0x80, v3, vm0, $0xb8;
	[tilespmem:$0x10100] =	vst v63  }
0x26: {  	v3 =	vld [tilespmem:$0x10];
	_ =	sdelay $0x4  }
0x27: {  	v49 =	vshll.u32 v3, $0x1  }
0x28: {  	v3 =	vand.u32 $0x7, v3;
	v4 =	vand.u32 $0xFFFFFFF0, v49  }
0x29: {  	v3 =	vor.u32 v3, v4  }
0x2a: {  	v4 =	vperm.xlane v3, v0;
	_ =	sdelay $0x1  }
0x2b: {  	v3 =	vperm.xlane v3, v2;
	v4 =	vadd.s32 v1, v4;
	_ =	sdelay $0x1  }
0x2c: {  	v3 =	vadd.s32 v1, v3;
	_ =	sdelay $0x1  }
0x2d: {  	s0 =	rddreg [dreg:$0x6]  }
0x2e: {  	[tilespmem:s0], [sflag:$0x1] =	stream.indirect_vreg.gather [hbm4b:s2+s3], $0x80, v4, vm0, $0xb8;
	[tilespmem:$0x10100] =	vst v63  }
0x2f: {  	s7 =	rddreg [dreg:$0x7]  }
0x30: {  	[tilespmem:s7], [sflag:$0x1] =	stream.indirect_vreg.gather [hbm4b:s2+s3], $0x80, v3, vm0, $0xb8;
	[tilespmem:$0x10100] =	vst v63  }
0x31: {  	v3 =	vld [tilespmem:$0x20];
	_ =	sdelay $0x4  }
0x32: {  	v50 =	vshll.u32 v3, $0x1  }
0x33: {  	v3 =	vand.u32 $0x7, v3;
	v4 =	vand.u32 $0xFFFFFFF0, v50  }
0x34: {  	v3 =	vor.u32 v3, v4  }
0x35: {  	v4 =	vperm.xlane v3, v0;
	_ =	sdelay $0x1  }
0x36: {  	v3 =	vperm.xlane v3, v2;
	v4 =	vadd.s32 v1, v4;
	_ =	sdelay $0x1  }
0x37: {  	v3 =	vadd.s32 v1, v3;
	_ =	sdelay $0x1  }
0x38: {  	s0 =	rddreg [dreg:$0x8]  }
0x39: {  	[tilespmem:s0], [sflag:$0x1] =	stream.indirect_vreg.gather [hbm4b:s2+s3], $0x80, v4, vm0, $0xb8;
	[tilespmem:$0x10100] =	vst v63  }
0x3a: {  	s7 =	rddreg [dreg:$0x9]  }
0x3b: {  	[tilespmem:s7], [sflag:$0x1] =	stream.indirect_vreg.gather [hbm4b:s2+s3], $0x80, v3, vm0, $0xb8;
	[tilespmem:$0x10100] =	vst v63  }
0x3c: {  	v3 =	vld [tilespmem:$0x30];
	_ =	sdelay $0x4  }
0x3d: {  	v51 =	vshll.u32 v3, $0x1  }
0x3e: {  	v3 =	vand.u32 $0x7, v3;
	v4 =	vand.u32 $0xFFFFFFF0, v51  }
0x3f: {  	v3 =	vor.u32 v3, v4  }
0x40: {  	v4 =	vperm.xlane v3, v0;
	_ =	sdelay $0x1  }
0x41: {  	v3 =	vperm.xlane v3, v2;
	v4 =	vadd.s32 v1, v4;
	_ =	sdelay $0x1  }
0x42: {  	v3 =	vadd.s32 v1, v3;
	_ =	sdelay $0x1  }
0x43: {  	s0 =	rddreg [dreg:$0xa]  }
0x44: {  	[tilespmem:s0], [sflag:$0x1] =	stream.indirect_vreg.gather [hbm4b:s2+s3], $0x80, v4, vm0, $0xb8;
	[tilespmem:$0x10100] =	vst v63  }
0x45: {  	s7 =	rddreg [dreg:$0xb]  }
0x46: {  	[tilespmem:s7], [sflag:$0x1] =	stream.indirect_vreg.gather [hbm4b:s2+s3], $0x80, v3, vm0, $0xb8;
	[tilespmem:$0x10100] =	vst v63  }
0x47: {  	v3 =	vld [tilespmem:$0x40];
	_ =	sdelay $0x4  }
0x48: {  	v52 =	vshll.u32 v3, $0x1  }
0x49: {  	v3 =	vand.u32 $0x7, v3;
	v4 =	vand.u32 $0xFFFFFFF0, v52  }
0x4a: {  	v3 =	vor.u32 v3, v4  }
0x4b: {  	v4 =	vperm.xlane v3, v0;
	_ =	sdelay $0x1  }
0x4c: {  	v3 =	vperm.xlane v3, v2;
	v4 =	vadd.s32 v1, v4;
	_ =	sdelay $0x1  }
0x4d: {  	v3 =	vadd.s32 v1, v3;
	_ =	sdelay $0x1  }
0x4e: {  	s7 =	simm.s32 $0x4100  }
0x4f: {  	[tilespmem:s7], [sflag:$0x1] =	stream.indirect_vreg.gather [hbm4b:s2+s3], $0x80, v4, vm0, $0xb8;
	[tilespmem:$0x10100] =	vst v63  }
0x50: {  	_ = 	snop  }
0x51: {  	[tilespmem:s8], [sflag:$0x1] =	stream.indirect_vreg.gather [hbm4b:s2+s3], $0x80, v3, vm0, $0xb8;
	[tilespmem:$0x10100] =	vst v63  }
0x52: {  	v3 =	vld [tilespmem:$0x50];
	_ =	sdelay $0x4  }
0x53: {  	v53 =	vshll.u32 v3, $0x1  }
0x54: {  	v3 =	vand.u32 $0x7, v3;
	v4 =	vand.u32 $0xFFFFFFF0, v53  }
0x55: {  	v3 =	vor.u32 v3, v4  }
0x56: {  	v4 =	vperm.xlane v3, v0;
	_ =	sdelay $0x1  }
0x57: {  	v3 =	vperm.xlane v3, v2;
	v4 =	vadd.s32 v1, v4;
	_ =	sdelay $0x1  }
0x58: {  	v3 =	vadd.s32 v1, v3;
	_ =	sdelay $0x2  }
0x59: {  	[tilespmem:s9], [sflag:$0x1] =	stream.indirect_vreg.gather [hbm4b:s2+s3], $0x80, v4, vm0, $0xb8;
	[tilespmem:$0x10100] =	vst v63  }
0x5a: {  	_ = 	snop  }
0x5b: {  	[tilespmem:s10], [sflag:$0x1] =	stream.indirect_vreg.gather [hbm4b:s2+s3], $0x80, v3, vm0, $0xb8;
	[tilespmem:$0x10100] =	vst v63  }
0x5c: {  	v3 =	vld [tilespmem:$0x60];
	_ =	sdelay $0x4  }
0x5d: {  	v54 =	vshll.u32 v3, $0x1  }
0x5e: {  	v3 =	vand.u32 $0x7, v3;
	v4 =	vand.u32 $0xFFFFFFF0, v54  }
0x5f: {  	v3 =	vor.u32 v3, v4  }
0x60: {  	v4 =	vperm.xlane v3, v0;
	_ =	sdelay $0x1  }
0x61: {  	v3 =	vperm.xlane v3, v2;
	v4 =	vadd.s32 v1, v4;
	_ =	sdelay $0x1  }
0x62: {  	v3 =	vadd.s32 v1, v3;
	_ =	sdelay $0x2  }
0x63: {  	[tilespmem:s11], [sflag:$0x1] =	stream.indirect_vreg.gather [hbm4b:s2+s3], $0x80, v4, vm0, $0xb8;
	[tilespmem:$0x10100] =	vst v63  }
0x64: {  	_ = 	snop  }
0x65: {  	[tilespmem:s12], [sflag:$0x1] =	stream.indirect_vreg.gather [hbm4b:s2+s3], $0x80, v3, vm0, $0xb8;
	[tilespmem:$0x10100] =	vst v63  }
0x66: {  	v3 =	vld [tilespmem:$0x70];
	_ =	sdelay $0x4  }
0x67: {  	v55 =	vshll.u32 v3, $0x1  }
0x68: {  	v3 =	vand.u32 $0x7, v3;
	v4 =	vand.u32 $0xFFFFFFF0, v55  }
0x69: {  	v3 =	vor.u32 v3, v4  }
0x6a: {  	v4 =	vperm.xlane v3, v0;
	_ =	sdelay $0x1  }
0x6b: {  	v3 =	vperm.xlane v3, v2;
	v4 =	vadd.s32 v1, v4;
	_ =	sdelay $0x1  }
0x6c: {  	v3 =	vadd.s32 v1, v3;
	_ =	sdelay $0x2  }
0x6d: {  	[tilespmem:s13], [sflag:$0x1] =	stream.indirect_vreg.gather [hbm4b:s2+s3], $0x80, v4, vm0, $0xb8;
	[tilespmem:$0x10100] =	vst v63  }
0x6e: {  	_ = 	snop  }
0x6f: {  	[tilespmem:s14], [sflag:$0x1] =	stream.indirect_vreg.gather [hbm4b:s2+s3], $0x80, v3, vm0, $0xb8;
	[tilespmem:$0x10100] =	vst v63  }
0x70: {  	v3 =	vld [tilespmem:$0x80];
	_ =	sdelay $0x4  }
0x71: {  	v56 =	vshll.u32 v3, $0x1  }
0x72: {  	v3 =	vand.u32 $0x7, v3;
	v4 =	vand.u32 $0xFFFFFFF0, v56  }
0x73: {  	v3 =	vor.u32 v3, v4  }
0x74: {  	v4 =	vperm.xlane v3, v0;
	_ =	sdelay $0x1  }
0x75: {  	v3 =	vperm.xlane v3, v2;
	v4 =	vadd.s32 v1, v4;
	_ =	sdelay $0x1  }
0x76: {  	v3 =	vadd.s32 v1, v3;
	_ =	sdelay $0x2  }
0x77: {  	[tilespmem:s15], [sflag:$0x1] =	stream.indirect_vreg.gather [hbm4b:s2+s3], $0x80, v4, vm0, $0xb8;
	[tilespmem:$0x10100] =	vst v63  }
0x78: {  	_ = 	snop  }
0x79: {  	[tilespmem:s16], [sflag:$0x1] =	stream.indirect_vreg.gather [hbm4b:s2+s3], $0x80, v3, vm0, $0xb8;
	[tilespmem:$0x10100] =	vst v63  }
0x7a: {  	v3 =	vld [tilespmem:$0x90];
	_ =	sdelay $0x4  }
0x7b: {  	v57 =	vshll.u32 v3, $0x1  }
0x7c: {  	v3 =	vand.u32 $0x7, v3;
	v4 =	vand.u32 $0xFFFFFFF0, v57  }
0x7d: {  	v3 =	vor.u32 v3, v4  }
0x7e: {  	v4 =	vperm.xlane v3, v0;
	_ =	sdelay $0x1  }
0x7f: {  	v3 =	vperm.xlane v3, v2;
	v4 =	vadd.s32 v1, v4;
	_ =	sdelay $0x1  }
0x80: {  	v3 =	vadd.s32 v1, v3;
	_ =	sdelay $0x2  }
0x81: {  	[tilespmem:s17], [sflag:$0x1] =	stream.indirect_vreg.gather [hbm4b:s2+s3], $0x80, v4, vm0, $0xb8;
	[tilespmem:$0x10100] =	vst v63  }
0x82: {  	_ = 	snop  }
0x83: {  	[tilespmem:s18], [sflag:$0x1] =	stream.indirect_vreg.gather [hbm4b:s2+s3], $0x80, v3, vm0, $0xb8;
	[tilespmem:$0x10100] =	vst v63  }
0x84: {  	v3 =	vld [tilespmem:$0xA0];
	_ =	sdelay $0x4  }
0x85: {  	v58 =	vshll.u32 v3, $0x1  }
0x86: {  	v3 =	vand.u32 $0x7, v3;
	v4 =	vand.u32 $0xFFFFFFF0, v58  }
0x87: {  	v3 =	vor.u32 v3, v4  }
0x88: {  	v4 =	vperm.xlane v3, v0;
	_ =	sdelay $0x1  }
0x89: {  	v3 =	vperm.xlane v3, v2;
	v4 =	vadd.s32 v1, v4;
	_ =	sdelay $0x1  }
0x8a: {  	v3 =	vadd.s32 v1, v3;
	_ =	sdelay $0x2  }
0x8b: {  	[tilespmem:s19], [sflag:$0x1] =	stream.indirect_vreg.gather [hbm4b:s2+s3], $0x80, v4, vm0, $0xb8;
	[tilespmem:$0x10100] =	vst v63  }
0x8c: {  	_ = 	snop  }
0x8d: {  	[tilespmem:s20], [sflag:$0x1] =	stream.indirect_vreg.gather [hbm4b:s2+s3], $0x80, v3, vm0, $0xb8;
	[tilespmem:$0x10100] =	vst v63  }
0x8e: {  	v3 =	vld [tilespmem:$0xB0];
	_ =	sdelay $0x4  }
0x8f: {  	v59 =	vshll.u32 v3, $0x1  }
0x90: {  	v3 =	vand.u32 $0x7, v3;
	v4 =	vand.u32 $0xFFFFFFF0, v59  }
0x91: {  	v3 =	vor.u32 v3, v4  }
0x92: {  	v4 =	vperm.xlane v3, v0;
	_ =	sdelay $0x1  }
0x93: {  	v3 =	vperm.xlane v3, v2;
	v4 =	vadd.s32 v1, v4;
	_ =	sdelay $0x1  }
0x94: {  	v3 =	vadd.s32 v1, v3;
	_ =	sdelay $0x2  }
0x95: {  	[tilespmem:s21], [sflag:$0x1] =	stream.indirect_vreg.gather [hbm4b:s2+s3], $0x80, v4, vm0, $0xb8;
	[tilespmem:$0x10100] =	vst v63  }
0x96: {  	_ = 	snop  }
0x97: {  	[tilespmem:s22], [sflag:$0x1] =	stream.indirect_vreg.gather [hbm4b:s2+s3], $0x80, v3, vm0, $0xb8;
	[tilespmem:$0x10100] =	vst v63  }
0x98: {  	v3 =	vld [tilespmem:$0xC0];
	_ =	sdelay $0x4  }
0x99: {  	v60 =	vshll.u32 v3, $0x1  }
0x9a: {  	v3 =	vand.u32 $0x7, v3;
	v4 =	vand.u32 $0xFFFFFFF0, v60  }
0x9b: {  	v3 =	vor.u32 v3, v4  }
0x9c: {  	v4 =	vperm.xlane v3, v0;
	_ =	sdelay $0x1  }
0x9d: {  	v3 =	vperm.xlane v3, v2;
	v4 =	vadd.s32 v1, v4;
	_ =	sdelay $0x1  }
0x9e: {  	v3 =	vadd.s32 v1, v3;
	_ =	sdelay $0x2  }
0x9f: {  	[tilespmem:s23], [sflag:$0x1] =	stream.indirect_vreg.gather [hbm4b:s2+s3], $0x80, v4, vm0, $0xb8;
	[tilespmem:$0x10100] =	vst v63  }
0xa0: {  	_ = 	snop  }
0xa1: {  	[tilespmem:s24], [sflag:$0x1] =	stream.indirect_vreg.gather [hbm4b:s2+s3], $0x80, v3, vm0, $0xb8;
	[tilespmem:$0x10100] =	vst v63  }
0xa2: {  	v3 =	vld [tilespmem:$0xD0];
	_ =	sdelay $0x4  }
0xa3: {  	v61 =	vshll.u32 v3, $0x1  }
0xa4: {  	v3 =	vand.u32 $0x7, v3;
	v4 =	vand.u32 $0xFFFFFFF0, v61  }
0xa5: {  	v3 =	vor.u32 v3, v4  }
0xa6: {  	v4 =	vperm.xlane v3, v0;
	_ =	sdelay $0x1  }
0xa7: {  	v3 =	vperm.xlane v3, v2;
	v4 =	vadd.s32 v1, v4;
	_ =	sdelay $0x1  }
0xa8: {  	v3 =	vadd.s32 v1, v3;
	_ =	sdelay $0x2  }
0xa9: {  	[tilespmem:s25], [sflag:$0x1] =	stream.indirect_vreg.gather [hbm4b:s2+s3], $0x80, v4, vm0, $0xb8;
	[tilespmem:$0x10100] =	vst v63  }
0xaa: {  	_ = 	snop  }
0xab: {  	[tilespmem:s26], [sflag:$0x1] =	stream.indirect_vreg.gather [hbm4b:s2+s3], $0x80, v3, vm0, $0xb8;
	[tilespmem:$0x10100] =	vst v63  }
0xac: {  	v3 =	vld [tilespmem:$0xE0];
	_ =	sdelay $0x4  }
0xad: {  	v62 =	vshll.u32 v3, $0x1  }
0xae: {  	v3 =	vand.u32 $0x7, v3;
	v4 =	vand.u32 $0xFFFFFFF0, v62  }
0xaf: {  	v3 =	vor.u32 v3, v4  }
0xb0: {  	v4 =	vperm.xlane v3, v0;
	_ =	sdelay $0x1  }
0xb1: {  	v3 =	vperm.xlane v3, v2;
	v4 =	vadd.s32 v1, v4;
	_ =	sdelay $0x1  }
0xb2: {  	v3 =	vadd.s32 v1, v3;
	_ =	sdelay $0x2  }
0xb3: {  	[tilespmem:s28], [sflag:$0x1] =	stream.indirect_vreg.gather [hbm4b:s2+s3], $0x80, v4, vm0, $0xb8;
	[tilespmem:$0x10100] =	vst v63  }
0xb4: {  	_ = 	snop  }
0xb5: {  	[tilespmem:s29], [sflag:$0x1] =	stream.indirect_vreg.gather [hbm4b:s2+s3], $0x80, v3, vm0, $0xb8;
	[tilespmem:$0x10100] =	vst v63  }
0xb6: {  	v3 =	vld [tilespmem:$0xF0];
	_ =	sdelay $0x4  }
0xb7: {  	v63 =	vshll.u32 v3, $0x1  }
0xb8: {  	v3 =	vand.u32 $0x7, v3;
	v4 =	vand.u32 $0xFFFFFFF0, v63  }
0xb9: {  	v3 =	vor.u32 v3, v4  }
0xba: {  	v4 =	vperm.xlane v3, v0;
	_ =	sdelay $0x1  }
0xbb: {  	v3 =	vperm.xlane v3, v2;
	v4 =	vadd.s32 v1, v4;
	_ =	sdelay $0x1  }
0xbc: {  	v3 =	vadd.s32 v1, v3;
	_ =	sdelay $0x2  }
0xbd: {  	[tilespmem:s30], [sflag:$0x1] =	stream.indirect_vreg.gather [hbm4b:s2+s3], $0x80, v4, vm0, $0xb8;
	[tilespmem:$0x10100] =	vst v63  }
0xbe: {  	_ = 	snop  }
0xbf: {  	[tilespmem:s31], [sflag:$0x1] =	stream.indirect_vreg.gather [hbm4b:s2+s3], $0x80, v3, vm0, $0xb8;
	[tilespmem:$0x10100] =	vst v63  }
0xc0: {  	_ =	swait.ge [sflag:s1], $0x8000  }
0xc1: {  	[sflag:s1] =	ssyncset.done $0x0  }
0xc2: {  	[sflag:s1] =	ssyncadd.s32 $0xFFFF8000  }
0xc3: {  	_ =	swait.ge [sflag:s1], $0x8000  }
0xc4: {  	p0 =	sne.s32 s4, $0x1;
	[sflag:s1] =	ssyncset.done $0x0  }
.Ltmp0:
0xc5: {  	s7 =	rddreg [dreg:$0x4];
	[sflag:s1] =	ssyncadd.s32 $0xFFFF8000;
	(pc) =	sbr.rel @p0 .LBB2_1-.Ltmp0, $4  }
0xc6: {  	[hbm4b:s7+s3] =	stream.linear.scatter [tilespmem:s6], [sflag:$0x2], $0x10000, $0x38;
	[tilespmem:$0x10100] =	vst v63  }
0xc7: {  	_ =	swait.ge [sflag:s5], $0x10000  }
0xc8: {  	[sflag:s5] =	ssyncset.done $0x0  }
0xc9: {  	s4 =	sadd.s32 $0xFFFFFFFF, s4;
	[sflag:s5] =	ssyncadd.s32 $0xFFFF0000  }
0xca: {  	_ =	sfence.sel $0x180000  }
0xcb: {  	[bflag:$0x0] =	sbarrier.arrive $0xFFFF  }
0xcc: {  	_ =	strace $0x90000050  }
0xcd: {  	s0 =	stileid.u32;
	[bflag:$0x2] =	sbarrier.arrive $0xFFFF  }
0xce: {  	p0 =	sne.s32 s0, $0x0;
	s0 =	rddreg [dreg:$0x2]  }
0xcf: {  	s0 =	sadd.s32 @!p0 $0x100000, s0  }
0xd0: {  	[sflag:s0] =	ssyncadd.tile.s32 @!p0 $0x1;
	_ =	shalt  }
.Lfunc_end2:
_tile_overlayer_lowered:
.L_overlay_start_2:
0xd1: {  	(tag) =	ssettag $0x2  }
0xd2: {  	s0 =	rddreg [dreg:$0x0];
	s2 =	stileid.u32  }
0xd3: {  	s1 =	rddreg [dreg:$0x1];
	p0 =	sne.s32 s2, $0x0  }
0xd4: {  	s3 =	rddreg [dreg:$0x2];
	[bflag:$0x3] =	sbarrier.arrive $0xFFFF;
	s2 =	simm.s32 @!p0 $0x1C02  }
0xd5: {  	[timem:s3], [sflag:s2] =	dma.local @!p0 [hbm:s0], s1  }
0xd6: {  	s0 =	simm.s32 @!p0 $0x2  }
0xd7: {  	_ =	swait.ge @!p0 [sflag:s0], s1  }
0xd8: {  	s1 =	ssub.s32 @!p0 $0x0, s1;
	[sflag:s0] =	ssyncset.done @!p0 $0x0  }
0xd9: {  	[sflag:s0] =	ssyncadd.s32 @!p0 s1  }
0xda: {  	[bflag:$0x3] =	sbarrier.arrive $0xFFFF  }
0xdb: {  	_ =	shalt  }

// kernel: kernel.29.cloned.1.call-start
scs
__scs_entry_jumppad:
0x0: {  	(pc) =	sbr.rel $0x88, $3  }
0x1: {  	(tag) =	ssettag $0x0;
	lr =	simm.s32 $0x1  }
0x2: {  	[smem:$0x3F9C] =	sst lr;
	_ =	strace $0xD0000000  }
0x3: {  	_ = 	snop  }
0x4: {  	_ = 	snop  }
0x5: {  	_ = 	snop  }
0x6: {  	_ = 	snop  }
0x7: {  	_ = 	snop  }
__scs_overlays_trampoline_lowered:
0x8: {  	[smem:$0x3FAB] =	sst s0  }
0x9: {  	[smem:$0x3FAC] =	sst s1  }
0xa: {  	[smem:$0x3FAD] =	sst s2  }
0xb: {  	[smem:$0x3FAE] =	sst s3  }
0xc: {  	[smem:$0x3FAF] =	sst s4  }
0xd: {  	[smem:$0x3FB0] =	sst s5  }
0xe: {  	[smem:$0x3FB1] =	sst s6  }
0xf: {  	[smem:$0x3FB2] =	sst s7  }
0x10: {  	[smem:$0x3FB3] =	sst s8  }
0x11: {  	[smem:$0x3FB4] =	sst s9;
	s0 =	simm.s32 @!p0 $0x0  }
0x12: {  	s1 =	sld [smem:$0x3F9A];
	s0 =	simm.s32 @p0 $0x1  }
0x13: {  	[smem:$0x3FB5] =	sst s0;
	s0 =	simm.s32 @!p1 $0x0  }
0x14: {  	s2 =	sld [smem:$0x3F99];
	s0 =	simm.s32 @p1 $0x1  }
0x15: {  	[smem:$0x3FB6] =	sst s0;
	s0 =	simm.s32 @!p2 $0x0  }
0x16: {  	s3 =	sld [smem:$0x3FDB];
	s0 =	simm.s32 @p2 $0x1  }
0x17: {  	s4 =	simm.s32 $0x1BF5;
	[smem:$0x3FB8] =	sst s0  }
0x18: {  	s0 =	sld [smem:$0x3F9B];
	_ =	swait.ge [sflag:s4], $0x0  }
0x19: {  	s7 =	sld [smem:$0x3F9C]  }
0x1a: {  	s8 =	sadd.s32 $0xFFFFE003, lr  }
0x1b: {  	s9 =	sadd.s32 $0xFFFFFEF7, lr;
	s5 =	simm.s32 $0xFFFFFFFF;
	p2 =	slt.u32 s8, $0xFFFFF086  }
0x1c: {  	p1 =	slt.u32 s9, $0xF7A;
	s5 =	simm.s32 @!p2 $0x0  }
0x1d: {  	s5 =	simm.s32 @p1 $0x1;
	p0 =	seq.s32 s7, s2  }
0x1e: {  	s7 =	smul.u32 @!p0 $0xF7A, s2;
	p2 =	seq.s32 @!p0 s5, $0x0  }
0x1f: {  	s9 =	smul.u32 $0xF7A, s1;
	s8 =	simm.s32 @!p0 $0x1BF5;
	p2 =	por !p2, p0  }
0x20: {  	[sflag:s8] =	ssyncset.s32 @!p0 $0xFFFFF086;
	s6 =	sadd.s32 @!p0 s3, s7;
	s7 =	simm.s32 @!p0 $0x108  }
0x21: {  	s3 =	sadd.s32 s3, s9;
	s6 =	sadd.s32 @!p0 $0x88, s6;
	s7 =	simm.s32 @p2 $0x1082  }
0x22: {  	[simem:s7], [sflag:s8] =	dma.local @!p0 [hbm:s6], $0xF7A  }
0x23: {  	s9 =	sor.u32 $0xD0000000, s2;
	s6 =	simm.s32 $0x108;
	_ =	swait.ge @!p0 [sflag:s8], $0x0  }
0x24: {  	s3 =	sadd.s32 $0x88, s3;
	s6 =	simm.s32 @!p1 $0x1082;
	[sflag:s4] =	ssyncset.s32 $0xFFFFF086  }
0x25: {  	[simem:s6], [sflag:s4] =	dma.local [hbm:s3], $0xF7A  }
0x26: {  	[smem:$0x3F9C] =	sst s1;
	(tag) =	ssettag s2;
	_ =	strace s9  }
0x27: {  	s1 =	sld [smem:$0x3FAC]  }
0x28: {  	s2 =	sld [smem:$0x3FAD]  }
0x29: {  	s4 =	sld [smem:$0x3FAF]  }
0x2a: {  	p0 =	seq.s32 s5, $0x0;
	s5 =	sld [smem:$0x3FB0]  }
0x2b: {  	s6 =	sld [smem:$0x3FB1]  }
0x2c: {  	s7 =	sld [smem:$0x3FB2]  }
0x2d: {  	s3 =	simm.s32 $0x108;
	s8 =	sld [smem:$0x3FB3]  }
0x2e: {  	s3 =	simm.s32 @!p0 $0x1082;
	s9 =	sld [smem:$0x3FB4]  }
0x2f: {  	lr =	sadd.s32 s0, s3;
	s0 =	sld [smem:$0x3FAB]  }
0x30: {  	s3 =	sld [smem:$0x3FAE]  }
0x31: {  	[smem:$0x3FB7] =	sst s10  }
0x32: {  	s10 =	sld [smem:$0x3FB5];
	_ =	sdelay $0x3  }
0x33: {  	p0 =	seq.s32 s10, $0x1;
	s10 =	sld [smem:$0x3FB7];
	_ =	sdelay $0x3  }
0x34: {  	[smem:$0x3FB7] =	sst s10  }
0x35: {  	s10 =	sld [smem:$0x3FB6];
	_ =	sdelay $0x3  }
0x36: {  	p1 =	seq.s32 s10, $0x1;
	s10 =	sld [smem:$0x3FB7];
	_ =	sdelay $0x3  }
0x37: {  	[smem:$0x3FB7] =	sst s10  }
0x38: {  	s10 =	sld [smem:$0x3FB8]  }
0x39: {  	_ = 	snop;
	(pc) =	sbr.ind lr, $3  }
0x3a: {  	_ = 	snop  }
0x3b: {  	_ = 	snop  }
0x3c: {  	p2 =	seq.s32 s10, $0x1;
	s10 =	sld [smem:$0x3FB7]  }
0x3d: {  	_ =	shalt  }
0x3e: {  	_ =	shalt  }
0x3f: {  	_ =	shalt  }
0x40: {  	_ =	shalt  }
0x41: {  	_ =	shalt  }
0x42: {  	_ =	shalt  }
0x43: {  	_ =	shalt  }
0x44: {  	_ =	shalt  }
0x45: {  	_ =	shalt  }
0x46: {  	_ =	shalt  }
0x47: {  	_ =	shalt  }
0x48: {  	_ =	shalt  }
0x49: {  	_ =	shalt  }
0x4a: {  	_ =	shalt  }
0x4b: {  	_ =	shalt  }
0x4c: {  	_ =	shalt  }
0x4d: {  	_ =	shalt  }
0x4e: {  	_ =	shalt  }
0x4f: {  	_ =	shalt  }
0x50: {  	_ =	shalt  }
0x51: {  	_ =	shalt  }
0x52: {  	_ =	shalt  }
0x53: {  	_ =	shalt  }
0x54: {  	_ =	shalt  }
0x55: {  	_ =	shalt  }
0x56: {  	_ =	shalt  }
0x57: {  	_ =	shalt  }
0x58: {  	_ =	shalt  }
0x59: {  	_ =	shalt  }
0x5a: {  	_ =	shalt  }
0x5b: {  	_ =	shalt  }
0x5c: {  	_ =	shalt  }
0x5d: {  	_ =	shalt  }
0x5e: {  	_ =	shalt  }
0x5f: {  	_ =	shalt  }
0x60: {  	_ =	shalt  }
0x61: {  	_ =	shalt  }
0x62: {  	_ =	shalt  }
0x63: {  	_ =	shalt  }
0x64: {  	_ =	shalt  }
0x65: {  	_ =	shalt  }
0x66: {  	_ =	shalt  }
0x67: {  	_ =	shalt  }
0x68: {  	_ =	shalt  }
0x69: {  	_ =	shalt  }
0x6a: {  	_ =	shalt  }
0x6b: {  	_ =	shalt  }
0x6c: {  	_ =	shalt  }
0x6d: {  	_ =	shalt  }
0x6e: {  	_ =	shalt  }
0x6f: {  	_ =	shalt  }
0x70: {  	_ =	shalt  }
0x71: {  	_ =	shalt  }
0x72: {  	_ =	shalt  }
0x73: {  	_ =	shalt  }
0x74: {  	_ =	shalt  }
0x75: {  	_ =	shalt  }
0x76: {  	_ =	shalt  }
0x77: {  	_ =	shalt  }
0x78: {  	_ =	shalt  }
0x79: {  	_ =	shalt  }
0x7a: {  	_ =	shalt  }
0x7b: {  	_ =	shalt  }
0x7c: {  	_ =	shalt  }
0x7d: {  	_ =	shalt  }
0x7e: {  	_ =	shalt  }
0x7f: {  	_ =	shalt  }
0x80: {  	_ =	shalt  }
0x81: {  	_ =	shalt  }
0x82: {  	_ =	shalt  }
0x83: {  	_ =	shalt  }
0x84: {  	_ =	shalt  }
0x85: {  	_ =	shalt  }
0x86: {  	_ =	shalt  }
0x87: {  	_ =	shalt  }
.Lfunc_end0:
.L_simem_size_0:
called_computation.3_lowered:
.L_overlay_start_0:
0x88: {  	s2 =	sld [smem:$0x3FD9]  }
0x89: {  	s3 =	sld [smem:$0x3FFE];
	_ =	sdelay $0x1  }
0x8a: {  	s1 =	srdreg.scid  }
0x8b: {  	s0 =	sand.u32 $0x1, s1  }
0x8c: {  	s17 =	sshll.u32 s0, $0xA;
	s2 =	sadd.s32 s3, s2  }
0x8d: {  	s2 =	sadd.s32 s2, s17  }
0x8e: {  	[smem:$0x3FC3] =	sst s2  }
0x8f: {  	_ = 	snop  }
0x90: {  	s18 =	sld [smem:$0x3FC7];
	(tm) =	ssettm $0x1  }
0x91: {  	s19 =	sld [smem:$0x3FFB];
	_ =	sdelay $0x3  }
0x92: {  	_ =	strace s19  }
0x93: {  	s2 =	sld [smem:$0x3FFC];
	_ =	sdelay $0x3  }
0x94: {  	_ =	strace s2  }
0x95: {  	s2 =	sld [smem:$0x3FFD];
	_ =	sdelay $0x3  }
0x96: {  	_ =	strace s2  }
0x97: {  	_ =	strace $0x8FFFFFFF  }
0x98: {  	s20 =	sld [smem:$0x3FDB];
	_ =	sdelay $0x1  }
0x99: {  	s4 =	simm.s32 $_scs_section_size  }
0x9a: {  	s5 =	simm.s32 $_size__tile_overlayer_lowered;
	s6 =	simm.s32 $_tile_overlayer_lowered  }
0x9b: {  	s7 =	simm.s32 $0x1BFF;
	s21 =	sshll.u32 s6, $0x1;
	s4 =	sadd.s32 s4, s20  }
0x9c: {  	s22 =	simm.s32 $0x0;
	s5 =	sshll.u32 s5, $0x1;
	s6 =	sadd.s32 s21, s4  }
0x9d: {  	[timem:s22], [sflag:s7] =	dma.local [hbm:s6], s5  }
0x9e: {  	_ =	swait.ge [sflag:s7], s5  }
0x9f: {  	s5 =	ssub.s32 $0x0, s5;
	[sflag:s7] =	ssyncset.done $0x0  }
0xa0: {  	[sflag:s7] =	ssyncadd.s32 s5;
	_ =	sdelay $0x1  }
0xa1: {  	s23 =	simm.s32 $0x1B8B  }
0xa2: {  	_ =	swait.ge [sflag:s23], $0x1  }
0xa3: {  	[sflag:s23] =	ssyncset.done $0x0  }
0xa4: {  	[sflag:s23] =	ssyncadd.s32 $0xFFFFFFFF  }
0xa5: {  	s5 =	sld [smem:$0x0]  }
0xa6: {  	s6 =	sand.u32 $0xFFFFFFFE, s1  }
0xa7: {  	p0 =	sne.s32 s1, s6  }
0xa8: {  	s6 =	sshll.u32 @p0 s6, $0xE  }
0xa9: {  	s6 =	sadd.s32 @p0 $0x11B8D, s6;
	s7 =	sshll.u32 @p0 s5, $0x11  }
0xaa: {  	s6 =	sor.u32 @p0 s7, s6  }
0xab: {  	[sflag:s6] =	ssyncadd.remote.s32 @p0 $0x1;
	_ =	sdelay $0x1  }
0xac: {  	s6 =	simm.s32 @p0 $0x1B8D  }
0xad: {  	_ =	swait.eq @p0 [sflag:s6], $0x1  }
0xae: {  	[sflag:s6] =	ssyncadd.s32 @p0 $0xFFFFFFFF  }
0xaf: {  	s7 =	sshll.u32 @!p0 s1, $0xE  }
0xb0: {  	s7 =	sor.u32 @!p0 $0x4000, s7;
	s6 =	simm.s32 @!p0 $0x1B8D  }
0xb1: {  	s5 =	sshll.u32 @!p0 s5, $0x11;
	s7 =	sadd.s32 @!p0 $0x11B8D, s7;
	_ =	swait.eq @!p0 [sflag:s6], $0x1  }
0xb2: {  	s5 =	sor.u32 @!p0 s5, s7;
	[sflag:s6] =	ssyncadd.s32 @!p0 $0xFFFFFFFF  }
0xb3: {  	s25 =	simm.s32 $0x1B8E;
	s24 =	sld [smem:$0x3FFE];
	[sflag:s5] =	ssyncadd.remote.s32 @!p0 $0x1  }
0xb4: {  	s26 =	simm.s32 $execute0_lowered;
	[smem:$0x3FD2] =	sst s25  }
0xb5: {  	s6 =	sshll.u32 s26, $0x1;
	_ =	strace $0x8000004C;
	[dreg:$0x1] =	wrdreg $0xFFFFFFFF  }
0xb6: {  	s28 =	simm.s32 $_size_execute0_lowered;
	s4 =	sadd.s32 s4, s6;
	[dreg:$0x0] =	wrdreg $0x0  }
0xb7: {  	s6 =	sshll.u32 s28, $0x1;
	[dreg:$0x2] =	wrdreg s4  }
0xb8: {  	[dreg:$0x3] =	wrdreg s6  }
0xb9: {  	[dreg:$0x4] =	wrdreg $0xC0  }
0xba: {  	_ =	task [dreg:s22], $0x5FFFF  }
0xbb: {  	[dreg:$0x1] =	wrdreg $0xFFFFFFFF  }
0xbc: {  	[dreg:$0x0] =	wrdreg $0x60  }
0xbd: {  	[dreg:$0x2] =	wrdreg s18  }
0xbe: {  	[dreg:$0x3] =	wrdreg s24  }
0xbf: {  	[dreg:$0x4] =	wrdreg $0xA  }
0xc0: {  	_ =	task.clear_ibuf [dreg:s22], $0x5FFFF;
	_ =	strace $0x9000004C  }
0xc1: {  	s29 =	simm.s32 $0xA;
	_ =	strace $0x8000004E  }
0xc2: {  	_ =	swait.ge [sflag:s29], $0x1  }
0xc3: {  	[sflag:s29] =	ssyncadd.s32 $0xFFFFFFFF  }
0xc4: {  	_ =	strace $0x9000004E  }
0xc5: {  	_ =	sfence  }
0xc6: {  	s30 =	sld [smem:$0x0];
	_ =	sdelay $0x2  }
0xc7: {  	s31 =	sshll.u32 s1, $0xD;
	s1 =	sshrl.u32 s1, $0x2  }
0xc8: {  	s4 =	sand.u32 $0x4000, s31;
	s1 =	sadd.s32 s1, s30  }
0xc9: {  	s0 =	sor.u32 s4, s0;
	s1 =	sshll.u32 s1, $0x11  }
0xca: {  	s0 =	sor.u32 s1, s0  }
0xcb: {  	s0 =	sadd.s32 $0x8F2B, s0  }
0xcc: {  	[sflag:s0] =	ssyncadd.remote.s32 $0x1  }
0xcd: {  	_ =	sfence.sel $0xFFFF  }
0xce: {  	[dreg:$0x0] =	wrdreg $0xFFFFFFFF;
	(pc) =	sbr.abs _section_cstart, $3  }
0xcf: {  	[dreg:$0x1] =	wrdreg $0xFFFFFFFF  }
0xd0: {  	_ =	task.clear_ibuf [dreg:s22], $0x2FFFF;
	_ =	strace $0x9FFFFFFF  }
0xd1: {  	(tm) =	ssettm $0x7FFFFFFF  }
tec
execute0_lowered:
.L_overlay_start_1:
0x0: {  	(tag) =	ssettag $0x1  }
0x1: {  	s1 =	srdreg.scid  }
0x2: {  	s0 =	stileid.u32;
	s2 =	rddreg [dreg:$0x0]  }
0x3: {  	s5 =	rddreg [dreg:$0x1];
	s19 =	simm.s32 $0x900;
	s20 =	simm.s32 $0x1100  }
0x4: {  	s21 =	simm.s32 $0x1900;
	s23 =	simm.s32 $0x2100;
	s24 =	simm.s32 $0x2900  }
0x5: {  	s25 =	simm.s32 $0x3100;
	s26 =	simm.s32 $0x3900;
	s8 =	simm.s32 $0x4900  }
0x6: {  	s9 =	simm.s32 $0x5100;
	s10 =	simm.s32 $0x5900;
	s11 =	simm.s32 $0x6100  }
0x7: {  	s12 =	simm.s32 $0x6900;
	s13 =	simm.s32 $0x7100;
	s1 =	sand.u32 $0x1, s1  }
0x8: {  	s14 =	simm.s32 $0x7900;
	s3 =	sshll.u32 s0, $0x9;
	s4 =	sshll.u32 s1, $0x8  }
0x9: {  	s15 =	simm.s32 $0x8100;
	s4 =	sor.u32 s4, s3;
	s3 =	simm.s32 $0x0  }
0xa: {  	s16 =	simm.s32 $0x8900;
	s17 =	simm.s32 $0x9100;
	[smem:$0x7FF] =	sst s3  }
0xb: {  	s28 =	simm.s32 $0xE100;
	_ =	strace $0x8000004D;
	[dreg:$0x5] =	wrdreg s19  }
0xc: {  	s29 =	simm.s32 $0xE900;
	s30 =	simm.s32 $0xF100;
	[dreg:$0x6] =	wrdreg s20  }
0xd: {  	s31 =	simm.s32 $0xF900;
	s1 =	ssub.s32 $0x2, s1;
	[dreg:$0x7] =	wrdreg s21  }
0xe: {  	s22 =	sshrl.u32 s1, $0x1;
	s6 =	sshrl.u32 s4, $0x3;
	[dreg:$0x8] =	wrdreg s23  }
0xf: {  	s4 =	sshll.u32 s4, $0x5;
	s1 =	ssub.s32 s1, s22;
	[dreg:$0x9] =	wrdreg s24  }
0x10: {  	s22 =	simm.s32 $0xB900;
	s6 =	sadd.s32 s6, s5;
	[dreg:$0xa] =	wrdreg s25  }
0x11: {  	s4 =	sadd.s32 s4, s5;
	s5 =	simm.s32 $0x2;
	[dreg:$0xb] =	wrdreg s26  }
0x12: {  	s19 =	simm.s32 $0xA100;
	s20 =	simm.s32 $0xA900;
	s21 =	simm.s32 $0xB100  }
0x13: {  	s23 =	simm.s32 $0xC100;
	s24 =	simm.s32 $0xC900;
	s18 =	sadd.s32 $0x46000, s6  }
0x14: {  	v2 =	vlaneseq.u32;
	s25 =	simm.s32 $0xD100;
	s4 =	sadd.s32 $0x46400, s4;
	[dreg:$0x3] =	wrdreg s18  }
0x15: {  	vm0 =	vmmov $0xffff;
	v1 =	vshrl.u32 v2, $0x3;
	s26 =	simm.s32 $0xD900;
	s6 =	simm.s32 $0x100;
	[dreg:$0x4] =	wrdreg s4  }
0x16: {  	v0 =	vand.u32 $0x7, v2;
	v2 =	vor.u32 $0x8, v2;
	v1 =	vmul.u32 $0x8, v1;
	s4 =	smax.u32 s1, $0x1;
	s18 =	simm.s32 $0x9900;
	s1 =	simm.s32 $0x1  }
.LBB2_1:
0x17: {  	s0 =	rddreg [dreg:$0x3]  }
0x18: {  	[tilespmem:s3], [sflag:$0x2] =	stream.linear.gather [hbm4b:s0+s3], $0x100, $0x38;
	[tilespmem:$0x10100] =	vst v63  }
0x19: {  	_ =	swait.ge [sflag:s5], $0x100  }
0x1a: {  	[sflag:s5] =	ssyncset.done $0x0  }
0x1b: {  	[sflag:s5] =	ssyncadd.s32 $0xFFFFFF00  }
0x1c: {  	v3 =	vld [tilespmem:$0x0];
	_ =	sdelay $0x4  }
0x1d: {  	v4 =	vshll.u32 v3, $0x1  }
0x1e: {  	v3 =	vand.u32 $0x7, v3;
	v4 =	vand.u32 $0xFFFFFFF0, v4  }
0x1f: {  	v3 =	vor.u32 v3, v4  }
0x20: {  	v4 =	vperm.xlane v3, v0;
	_ =	sdelay $0x1  }
0x21: {  	v3 =	vperm.xlane v3, v2;
	v4 =	vadd.s32 v1, v4;
	_ =	sdelay $0x1  }
0x22: {  	v3 =	vadd.s32 v1, v3;
	_ =	sdelay $0x2  }
0x23: {  	[tilespmem:s6], [sflag:$0x1] =	stream.indirect_vreg.gather [hbm4b:s2+s3], $0x80, v4, vm0, $0xb8;
	[tilespmem:$0x10100] =	vst v63  }
0x24: {  	s7 =	rddreg [dreg:$0x5]  }
0x25: {  	[tilespmem:s7], [sflag:$0x1] =	stream.indirect_vreg.gather [hbm4b:s2+s3], $0x80, v3, vm0, $0xb8;
	[tilespmem:$0x10100] =	vst v63  }
0x26: {  	v3 =	vld [tilespmem:$0x10];
	_ =	sdelay $0x4  }
0x27: {  	v49 =	vshll.u32 v3, $0x1  }
0x28: {  	v3 =	vand.u32 $0x7, v3;
	v4 =	vand.u32 $0xFFFFFFF0, v49  }
0x29: {  	v3 =	vor.u32 v3, v4  }
0x2a: {  	v4 =	vperm.xlane v3, v0;
	_ =	sdelay $0x1  }
0x2b: {  	v3 =	vperm.xlane v3, v2;
	v4 =	vadd.s32 v1, v4;
	_ =	sdelay $0x1  }
0x2c: {  	v3 =	vadd.s32 v1, v3;
	_ =	sdelay $0x1  }
0x2d: {  	s0 =	rddreg [dreg:$0x6]  }
0x2e: {  	[tilespmem:s0], [sflag:$0x1] =	stream.indirect_vreg.gather [hbm4b:s2+s3], $0x80, v4, vm0, $0xb8;
	[tilespmem:$0x10100] =	vst v63  }
0x2f: {  	s7 =	rddreg [dreg:$0x7]  }
0x30: {  	[tilespmem:s7], [sflag:$0x1] =	stream.indirect_vreg.gather [hbm4b:s2+s3], $0x80, v3, vm0, $0xb8;
	[tilespmem:$0x10100] =	vst v63  }
0x31: {  	v3 =	vld [tilespmem:$0x20];
	_ =	sdelay $0x4  }
0x32: {  	v50 =	vshll.u32 v3, $0x1  }
0x33: {  	v3 =	vand.u32 $0x7, v3;
	v4 =	vand.u32 $0xFFFFFFF0, v50  }
0x34: {  	v3 =	vor.u32 v3, v4  }
0x35: {  	v4 =	vperm.xlane v3, v0;
	_ =	sdelay $0x1  }
0x36: {  	v3 =	vperm.xlane v3, v2;
	v4 =	vadd.s32 v1, v4;
	_ =	sdelay $0x1  }
0x37: {  	v3 =	vadd.s32 v1, v3;
	_ =	sdelay $0x1  }
0x38: {  	s0 =	rddreg [dreg:$0x8]  }
0x39: {  	[tilespmem:s0], [sflag:$0x1] =	stream.indirect_vreg.gather [hbm4b:s2+s3], $0x80, v4, vm0, $0xb8;
	[tilespmem:$0x10100] =	vst v63  }
0x3a: {  	s7 =	rddreg [dreg:$0x9]  }
0x3b: {  	[tilespmem:s7], [sflag:$0x1] =	stream.indirect_vreg.gather [hbm4b:s2+s3], $0x80, v3, vm0, $0xb8;
	[tilespmem:$0x10100] =	vst v63  }
0x3c: {  	v3 =	vld [tilespmem:$0x30];
	_ =	sdelay $0x4  }
0x3d: {  	v51 =	vshll.u32 v3, $0x1  }
0x3e: {  	v3 =	vand.u32 $0x7, v3;
	v4 =	vand.u32 $0xFFFFFFF0, v51  }
0x3f: {  	v3 =	vor.u32 v3, v4  }
0x40: {  	v4 =	vperm.xlane v3, v0;
	_ =	sdelay $0x1  }
0x41: {  	v3 =	vperm.xlane v3, v2;
	v4 =	vadd.s32 v1, v4;
	_ =	sdelay $0x1  }
0x42: {  	v3 =	vadd.s32 v1, v3;
	_ =	sdelay $0x1  }
0x43: {  	s0 =	rddreg [dreg:$0xa]  }
0x44: {  	[tilespmem:s0], [sflag:$0x1] =	stream.indirect_vreg.gather [hbm4b:s2+s3], $0x80, v4, vm0, $0xb8;
	[tilespmem:$0x10100] =	vst v63  }
0x45: {  	s7 =	rddreg [dreg:$0xb]  }
0x46: {  	[tilespmem:s7], [sflag:$0x1] =	stream.indirect_vreg.gather [hbm4b:s2+s3], $0x80, v3, vm0, $0xb8;
	[tilespmem:$0x10100] =	vst v63  }
0x47: {  	v3 =	vld [tilespmem:$0x40];
	_ =	sdelay $0x4  }
0x48: {  	v52 =	vshll.u32 v3, $0x1  }
0x49: {  	v3 =	vand.u32 $0x7, v3;
	v4 =	vand.u32 $0xFFFFFFF0, v52  }
0x4a: {  	v3 =	vor.u32 v3, v4  }
0x4b: {  	v4 =	vperm.xlane v3, v0;
	_ =	sdelay $0x1  }
0x4c: {  	v3 =	vperm.xlane v3, v2;
	v4 =	vadd.s32 v1, v4;
	_ =	sdelay $0x1  }
0x4d: {  	v3 =	vadd.s32 v1, v3;
	_ =	sdelay $0x1  }
0x4e: {  	s7 =	simm.s32 $0x4100  }
0x4f: {  	[tilespmem:s7], [sflag:$0x1] =	stream.indirect_vreg.gather [hbm4b:s2+s3], $0x80, v4, vm0, $0xb8;
	[tilespmem:$0x10100] =	vst v63  }
0x50: {  	_ = 	snop  }
0x51: {  	[tilespmem:s8], [sflag:$0x1] =	stream.indirect_vreg.gather [hbm4b:s2+s3], $0x80, v3, vm0, $0xb8;
	[tilespmem:$0x10100] =	vst v63  }
0x52: {  	v3 =	vld [tilespmem:$0x50];
	_ =	sdelay $0x4  }
0x53: {  	v53 =	vshll.u32 v3, $0x1  }
0x54: {  	v3 =	vand.u32 $0x7, v3;
	v4 =	vand.u32 $0xFFFFFFF0, v53  }
0x55: {  	v3 =	vor.u32 v3, v4  }
0x56: {  	v4 =	vperm.xlane v3, v0;
	_ =	sdelay $0x1  }
0x57: {  	v3 =	vperm.xlane v3, v2;
	v4 =	vadd.s32 v1, v4;
	_ =	sdelay $0x1  }
0x58: {  	v3 =	vadd.s32 v1, v3;
	_ =	sdelay $0x2  }
0x59: {  	[tilespmem:s9], [sflag:$0x1] =	stream.indirect_vreg.gather [hbm4b:s2+s3], $0x80, v4, vm0, $0xb8;
	[tilespmem:$0x10100] =	vst v63  }
0x5a: {  	_ = 	snop  }
0x5b: {  	[tilespmem:s10], [sflag:$0x1] =	stream.indirect_vreg.gather [hbm4b:s2+s3], $0x80, v3, vm0, $0xb8;
	[tilespmem:$0x10100] =	vst v63  }
0x5c: {  	v3 =	vld [tilespmem:$0x60];
	_ =	sdelay $0x4  }
0x5d: {  	v54 =	vshll.u32 v3, $0x1  }
0x5e: {  	v3 =	vand.u32 $0x7, v3;
	v4 =	vand.u32 $0xFFFFFFF0, v54  }
0x5f: {  	v3 =	vor.u32 v3, v4  }
0x60: {  	v4 =	vperm.xlane v3, v0;
	_ =	sdelay $0x1  }
0x61: {  	v3 =	vperm.xlane v3, v2;
	v4 =	vadd.s32 v1, v4;
	_ =	sdelay $0x1  }
0x62: {  	v3 =	vadd.s32 v1, v3;
	_ =	sdelay $0x2  }
0x63: {  	[tilespmem:s11], [sflag:$0x1] =	stream.indirect_vreg.gather [hbm4b:s2+s3], $0x80, v4, vm0, $0xb8;
	[tilespmem:$0x10100] =	vst v63  }
0x64: {  	_ = 	snop  }
0x65: {  	[tilespmem:s12], [sflag:$0x1] =	stream.indirect_vreg.gather [hbm4b:s2+s3], $0x80, v3, vm0, $0xb8;
	[tilespmem:$0x10100] =	vst v63  }
0x66: {  	v3 =	vld [tilespmem:$0x70];
	_ =	sdelay $0x4  }
0x67: {  	v55 =	vshll.u32 v3, $0x1  }
0x68: {  	v3 =	vand.u32 $0x7, v3;
	v4 =	vand.u32 $0xFFFFFFF0, v55  }
0x69: {  	v3 =	vor.u32 v3, v4  }
0x6a: {  	v4 =	vperm.xlane v3, v0;
	_ =	sdelay $0x1  }
0x6b: {  	v3 =	vperm.xlane v3, v2;
	v4 =	vadd.s32 v1, v4;
	_ =	sdelay $0x1  }
0x6c: {  	v3 =	vadd.s32 v1, v3;
	_ =	sdelay $0x2  }
0x6d: {  	[tilespmem:s13], [sflag:$0x1] =	stream.indirect_vreg.gather [hbm4b:s2+s3], $0x80, v4, vm0, $0xb8;
	[tilespmem:$0x10100] =	vst v63  }
0x6e: {  	_ = 	snop  }
0x6f: {  	[tilespmem:s14], [sflag:$0x1] =	stream.indirect_vreg.gather [hbm4b:s2+s3], $0x80, v3, vm0, $0xb8;
	[tilespmem:$0x10100] =	vst v63  }
0x70: {  	v3 =	vld [tilespmem:$0x80];
	_ =	sdelay $0x4  }
0x71: {  	v56 =	vshll.u32 v3, $0x1  }
0x72: {  	v3 =	vand.u32 $0x7, v3;
	v4 =	vand.u32 $0xFFFFFFF0, v56  }
0x73: {  	v3 =	vor.u32 v3, v4  }
0x74: {  	v4 =	vperm.xlane v3, v0;
	_ =	sdelay $0x1  }
0x75: {  	v3 =	vperm.xlane v3, v2;
	v4 =	vadd.s32 v1, v4;
	_ =	sdelay $0x1  }
0x76: {  	v3 =	vadd.s32 v1, v3;
	_ =	sdelay $0x2  }
0x77: {  	[tilespmem:s15], [sflag:$0x1] =	stream.indirect_vreg.gather [hbm4b:s2+s3], $0x80, v4, vm0, $0xb8;
	[tilespmem:$0x10100] =	vst v63  }
0x78: {  	_ = 	snop  }
0x79: {  	[tilespmem:s16], [sflag:$0x1] =	stream.indirect_vreg.gather [hbm4b:s2+s3], $0x80, v3, vm0, $0xb8;
	[tilespmem:$0x10100] =	vst v63  }
0x7a: {  	v3 =	vld [tilespmem:$0x90];
	_ =	sdelay $0x4  }
0x7b: {  	v57 =	vshll.u32 v3, $0x1  }
0x7c: {  	v3 =	vand.u32 $0x7, v3;
	v4 =	vand.u32 $0xFFFFFFF0, v57  }
0x7d: {  	v3 =	vor.u32 v3, v4  }
0x7e: {  	v4 =	vperm.xlane v3, v0;
	_ =	sdelay $0x1  }
0x7f: {  	v3 =	vperm.xlane v3, v2;
	v4 =	vadd.s32 v1, v4;
	_ =	sdelay $0x1  }
0x80: {  	v3 =	vadd.s32 v1, v3;
	_ =	sdelay $0x2  }
0x81: {  	[tilespmem:s17], [sflag:$0x1] =	stream.indirect_vreg.gather [hbm4b:s2+s3], $0x80, v4, vm0, $0xb8;
	[tilespmem:$0x10100] =	vst v63  }
0x82: {  	_ = 	snop  }
0x83: {  	[tilespmem:s18], [sflag:$0x1] =	stream.indirect_vreg.gather [hbm4b:s2+s3], $0x80, v3, vm0, $0xb8;
	[tilespmem:$0x10100] =	vst v63  }
0x84: {  	v3 =	vld [tilespmem:$0xA0];
	_ =	sdelay $0x4  }
0x85: {  	v58 =	vshll.u32 v3, $0x1  }
0x86: {  	v3 =	vand.u32 $0x7, v3;
	v4 =	vand.u32 $0xFFFFFFF0, v58  }
0x87: {  	v3 =	vor.u32 v3, v4  }
0x88: {  	v4 =	vperm.xlane v3, v0;
	_ =	sdelay $0x1  }
0x89: {  	v3 =	vperm.xlane v3, v2;
	v4 =	vadd.s32 v1, v4;
	_ =	sdelay $0x1  }
0x8a: {  	v3 =	vadd.s32 v1, v3;
	_ =	sdelay $0x2  }
0x8b: {  	[tilespmem:s19], [sflag:$0x1] =	stream.indirect_vreg.gather [hbm4b:s2+s3], $0x80, v4, vm0, $0xb8;
	[tilespmem:$0x10100] =	vst v63  }
0x8c: {  	_ = 	snop  }
0x8d: {  	[tilespmem:s20], [sflag:$0x1] =	stream.indirect_vreg.gather [hbm4b:s2+s3], $0x80, v3, vm0, $0xb8;
	[tilespmem:$0x10100] =	vst v63  }
0x8e: {  	v3 =	vld [tilespmem:$0xB0];
	_ =	sdelay $0x4  }
0x8f: {  	v59 =	vshll.u32 v3, $0x1  }
0x90: {  	v3 =	vand.u32 $0x7, v3;
	v4 =	vand.u32 $0xFFFFFFF0, v59  }
0x91: {  	v3 =	vor.u32 v3, v4  }
0x92: {  	v4 =	vperm.xlane v3, v0;
	_ =	sdelay $0x1  }
0x93: {  	v3 =	vperm.xlane v3, v2;
	v4 =	vadd.s32 v1, v4;
	_ =	sdelay $0x1  }
0x94: {  	v3 =	vadd.s32 v1, v3;
	_ =	sdelay $0x2  }
0x95: {  	[tilespmem:s21], [sflag:$0x1] =	stream.indirect_vreg.gather [hbm4b:s2+s3], $0x80, v4, vm0, $0xb8;
	[tilespmem:$0x10100] =	vst v63  }
0x96: {  	_ = 	snop  }
0x97: {  	[tilespmem:s22], [sflag:$0x1] =	stream.indirect_vreg.gather [hbm4b:s2+s3], $0x80, v3, vm0, $0xb8;
	[tilespmem:$0x10100] =	vst v63  }
0x98: {  	v3 =	vld [tilespmem:$0xC0];
	_ =	sdelay $0x4  }
0x99: {  	v60 =	vshll.u32 v3, $0x1  }
0x9a: {  	v3 =	vand.u32 $0x7, v3;
	v4 =	vand.u32 $0xFFFFFFF0, v60  }
0x9b: {  	v3 =	vor.u32 v3, v4  }
0x9c: {  	v4 =	vperm.xlane v3, v0;
	_ =	sdelay $0x1  }
0x9d: {  	v3 =	vperm.xlane v3, v2;
	v4 =	vadd.s32 v1, v4;
	_ =	sdelay $0x1  }
0x9e: {  	v3 =	vadd.s32 v1, v3;
	_ =	sdelay $0x2  }
0x9f: {  	[tilespmem:s23], [sflag:$0x1] =	stream.indirect_vreg.gather [hbm4b:s2+s3], $0x80, v4, vm0, $0xb8;
	[tilespmem:$0x10100] =	vst v63  }
0xa0: {  	_ = 	snop  }
0xa1: {  	[tilespmem:s24], [sflag:$0x1] =	stream.indirect_vreg.gather [hbm4b:s2+s3], $0x80, v3, vm0, $0xb8;
	[tilespmem:$0x10100] =	vst v63  }
0xa2: {  	v3 =	vld [tilespmem:$0xD0];
	_ =	sdelay $0x4  }
0xa3: {  	v61 =	vshll.u32 v3, $0x1  }
0xa4: {  	v3 =	vand.u32 $0x7, v3;
	v4 =	vand.u32 $0xFFFFFFF0, v61  }
0xa5: {  	v3 =	vor.u32 v3, v4  }
0xa6: {  	v4 =	vperm.xlane v3, v0;
	_ =	sdelay $0x1  }
0xa7: {  	v3 =	vperm.xlane v3, v2;
	v4 =	vadd.s32 v1, v4;
	_ =	sdelay $0x1  }
0xa8: {  	v3 =	vadd.s32 v1, v3;
	_ =	sdelay $0x2  }
0xa9: {  	[tilespmem:s25], [sflag:$0x1] =	stream.indirect_vreg.gather [hbm4b:s2+s3], $0x80, v4, vm0, $0xb8;
	[tilespmem:$0x10100] =	vst v63  }
0xaa: {  	_ = 	snop  }
0xab: {  	[tilespmem:s26], [sflag:$0x1] =	stream.indirect_vreg.gather [hbm4b:s2+s3], $0x80, v3, vm0, $0xb8;
	[tilespmem:$0x10100] =	vst v63  }
0xac: {  	v3 =	vld [tilespmem:$0xE0];
	_ =	sdelay $0x4  }
0xad: {  	v62 =	vshll.u32 v3, $0x1  }
0xae: {  	v3 =	vand.u32 $0x7, v3;
	v4 =	vand.u32 $0xFFFFFFF0, v62  }
0xaf: {  	v3 =	vor.u32 v3, v4  }
0xb0: {  	v4 =	vperm.xlane v3, v0;
	_ =	sdelay $0x1  }
0xb1: {  	v3 =	vperm.xlane v3, v2;
	v4 =	vadd.s32 v1, v4;
	_ =	sdelay $0x1  }
0xb2: {  	v3 =	vadd.s32 v1, v3;
	_ =	sdelay $0x2  }
0xb3: {  	[tilespmem:s28], [sflag:$0x1] =	stream.indirect_vreg.gather [hbm4b:s2+s3], $0x80, v4, vm0, $0xb8;
	[tilespmem:$0x10100] =	vst v63  }
0xb4: {  	_ = 	snop  }
0xb5: {  	[tilespmem:s29], [sflag:$0x1] =	stream.indirect_vreg.gather [hbm4b:s2+s3], $0x80, v3, vm0, $0xb8;
	[tilespmem:$0x10100] =	vst v63  }
0xb6: {  	v3 =	vld [tilespmem:$0xF0];
	_ =	sdelay $0x4  }
0xb7: {  	v63 =	vshll.u32 v3, $0x1  }
0xb8: {  	v3 =	vand.u32 $0x7, v3;
	v4 =	vand.u32 $0xFFFFFFF0, v63  }
0xb9: {  	v3 =	vor.u32 v3, v4  }
0xba: {  	v4 =	vperm.xlane v3, v0;
	_ =	sdelay $0x1  }
0xbb: {  	v3 =	vperm.xlane v3, v2;
	v4 =	vadd.s32 v1, v4;
	_ =	sdelay $0x1  }
0xbc: {  	v3 =	vadd.s32 v1, v3;
	_ =	sdelay $0x2  }
0xbd: {  	[tilespmem:s30], [sflag:$0x1] =	stream.indirect_vreg.gather [hbm4b:s2+s3], $0x80, v4, vm0, $0xb8;
	[tilespmem:$0x10100] =	vst v63  }
0xbe: {  	_ = 	snop  }
0xbf: {  	[tilespmem:s31], [sflag:$0x1] =	stream.indirect_vreg.gather [hbm4b:s2+s3], $0x80, v3, vm0, $0xb8;
	[tilespmem:$0x10100] =	vst v63  }
0xc0: {  	_ =	swait.ge [sflag:s1], $0x8000  }
0xc1: {  	[sflag:s1] =	ssyncset.done $0x0  }
0xc2: {  	[sflag:s1] =	ssyncadd.s32 $0xFFFF8000  }
0xc3: {  	_ =	swait.ge [sflag:s1], $0x8000  }
0xc4: {  	p0 =	sne.s32 s4, $0x1;
	[sflag:s1] =	ssyncset.done $0x0  }
.Ltmp0:
0xc5: {  	s7 =	rddreg [dreg:$0x4];
	[sflag:s1] =	ssyncadd.s32 $0xFFFF8000;
	(pc) =	sbr.rel @p0 .LBB2_1-.Ltmp0, $4  }
0xc6: {  	[hbm4b:s7+s3] =	stream.linear.scatter [tilespmem:s6], [sflag:$0x2], $0x10000, $0x38;
	[tilespmem:$0x10100] =	vst v63  }
0xc7: {  	_ =	swait.ge [sflag:s5], $0x10000  }
0xc8: {  	[sflag:s5] =	ssyncset.done $0x0  }
0xc9: {  	s4 =	sadd.s32 $0xFFFFFFFF, s4;
	[sflag:s5] =	ssyncadd.s32 $0xFFFF0000  }
0xca: {  	_ =	sfence.sel $0x180000  }
0xcb: {  	[bflag:$0x0] =	sbarrier.arrive $0xFFFF  }
0xcc: {  	_ =	strace $0x9000004D  }
0xcd: {  	s0 =	stileid.u32;
	[bflag:$0x2] =	sbarrier.arrive $0xFFFF  }
0xce: {  	p0 =	sne.s32 s0, $0x0;
	s0 =	rddreg [dreg:$0x2]  }
0xcf: {  	s0 =	sadd.s32 @!p0 $0x100000, s0  }
0xd0: {  	[sflag:s0] =	ssyncadd.tile.s32 @!p0 $0x1;
	_ =	shalt  }
.Lfunc_end2:
_tile_overlayer_lowered:
.L_overlay_start_2:
0xd1: {  	(tag) =	ssettag $0x2  }
0xd2: {  	s0 =	rddreg [dreg:$0x0];
	s2 =	stileid.u32  }
0xd3: {  	s1 =	rddreg [dreg:$0x1];
	p0 =	sne.s32 s2, $0x0  }
0xd4: {  	s3 =	rddreg [dreg:$0x2];
	[bflag:$0x3] =	sbarrier.arrive $0xFFFF;
	s2 =	simm.s32 @!p0 $0x1C02  }
0xd5: {  	[timem:s3], [sflag:s2] =	dma.local @!p0 [hbm:s0], s1  }
0xd6: {  	s0 =	simm.s32 @!p0 $0x2  }
0xd7: {  	_ =	swait.ge @!p0 [sflag:s0], s1  }
0xd8: {  	s1 =	ssub.s32 @!p0 $0x0, s1;
	[sflag:s0] =	ssyncset.done @!p0 $0x0  }
0xd9: {  	[sflag:s0] =	ssyncadd.s32 @!p0 s1  }
0xda: {  	[bflag:$0x3] =	sbarrier.arrive $0xFFFF  }
0xdb: {  	_ =	shalt  }

// kernel: kernel.32.cloned.1.call-start
scs
__scs_entry_jumppad:
0x0: {  	(pc) =	sbr.rel $0x88, $3  }
0x1: {  	(tag) =	ssettag $0x0;
	lr =	simm.s32 $0x1  }
0x2: {  	[smem:$0x3F9C] =	sst lr;
	_ =	strace $0xD0000000  }
0x3: {  	_ = 	snop  }
0x4: {  	_ = 	snop  }
0x5: {  	_ = 	snop  }
0x6: {  	_ = 	snop  }
0x7: {  	_ = 	snop  }
__scs_overlays_trampoline_lowered:
0x8: {  	[smem:$0x3FAB] =	sst s0  }
0x9: {  	[smem:$0x3FAC] =	sst s1  }
0xa: {  	[smem:$0x3FAD] =	sst s2  }
0xb: {  	[smem:$0x3FAE] =	sst s3  }
0xc: {  	[smem:$0x3FAF] =	sst s4  }
0xd: {  	[smem:$0x3FB0] =	sst s5  }
0xe: {  	[smem:$0x3FB1] =	sst s6  }
0xf: {  	[smem:$0x3FB2] =	sst s7  }
0x10: {  	[smem:$0x3FB3] =	sst s8  }
0x11: {  	[smem:$0x3FB4] =	sst s9;
	s0 =	simm.s32 @!p0 $0x0  }
0x12: {  	s1 =	sld [smem:$0x3F9A];
	s0 =	simm.s32 @p0 $0x1  }
0x13: {  	[smem:$0x3FB5] =	sst s0;
	s0 =	simm.s32 @!p1 $0x0  }
0x14: {  	s2 =	sld [smem:$0x3F99];
	s0 =	simm.s32 @p1 $0x1  }
0x15: {  	[smem:$0x3FB6] =	sst s0;
	s0 =	simm.s32 @!p2 $0x0  }
0x16: {  	s3 =	sld [smem:$0x3FDB];
	s0 =	simm.s32 @p2 $0x1  }
0x17: {  	s4 =	simm.s32 $0x1BF5;
	[smem:$0x3FB8] =	sst s0  }
0x18: {  	s0 =	sld [smem:$0x3F9B];
	_ =	swait.ge [sflag:s4], $0x0  }
0x19: {  	s7 =	sld [smem:$0x3F9C]  }
0x1a: {  	s8 =	sadd.s32 $0xFFFFE003, lr  }
0x1b: {  	s9 =	sadd.s32 $0xFFFFFEF7, lr;
	s5 =	simm.s32 $0xFFFFFFFF;
	p2 =	slt.u32 s8, $0xFFFFF086  }
0x1c: {  	p1 =	slt.u32 s9, $0xF7A;
	s5 =	simm.s32 @!p2 $0x0  }
0x1d: {  	s5 =	simm.s32 @p1 $0x1;
	p0 =	seq.s32 s7, s2  }
0x1e: {  	s7 =	smul.u32 @!p0 $0xF7A, s2;
	p2 =	seq.s32 @!p0 s5, $0x0  }
0x1f: {  	s9 =	smul.u32 $0xF7A, s1;
	s8 =	simm.s32 @!p0 $0x1BF5;
	p2 =	por !p2, p0  }
0x20: {  	[sflag:s8] =	ssyncset.s32 @!p0 $0xFFFFF086;
	s6 =	sadd.s32 @!p0 s3, s7;
	s7 =	simm.s32 @!p0 $0x108  }
0x21: {  	s3 =	sadd.s32 s3, s9;
	s6 =	sadd.s32 @!p0 $0x88, s6;
	s7 =	simm.s32 @p2 $0x1082  }
0x22: {  	[simem:s7], [sflag:s8] =	dma.local @!p0 [hbm:s6], $0xF7A  }
0x23: {  	s9 =	sor.u32 $0xD0000000, s2;
	s6 =	simm.s32 $0x108;
	_ =	swait.ge @!p0 [sflag:s8], $0x0  }
0x24: {  	s3 =	sadd.s32 $0x88, s3;
	s6 =	simm.s32 @!p1 $0x1082;
	[sflag:s4] =	ssyncset.s32 $0xFFFFF086  }
0x25: {  	[simem:s6], [sflag:s4] =	dma.local [hbm:s3], $0xF7A  }
0x26: {  	[smem:$0x3F9C] =	sst s1;
	(tag) =	ssettag s2;
	_ =	strace s9  }
0x27: {  	s1 =	sld [smem:$0x3FAC]  }
0x28: {  	s2 =	sld [smem:$0x3FAD]  }
0x29: {  	s4 =	sld [smem:$0x3FAF]  }
0x2a: {  	p0 =	seq.s32 s5, $0x0;
	s5 =	sld [smem:$0x3FB0]  }
0x2b: {  	s6 =	sld [smem:$0x3FB1]  }
0x2c: {  	s7 =	sld [smem:$0x3FB2]  }
0x2d: {  	s3 =	simm.s32 $0x108;
	s8 =	sld [smem:$0x3FB3]  }
0x2e: {  	s3 =	simm.s32 @!p0 $0x1082;
	s9 =	sld [smem:$0x3FB4]  }
0x2f: {  	lr =	sadd.s32 s0, s3;
	s0 =	sld [smem:$0x3FAB]  }
0x30: {  	s3 =	sld [smem:$0x3FAE]  }
0x31: {  	[smem:$0x3FB7] =	sst s10  }
0x32: {  	s10 =	sld [smem:$0x3FB5];
	_ =	sdelay $0x3  }
0x33: {  	p0 =	seq.s32 s10, $0x1;
	s10 =	sld [smem:$0x3FB7];
	_ =	sdelay $0x3  }
0x34: {  	[smem:$0x3FB7] =	sst s10  }
0x35: {  	s10 =	sld [smem:$0x3FB6];
	_ =	sdelay $0x3  }
0x36: {  	p1 =	seq.s32 s10, $0x1;
	s10 =	sld [smem:$0x3FB7];
	_ =	sdelay $0x3  }
0x37: {  	[smem:$0x3FB7] =	sst s10  }
0x38: {  	s10 =	sld [smem:$0x3FB8]  }
0x39: {  	_ = 	snop;
	(pc) =	sbr.ind lr, $3  }
0x3a: {  	_ = 	snop  }
0x3b: {  	_ = 	snop  }
0x3c: {  	p2 =	seq.s32 s10, $0x1;
	s10 =	sld [smem:$0x3FB7]  }
0x3d: {  	_ =	shalt  }
0x3e: {  	_ =	shalt  }
0x3f: {  	_ =	shalt  }
0x40: {  	_ =	shalt  }
0x41: {  	_ =	shalt  }
0x42: {  	_ =	shalt  }
0x43: {  	_ =	shalt  }
0x44: {  	_ =	shalt  }
0x45: {  	_ =	shalt  }
0x46: {  	_ =	shalt  }
0x47: {  	_ =	shalt  }
0x48: {  	_ =	shalt  }
0x49: {  	_ =	shalt  }
0x4a: {  	_ =	shalt  }
0x4b: {  	_ =	shalt  }
0x4c: {  	_ =	shalt  }
0x4d: {  	_ =	shalt  }
0x4e: {  	_ =	shalt  }
0x4f: {  	_ =	shalt  }
0x50: {  	_ =	shalt  }
0x51: {  	_ =	shalt  }
0x52: {  	_ =	shalt  }
0x53: {  	_ =	shalt  }
0x54: {  	_ =	shalt  }
0x55: {  	_ =	shalt  }
0x56: {  	_ =	shalt  }
0x57: {  	_ =	shalt  }
0x58: {  	_ =	shalt  }
0x59: {  	_ =	shalt  }
0x5a: {  	_ =	shalt  }
0x5b: {  	_ =	shalt  }
0x5c: {  	_ =	shalt  }
0x5d: {  	_ =	shalt  }
0x5e: {  	_ =	shalt  }
0x5f: {  	_ =	shalt  }
0x60: {  	_ =	shalt  }
0x61: {  	_ =	shalt  }
0x62: {  	_ =	shalt  }
0x63: {  	_ =	shalt  }
0x64: {  	_ =	shalt  }
0x65: {  	_ =	shalt  }
0x66: {  	_ =	shalt  }
0x67: {  	_ =	shalt  }
0x68: {  	_ =	shalt  }
0x69: {  	_ =	shalt  }
0x6a: {  	_ =	shalt  }
0x6b: {  	_ =	shalt  }
0x6c: {  	_ =	shalt  }
0x6d: {  	_ =	shalt  }
0x6e: {  	_ =	shalt  }
0x6f: {  	_ =	shalt  }
0x70: {  	_ =	shalt  }
0x71: {  	_ =	shalt  }
0x72: {  	_ =	shalt  }
0x73: {  	_ =	shalt  }
0x74: {  	_ =	shalt  }
0x75: {  	_ =	shalt  }
0x76: {  	_ =	shalt  }
0x77: {  	_ =	shalt  }
0x78: {  	_ =	shalt  }
0x79: {  	_ =	shalt  }
0x7a: {  	_ =	shalt  }
0x7b: {  	_ =	shalt  }
0x7c: {  	_ =	shalt  }
0x7d: {  	_ =	shalt  }
0x7e: {  	_ =	shalt  }
0x7f: {  	_ =	shalt  }
0x80: {  	_ =	shalt  }
0x81: {  	_ =	shalt  }
0x82: {  	_ =	shalt  }
0x83: {  	_ =	shalt  }
0x84: {  	_ =	shalt  }
0x85: {  	_ =	shalt  }
0x86: {  	_ =	shalt  }
0x87: {  	_ =	shalt  }
.Lfunc_end0:
.L_simem_size_0:
called_computation.4_lowered:
.L_overlay_start_0:
0x88: {  	s2 =	sld [smem:$0x3FD9]  }
0x89: {  	s3 =	sld [smem:$0x3FFE];
	_ =	sdelay $0x1  }
0x8a: {  	s1 =	srdreg.scid  }
0x8b: {  	s0 =	sand.u32 $0x1, s1  }
0x8c: {  	s17 =	sshll.u32 s0, $0xA;
	s2 =	sadd.s32 s3, s2  }
0x8d: {  	s2 =	sadd.s32 s2, s17  }
0x8e: {  	[smem:$0x3FC3] =	sst s2  }
0x8f: {  	_ = 	snop  }
0x90: {  	s18 =	sld [smem:$0x3FC6];
	(tm) =	ssettm $0x1  }
0x91: {  	s19 =	sld [smem:$0x3FFB];
	_ =	sdelay $0x3  }
0x92: {  	_ =	strace s19  }
0x93: {  	s2 =	sld [smem:$0x3FFC];
	_ =	sdelay $0x3  }
0x94: {  	_ =	strace s2  }
0x95: {  	s2 =	sld [smem:$0x3FFD];
	_ =	sdelay $0x3  }
0x96: {  	_ =	strace s2  }
0x97: {  	_ =	strace $0x8FFFFFFF  }
0x98: {  	s20 =	sld [smem:$0x3FDB];
	_ =	sdelay $0x1  }
0x99: {  	s4 =	simm.s32 $_scs_section_size  }
0x9a: {  	s5 =	simm.s32 $_size__tile_overlayer_lowered;
	s6 =	simm.s32 $_tile_overlayer_lowered  }
0x9b: {  	s7 =	simm.s32 $0x1BFF;
	s21 =	sshll.u32 s6, $0x1;
	s4 =	sadd.s32 s4, s20  }
0x9c: {  	s22 =	simm.s32 $0x0;
	s5 =	sshll.u32 s5, $0x1;
	s6 =	sadd.s32 s21, s4  }
0x9d: {  	[timem:s22], [sflag:s7] =	dma.local [hbm:s6], s5  }
0x9e: {  	_ =	swait.ge [sflag:s7], s5  }
0x9f: {  	s5 =	ssub.s32 $0x0, s5;
	[sflag:s7] =	ssyncset.done $0x0  }
0xa0: {  	[sflag:s7] =	ssyncadd.s32 s5;
	_ =	sdelay $0x1  }
0xa1: {  	s23 =	simm.s32 $0x1B8B  }
0xa2: {  	_ =	swait.ge [sflag:s23], $0x1  }
0xa3: {  	[sflag:s23] =	ssyncset.done $0x0  }
0xa4: {  	[sflag:s23] =	ssyncadd.s32 $0xFFFFFFFF  }
0xa5: {  	s5 =	sld [smem:$0x0]  }
0xa6: {  	s6 =	sand.u32 $0xFFFFFFFE, s1  }
0xa7: {  	p0 =	sne.s32 s1, s6  }
0xa8: {  	s6 =	sshll.u32 @p0 s6, $0xE  }
0xa9: {  	s6 =	sadd.s32 @p0 $0x11B8D, s6;
	s7 =	sshll.u32 @p0 s5, $0x11  }
0xaa: {  	s6 =	sor.u32 @p0 s7, s6  }
0xab: {  	[sflag:s6] =	ssyncadd.remote.s32 @p0 $0x1;
	_ =	sdelay $0x1  }
0xac: {  	s6 =	simm.s32 @p0 $0x1B8D  }
0xad: {  	_ =	swait.eq @p0 [sflag:s6], $0x1  }
0xae: {  	[sflag:s6] =	ssyncadd.s32 @p0 $0xFFFFFFFF  }
0xaf: {  	s7 =	sshll.u32 @!p0 s1, $0xE  }
0xb0: {  	s7 =	sor.u32 @!p0 $0x4000, s7;
	s6 =	simm.s32 @!p0 $0x1B8D  }
0xb1: {  	s5 =	sshll.u32 @!p0 s5, $0x11;
	s7 =	sadd.s32 @!p0 $0x11B8D, s7;
	_ =	swait.eq @!p0 [sflag:s6], $0x1  }
0xb2: {  	s5 =	sor.u32 @!p0 s5, s7;
	[sflag:s6] =	ssyncadd.s32 @!p0 $0xFFFFFFFF  }
0xb3: {  	s25 =	simm.s32 $0x1B8E;
	s24 =	sld [smem:$0x3FFE];
	[sflag:s5] =	ssyncadd.remote.s32 @!p0 $0x1  }
0xb4: {  	s26 =	simm.s32 $execute0_lowered;
	[smem:$0x3FD2] =	sst s25  }
0xb5: {  	s6 =	sshll.u32 s26, $0x1;
	_ =	strace $0x80000055;
	[dreg:$0x1] =	wrdreg $0xFFFFFFFF  }
0xb6: {  	s28 =	simm.s32 $_size_execute0_lowered;
	s4 =	sadd.s32 s4, s6;
	[dreg:$0x0] =	wrdreg $0x0  }
0xb7: {  	s6 =	sshll.u32 s28, $0x1;
	[dreg:$0x2] =	wrdreg s4  }
0xb8: {  	[dreg:$0x3] =	wrdreg s6  }
0xb9: {  	[dreg:$0x4] =	wrdreg $0xC0  }
0xba: {  	_ =	task [dreg:s22], $0x5FFFF  }
0xbb: {  	[dreg:$0x1] =	wrdreg $0xFFFFFFFF  }
0xbc: {  	[dreg:$0x0] =	wrdreg $0x60  }
0xbd: {  	[dreg:$0x2] =	wrdreg s18  }
0xbe: {  	[dreg:$0x3] =	wrdreg s24  }
0xbf: {  	[dreg:$0x4] =	wrdreg $0x9  }
0xc0: {  	_ =	task.clear_ibuf [dreg:s22], $0x5FFFF;
	_ =	strace $0x90000055  }
0xc1: {  	s29 =	simm.s32 $0x9;
	_ =	strace $0x80000057  }
0xc2: {  	_ =	swait.ge [sflag:s29], $0x1  }
0xc3: {  	[sflag:s29] =	ssyncadd.s32 $0xFFFFFFFF  }
0xc4: {  	_ =	strace $0x90000057  }
0xc5: {  	_ =	sfence  }
0xc6: {  	s30 =	sld [smem:$0x0];
	_ =	sdelay $0x2  }
0xc7: {  	s31 =	sshll.u32 s1, $0xD;
	s1 =	sshrl.u32 s1, $0x2  }
0xc8: {  	s4 =	sand.u32 $0x4000, s31;
	s1 =	sadd.s32 s1, s30  }
0xc9: {  	s0 =	sor.u32 s4, s0;
	s1 =	sshll.u32 s1, $0x11  }
0xca: {  	s0 =	sor.u32 s1, s0  }
0xcb: {  	s0 =	sadd.s32 $0x8F2B, s0  }
0xcc: {  	[sflag:s0] =	ssyncadd.remote.s32 $0x1  }
0xcd: {  	_ =	sfence.sel $0xFFFF  }
0xce: {  	[dreg:$0x0] =	wrdreg $0xFFFFFFFF;
	(pc) =	sbr.abs _section_cstart, $3  }
0xcf: {  	[dreg:$0x1] =	wrdreg $0xFFFFFFFF  }
0xd0: {  	_ =	task.clear_ibuf [dreg:s22], $0x2FFFF;
	_ =	strace $0x9FFFFFFF  }
0xd1: {  	(tm) =	ssettm $0x7FFFFFFF  }
tec
execute0_lowered:
.L_overlay_start_1:
0x0: {  	(tag) =	ssettag $0x1  }
0x1: {  	s1 =	srdreg.scid  }
0x2: {  	s0 =	stileid.u32;
	s2 =	rddreg [dreg:$0x0]  }
0x3: {  	s5 =	rddreg [dreg:$0x1];
	s19 =	simm.s32 $0x900;
	s20 =	simm.s32 $0x1100  }
0x4: {  	s21 =	simm.s32 $0x1900;
	s23 =	simm.s32 $0x2100;
	s24 =	simm.s32 $0x2900  }
0x5: {  	s25 =	simm.s32 $0x3100;
	s26 =	simm.s32 $0x3900;
	s8 =	simm.s32 $0x4900  }
0x6: {  	s9 =	simm.s32 $0x5100;
	s10 =	simm.s32 $0x5900;
	s11 =	simm.s32 $0x6100  }
0x7: {  	s12 =	simm.s32 $0x6900;
	s13 =	simm.s32 $0x7100;
	s1 =	sand.u32 $0x1, s1  }
0x8: {  	s14 =	simm.s32 $0x7900;
	s3 =	sshll.u32 s0, $0x9;
	s4 =	sshll.u32 s1, $0x8  }
0x9: {  	s15 =	simm.s32 $0x8100;
	s4 =	sor.u32 s4, s3;
	s3 =	simm.s32 $0x0  }
0xa: {  	s16 =	simm.s32 $0x8900;
	s17 =	simm.s32 $0x9100;
	[smem:$0x7FF] =	sst s3  }
0xb: {  	s28 =	simm.s32 $0xE100;
	_ =	strace $0x80000056;
	[dreg:$0x5] =	wrdreg s19  }
0xc: {  	s29 =	simm.s32 $0xE900;
	s30 =	simm.s32 $0xF100;
	[dreg:$0x6] =	wrdreg s20  }
0xd: {  	s31 =	simm.s32 $0xF900;
	s1 =	ssub.s32 $0x2, s1;
	[dreg:$0x7] =	wrdreg s21  }
0xe: {  	s22 =	sshrl.u32 s1, $0x1;
	s6 =	sshrl.u32 s4, $0x3;
	[dreg:$0x8] =	wrdreg s23  }
0xf: {  	s4 =	sshll.u32 s4, $0x5;
	s1 =	ssub.s32 s1, s22;
	[dreg:$0x9] =	wrdreg s24  }
0x10: {  	s22 =	simm.s32 $0xB900;
	s6 =	sadd.s32 s6, s5;
	[dreg:$0xa] =	wrdreg s25  }
0x11: {  	s4 =	sadd.s32 s4, s5;
	s5 =	simm.s32 $0x2;
	[dreg:$0xb] =	wrdreg s26  }
0x12: {  	s19 =	simm.s32 $0xA100;
	s20 =	simm.s32 $0xA900;
	s21 =	simm.s32 $0xB100  }
0x13: {  	s23 =	simm.s32 $0xC100;
	s24 =	simm.s32 $0xC900;
	s18 =	sadd.s32 $0x6800, s6  }
0x14: {  	v2 =	vlaneseq.u32;
	s25 =	simm.s32 $0xD100;
	s4 =	sadd.s32 $0x86400, s4;
	[dreg:$0x3] =	wrdreg s18  }
0x15: {  	vm0 =	vmmov $0xffff;
	v1 =	vshrl.u32 v2, $0x3;
	s26 =	simm.s32 $0xD900;
	s6 =	simm.s32 $0x100;
	[dreg:$0x4] =	wrdreg s4  }
0x16: {  	v0 =	vand.u32 $0x7, v2;
	v2 =	vor.u32 $0x8, v2;
	v1 =	vmul.u32 $0x8, v1;
	s4 =	smax.u32 s1, $0x1;
	s18 =	simm.s32 $0x9900;
	s1 =	simm.s32 $0x1  }
.LBB2_1:
0x17: {  	s0 =	rddreg [dreg:$0x3]  }
0x18: {  	[tilespmem:s3], [sflag:$0x2] =	stream.linear.gather [hbm4b:s0+s3], $0x100, $0x38;
	[tilespmem:$0x10100] =	vst v63  }
0x19: {  	_ =	swait.ge [sflag:s5], $0x100  }
0x1a: {  	[sflag:s5] =	ssyncset.done $0x0  }
0x1b: {  	[sflag:s5] =	ssyncadd.s32 $0xFFFFFF00  }
0x1c: {  	v3 =	vld [tilespmem:$0x0];
	_ =	sdelay $0x4  }
0x1d: {  	v4 =	vshll.u32 v3, $0x1  }
0x1e: {  	v3 =	vand.u32 $0x7, v3;
	v4 =	vand.u32 $0xFFFFFFF0, v4  }
0x1f: {  	v3 =	vor.u32 v3, v4  }
0x20: {  	v4 =	vperm.xlane v3, v0;
	_ =	sdelay $0x1  }
0x21: {  	v3 =	vperm.xlane v3, v2;
	v4 =	vadd.s32 v1, v4;
	_ =	sdelay $0x1  }
0x22: {  	v3 =	vadd.s32 v1, v3;
	_ =	sdelay $0x2  }
0x23: {  	[tilespmem:s6], [sflag:$0x1] =	stream.indirect_vreg.gather [hbm4b:s2+s3], $0x80, v4, vm0, $0xb8;
	[tilespmem:$0x10100] =	vst v63  }
0x24: {  	s7 =	rddreg [dreg:$0x5]  }
0x25: {  	[tilespmem:s7], [sflag:$0x1] =	stream.indirect_vreg.gather [hbm4b:s2+s3], $0x80, v3, vm0, $0xb8;
	[tilespmem:$0x10100] =	vst v63  }
0x26: {  	v3 =	vld [tilespmem:$0x10];
	_ =	sdelay $0x4  }
0x27: {  	v49 =	vshll.u32 v3, $0x1  }
0x28: {  	v3 =	vand.u32 $0x7, v3;
	v4 =	vand.u32 $0xFFFFFFF0, v49  }
0x29: {  	v3 =	vor.u32 v3, v4  }
0x2a: {  	v4 =	vperm.xlane v3, v0;
	_ =	sdelay $0x1  }
0x2b: {  	v3 =	vperm.xlane v3, v2;
	v4 =	vadd.s32 v1, v4;
	_ =	sdelay $0x1  }
0x2c: {  	v3 =	vadd.s32 v1, v3;
	_ =	sdelay $0x1  }
0x2d: {  	s0 =	rddreg [dreg:$0x6]  }
0x2e: {  	[tilespmem:s0], [sflag:$0x1] =	stream.indirect_vreg.gather [hbm4b:s2+s3], $0x80, v4, vm0, $0xb8;
	[tilespmem:$0x10100] =	vst v63  }
0x2f: {  	s7 =	rddreg [dreg:$0x7]  }
0x30: {  	[tilespmem:s7], [sflag:$0x1] =	stream.indirect_vreg.gather [hbm4b:s2+s3], $0x80, v3, vm0, $0xb8;
	[tilespmem:$0x10100] =	vst v63  }
0x31: {  	v3 =	vld [tilespmem:$0x20];
	_ =	sdelay $0x4  }
0x32: {  	v50 =	vshll.u32 v3, $0x1  }
0x33: {  	v3 =	vand.u32 $0x7, v3;
	v4 =	vand.u32 $0xFFFFFFF0, v50  }
0x34: {  	v3 =	vor.u32 v3, v4  }
0x35: {  	v4 =	vperm.xlane v3, v0;
	_ =	sdelay $0x1  }
0x36: {  	v3 =	vperm.xlane v3, v2;
	v4 =	vadd.s32 v1, v4;
	_ =	sdelay $0x1  }
0x37: {  	v3 =	vadd.s32 v1, v3;
	_ =	sdelay $0x1  }
0x38: {  	s0 =	rddreg [dreg:$0x8]  }
0x39: {  	[tilespmem:s0], [sflag:$0x1] =	stream.indirect_vreg.gather [hbm4b:s2+s3], $0x80, v4, vm0, $0xb8;
	[tilespmem:$0x10100] =	vst v63  }
0x3a: {  	s7 =	rddreg [dreg:$0x9]  }
0x3b: {  	[tilespmem:s7], [sflag:$0x1] =	stream.indirect_vreg.gather [hbm4b:s2+s3], $0x80, v3, vm0, $0xb8;
	[tilespmem:$0x10100] =	vst v63  }
0x3c: {  	v3 =	vld [tilespmem:$0x30];
	_ =	sdelay $0x4  }
0x3d: {  	v51 =	vshll.u32 v3, $0x1  }
0x3e: {  	v3 =	vand.u32 $0x7, v3;
	v4 =	vand.u32 $0xFFFFFFF0, v51  }
0x3f: {  	v3 =	vor.u32 v3, v4  }
0x40: {  	v4 =	vperm.xlane v3, v0;
	_ =	sdelay $0x1  }
0x41: {  	v3 =	vperm.xlane v3, v2;
	v4 =	vadd.s32 v1, v4;
	_ =	sdelay $0x1  }
0x42: {  	v3 =	vadd.s32 v1, v3;
	_ =	sdelay $0x1  }
0x43: {  	s0 =	rddreg [dreg:$0xa]  }
0x44: {  	[tilespmem:s0], [sflag:$0x1] =	stream.indirect_vreg.gather [hbm4b:s2+s3], $0x80, v4, vm0, $0xb8;
	[tilespmem:$0x10100] =	vst v63  }
0x45: {  	s7 =	rddreg [dreg:$0xb]  }
0x46: {  	[tilespmem:s7], [sflag:$0x1] =	stream.indirect_vreg.gather [hbm4b:s2+s3], $0x80, v3, vm0, $0xb8;
	[tilespmem:$0x10100] =	vst v63  }
0x47: {  	v3 =	vld [tilespmem:$0x40];
	_ =	sdelay $0x4  }
0x48: {  	v52 =	vshll.u32 v3, $0x1  }
0x49: {  	v3 =	vand.u32 $0x7, v3;
	v4 =	vand.u32 $0xFFFFFFF0, v52  }
0x4a: {  	v3 =	vor.u32 v3, v4  }
0x4b: {  	v4 =	vperm.xlane v3, v0;
	_ =	sdelay $0x1  }
0x4c: {  	v3 =	vperm.xlane v3, v2;
	v4 =	vadd.s32 v1, v4;
	_ =	sdelay $0x1  }
0x4d: {  	v3 =	vadd.s32 v1, v3;
	_ =	sdelay $0x1  }
0x4e: {  	s7 =	simm.s32 $0x4100  }
0x4f: {  	[tilespmem:s7], [sflag:$0x1] =	stream.indirect_vreg.gather [hbm4b:s2+s3], $0x80, v4, vm0, $0xb8;
	[tilespmem:$0x10100] =	vst v63  }
0x50: {  	_ = 	snop  }
0x51: {  	[tilespmem:s8], [sflag:$0x1] =	stream.indirect_vreg.gather [hbm4b:s2+s3], $0x80, v3, vm0, $0xb8;
	[tilespmem:$0x10100] =	vst v63  }
0x52: {  	v3 =	vld [tilespmem:$0x50];
	_ =	sdelay $0x4  }
0x53: {  	v53 =	vshll.u32 v3, $0x1  }
0x54: {  	v3 =	vand.u32 $0x7, v3;
	v4 =	vand.u32 $0xFFFFFFF0, v53  }
0x55: {  	v3 =	vor.u32 v3, v4  }
0x56: {  	v4 =	vperm.xlane v3, v0;
	_ =	sdelay $0x1  }
0x57: {  	v3 =	vperm.xlane v3, v2;
	v4 =	vadd.s32 v1, v4;
	_ =	sdelay $0x1  }
0x58: {  	v3 =	vadd.s32 v1, v3;
	_ =	sdelay $0x2  }
0x59: {  	[tilespmem:s9], [sflag:$0x1] =	stream.indirect_vreg.gather [hbm4b:s2+s3], $0x80, v4, vm0, $0xb8;
	[tilespmem:$0x10100] =	vst v63  }
0x5a: {  	_ = 	snop  }
0x5b: {  	[tilespmem:s10], [sflag:$0x1] =	stream.indirect_vreg.gather [hbm4b:s2+s3], $0x80, v3, vm0, $0xb8;
	[tilespmem:$0x10100] =	vst v63  }
0x5c: {  	v3 =	vld [tilespmem:$0x60];
	_ =	sdelay $0x4  }
0x5d: {  	v54 =	vshll.u32 v3, $0x1  }
0x5e: {  	v3 =	vand.u32 $0x7, v3;
	v4 =	vand.u32 $0xFFFFFFF0, v54  }
0x5f: {  	v3 =	vor.u32 v3, v4  }
0x60: {  	v4 =	vperm.xlane v3, v0;
	_ =	sdelay $0x1  }
0x61: {  	v3 =	vperm.xlane v3, v2;
	v4 =	vadd.s32 v1, v4;
	_ =	sdelay $0x1  }
0x62: {  	v3 =	vadd.s32 v1, v3;
	_ =	sdelay $0x2  }
0x63: {  	[tilespmem:s11], [sflag:$0x1] =	stream.indirect_vreg.gather [hbm4b:s2+s3], $0x80, v4, vm0, $0xb8;
	[tilespmem:$0x10100] =	vst v63  }
0x64: {  	_ = 	snop  }
0x65: {  	[tilespmem:s12], [sflag:$0x1] =	stream.indirect_vreg.gather [hbm4b:s2+s3], $0x80, v3, vm0, $0xb8;
	[tilespmem:$0x10100] =	vst v63  }
0x66: {  	v3 =	vld [tilespmem:$0x70];
	_ =	sdelay $0x4  }
0x67: {  	v55 =	vshll.u32 v3, $0x1  }
0x68: {  	v3 =	vand.u32 $0x7, v3;
	v4 =	vand.u32 $0xFFFFFFF0, v55  }
0x69: {  	v3 =	vor.u32 v3, v4  }
0x6a: {  	v4 =	vperm.xlane v3, v0;
	_ =	sdelay $0x1  }
0x6b: {  	v3 =	vperm.xlane v3, v2;
	v4 =	vadd.s32 v1, v4;
	_ =	sdelay $0x1  }
0x6c: {  	v3 =	vadd.s32 v1, v3;
	_ =	sdelay $0x2  }
0x6d: {  	[tilespmem:s13], [sflag:$0x1] =	stream.indirect_vreg.gather [hbm4b:s2+s3], $0x80, v4, vm0, $0xb8;
	[tilespmem:$0x10100] =	vst v63  }
0x6e: {  	_ = 	snop  }
0x6f: {  	[tilespmem:s14], [sflag:$0x1] =	stream.indirect_vreg.gather [hbm4b:s2+s3], $0x80, v3, vm0, $0xb8;
	[tilespmem:$0x10100] =	vst v63  }
0x70: {  	v3 =	vld [tilespmem:$0x80];
	_ =	sdelay $0x4  }
0x71: {  	v56 =	vshll.u32 v3, $0x1  }
0x72: {  	v3 =	vand.u32 $0x7, v3;
	v4 =	vand.u32 $0xFFFFFFF0, v56  }
0x73: {  	v3 =	vor.u32 v3, v4  }
0x74: {  	v4 =	vperm.xlane v3, v0;
	_ =	sdelay $0x1  }
0x75: {  	v3 =	vperm.xlane v3, v2;
	v4 =	vadd.s32 v1, v4;
	_ =	sdelay $0x1  }
0x76: {  	v3 =	vadd.s32 v1, v3;
	_ =	sdelay $0x2  }
0x77: {  	[tilespmem:s15], [sflag:$0x1] =	stream.indirect_vreg.gather [hbm4b:s2+s3], $0x80, v4, vm0, $0xb8;
	[tilespmem:$0x10100] =	vst v63  }
0x78: {  	_ = 	snop  }
0x79: {  	[tilespmem:s16], [sflag:$0x1] =	stream.indirect_vreg.gather [hbm4b:s2+s3], $0x80, v3, vm0, $0xb8;
	[tilespmem:$0x10100] =	vst v63  }
0x7a: {  	v3 =	vld [tilespmem:$0x90];
	_ =	sdelay $0x4  }
0x7b: {  	v57 =	vshll.u32 v3, $0x1  }
0x7c: {  	v3 =	vand.u32 $0x7, v3;
	v4 =	vand.u32 $0xFFFFFFF0, v57  }
0x7d: {  	v3 =	vor.u32 v3, v4  }
0x7e: {  	v4 =	vperm.xlane v3, v0;
	_ =	sdelay $0x1  }
0x7f: {  	v3 =	vperm.xlane v3, v2;
	v4 =	vadd.s32 v1, v4;
	_ =	sdelay $0x1  }
0x80: {  	v3 =	vadd.s32 v1, v3;
	_ =	sdelay $0x2  }
0x81: {  	[tilespmem:s17], [sflag:$0x1] =	stream.indirect_vreg.gather [hbm4b:s2+s3], $0x80, v4, vm0, $0xb8;
	[tilespmem:$0x10100] =	vst v63  }
0x82: {  	_ = 	snop  }
0x83: {  	[tilespmem:s18], [sflag:$0x1] =	stream.indirect_vreg.gather [hbm4b:s2+s3], $0x80, v3, vm0, $0xb8;
	[tilespmem:$0x10100] =	vst v63  }
0x84: {  	v3 =	vld [tilespmem:$0xA0];
	_ =	sdelay $0x4  }
0x85: {  	v58 =	vshll.u32 v3, $0x1  }
0x86: {  	v3 =	vand.u32 $0x7, v3;
	v4 =	vand.u32 $0xFFFFFFF0, v58  }
0x87: {  	v3 =	vor.u32 v3, v4  }
0x88: {  	v4 =	vperm.xlane v3, v0;
	_ =	sdelay $0x1  }
0x89: {  	v3 =	vperm.xlane v3, v2;
	v4 =	vadd.s32 v1, v4;
	_ =	sdelay $0x1  }
0x8a: {  	v3 =	vadd.s32 v1, v3;
	_ =	sdelay $0x2  }
0x8b: {  	[tilespmem:s19], [sflag:$0x1] =	stream.indirect_vreg.gather [hbm4b:s2+s3], $0x80, v4, vm0, $0xb8;
	[tilespmem:$0x10100] =	vst v63  }
0x8c: {  	_ = 	snop  }
0x8d: {  	[tilespmem:s20], [sflag:$0x1] =	stream.indirect_vreg.gather [hbm4b:s2+s3], $0x80, v3, vm0, $0xb8;
	[tilespmem:$0x10100] =	vst v63  }
0x8e: {  	v3 =	vld [tilespmem:$0xB0];
	_ =	sdelay $0x4  }
0x8f: {  	v59 =	vshll.u32 v3, $0x1  }
0x90: {  	v3 =	vand.u32 $0x7, v3;
	v4 =	vand.u32 $0xFFFFFFF0, v59  }
0x91: {  	v3 =	vor.u32 v3, v4  }
0x92: {  	v4 =	vperm.xlane v3, v0;
	_ =	sdelay $0x1  }
0x93: {  	v3 =	vperm.xlane v3, v2;
	v4 =	vadd.s32 v1, v4;
	_ =	sdelay $0x1  }
0x94: {  	v3 =	vadd.s32 v1, v3;
	_ =	sdelay $0x2  }
0x95: {  	[tilespmem:s21], [sflag:$0x1] =	stream.indirect_vreg.gather [hbm4b:s2+s3], $0x80, v4, vm0, $0xb8;
	[tilespmem:$0x10100] =	vst v63  }
0x96: {  	_ = 	snop  }
0x97: {  	[tilespmem:s22], [sflag:$0x1] =	stream.indirect_vreg.gather [hbm4b:s2+s3], $0x80, v3, vm0, $0xb8;
	[tilespmem:$0x10100] =	vst v63  }
0x98: {  	v3 =	vld [tilespmem:$0xC0];
	_ =	sdelay $0x4  }
0x99: {  	v60 =	vshll.u32 v3, $0x1  }
0x9a: {  	v3 =	vand.u32 $0x7, v3;
	v4 =	vand.u32 $0xFFFFFFF0, v60  }
0x9b: {  	v3 =	vor.u32 v3, v4  }
0x9c: {  	v4 =	vperm.xlane v3, v0;
	_ =	sdelay $0x1  }
0x9d: {  	v3 =	vperm.xlane v3, v2;
	v4 =	vadd.s32 v1, v4;
	_ =	sdelay $0x1  }
0x9e: {  	v3 =	vadd.s32 v1, v3;
	_ =	sdelay $0x2  }
0x9f: {  	[tilespmem:s23], [sflag:$0x1] =	stream.indirect_vreg.gather [hbm4b:s2+s3], $0x80, v4, vm0, $0xb8;
	[tilespmem:$0x10100] =	vst v63  }
0xa0: {  	_ = 	snop  }
0xa1: {  	[tilespmem:s24], [sflag:$0x1] =	stream.indirect_vreg.gather [hbm4b:s2+s3], $0x80, v3, vm0, $0xb8;
	[tilespmem:$0x10100] =	vst v63  }
0xa2: {  	v3 =	vld [tilespmem:$0xD0];
	_ =	sdelay $0x4  }
0xa3: {  	v61 =	vshll.u32 v3, $0x1  }
0xa4: {  	v3 =	vand.u32 $0x7, v3;
	v4 =	vand.u32 $0xFFFFFFF0, v61  }
0xa5: {  	v3 =	vor.u32 v3, v4  }
0xa6: {  	v4 =	vperm.xlane v3, v0;
	_ =	sdelay $0x1  }
0xa7: {  	v3 =	vperm.xlane v3, v2;
	v4 =	vadd.s32 v1, v4;
	_ =	sdelay $0x1  }
0xa8: {  	v3 =	vadd.s32 v1, v3;
	_ =	sdelay $0x2  }
0xa9: {  	[tilespmem:s25], [sflag:$0x1] =	stream.indirect_vreg.gather [hbm4b:s2+s3], $0x80, v4, vm0, $0xb8;
	[tilespmem:$0x10100] =	vst v63  }
0xaa: {  	_ = 	snop  }
0xab: {  	[tilespmem:s26], [sflag:$0x1] =	stream.indirect_vreg.gather [hbm4b:s2+s3], $0x80, v3, vm0, $0xb8;
	[tilespmem:$0x10100] =	vst v63  }
0xac: {  	v3 =	vld [tilespmem:$0xE0];
	_ =	sdelay $0x4  }
0xad: {  	v62 =	vshll.u32 v3, $0x1  }
0xae: {  	v3 =	vand.u32 $0x7, v3;
	v4 =	vand.u32 $0xFFFFFFF0, v62  }
0xaf: {  	v3 =	vor.u32 v3, v4  }
0xb0: {  	v4 =	vperm.xlane v3, v0;
	_ =	sdelay $0x1  }
0xb1: {  	v3 =	vperm.xlane v3, v2;
	v4 =	vadd.s32 v1, v4;
	_ =	sdelay $0x1  }
0xb2: {  	v3 =	vadd.s32 v1, v3;
	_ =	sdelay $0x2  }
0xb3: {  	[tilespmem:s28], [sflag:$0x1] =	stream.indirect_vreg.gather [hbm4b:s2+s3], $0x80, v4, vm0, $0xb8;
	[tilespmem:$0x10100] =	vst v63  }
0xb4: {  	_ = 	snop  }
0xb5: {  	[tilespmem:s29], [sflag:$0x1] =	stream.indirect_vreg.gather [hbm4b:s2+s3], $0x80, v3, vm0, $0xb8;
	[tilespmem:$0x10100] =	vst v63  }
0xb6: {  	v3 =	vld [tilespmem:$0xF0];
	_ =	sdelay $0x4  }
0xb7: {  	v63 =	vshll.u32 v3, $0x1  }
0xb8: {  	v3 =	vand.u32 $0x7, v3;
	v4 =	vand.u32 $0xFFFFFFF0, v63  }
0xb9: {  	v3 =	vor.u32 v3, v4  }
0xba: {  	v4 =	vperm.xlane v3, v0;
	_ =	sdelay $0x1  }
0xbb: {  	v3 =	vperm.xlane v3, v2;
	v4 =	vadd.s32 v1, v4;
	_ =	sdelay $0x1  }
0xbc: {  	v3 =	vadd.s32 v1, v3;
	_ =	sdelay $0x2  }
0xbd: {  	[tilespmem:s30], [sflag:$0x1] =	stream.indirect_vreg.gather [hbm4b:s2+s3], $0x80, v4, vm0, $0xb8;
	[tilespmem:$0x10100] =	vst v63  }
0xbe: {  	_ = 	snop  }
0xbf: {  	[tilespmem:s31], [sflag:$0x1] =	stream.indirect_vreg.gather [hbm4b:s2+s3], $0x80, v3, vm0, $0xb8;
	[tilespmem:$0x10100] =	vst v63  }
0xc0: {  	_ =	swait.ge [sflag:s1], $0x8000  }
0xc1: {  	[sflag:s1] =	ssyncset.done $0x0  }
0xc2: {  	[sflag:s1] =	ssyncadd.s32 $0xFFFF8000  }
0xc3: {  	_ =	swait.ge [sflag:s1], $0x8000  }
0xc4: {  	p0 =	sne.s32 s4, $0x1;
	[sflag:s1] =	ssyncset.done $0x0  }
.Ltmp0:
0xc5: {  	s7 =	rddreg [dreg:$0x4];
	[sflag:s1] =	ssyncadd.s32 $0xFFFF8000;
	(pc) =	sbr.rel @p0 .LBB2_1-.Ltmp0, $4  }
0xc6: {  	[hbm4b:s7+s3] =	stream.linear.scatter [tilespmem:s6], [sflag:$0x2], $0x10000, $0x38;
	[tilespmem:$0x10100] =	vst v63  }
0xc7: {  	_ =	swait.ge [sflag:s5], $0x10000  }
0xc8: {  	[sflag:s5] =	ssyncset.done $0x0  }
0xc9: {  	s4 =	sadd.s32 $0xFFFFFFFF, s4;
	[sflag:s5] =	ssyncadd.s32 $0xFFFF0000  }
0xca: {  	_ =	sfence.sel $0x180000  }
0xcb: {  	[bflag:$0x0] =	sbarrier.arrive $0xFFFF  }
0xcc: {  	_ =	strace $0x90000056  }
0xcd: {  	s0 =	stileid.u32;
	[bflag:$0x2] =	sbarrier.arrive $0xFFFF  }
0xce: {  	p0 =	sne.s32 s0, $0x0;
	s0 =	rddreg [dreg:$0x2]  }
0xcf: {  	s0 =	sadd.s32 @!p0 $0x100000, s0  }
0xd0: {  	[sflag:s0] =	ssyncadd.tile.s32 @!p0 $0x1;
	_ =	shalt  }
.Lfunc_end2:
_tile_overlayer_lowered:
.L_overlay_start_2:
0xd1: {  	(tag) =	ssettag $0x2  }
0xd2: {  	s0 =	rddreg [dreg:$0x0];
	s2 =	stileid.u32  }
0xd3: {  	s1 =	rddreg [dreg:$0x1];
	p0 =	sne.s32 s2, $0x0  }
0xd4: {  	s3 =	rddreg [dreg:$0x2];
	[bflag:$0x3] =	sbarrier.arrive $0xFFFF;
	s2 =	simm.s32 @!p0 $0x1C02  }
0xd5: {  	[timem:s3], [sflag:s2] =	dma.local @!p0 [hbm:s0], s1  }
0xd6: {  	s0 =	simm.s32 @!p0 $0x2  }
0xd7: {  	_ =	swait.ge @!p0 [sflag:s0], s1  }
0xd8: {  	s1 =	ssub.s32 @!p0 $0x0, s1;
	[sflag:s0] =	ssyncset.done @!p0 $0x0  }
0xd9: {  	[sflag:s0] =	ssyncadd.s32 @!p0 s1  }
0xda: {  	[bflag:$0x3] =	sbarrier.arrive $0xFFFF  }
0xdb: {  	_ =	shalt  }

// kernel: kernel.35.cloned.1.call-start
scs
__scs_entry_jumppad:
0x0: {  	(pc) =	sbr.rel $0x88, $3  }
0x1: {  	(tag) =	ssettag $0x0;
	lr =	simm.s32 $0x1  }
0x2: {  	[smem:$0x3F9C] =	sst lr;
	_ =	strace $0xD0000000  }
0x3: {  	_ = 	snop  }
0x4: {  	_ = 	snop  }
0x5: {  	_ = 	snop  }
0x6: {  	_ = 	snop  }
0x7: {  	_ = 	snop  }
__scs_overlays_trampoline_lowered:
0x8: {  	[smem:$0x3FAB] =	sst s0  }
0x9: {  	[smem:$0x3FAC] =	sst s1  }
0xa: {  	[smem:$0x3FAD] =	sst s2  }
0xb: {  	[smem:$0x3FAE] =	sst s3  }
0xc: {  	[smem:$0x3FAF] =	sst s4  }
0xd: {  	[smem:$0x3FB0] =	sst s5  }
0xe: {  	[smem:$0x3FB1] =	sst s6  }
0xf: {  	[smem:$0x3FB2] =	sst s7  }
0x10: {  	[smem:$0x3FB3] =	sst s8  }
0x11: {  	[smem:$0x3FB4] =	sst s9;
	s0 =	simm.s32 @!p0 $0x0  }
0x12: {  	s1 =	sld [smem:$0x3F9A];
	s0 =	simm.s32 @p0 $0x1  }
0x13: {  	[smem:$0x3FB5] =	sst s0;
	s0 =	simm.s32 @!p1 $0x0  }
0x14: {  	s2 =	sld [smem:$0x3F99];
	s0 =	simm.s32 @p1 $0x1  }
0x15: {  	[smem:$0x3FB6] =	sst s0;
	s0 =	simm.s32 @!p2 $0x0  }
0x16: {  	s3 =	sld [smem:$0x3FDB];
	s0 =	simm.s32 @p2 $0x1  }
0x17: {  	s4 =	simm.s32 $0x1BF5;
	[smem:$0x3FB8] =	sst s0  }
0x18: {  	s0 =	sld [smem:$0x3F9B];
	_ =	swait.ge [sflag:s4], $0x0  }
0x19: {  	s7 =	sld [smem:$0x3F9C]  }
0x1a: {  	s8 =	sadd.s32 $0xFFFFE003, lr  }
0x1b: {  	s9 =	sadd.s32 $0xFFFFFEF7, lr;
	s5 =	simm.s32 $0xFFFFFFFF;
	p2 =	slt.u32 s8, $0xFFFFF086  }
0x1c: {  	p1 =	slt.u32 s9, $0xF7A;
	s5 =	simm.s32 @!p2 $0x0  }
0x1d: {  	s5 =	simm.s32 @p1 $0x1;
	p0 =	seq.s32 s7, s2  }
0x1e: {  	s7 =	smul.u32 @!p0 $0xF7A, s2;
	p2 =	seq.s32 @!p0 s5, $0x0  }
0x1f: {  	s9 =	smul.u32 $0xF7A, s1;
	s8 =	simm.s32 @!p0 $0x1BF5;
	p2 =	por !p2, p0  }
0x20: {  	[sflag:s8] =	ssyncset.s32 @!p0 $0xFFFFF086;
	s6 =	sadd.s32 @!p0 s3, s7;
	s7 =	simm.s32 @!p0 $0x108  }
0x21: {  	s3 =	sadd.s32 s3, s9;
	s6 =	sadd.s32 @!p0 $0x88, s6;
	s7 =	simm.s32 @p2 $0x1082  }
0x22: {  	[simem:s7], [sflag:s8] =	dma.local @!p0 [hbm:s6], $0xF7A  }
0x23: {  	s9 =	sor.u32 $0xD0000000, s2;
	s6 =	simm.s32 $0x108;
	_ =	swait.ge @!p0 [sflag:s8], $0x0  }
0x24: {  	s3 =	sadd.s32 $0x88, s3;
	s6 =	simm.s32 @!p1 $0x1082;
	[sflag:s4] =	ssyncset.s32 $0xFFFFF086  }
0x25: {  	[simem:s6], [sflag:s4] =	dma.local [hbm:s3], $0xF7A  }
0x26: {  	[smem:$0x3F9C] =	sst s1;
	(tag) =	ssettag s2;
	_ =	strace s9  }
0x27: {  	s1 =	sld [smem:$0x3FAC]  }
0x28: {  	s2 =	sld [smem:$0x3FAD]  }
0x29: {  	s4 =	sld [smem:$0x3FAF]  }
0x2a: {  	p0 =	seq.s32 s5, $0x0;
	s5 =	sld [smem:$0x3FB0]  }
0x2b: {  	s6 =	sld [smem:$0x3FB1]  }
0x2c: {  	s7 =	sld [smem:$0x3FB2]  }
0x2d: {  	s3 =	simm.s32 $0x108;
	s8 =	sld [smem:$0x3FB3]  }
0x2e: {  	s3 =	simm.s32 @!p0 $0x1082;
	s9 =	sld [smem:$0x3FB4]  }
0x2f: {  	lr =	sadd.s32 s0, s3;
	s0 =	sld [smem:$0x3FAB]  }
0x30: {  	s3 =	sld [smem:$0x3FAE]  }
0x31: {  	[smem:$0x3FB7] =	sst s10  }
0x32: {  	s10 =	sld [smem:$0x3FB5];
	_ =	sdelay $0x3  }
0x33: {  	p0 =	seq.s32 s10, $0x1;
	s10 =	sld [smem:$0x3FB7];
	_ =	sdelay $0x3  }
0x34: {  	[smem:$0x3FB7] =	sst s10  }
0x35: {  	s10 =	sld [smem:$0x3FB6];
	_ =	sdelay $0x3  }
0x36: {  	p1 =	seq.s32 s10, $0x1;
	s10 =	sld [smem:$0x3FB7];
	_ =	sdelay $0x3  }
0x37: {  	[smem:$0x3FB7] =	sst s10  }
0x38: {  	s10 =	sld [smem:$0x3FB8]  }
0x39: {  	_ = 	snop;
	(pc) =	sbr.ind lr, $3  }
0x3a: {  	_ = 	snop  }
0x3b: {  	_ = 	snop  }
0x3c: {  	p2 =	seq.s32 s10, $0x1;
	s10 =	sld [smem:$0x3FB7]  }
0x3d: {  	_ =	shalt  }
0x3e: {  	_ =	shalt  }
0x3f: {  	_ =	shalt  }
0x40: {  	_ =	shalt  }
0x41: {  	_ =	shalt  }
0x42: {  	_ =	shalt  }
0x43: {  	_ =	shalt  }
0x44: {  	_ =	shalt  }
0x45: {  	_ =	shalt  }
0x46: {  	_ =	shalt  }
0x47: {  	_ =	shalt  }
0x48: {  	_ =	shalt  }
0x49: {  	_ =	shalt  }
0x4a: {  	_ =	shalt  }
0x4b: {  	_ =	shalt  }
0x4c: {  	_ =	shalt  }
0x4d: {  	_ =	shalt  }
0x4e: {  	_ =	shalt  }
0x4f: {  	_ =	shalt  }
0x50: {  	_ =	shalt  }
0x51: {  	_ =	shalt  }
0x52: {  	_ =	shalt  }
0x53: {  	_ =	shalt  }
0x54: {  	_ =	shalt  }
0x55: {  	_ =	shalt  }
0x56: {  	_ =	shalt  }
0x57: {  	_ =	shalt  }
0x58: {  	_ =	shalt  }
0x59: {  	_ =	shalt  }
0x5a: {  	_ =	shalt  }
0x5b: {  	_ =	shalt  }
0x5c: {  	_ =	shalt  }
0x5d: {  	_ =	shalt  }
0x5e: {  	_ =	shalt  }
0x5f: {  	_ =	shalt  }
0x60: {  	_ =	shalt  }
0x61: {  	_ =	shalt  }
0x62: {  	_ =	shalt  }
0x63: {  	_ =	shalt  }
0x64: {  	_ =	shalt  }
0x65: {  	_ =	shalt  }
0x66: {  	_ =	shalt  }
0x67: {  	_ =	shalt  }
0x68: {  	_ =	shalt  }
0x69: {  	_ =	shalt  }
0x6a: {  	_ =	shalt  }
0x6b: {  	_ =	shalt  }
0x6c: {  	_ =	shalt  }
0x6d: {  	_ =	shalt  }
0x6e: {  	_ =	shalt  }
0x6f: {  	_ =	shalt  }
0x70: {  	_ =	shalt  }
0x71: {  	_ =	shalt  }
0x72: {  	_ =	shalt  }
0x73: {  	_ =	shalt  }
0x74: {  	_ =	shalt  }
0x75: {  	_ =	shalt  }
0x76: {  	_ =	shalt  }
0x77: {  	_ =	shalt  }
0x78: {  	_ =	shalt  }
0x79: {  	_ =	shalt  }
0x7a: {  	_ =	shalt  }
0x7b: {  	_ =	shalt  }
0x7c: {  	_ =	shalt  }
0x7d: {  	_ =	shalt  }
0x7e: {  	_ =	shalt  }
0x7f: {  	_ =	shalt  }
0x80: {  	_ =	shalt  }
0x81: {  	_ =	shalt  }
0x82: {  	_ =	shalt  }
0x83: {  	_ =	shalt  }
0x84: {  	_ =	shalt  }
0x85: {  	_ =	shalt  }
0x86: {  	_ =	shalt  }
0x87: {  	_ =	shalt  }
.Lfunc_end0:
.L_simem_size_0:
called_computation.5_lowered:
.L_overlay_start_0:
0x88: {  	s2 =	sld [smem:$0x3FD9]  }
0x89: {  	s3 =	sld [smem:$0x3FFE];
	_ =	sdelay $0x1  }
0x8a: {  	s1 =	srdreg.scid  }
0x8b: {  	s0 =	sand.u32 $0x1, s1  }
0x8c: {  	s17 =	sshll.u32 s0, $0xA;
	s2 =	sadd.s32 s3, s2  }
0x8d: {  	s2 =	sadd.s32 s2, s17  }
0x8e: {  	[smem:$0x3FC3] =	sst s2  }
0x8f: {  	_ = 	snop  }
0x90: {  	s18 =	sld [smem:$0x3FC6];
	(tm) =	ssettm $0x1  }
0x91: {  	s19 =	sld [smem:$0x3FFB];
	_ =	sdelay $0x3  }
0x92: {  	_ =	strace s19  }
0x93: {  	s2 =	sld [smem:$0x3FFC];
	_ =	sdelay $0x3  }
0x94: {  	_ =	strace s2  }
0x95: {  	s2 =	sld [smem:$0x3FFD];
	_ =	sdelay $0x3  }
0x96: {  	_ =	strace s2  }
0x97: {  	_ =	strace $0x8FFFFFFF  }
0x98: {  	s20 =	sld [smem:$0x3FDB];
	_ =	sdelay $0x1  }
0x99: {  	s4 =	simm.s32 $_scs_section_size  }
0x9a: {  	s5 =	simm.s32 $_size__tile_overlayer_lowered;
	s6 =	simm.s32 $_tile_overlayer_lowered  }
0x9b: {  	s7 =	simm.s32 $0x1BFF;
	s21 =	sshll.u32 s6, $0x1;
	s4 =	sadd.s32 s4, s20  }
0x9c: {  	s22 =	simm.s32 $0x0;
	s5 =	sshll.u32 s5, $0x1;
	s6 =	sadd.s32 s21, s4  }
0x9d: {  	[timem:s22], [sflag:s7] =	dma.local [hbm:s6], s5  }
0x9e: {  	_ =	swait.ge [sflag:s7], s5  }
0x9f: {  	s5 =	ssub.s32 $0x0, s5;
	[sflag:s7] =	ssyncset.done $0x0  }
0xa0: {  	[sflag:s7] =	ssyncadd.s32 s5;
	_ =	sdelay $0x1  }
0xa1: {  	s23 =	simm.s32 $0x1B8B  }
0xa2: {  	_ =	swait.ge [sflag:s23], $0x1  }
0xa3: {  	[sflag:s23] =	ssyncset.done $0x0  }
0xa4: {  	[sflag:s23] =	ssyncadd.s32 $0xFFFFFFFF  }
0xa5: {  	s5 =	sld [smem:$0x0]  }
0xa6: {  	s6 =	sand.u32 $0xFFFFFFFE, s1  }
0xa7: {  	p0 =	sne.s32 s1, s6  }
0xa8: {  	s6 =	sshll.u32 @p0 s6, $0xE  }
0xa9: {  	s6 =	sadd.s32 @p0 $0x11B8D, s6;
	s7 =	sshll.u32 @p0 s5, $0x11  }
0xaa: {  	s6 =	sor.u32 @p0 s7, s6  }
0xab: {  	[sflag:s6] =	ssyncadd.remote.s32 @p0 $0x1;
	_ =	sdelay $0x1  }
0xac: {  	s6 =	simm.s32 @p0 $0x1B8D  }
0xad: {  	_ =	swait.eq @p0 [sflag:s6], $0x1  }
0xae: {  	[sflag:s6] =	ssyncadd.s32 @p0 $0xFFFFFFFF  }
0xaf: {  	s7 =	sshll.u32 @!p0 s1, $0xE  }
0xb0: {  	s7 =	sor.u32 @!p0 $0x4000, s7;
	s6 =	simm.s32 @!p0 $0x1B8D  }
0xb1: {  	s5 =	sshll.u32 @!p0 s5, $0x11;
	s7 =	sadd.s32 @!p0 $0x11B8D, s7;
	_ =	swait.eq @!p0 [sflag:s6], $0x1  }
0xb2: {  	s5 =	sor.u32 @!p0 s5, s7;
	[sflag:s6] =	ssyncadd.s32 @!p0 $0xFFFFFFFF  }
0xb3: {  	s25 =	simm.s32 $0x1B8E;
	s24 =	sld [smem:$0x3FFE];
	[sflag:s5] =	ssyncadd.remote.s32 @!p0 $0x1  }
0xb4: {  	s26 =	simm.s32 $execute0_lowered;
	[smem:$0x3FD2] =	sst s25  }
0xb5: {  	s6 =	sshll.u32 s26, $0x1;
	_ =	strace $0x80000052;
	[dreg:$0x1] =	wrdreg $0xFFFFFFFF  }
0xb6: {  	s28 =	simm.s32 $_size_execute0_lowered;
	s4 =	sadd.s32 s4, s6;
	[dreg:$0x0] =	wrdreg $0x0  }
0xb7: {  	s6 =	sshll.u32 s28, $0x1;
	[dreg:$0x2] =	wrdreg s4  }
0xb8: {  	[dreg:$0x3] =	wrdreg s6  }
0xb9: {  	[dreg:$0x4] =	wrdreg $0xC0  }
0xba: {  	_ =	task [dreg:s22], $0x5FFFF  }
0xbb: {  	[dreg:$0x1] =	wrdreg $0xFFFFFFFF  }
0xbc: {  	[dreg:$0x0] =	wrdreg $0x60  }
0xbd: {  	[dreg:$0x2] =	wrdreg s18  }
0xbe: {  	[dreg:$0x3] =	wrdreg s24  }
0xbf: {  	[dreg:$0x4] =	wrdreg $0xA  }
0xc0: {  	_ =	task.clear_ibuf [dreg:s22], $0x5FFFF;
	_ =	strace $0x90000052  }
0xc1: {  	s29 =	simm.s32 $0xA;
	_ =	strace $0x80000054  }
0xc2: {  	_ =	swait.ge [sflag:s29], $0x1  }
0xc3: {  	[sflag:s29] =	ssyncadd.s32 $0xFFFFFFFF  }
0xc4: {  	_ =	strace $0x90000054  }
0xc5: {  	_ =	sfence  }
0xc6: {  	s30 =	sld [smem:$0x0];
	_ =	sdelay $0x2  }
0xc7: {  	s31 =	sshll.u32 s1, $0xD;
	s1 =	sshrl.u32 s1, $0x2  }
0xc8: {  	s4 =	sand.u32 $0x4000, s31;
	s1 =	sadd.s32 s1, s30  }
0xc9: {  	s0 =	sor.u32 s4, s0;
	s1 =	sshll.u32 s1, $0x11  }
0xca: {  	s0 =	sor.u32 s1, s0  }
0xcb: {  	s0 =	sadd.s32 $0x8F2B, s0  }
0xcc: {  	[sflag:s0] =	ssyncadd.remote.s32 $0x1  }
0xcd: {  	_ =	sfence.sel $0xFFFF  }
0xce: {  	[dreg:$0x0] =	wrdreg $0xFFFFFFFF;
	(pc) =	sbr.abs _section_cstart, $3  }
0xcf: {  	[dreg:$0x1] =	wrdreg $0xFFFFFFFF  }
0xd0: {  	_ =	task.clear_ibuf [dreg:s22], $0x2FFFF;
	_ =	strace $0x9FFFFFFF  }
0xd1: {  	(tm) =	ssettm $0x7FFFFFFF  }
tec
execute0_lowered:
.L_overlay_start_1:
0x0: {  	(tag) =	ssettag $0x1  }
0x1: {  	s1 =	srdreg.scid  }
0x2: {  	s0 =	stileid.u32;
	s2 =	rddreg [dreg:$0x0]  }
0x3: {  	s5 =	rddreg [dreg:$0x1];
	s19 =	simm.s32 $0x900;
	s20 =	simm.s32 $0x1100  }
0x4: {  	s21 =	simm.s32 $0x1900;
	s23 =	simm.s32 $0x2100;
	s24 =	simm.s32 $0x2900  }
0x5: {  	s25 =	simm.s32 $0x3100;
	s26 =	simm.s32 $0x3900;
	s8 =	simm.s32 $0x4900  }
0x6: {  	s9 =	simm.s32 $0x5100;
	s10 =	simm.s32 $0x5900;
	s11 =	simm.s32 $0x6100  }
0x7: {  	s12 =	simm.s32 $0x6900;
	s13 =	simm.s32 $0x7100;
	s1 =	sand.u32 $0x1, s1  }
0x8: {  	s14 =	simm.s32 $0x7900;
	s3 =	sshll.u32 s0, $0x9;
	s4 =	sshll.u32 s1, $0x8  }
0x9: {  	s15 =	simm.s32 $0x8100;
	s4 =	sor.u32 s4, s3;
	s3 =	simm.s32 $0x0  }
0xa: {  	s16 =	simm.s32 $0x8900;
	s17 =	simm.s32 $0x9100;
	[smem:$0x7FF] =	sst s3  }
0xb: {  	s28 =	simm.s32 $0xE100;
	_ =	strace $0x80000053;
	[dreg:$0x5] =	wrdreg s19  }
0xc: {  	s29 =	simm.s32 $0xE900;
	s30 =	simm.s32 $0xF100;
	[dreg:$0x6] =	wrdreg s20  }
0xd: {  	s31 =	simm.s32 $0xF900;
	s1 =	ssub.s32 $0x2, s1;
	[dreg:$0x7] =	wrdreg s21  }
0xe: {  	s22 =	sshrl.u32 s1, $0x1;
	s6 =	sshrl.u32 s4, $0x3;
	[dreg:$0x8] =	wrdreg s23  }
0xf: {  	s4 =	sshll.u32 s4, $0x5;
	s1 =	ssub.s32 s1, s22;
	[dreg:$0x9] =	wrdreg s24  }
0x10: {  	s22 =	simm.s32 $0xB900;
	s6 =	sadd.s32 s6, s5;
	[dreg:$0xa] =	wrdreg s25  }
0x11: {  	s4 =	sadd.s32 s4, s5;
	s5 =	simm.s32 $0x2;
	[dreg:$0xb] =	wrdreg s26  }
0x12: {  	s19 =	simm.s32 $0xA100;
	s20 =	simm.s32 $0xA900;
	s21 =	simm.s32 $0xB100  }
0x13: {  	s23 =	simm.s32 $0xC100;
	s24 =	simm.s32 $0xC900;
	s18 =	sadd.s32 $0x6400, s6  }
0x14: {  	v2 =	vlaneseq.u32;
	s25 =	simm.s32 $0xD100;
	s4 =	sadd.s32 $0x46400, s4;
	[dreg:$0x3] =	wrdreg s18  }
0x15: {  	vm0 =	vmmov $0xffff;
	v1 =	vshrl.u32 v2, $0x3;
	s26 =	simm.s32 $0xD900;
	s6 =	simm.s32 $0x100;
	[dreg:$0x4] =	wrdreg s4  }
0x16: {  	v0 =	vand.u32 $0x7, v2;
	v2 =	vor.u32 $0x8, v2;
	v1 =	vmul.u32 $0x8, v1;
	s4 =	smax.u32 s1, $0x1;
	s18 =	simm.s32 $0x9900;
	s1 =	simm.s32 $0x1  }
.LBB2_1:
0x17: {  	s0 =	rddreg [dreg:$0x3]  }
0x18: {  	[tilespmem:s3], [sflag:$0x2] =	stream.linear.gather [hbm4b:s0+s3], $0x100, $0x38;
	[tilespmem:$0x10100] =	vst v63  }
0x19: {  	_ =	swait.ge [sflag:s5], $0x100  }
0x1a: {  	[sflag:s5] =	ssyncset.done $0x0  }
0x1b: {  	[sflag:s5] =	ssyncadd.s32 $0xFFFFFF00  }
0x1c: {  	v3 =	vld [tilespmem:$0x0];
	_ =	sdelay $0x4  }
0x1d: {  	v4 =	vshll.u32 v3, $0x1  }
0x1e: {  	v3 =	vand.u32 $0x7, v3;
	v4 =	vand.u32 $0xFFFFFFF0, v4  }
0x1f: {  	v3 =	vor.u32 v3, v4  }
0x20: {  	v4 =	vperm.xlane v3, v0;
	_ =	sdelay $0x1  }
0x21: {  	v3 =	vperm.xlane v3, v2;
	v4 =	vadd.s32 v1, v4;
	_ =	sdelay $0x1  }
0x22: {  	v3 =	vadd.s32 v1, v3;
	_ =	sdelay $0x2  }
0x23: {  	[tilespmem:s6], [sflag:$0x1] =	stream.indirect_vreg.gather [hbm4b:s2+s3], $0x80, v4, vm0, $0xb8;
	[tilespmem:$0x10100] =	vst v63  }
0x24: {  	s7 =	rddreg [dreg:$0x5]  }
0x25: {  	[tilespmem:s7], [sflag:$0x1] =	stream.indirect_vreg.gather [hbm4b:s2+s3], $0x80, v3, vm0, $0xb8;
	[tilespmem:$0x10100] =	vst v63  }
0x26: {  	v3 =	vld [tilespmem:$0x10];
	_ =	sdelay $0x4  }
0x27: {  	v49 =	vshll.u32 v3, $0x1  }
0x28: {  	v3 =	vand.u32 $0x7, v3;
	v4 =	vand.u32 $0xFFFFFFF0, v49  }
0x29: {  	v3 =	vor.u32 v3, v4  }
0x2a: {  	v4 =	vperm.xlane v3, v0;
	_ =	sdelay $0x1  }
0x2b: {  	v3 =	vperm.xlane v3, v2;
	v4 =	vadd.s32 v1, v4;
	_ =	sdelay $0x1  }
0x2c: {  	v3 =	vadd.s32 v1, v3;
	_ =	sdelay $0x1  }
0x2d: {  	s0 =	rddreg [dreg:$0x6]  }
0x2e: {  	[tilespmem:s0], [sflag:$0x1] =	stream.indirect_vreg.gather [hbm4b:s2+s3], $0x80, v4, vm0, $0xb8;
	[tilespmem:$0x10100] =	vst v63  }
0x2f: {  	s7 =	rddreg [dreg:$0x7]  }
0x30: {  	[tilespmem:s7], [sflag:$0x1] =	stream.indirect_vreg.gather [hbm4b:s2+s3], $0x80, v3, vm0, $0xb8;
	[tilespmem:$0x10100] =	vst v63  }
0x31: {  	v3 =	vld [tilespmem:$0x20];
	_ =	sdelay $0x4  }
0x32: {  	v50 =	vshll.u32 v3, $0x1  }
0x33: {  	v3 =	vand.u32 $0x7, v3;
	v4 =	vand.u32 $0xFFFFFFF0, v50  }
0x34: {  	v3 =	vor.u32 v3, v4  }
0x35: {  	v4 =	vperm.xlane v3, v0;
	_ =	sdelay $0x1  }
0x36: {  	v3 =	vperm.xlane v3, v2;
	v4 =	vadd.s32 v1, v4;
	_ =	sdelay $0x1  }
0x37: {  	v3 =	vadd.s32 v1, v3;
	_ =	sdelay $0x1  }
0x38: {  	s0 =	rddreg [dreg:$0x8]  }
0x39: {  	[tilespmem:s0], [sflag:$0x1] =	stream.indirect_vreg.gather [hbm4b:s2+s3], $0x80, v4, vm0, $0xb8;
	[tilespmem:$0x10100] =	vst v63  }
0x3a: {  	s7 =	rddreg [dreg:$0x9]  }
0x3b: {  	[tilespmem:s7], [sflag:$0x1] =	stream.indirect_vreg.gather [hbm4b:s2+s3], $0x80, v3, vm0, $0xb8;
	[tilespmem:$0x10100] =	vst v63  }
0x3c: {  	v3 =	vld [tilespmem:$0x30];
	_ =	sdelay $0x4  }
0x3d: {  	v51 =	vshll.u32 v3, $0x1  }
0x3e: {  	v3 =	vand.u32 $0x7, v3;
	v4 =	vand.u32 $0xFFFFFFF0, v51  }
0x3f: {  	v3 =	vor.u32 v3, v4  }
0x40: {  	v4 =	vperm.xlane v3, v0;
	_ =	sdelay $0x1  }
0x41: {  	v3 =	vperm.xlane v3, v2;
	v4 =	vadd.s32 v1, v4;
	_ =	sdelay $0x1  }
0x42: {  	v3 =	vadd.s32 v1, v3;
	_ =	sdelay $0x1  }
0x43: {  	s0 =	rddreg [dreg:$0xa]  }
0x44: {  	[tilespmem:s0], [sflag:$0x1] =	stream.indirect_vreg.gather [hbm4b:s2+s3], $0x80, v4, vm0, $0xb8;
	[tilespmem:$0x10100] =	vst v63  }
0x45: {  	s7 =	rddreg [dreg:$0xb]  }
0x46: {  	[tilespmem:s7], [sflag:$0x1] =	stream.indirect_vreg.gather [hbm4b:s2+s3], $0x80, v3, vm0, $0xb8;
	[tilespmem:$0x10100] =	vst v63  }
0x47: {  	v3 =	vld [tilespmem:$0x40];
	_ =	sdelay $0x4  }
0x48: {  	v52 =	vshll.u32 v3, $0x1  }
0x49: {  	v3 =	vand.u32 $0x7, v3;
	v4 =	vand.u32 $0xFFFFFFF0, v52  }
0x4a: {  	v3 =	vor.u32 v3, v4  }
0x4b: {  	v4 =	vperm.xlane v3, v0;
	_ =	sdelay $0x1  }
0x4c: {  	v3 =	vperm.xlane v3, v2;
	v4 =	vadd.s32 v1, v4;
	_ =	sdelay $0x1  }
0x4d: {  	v3 =	vadd.s32 v1, v3;
	_ =	sdelay $0x1  }
0x4e: {  	s7 =	simm.s32 $0x4100  }
0x4f: {  	[tilespmem:s7], [sflag:$0x1] =	stream.indirect_vreg.gather [hbm4b:s2+s3], $0x80, v4, vm0, $0xb8;
	[tilespmem:$0x10100] =	vst v63  }
0x50: {  	_ = 	snop  }
0x51: {  	[tilespmem:s8], [sflag:$0x1] =	stream.indirect_vreg.gather [hbm4b:s2+s3], $0x80, v3, vm0, $0xb8;
	[tilespmem:$0x10100] =	vst v63  }
0x52: {  	v3 =	vld [tilespmem:$0x50];
	_ =	sdelay $0x4  }
0x53: {  	v53 =	vshll.u32 v3, $0x1  }
0x54: {  	v3 =	vand.u32 $0x7, v3;
	v4 =	vand.u32 $0xFFFFFFF0, v53  }
0x55: {  	v3 =	vor.u32 v3, v4  }
0x56: {  	v4 =	vperm.xlane v3, v0;
	_ =	sdelay $0x1  }
0x57: {  	v3 =	vperm.xlane v3, v2;
	v4 =	vadd.s32 v1, v4;
	_ =	sdelay $0x1  }
0x58: {  	v3 =	vadd.s32 v1, v3;
	_ =	sdelay $0x2  }
0x59: {  	[tilespmem:s9], [sflag:$0x1] =	stream.indirect_vreg.gather [hbm4b:s2+s3], $0x80, v4, vm0, $0xb8;
	[tilespmem:$0x10100] =	vst v63  }
0x5a: {  	_ = 	snop  }
0x5b: {  	[tilespmem:s10], [sflag:$0x1] =	stream.indirect_vreg.gather [hbm4b:s2+s3], $0x80, v3, vm0, $0xb8;
	[tilespmem:$0x10100] =	vst v63  }
0x5c: {  	v3 =	vld [tilespmem:$0x60];
	_ =	sdelay $0x4  }
0x5d: {  	v54 =	vshll.u32 v3, $0x1  }
0x5e: {  	v3 =	vand.u32 $0x7, v3;
	v4 =	vand.u32 $0xFFFFFFF0, v54  }
0x5f: {  	v3 =	vor.u32 v3, v4  }
0x60: {  	v4 =	vperm.xlane v3, v0;
	_ =	sdelay $0x1  }
0x61: {  	v3 =	vperm.xlane v3, v2;
	v4 =	vadd.s32 v1, v4;
	_ =	sdelay $0x1  }
0x62: {  	v3 =	vadd.s32 v1, v3;
	_ =	sdelay $0x2  }
0x63: {  	[tilespmem:s11], [sflag:$0x1] =	stream.indirect_vreg.gather [hbm4b:s2+s3], $0x80, v4, vm0, $0xb8;
	[tilespmem:$0x10100] =	vst v63  }
0x64: {  	_ = 	snop  }
0x65: {  	[tilespmem:s12], [sflag:$0x1] =	stream.indirect_vreg.gather [hbm4b:s2+s3], $0x80, v3, vm0, $0xb8;
	[tilespmem:$0x10100] =	vst v63  }
0x66: {  	v3 =	vld [tilespmem:$0x70];
	_ =	sdelay $0x4  }
0x67: {  	v55 =	vshll.u32 v3, $0x1  }
0x68: {  	v3 =	vand.u32 $0x7, v3;
	v4 =	vand.u32 $0xFFFFFFF0, v55  }
0x69: {  	v3 =	vor.u32 v3, v4  }
0x6a: {  	v4 =	vperm.xlane v3, v0;
	_ =	sdelay $0x1  }
0x6b: {  	v3 =	vperm.xlane v3, v2;
	v4 =	vadd.s32 v1, v4;
	_ =	sdelay $0x1  }
0x6c: {  	v3 =	vadd.s32 v1, v3;
	_ =	sdelay $0x2  }
0x6d: {  	[tilespmem:s13], [sflag:$0x1] =	stream.indirect_vreg.gather [hbm4b:s2+s3], $0x80, v4, vm0, $0xb8;
	[tilespmem:$0x10100] =	vst v63  }
0x6e: {  	_ = 	snop  }
0x6f: {  	[tilespmem:s14], [sflag:$0x1] =	stream.indirect_vreg.gather [hbm4b:s2+s3], $0x80, v3, vm0, $0xb8;
	[tilespmem:$0x10100] =	vst v63  }
0x70: {  	v3 =	vld [tilespmem:$0x80];
	_ =	sdelay $0x4  }
0x71: {  	v56 =	vshll.u32 v3, $0x1  }
0x72: {  	v3 =	vand.u32 $0x7, v3;
	v4 =	vand.u32 $0xFFFFFFF0, v56  }
0x73: {  	v3 =	vor.u32 v3, v4  }
0x74: {  	v4 =	vperm.xlane v3, v0;
	_ =	sdelay $0x1  }
0x75: {  	v3 =	vperm.xlane v3, v2;
	v4 =	vadd.s32 v1, v4;
	_ =	sdelay $0x1  }
0x76: {  	v3 =	vadd.s32 v1, v3;
	_ =	sdelay $0x2  }
0x77: {  	[tilespmem:s15], [sflag:$0x1] =	stream.indirect_vreg.gather [hbm4b:s2+s3], $0x80, v4, vm0, $0xb8;
	[tilespmem:$0x10100] =	vst v63  }
0x78: {  	_ = 	snop  }
0x79: {  	[tilespmem:s16], [sflag:$0x1] =	stream.indirect_vreg.gather [hbm4b:s2+s3], $0x80, v3, vm0, $0xb8;
	[tilespmem:$0x10100] =	vst v63  }
0x7a: {  	v3 =	vld [tilespmem:$0x90];
	_ =	sdelay $0x4  }
0x7b: {  	v57 =	vshll.u32 v3, $0x1  }
0x7c: {  	v3 =	vand.u32 $0x7, v3;
	v4 =	vand.u32 $0xFFFFFFF0, v57  }
0x7d: {  	v3 =	vor.u32 v3, v4  }
0x7e: {  	v4 =	vperm.xlane v3, v0;
	_ =	sdelay $0x1  }
0x7f: {  	v3 =	vperm.xlane v3, v2;
	v4 =	vadd.s32 v1, v4;
	_ =	sdelay $0x1  }
0x80: {  	v3 =	vadd.s32 v1, v3;
	_ =	sdelay $0x2  }
0x81: {  	[tilespmem:s17], [sflag:$0x1] =	stream.indirect_vreg.gather [hbm4b:s2+s3], $0x80, v4, vm0, $0xb8;
	[tilespmem:$0x10100] =	vst v63  }
0x82: {  	_ = 	snop  }
0x83: {  	[tilespmem:s18], [sflag:$0x1] =	stream.indirect_vreg.gather [hbm4b:s2+s3], $0x80, v3, vm0, $0xb8;
	[tilespmem:$0x10100] =	vst v63  }
0x84: {  	v3 =	vld [tilespmem:$0xA0];
	_ =	sdelay $0x4  }
0x85: {  	v58 =	vshll.u32 v3, $0x1  }
0x86: {  	v3 =	vand.u32 $0x7, v3;
	v4 =	vand.u32 $0xFFFFFFF0, v58  }
0x87: {  	v3 =	vor.u32 v3, v4  }
0x88: {  	v4 =	vperm.xlane v3, v0;
	_ =	sdelay $0x1  }
0x89: {  	v3 =	vperm.xlane v3, v2;
	v4 =	vadd.s32 v1, v4;
	_ =	sdelay $0x1  }
0x8a: {  	v3 =	vadd.s32 v1, v3;
	_ =	sdelay $0x2  }
0x8b: {  	[tilespmem:s19], [sflag:$0x1] =	stream.indirect_vreg.gather [hbm4b:s2+s3], $0x80, v4, vm0, $0xb8;
	[tilespmem:$0x10100] =	vst v63  }
0x8c: {  	_ = 	snop  }
0x8d: {  	[tilespmem:s20], [sflag:$0x1] =	stream.indirect_vreg.gather [hbm4b:s2+s3], $0x80, v3, vm0, $0xb8;
	[tilespmem:$0x10100] =	vst v63  }
0x8e: {  	v3 =	vld [tilespmem:$0xB0];
	_ =	sdelay $0x4  }
0x8f: {  	v59 =	vshll.u32 v3, $0x1  }
0x90: {  	v3 =	vand.u32 $0x7, v3;
	v4 =	vand.u32 $0xFFFFFFF0, v59  }
0x91: {  	v3 =	vor.u32 v3, v4  }
0x92: {  	v4 =	vperm.xlane v3, v0;
	_ =	sdelay $0x1  }
0x93: {  	v3 =	vperm.xlane v3, v2;
	v4 =	vadd.s32 v1, v4;
	_ =	sdelay $0x1  }
0x94: {  	v3 =	vadd.s32 v1, v3;
	_ =	sdelay $0x2  }
0x95: {  	[tilespmem:s21], [sflag:$0x1] =	stream.indirect_vreg.gather [hbm4b:s2+s3], $0x80, v4, vm0, $0xb8;
	[tilespmem:$0x10100] =	vst v63  }
0x96: {  	_ = 	snop  }
0x97: {  	[tilespmem:s22], [sflag:$0x1] =	stream.indirect_vreg.gather [hbm4b:s2+s3], $0x80, v3, vm0, $0xb8;
	[tilespmem:$0x10100] =	vst v63  }
0x98: {  	v3 =	vld [tilespmem:$0xC0];
	_ =	sdelay $0x4  }
0x99: {  	v60 =	vshll.u32 v3, $0x1  }
0x9a: {  	v3 =	vand.u32 $0x7, v3;
	v4 =	vand.u32 $0xFFFFFFF0, v60  }
0x9b: {  	v3 =	vor.u32 v3, v4  }
0x9c: {  	v4 =	vperm.xlane v3, v0;
	_ =	sdelay $0x1  }
0x9d: {  	v3 =	vperm.xlane v3, v2;
	v4 =	vadd.s32 v1, v4;
	_ =	sdelay $0x1  }
0x9e: {  	v3 =	vadd.s32 v1, v3;
	_ =	sdelay $0x2  }
0x9f: {  	[tilespmem:s23], [sflag:$0x1] =	stream.indirect_vreg.gather [hbm4b:s2+s3], $0x80, v4, vm0, $0xb8;
	[tilespmem:$0x10100] =	vst v63  }
0xa0: {  	_ = 	snop  }
0xa1: {  	[tilespmem:s24], [sflag:$0x1] =	stream.indirect_vreg.gather [hbm4b:s2+s3], $0x80, v3, vm0, $0xb8;
	[tilespmem:$0x10100] =	vst v63  }
0xa2: {  	v3 =	vld [tilespmem:$0xD0];
	_ =	sdelay $0x4  }
0xa3: {  	v61 =	vshll.u32 v3, $0x1  }
0xa4: {  	v3 =	vand.u32 $0x7, v3;
	v4 =	vand.u32 $0xFFFFFFF0, v61  }
0xa5: {  	v3 =	vor.u32 v3, v4  }
0xa6: {  	v4 =	vperm.xlane v3, v0;
	_ =	sdelay $0x1  }
0xa7: {  	v3 =	vperm.xlane v3, v2;
	v4 =	vadd.s32 v1, v4;
	_ =	sdelay $0x1  }
0xa8: {  	v3 =	vadd.s32 v1, v3;
	_ =	sdelay $0x2  }
0xa9: {  	[tilespmem:s25], [sflag:$0x1] =	stream.indirect_vreg.gather [hbm4b:s2+s3], $0x80, v4, vm0, $0xb8;
	[tilespmem:$0x10100] =	vst v63  }
0xaa: {  	_ = 	snop  }
0xab: {  	[tilespmem:s26], [sflag:$0x1] =	stream.indirect_vreg.gather [hbm4b:s2+s3], $0x80, v3, vm0, $0xb8;
	[tilespmem:$0x10100] =	vst v63  }
0xac: {  	v3 =	vld [tilespmem:$0xE0];
	_ =	sdelay $0x4  }
0xad: {  	v62 =	vshll.u32 v3, $0x1  }
0xae: {  	v3 =	vand.u32 $0x7, v3;
	v4 =	vand.u32 $0xFFFFFFF0, v62  }
0xaf: {  	v3 =	vor.u32 v3, v4  }
0xb0: {  	v4 =	vperm.xlane v3, v0;
	_ =	sdelay $0x1  }
0xb1: {  	v3 =	vperm.xlane v3, v2;
	v4 =	vadd.s32 v1, v4;
	_ =	sdelay $0x1  }
0xb2: {  	v3 =	vadd.s32 v1, v3;
	_ =	sdelay $0x2  }
0xb3: {  	[tilespmem:s28], [sflag:$0x1] =	stream.indirect_vreg.gather [hbm4b:s2+s3], $0x80, v4, vm0, $0xb8;
	[tilespmem:$0x10100] =	vst v63  }
0xb4: {  	_ = 	snop  }
0xb5: {  	[tilespmem:s29], [sflag:$0x1] =	stream.indirect_vreg.gather [hbm4b:s2+s3], $0x80, v3, vm0, $0xb8;
	[tilespmem:$0x10100] =	vst v63  }
0xb6: {  	v3 =	vld [tilespmem:$0xF0];
	_ =	sdelay $0x4  }
0xb7: {  	v63 =	vshll.u32 v3, $0x1  }
0xb8: {  	v3 =	vand.u32 $0x7, v3;
	v4 =	vand.u32 $0xFFFFFFF0, v63  }
0xb9: {  	v3 =	vor.u32 v3, v4  }
0xba: {  	v4 =	vperm.xlane v3, v0;
	_ =	sdelay $0x1  }
0xbb: {  	v3 =	vperm.xlane v3, v2;
	v4 =	vadd.s32 v1, v4;
	_ =	sdelay $0x1  }
0xbc: {  	v3 =	vadd.s32 v1, v3;
	_ =	sdelay $0x2  }
0xbd: {  	[tilespmem:s30], [sflag:$0x1] =	stream.indirect_vreg.gather [hbm4b:s2+s3], $0x80, v4, vm0, $0xb8;
	[tilespmem:$0x10100] =	vst v63  }
0xbe: {  	_ = 	snop  }
0xbf: {  	[tilespmem:s31], [sflag:$0x1] =	stream.indirect_vreg.gather [hbm4b:s2+s3], $0x80, v3, vm0, $0xb8;
	[tilespmem:$0x10100] =	vst v63  }
0xc0: {  	_ =	swait.ge [sflag:s1], $0x8000  }
0xc1: {  	[sflag:s1] =	ssyncset.done $0x0  }
0xc2: {  	[sflag:s1] =	ssyncadd.s32 $0xFFFF8000  }
0xc3: {  	_ =	swait.ge [sflag:s1], $0x8000  }
0xc4: {  	p0 =	sne.s32 s4, $0x1;
	[sflag:s1] =	ssyncset.done $0x0  }
.Ltmp0:
0xc5: {  	s7 =	rddreg [dreg:$0x4];
	[sflag:s1] =	ssyncadd.s32 $0xFFFF8000;
	(pc) =	sbr.rel @p0 .LBB2_1-.Ltmp0, $4  }
0xc6: {  	[hbm4b:s7+s3] =	stream.linear.scatter [tilespmem:s6], [sflag:$0x2], $0x10000, $0x38;
	[tilespmem:$0x10100] =	vst v63  }
0xc7: {  	_ =	swait.ge [sflag:s5], $0x10000  }
0xc8: {  	[sflag:s5] =	ssyncset.done $0x0  }
0xc9: {  	s4 =	sadd.s32 $0xFFFFFFFF, s4;
	[sflag:s5] =	ssyncadd.s32 $0xFFFF0000  }
0xca: {  	_ =	sfence.sel $0x180000  }
0xcb: {  	[bflag:$0x0] =	sbarrier.arrive $0xFFFF  }
0xcc: {  	_ =	strace $0x90000053  }
0xcd: {  	s0 =	stileid.u32;
	[bflag:$0x2] =	sbarrier.arrive $0xFFFF  }
0xce: {  	p0 =	sne.s32 s0, $0x0;
	s0 =	rddreg [dreg:$0x2]  }
0xcf: {  	s0 =	sadd.s32 @!p0 $0x100000, s0  }
0xd0: {  	[sflag:s0] =	ssyncadd.tile.s32 @!p0 $0x1;
	_ =	shalt  }
.Lfunc_end2:
_tile_overlayer_lowered:
.L_overlay_start_2:
0xd1: {  	(tag) =	ssettag $0x2  }
0xd2: {  	s0 =	rddreg [dreg:$0x0];
	s2 =	stileid.u32  }
0xd3: {  	s1 =	rddreg [dreg:$0x1];
	p0 =	sne.s32 s2, $0x0  }
0xd4: {  	s3 =	rddreg [dreg:$0x2];
	[bflag:$0x3] =	sbarrier.arrive $0xFFFF;
	s2 =	simm.s32 @!p0 $0x1C02  }
0xd5: {  	[timem:s3], [sflag:s2] =	dma.local @!p0 [hbm:s0], s1  }
0xd6: {  	s0 =	simm.s32 @!p0 $0x2  }
0xd7: {  	_ =	swait.ge @!p0 [sflag:s0], s1  }
0xd8: {  	s1 =	ssub.s32 @!p0 $0x0, s1;
	[sflag:s0] =	ssyncset.done @!p0 $0x0  }
0xd9: {  	[sflag:s0] =	ssyncadd.s32 @!p0 s1  }
0xda: {  	[bflag:$0x3] =	sbarrier.arrive $0xFFFF  }
0xdb: {  	_ =	shalt  }

// kernel: kernel.38.cloned.1.call-start
scs
__scs_entry_jumppad:
0x0: {  	(pc) =	sbr.rel $0x88, $3  }
0x1: {  	(tag) =	ssettag $0x0;
	lr =	simm.s32 $0x1  }
0x2: {  	[smem:$0x3F9C] =	sst lr;
	_ =	strace $0xD0000000  }
0x3: {  	_ = 	snop  }
0x4: {  	_ = 	snop  }
0x5: {  	_ = 	snop  }
0x6: {  	_ = 	snop  }
0x7: {  	_ = 	snop  }
__scs_overlays_trampoline_lowered:
0x8: {  	[smem:$0x3FAB] =	sst s0  }
0x9: {  	[smem:$0x3FAC] =	sst s1  }
0xa: {  	[smem:$0x3FAD] =	sst s2  }
0xb: {  	[smem:$0x3FAE] =	sst s3  }
0xc: {  	[smem:$0x3FAF] =	sst s4  }
0xd: {  	[smem:$0x3FB0] =	sst s5  }
0xe: {  	[smem:$0x3FB1] =	sst s6  }
0xf: {  	[smem:$0x3FB2] =	sst s7  }
0x10: {  	[smem:$0x3FB3] =	sst s8  }
0x11: {  	[smem:$0x3FB4] =	sst s9;
	s0 =	simm.s32 @!p0 $0x0  }
0x12: {  	s1 =	sld [smem:$0x3F9A];
	s0 =	simm.s32 @p0 $0x1  }
0x13: {  	[smem:$0x3FB5] =	sst s0;
	s0 =	simm.s32 @!p1 $0x0  }
0x14: {  	s2 =	sld [smem:$0x3F99];
	s0 =	simm.s32 @p1 $0x1  }
0x15: {  	[smem:$0x3FB6] =	sst s0;
	s0 =	simm.s32 @!p2 $0x0  }
0x16: {  	s3 =	sld [smem:$0x3FDB];
	s0 =	simm.s32 @p2 $0x1  }
0x17: {  	s4 =	simm.s32 $0x1BF5;
	[smem:$0x3FB8] =	sst s0  }
0x18: {  	s0 =	sld [smem:$0x3F9B];
	_ =	swait.ge [sflag:s4], $0x0  }
0x19: {  	s7 =	sld [smem:$0x3F9C]  }
0x1a: {  	s8 =	sadd.s32 $0xFFFFE003, lr  }
0x1b: {  	s9 =	sadd.s32 $0xFFFFFEF7, lr;
	s5 =	simm.s32 $0xFFFFFFFF;
	p2 =	slt.u32 s8, $0xFFFFF086  }
0x1c: {  	p1 =	slt.u32 s9, $0xF7A;
	s5 =	simm.s32 @!p2 $0x0  }
0x1d: {  	s5 =	simm.s32 @p1 $0x1;
	p0 =	seq.s32 s7, s2  }
0x1e: {  	s7 =	smul.u32 @!p0 $0xF7A, s2;
	p2 =	seq.s32 @!p0 s5, $0x0  }
0x1f: {  	s9 =	smul.u32 $0xF7A, s1;
	s8 =	simm.s32 @!p0 $0x1BF5;
	p2 =	por !p2, p0  }
0x20: {  	[sflag:s8] =	ssyncset.s32 @!p0 $0xFFFFF086;
	s6 =	sadd.s32 @!p0 s3, s7;
	s7 =	simm.s32 @!p0 $0x108  }
0x21: {  	s3 =	sadd.s32 s3, s9;
	s6 =	sadd.s32 @!p0 $0x88, s6;
	s7 =	simm.s32 @p2 $0x1082  }
0x22: {  	[simem:s7], [sflag:s8] =	dma.local @!p0 [hbm:s6], $0xF7A  }
0x23: {  	s9 =	sor.u32 $0xD0000000, s2;
	s6 =	simm.s32 $0x108;
	_ =	swait.ge @!p0 [sflag:s8], $0x0  }
0x24: {  	s3 =	sadd.s32 $0x88, s3;
	s6 =	simm.s32 @!p1 $0x1082;
	[sflag:s4] =	ssyncset.s32 $0xFFFFF086  }
0x25: {  	[simem:s6], [sflag:s4] =	dma.local [hbm:s3], $0xF7A  }
0x26: {  	[smem:$0x3F9C] =	sst s1;
	(tag) =	ssettag s2;
	_ =	strace s9  }
0x27: {  	s1 =	sld [smem:$0x3FAC]  }
0x28: {  	s2 =	sld [smem:$0x3FAD]  }
0x29: {  	s4 =	sld [smem:$0x3FAF]  }
0x2a: {  	p0 =	seq.s32 s5, $0x0;
	s5 =	sld [smem:$0x3FB0]  }
0x2b: {  	s6 =	sld [smem:$0x3FB1]  }
0x2c: {  	s7 =	sld [smem:$0x3FB2]  }
0x2d: {  	s3 =	simm.s32 $0x108;
	s8 =	sld [smem:$0x3FB3]  }
0x2e: {  	s3 =	simm.s32 @!p0 $0x1082;
	s9 =	sld [smem:$0x3FB4]  }
0x2f: {  	lr =	sadd.s32 s0, s3;
	s0 =	sld [smem:$0x3FAB]  }
0x30: {  	s3 =	sld [smem:$0x3FAE]  }
0x31: {  	[smem:$0x3FB7] =	sst s10  }
0x32: {  	s10 =	sld [smem:$0x3FB5];
	_ =	sdelay $0x3  }
0x33: {  	p0 =	seq.s32 s10, $0x1;
	s10 =	sld [smem:$0x3FB7];
	_ =	sdelay $0x3  }
0x34: {  	[smem:$0x3FB7] =	sst s10  }
0x35: {  	s10 =	sld [smem:$0x3FB6];
	_ =	sdelay $0x3  }
0x36: {  	p1 =	seq.s32 s10, $0x1;
	s10 =	sld [smem:$0x3FB7];
	_ =	sdelay $0x3  }
0x37: {  	[smem:$0x3FB7] =	sst s10  }
0x38: {  	s10 =	sld [smem:$0x3FB8]  }
0x39: {  	_ = 	snop;
	(pc) =	sbr.ind lr, $3  }
0x3a: {  	_ = 	snop  }
0x3b: {  	_ = 	snop  }
0x3c: {  	p2 =	seq.s32 s10, $0x1;
	s10 =	sld [smem:$0x3FB7]  }
0x3d: {  	_ =	shalt  }
0x3e: {  	_ =	shalt  }
0x3f: {  	_ =	shalt  }
0x40: {  	_ =	shalt  }
0x41: {  	_ =	shalt  }
0x42: {  	_ =	shalt  }
0x43: {  	_ =	shalt  }
0x44: {  	_ =	shalt  }
0x45: {  	_ =	shalt  }
0x46: {  	_ =	shalt  }
0x47: {  	_ =	shalt  }
0x48: {  	_ =	shalt  }
0x49: {  	_ =	shalt  }
0x4a: {  	_ =	shalt  }
0x4b: {  	_ =	shalt  }
0x4c: {  	_ =	shalt  }
0x4d: {  	_ =	shalt  }
0x4e: {  	_ =	shalt  }
0x4f: {  	_ =	shalt  }
0x50: {  	_ =	shalt  }
0x51: {  	_ =	shalt  }
0x52: {  	_ =	shalt  }
0x53: {  	_ =	shalt  }
0x54: {  	_ =	shalt  }
0x55: {  	_ =	shalt  }
0x56: {  	_ =	shalt  }
0x57: {  	_ =	shalt  }
0x58: {  	_ =	shalt  }
0x59: {  	_ =	shalt  }
0x5a: {  	_ =	shalt  }
0x5b: {  	_ =	shalt  }
0x5c: {  	_ =	shalt  }
0x5d: {  	_ =	shalt  }
0x5e: {  	_ =	shalt  }
0x5f: {  	_ =	shalt  }
0x60: {  	_ =	shalt  }
0x61: {  	_ =	shalt  }
0x62: {  	_ =	shalt  }
0x63: {  	_ =	shalt  }
0x64: {  	_ =	shalt  }
0x65: {  	_ =	shalt  }
0x66: {  	_ =	shalt  }
0x67: {  	_ =	shalt  }
0x68: {  	_ =	shalt  }
0x69: {  	_ =	shalt  }
0x6a: {  	_ =	shalt  }
0x6b: {  	_ =	shalt  }
0x6c: {  	_ =	shalt  }
0x6d: {  	_ =	shalt  }
0x6e: {  	_ =	shalt  }
0x6f: {  	_ =	shalt  }
0x70: {  	_ =	shalt  }
0x71: {  	_ =	shalt  }
0x72: {  	_ =	shalt  }
0x73: {  	_ =	shalt  }
0x74: {  	_ =	shalt  }
0x75: {  	_ =	shalt  }
0x76: {  	_ =	shalt  }
0x77: {  	_ =	shalt  }
0x78: {  	_ =	shalt  }
0x79: {  	_ =	shalt  }
0x7a: {  	_ =	shalt  }
0x7b: {  	_ =	shalt  }
0x7c: {  	_ =	shalt  }
0x7d: {  	_ =	shalt  }
0x7e: {  	_ =	shalt  }
0x7f: {  	_ =	shalt  }
0x80: {  	_ =	shalt  }
0x81: {  	_ =	shalt  }
0x82: {  	_ =	shalt  }
0x83: {  	_ =	shalt  }
0x84: {  	_ =	shalt  }
0x85: {  	_ =	shalt  }
0x86: {  	_ =	shalt  }
0x87: {  	_ =	shalt  }
.Lfunc_end0:
.L_simem_size_0:
called_computation.6_lowered:
.L_overlay_start_0:
0x88: {  	s2 =	sld [smem:$0x3FD9]  }
0x89: {  	s3 =	sld [smem:$0x3FFE];
	_ =	sdelay $0x1  }
0x8a: {  	s1 =	srdreg.scid  }
0x8b: {  	s0 =	sand.u32 $0x1, s1  }
0x8c: {  	s17 =	sshll.u32 s0, $0xA;
	s2 =	sadd.s32 s3, s2  }
0x8d: {  	s2 =	sadd.s32 s2, s17  }
0x8e: {  	[smem:$0x3FC3] =	sst s2  }
0x8f: {  	_ = 	snop  }
0x90: {  	s18 =	sld [smem:$0x3FC5];
	(tm) =	ssettm $0x1  }
0x91: {  	s19 =	sld [smem:$0x3FFB];
	_ =	sdelay $0x3  }
0x92: {  	_ =	strace s19  }
0x93: {  	s2 =	sld [smem:$0x3FFC];
	_ =	sdelay $0x3  }
0x94: {  	_ =	strace s2  }
0x95: {  	s2 =	sld [smem:$0x3FFD];
	_ =	sdelay $0x3  }
0x96: {  	_ =	strace s2  }
0x97: {  	_ =	strace $0x8FFFFFFF  }
0x98: {  	s20 =	sld [smem:$0x3FDB];
	_ =	sdelay $0x1  }
0x99: {  	s4 =	simm.s32 $_scs_section_size  }
0x9a: {  	s5 =	simm.s32 $_size__tile_overlayer_lowered;
	s6 =	simm.s32 $_tile_overlayer_lowered  }
0x9b: {  	s7 =	simm.s32 $0x1BFF;
	s21 =	sshll.u32 s6, $0x1;
	s4 =	sadd.s32 s4, s20  }
0x9c: {  	s22 =	simm.s32 $0x0;
	s5 =	sshll.u32 s5, $0x1;
	s6 =	sadd.s32 s21, s4  }
0x9d: {  	[timem:s22], [sflag:s7] =	dma.local [hbm:s6], s5  }
0x9e: {  	_ =	swait.ge [sflag:s7], s5  }
0x9f: {  	s5 =	ssub.s32 $0x0, s5;
	[sflag:s7] =	ssyncset.done $0x0  }
0xa0: {  	[sflag:s7] =	ssyncadd.s32 s5;
	_ =	sdelay $0x1  }
0xa1: {  	s23 =	simm.s32 $0x1B8B  }
0xa2: {  	_ =	swait.ge [sflag:s23], $0x1  }
0xa3: {  	[sflag:s23] =	ssyncset.done $0x0  }
0xa4: {  	[sflag:s23] =	ssyncadd.s32 $0xFFFFFFFF  }
0xa5: {  	s5 =	sld [smem:$0x0]  }
0xa6: {  	s6 =	sand.u32 $0xFFFFFFFE, s1  }
0xa7: {  	p0 =	sne.s32 s1, s6  }
0xa8: {  	s6 =	sshll.u32 @p0 s6, $0xE  }
0xa9: {  	s6 =	sadd.s32 @p0 $0x11B8D, s6;
	s7 =	sshll.u32 @p0 s5, $0x11  }
0xaa: {  	s6 =	sor.u32 @p0 s7, s6  }
0xab: {  	[sflag:s6] =	ssyncadd.remote.s32 @p0 $0x1;
	_ =	sdelay $0x1  }
0xac: {  	s6 =	simm.s32 @p0 $0x1B8D  }
0xad: {  	_ =	swait.eq @p0 [sflag:s6], $0x1  }
0xae: {  	[sflag:s6] =	ssyncadd.s32 @p0 $0xFFFFFFFF  }
0xaf: {  	s7 =	sshll.u32 @!p0 s1, $0xE  }
0xb0: {  	s7 =	sor.u32 @!p0 $0x4000, s7;
	s6 =	simm.s32 @!p0 $0x1B8D  }
0xb1: {  	s5 =	sshll.u32 @!p0 s5, $0x11;
	s7 =	sadd.s32 @!p0 $0x11B8D, s7;
	_ =	swait.eq @!p0 [sflag:s6], $0x1  }
0xb2: {  	s5 =	sor.u32 @!p0 s5, s7;
	[sflag:s6] =	ssyncadd.s32 @!p0 $0xFFFFFFFF  }
0xb3: {  	s25 =	simm.s32 $0x1B8E;
	s24 =	sld [smem:$0x3FFE];
	[sflag:s5] =	ssyncadd.remote.s32 @!p0 $0x1  }
0xb4: {  	s26 =	simm.s32 $execute0_lowered;
	[smem:$0x3FD2] =	sst s25  }
0xb5: {  	s6 =	sshll.u32 s26, $0x1;
	_ =	strace $0x8000005B;
	[dreg:$0x1] =	wrdreg $0xFFFFFFFF  }
0xb6: {  	s28 =	simm.s32 $_size_execute0_lowered;
	s4 =	sadd.s32 s4, s6;
	[dreg:$0x0] =	wrdreg $0x0  }
0xb7: {  	s6 =	sshll.u32 s28, $0x1;
	[dreg:$0x2] =	wrdreg s4  }
0xb8: {  	[dreg:$0x3] =	wrdreg s6  }
0xb9: {  	[dreg:$0x4] =	wrdreg $0xC0  }
0xba: {  	_ =	task [dreg:s22], $0x5FFFF  }
0xbb: {  	[dreg:$0x1] =	wrdreg $0xFFFFFFFF  }
0xbc: {  	[dreg:$0x0] =	wrdreg $0x60  }
0xbd: {  	[dreg:$0x2] =	wrdreg s18  }
0xbe: {  	[dreg:$0x3] =	wrdreg s24  }
0xbf: {  	[dreg:$0x4] =	wrdreg $0x9  }
0xc0: {  	_ =	task.clear_ibuf [dreg:s22], $0x5FFFF;
	_ =	strace $0x9000005B  }
0xc1: {  	s29 =	simm.s32 $0x9;
	_ =	strace $0x8000005D  }
0xc2: {  	_ =	swait.ge [sflag:s29], $0x1  }
0xc3: {  	[sflag:s29] =	ssyncadd.s32 $0xFFFFFFFF  }
0xc4: {  	_ =	strace $0x9000005D  }
0xc5: {  	_ =	sfence  }
0xc6: {  	s30 =	sld [smem:$0x0];
	_ =	sdelay $0x2  }
0xc7: {  	s31 =	sshll.u32 s1, $0xD;
	s1 =	sshrl.u32 s1, $0x2  }
0xc8: {  	s4 =	sand.u32 $0x4000, s31;
	s1 =	sadd.s32 s1, s30  }
0xc9: {  	s0 =	sor.u32 s4, s0;
	s1 =	sshll.u32 s1, $0x11  }
0xca: {  	s0 =	sor.u32 s1, s0  }
0xcb: {  	s0 =	sadd.s32 $0x8F2B, s0  }
0xcc: {  	[sflag:s0] =	ssyncadd.remote.s32 $0x1  }
0xcd: {  	_ =	sfence.sel $0xFFFF  }
0xce: {  	[dreg:$0x0] =	wrdreg $0xFFFFFFFF;
	(pc) =	sbr.abs _section_cstart, $3  }
0xcf: {  	[dreg:$0x1] =	wrdreg $0xFFFFFFFF  }
0xd0: {  	_ =	task.clear_ibuf [dreg:s22], $0x2FFFF;
	_ =	strace $0x9FFFFFFF  }
0xd1: {  	(tm) =	ssettm $0x7FFFFFFF  }
tec
execute0_lowered:
.L_overlay_start_1:
0x0: {  	(tag) =	ssettag $0x1  }
0x1: {  	s1 =	srdreg.scid  }
0x2: {  	s0 =	stileid.u32;
	s2 =	rddreg [dreg:$0x0]  }
0x3: {  	s5 =	rddreg [dreg:$0x1];
	s19 =	simm.s32 $0x900;
	s20 =	simm.s32 $0x1100  }
0x4: {  	s21 =	simm.s32 $0x1900;
	s23 =	simm.s32 $0x2100;
	s24 =	simm.s32 $0x2900  }
0x5: {  	s25 =	simm.s32 $0x3100;
	s26 =	simm.s32 $0x3900;
	s8 =	simm.s32 $0x4900  }
0x6: {  	s9 =	simm.s32 $0x5100;
	s10 =	simm.s32 $0x5900;
	s11 =	simm.s32 $0x6100  }
0x7: {  	s12 =	simm.s32 $0x6900;
	s13 =	simm.s32 $0x7100;
	s1 =	sand.u32 $0x1, s1  }
0x8: {  	s14 =	simm.s32 $0x7900;
	s3 =	sshll.u32 s0, $0x9;
	s4 =	sshll.u32 s1, $0x8  }
0x9: {  	s15 =	simm.s32 $0x8100;
	s4 =	sor.u32 s4, s3;
	s3 =	simm.s32 $0x0  }
0xa: {  	s16 =	simm.s32 $0x8900;
	s17 =	simm.s32 $0x9100;
	[smem:$0x7FF] =	sst s3  }
0xb: {  	s28 =	simm.s32 $0xE100;
	_ =	strace $0x8000005C;
	[dreg:$0x5] =	wrdreg s19  }
0xc: {  	s29 =	simm.s32 $0xE900;
	s30 =	simm.s32 $0xF100;
	[dreg:$0x6] =	wrdreg s20  }
0xd: {  	s31 =	simm.s32 $0xF900;
	s1 =	ssub.s32 $0x2, s1;
	[dreg:$0x7] =	wrdreg s21  }
0xe: {  	s22 =	sshrl.u32 s1, $0x1;
	s6 =	sshrl.u32 s4, $0x3;
	[dreg:$0x8] =	wrdreg s23  }
0xf: {  	s4 =	sshll.u32 s4, $0x5;
	s1 =	ssub.s32 s1, s22;
	[dreg:$0x9] =	wrdreg s24  }
0x10: {  	s22 =	simm.s32 $0xB900;
	s6 =	sadd.s32 s6, s5;
	[dreg:$0xa] =	wrdreg s25  }
0x11: {  	s4 =	sadd.s32 s4, s5;
	s5 =	simm.s32 $0x2;
	[dreg:$0xb] =	wrdreg s26  }
0x12: {  	s19 =	simm.s32 $0xA100;
	s20 =	simm.s32 $0xA900;
	s21 =	simm.s32 $0xB100  }
0x13: {  	s23 =	simm.s32 $0xC100;
	s24 =	simm.s32 $0xC900;
	s18 =	sadd.s32 $0x7000, s6  }
0x14: {  	v2 =	vlaneseq.u32;
	s25 =	simm.s32 $0xD100;
	s4 =	sadd.s32 $0x86400, s4;
	[dreg:$0x3] =	wrdreg s18  }
0x15: {  	vm0 =	vmmov $0xffff;
	v1 =	vshrl.u32 v2, $0x3;
	s26 =	simm.s32 $0xD900;
	s6 =	simm.s32 $0x100;
	[dreg:$0x4] =	wrdreg s4  }
0x16: {  	v0 =	vand.u32 $0x7, v2;
	v2 =	vor.u32 $0x8, v2;
	v1 =	vmul.u32 $0x8, v1;
	s4 =	smax.u32 s1, $0x1;
	s18 =	simm.s32 $0x9900;
	s1 =	simm.s32 $0x1  }
.LBB2_1:
0x17: {  	s0 =	rddreg [dreg:$0x3]  }
0x18: {  	[tilespmem:s3], [sflag:$0x2] =	stream.linear.gather [hbm4b:s0+s3], $0x100, $0x38;
	[tilespmem:$0x10100] =	vst v63  }
0x19: {  	_ =	swait.ge [sflag:s5], $0x100  }
0x1a: {  	[sflag:s5] =	ssyncset.done $0x0  }
0x1b: {  	[sflag:s5] =	ssyncadd.s32 $0xFFFFFF00  }
0x1c: {  	v3 =	vld [tilespmem:$0x0];
	_ =	sdelay $0x4  }
0x1d: {  	v4 =	vshll.u32 v3, $0x1  }
0x1e: {  	v3 =	vand.u32 $0x7, v3;
	v4 =	vand.u32 $0xFFFFFFF0, v4  }
0x1f: {  	v3 =	vor.u32 v3, v4  }
0x20: {  	v4 =	vperm.xlane v3, v0;
	_ =	sdelay $0x1  }
0x21: {  	v3 =	vperm.xlane v3, v2;
	v4 =	vadd.s32 v1, v4;
	_ =	sdelay $0x1  }
0x22: {  	v3 =	vadd.s32 v1, v3;
	_ =	sdelay $0x2  }
0x23: {  	[tilespmem:s6], [sflag:$0x1] =	stream.indirect_vreg.gather [hbm4b:s2+s3], $0x80, v4, vm0, $0xb8;
	[tilespmem:$0x10100] =	vst v63  }
0x24: {  	s7 =	rddreg [dreg:$0x5]  }
0x25: {  	[tilespmem:s7], [sflag:$0x1] =	stream.indirect_vreg.gather [hbm4b:s2+s3], $0x80, v3, vm0, $0xb8;
	[tilespmem:$0x10100] =	vst v63  }
0x26: {  	v3 =	vld [tilespmem:$0x10];
	_ =	sdelay $0x4  }
0x27: {  	v49 =	vshll.u32 v3, $0x1  }
0x28: {  	v3 =	vand.u32 $0x7, v3;
	v4 =	vand.u32 $0xFFFFFFF0, v49  }
0x29: {  	v3 =	vor.u32 v3, v4  }
0x2a: {  	v4 =	vperm.xlane v3, v0;
	_ =	sdelay $0x1  }
0x2b: {  	v3 =	vperm.xlane v3, v2;
	v4 =	vadd.s32 v1, v4;
	_ =	sdelay $0x1  }
0x2c: {  	v3 =	vadd.s32 v1, v3;
	_ =	sdelay $0x1  }
0x2d: {  	s0 =	rddreg [dreg:$0x6]  }
0x2e: {  	[tilespmem:s0], [sflag:$0x1] =	stream.indirect_vreg.gather [hbm4b:s2+s3], $0x80, v4, vm0, $0xb8;
	[tilespmem:$0x10100] =	vst v63  }
0x2f: {  	s7 =	rddreg [dreg:$0x7]  }
0x30: {  	[tilespmem:s7], [sflag:$0x1] =	stream.indirect_vreg.gather [hbm4b:s2+s3], $0x80, v3, vm0, $0xb8;
	[tilespmem:$0x10100] =	vst v63  }
0x31: {  	v3 =	vld [tilespmem:$0x20];
	_ =	sdelay $0x4  }
0x32: {  	v50 =	vshll.u32 v3, $0x1  }
0x33: {  	v3 =	vand.u32 $0x7, v3;
	v4 =	vand.u32 $0xFFFFFFF0, v50  }
0x34: {  	v3 =	vor.u32 v3, v4  }
0x35: {  	v4 =	vperm.xlane v3, v0;
	_ =	sdelay $0x1  }
0x36: {  	v3 =	vperm.xlane v3, v2;
	v4 =	vadd.s32 v1, v4;
	_ =	sdelay $0x1  }
0x37: {  	v3 =	vadd.s32 v1, v3;
	_ =	sdelay $0x1  }
0x38: {  	s0 =	rddreg [dreg:$0x8]  }
0x39: {  	[tilespmem:s0], [sflag:$0x1] =	stream.indirect_vreg.gather [hbm4b:s2+s3], $0x80, v4, vm0, $0xb8;
	[tilespmem:$0x10100] =	vst v63  }
0x3a: {  	s7 =	rddreg [dreg:$0x9]  }
0x3b: {  	[tilespmem:s7], [sflag:$0x1] =	stream.indirect_vreg.gather [hbm4b:s2+s3], $0x80, v3, vm0, $0xb8;
	[tilespmem:$0x10100] =	vst v63  }
0x3c: {  	v3 =	vld [tilespmem:$0x30];
	_ =	sdelay $0x4  }
0x3d: {  	v51 =	vshll.u32 v3, $0x1  }
0x3e: {  	v3 =	vand.u32 $0x7, v3;
	v4 =	vand.u32 $0xFFFFFFF0, v51  }
0x3f: {  	v3 =	vor.u32 v3, v4  }
0x40: {  	v4 =	vperm.xlane v3, v0;
	_ =	sdelay $0x1  }
0x41: {  	v3 =	vperm.xlane v3, v2;
	v4 =	vadd.s32 v1, v4;
	_ =	sdelay $0x1  }
0x42: {  	v3 =	vadd.s32 v1, v3;
	_ =	sdelay $0x1  }
0x43: {  	s0 =	rddreg [dreg:$0xa]  }
0x44: {  	[tilespmem:s0], [sflag:$0x1] =	stream.indirect_vreg.gather [hbm4b:s2+s3], $0x80, v4, vm0, $0xb8;
	[tilespmem:$0x10100] =	vst v63  }
0x45: {  	s7 =	rddreg [dreg:$0xb]  }
0x46: {  	[tilespmem:s7], [sflag:$0x1] =	stream.indirect_vreg.gather [hbm4b:s2+s3], $0x80, v3, vm0, $0xb8;
	[tilespmem:$0x10100] =	vst v63  }
0x47: {  	v3 =	vld [tilespmem:$0x40];
	_ =	sdelay $0x4  }
0x48: {  	v52 =	vshll.u32 v3, $0x1  }
0x49: {  	v3 =	vand.u32 $0x7, v3;
	v4 =	vand.u32 $0xFFFFFFF0, v52  }
0x4a: {  	v3 =	vor.u32 v3, v4  }
0x4b: {  	v4 =	vperm.xlane v3, v0;
	_ =	sdelay $0x1  }
0x4c: {  	v3 =	vperm.xlane v3, v2;
	v4 =	vadd.s32 v1, v4;
	_ =	sdelay $0x1  }
0x4d: {  	v3 =	vadd.s32 v1, v3;
	_ =	sdelay $0x1  }
0x4e: {  	s7 =	simm.s32 $0x4100  }
0x4f: {  	[tilespmem:s7], [sflag:$0x1] =	stream.indirect_vreg.gather [hbm4b:s2+s3], $0x80, v4, vm0, $0xb8;
	[tilespmem:$0x10100] =	vst v63  }
0x50: {  	_ = 	snop  }
0x51: {  	[tilespmem:s8], [sflag:$0x1] =	stream.indirect_vreg.gather [hbm4b:s2+s3], $0x80, v3, vm0, $0xb8;
	[tilespmem:$0x10100] =	vst v63  }
0x52: {  	v3 =	vld [tilespmem:$0x50];
	_ =	sdelay $0x4  }
0x53: {  	v53 =	vshll.u32 v3, $0x1  }
0x54: {  	v3 =	vand.u32 $0x7, v3;
	v4 =	vand.u32 $0xFFFFFFF0, v53  }
0x55: {  	v3 =	vor.u32 v3, v4  }
0x56: {  	v4 =	vperm.xlane v3, v0;
	_ =	sdelay $0x1  }
0x57: {  	v3 =	vperm.xlane v3, v2;
	v4 =	vadd.s32 v1, v4;
	_ =	sdelay $0x1  }
0x58: {  	v3 =	vadd.s32 v1, v3;
	_ =	sdelay $0x2  }
0x59: {  	[tilespmem:s9], [sflag:$0x1] =	stream.indirect_vreg.gather [hbm4b:s2+s3], $0x80, v4, vm0, $0xb8;
	[tilespmem:$0x10100] =	vst v63  }
0x5a: {  	_ = 	snop  }
0x5b: {  	[tilespmem:s10], [sflag:$0x1] =	stream.indirect_vreg.gather [hbm4b:s2+s3], $0x80, v3, vm0, $0xb8;
	[tilespmem:$0x10100] =	vst v63  }
0x5c: {  	v3 =	vld [tilespmem:$0x60];
	_ =	sdelay $0x4  }
0x5d: {  	v54 =	vshll.u32 v3, $0x1  }
0x5e: {  	v3 =	vand.u32 $0x7, v3;
	v4 =	vand.u32 $0xFFFFFFF0, v54  }
0x5f: {  	v3 =	vor.u32 v3, v4  }
0x60: {  	v4 =	vperm.xlane v3, v0;
	_ =	sdelay $0x1  }
0x61: {  	v3 =	vperm.xlane v3, v2;
	v4 =	vadd.s32 v1, v4;
	_ =	sdelay $0x1  }
0x62: {  	v3 =	vadd.s32 v1, v3;
	_ =	sdelay $0x2  }
0x63: {  	[tilespmem:s11], [sflag:$0x1] =	stream.indirect_vreg.gather [hbm4b:s2+s3], $0x80, v4, vm0, $0xb8;
	[tilespmem:$0x10100] =	vst v63  }
0x64: {  	_ = 	snop  }
0x65: {  	[tilespmem:s12], [sflag:$0x1] =	stream.indirect_vreg.gather [hbm4b:s2+s3], $0x80, v3, vm0, $0xb8;
	[tilespmem:$0x10100] =	vst v63  }
0x66: {  	v3 =	vld [tilespmem:$0x70];
	_ =	sdelay $0x4  }
0x67: {  	v55 =	vshll.u32 v3, $0x1  }
0x68: {  	v3 =	vand.u32 $0x7, v3;
	v4 =	vand.u32 $0xFFFFFFF0, v55  }
0x69: {  	v3 =	vor.u32 v3, v4  }
0x6a: {  	v4 =	vperm.xlane v3, v0;
	_ =	sdelay $0x1  }
0x6b: {  	v3 =	vperm.xlane v3, v2;
	v4 =	vadd.s32 v1, v4;
	_ =	sdelay $0x1  }
0x6c: {  	v3 =	vadd.s32 v1, v3;
	_ =	sdelay $0x2  }
0x6d: {  	[tilespmem:s13], [sflag:$0x1] =	stream.indirect_vreg.gather [hbm4b:s2+s3], $0x80, v4, vm0, $0xb8;
	[tilespmem:$0x10100] =	vst v63  }
0x6e: {  	_ = 	snop  }
0x6f: {  	[tilespmem:s14], [sflag:$0x1] =	stream.indirect_vreg.gather [hbm4b:s2+s3], $0x80, v3, vm0, $0xb8;
	[tilespmem:$0x10100] =	vst v63  }
0x70: {  	v3 =	vld [tilespmem:$0x80];
	_ =	sdelay $0x4  }
0x71: {  	v56 =	vshll.u32 v3, $0x1  }
0x72: {  	v3 =	vand.u32 $0x7, v3;
	v4 =	vand.u32 $0xFFFFFFF0, v56  }
0x73: {  	v3 =	vor.u32 v3, v4  }
0x74: {  	v4 =	vperm.xlane v3, v0;
	_ =	sdelay $0x1  }
0x75: {  	v3 =	vperm.xlane v3, v2;
	v4 =	vadd.s32 v1, v4;
	_ =	sdelay $0x1  }
0x76: {  	v3 =	vadd.s32 v1, v3;
	_ =	sdelay $0x2  }
0x77: {  	[tilespmem:s15], [sflag:$0x1] =	stream.indirect_vreg.gather [hbm4b:s2+s3], $0x80, v4, vm0, $0xb8;
	[tilespmem:$0x10100] =	vst v63  }
0x78: {  	_ = 	snop  }
0x79: {  	[tilespmem:s16], [sflag:$0x1] =	stream.indirect_vreg.gather [hbm4b:s2+s3], $0x80, v3, vm0, $0xb8;
	[tilespmem:$0x10100] =	vst v63  }
0x7a: {  	v3 =	vld [tilespmem:$0x90];
	_ =	sdelay $0x4  }
0x7b: {  	v57 =	vshll.u32 v3, $0x1  }
0x7c: {  	v3 =	vand.u32 $0x7, v3;
	v4 =	vand.u32 $0xFFFFFFF0, v57  }
0x7d: {  	v3 =	vor.u32 v3, v4  }
0x7e: {  	v4 =	vperm.xlane v3, v0;
	_ =	sdelay $0x1  }
0x7f: {  	v3 =	vperm.xlane v3, v2;
	v4 =	vadd.s32 v1, v4;
	_ =	sdelay $0x1  }
0x80: {  	v3 =	vadd.s32 v1, v3;
	_ =	sdelay $0x2  }
0x81: {  	[tilespmem:s17], [sflag:$0x1] =	stream.indirect_vreg.gather [hbm4b:s2+s3], $0x80, v4, vm0, $0xb8;
	[tilespmem:$0x10100] =	vst v63  }
0x82: {  	_ = 	snop  }
0x83: {  	[tilespmem:s18], [sflag:$0x1] =	stream.indirect_vreg.gather [hbm4b:s2+s3], $0x80, v3, vm0, $0xb8;
	[tilespmem:$0x10100] =	vst v63  }
0x84: {  	v3 =	vld [tilespmem:$0xA0];
	_ =	sdelay $0x4  }
0x85: {  	v58 =	vshll.u32 v3, $0x1  }
0x86: {  	v3 =	vand.u32 $0x7, v3;
	v4 =	vand.u32 $0xFFFFFFF0, v58  }
0x87: {  	v3 =	vor.u32 v3, v4  }
0x88: {  	v4 =	vperm.xlane v3, v0;
	_ =	sdelay $0x1  }
0x89: {  	v3 =	vperm.xlane v3, v2;
	v4 =	vadd.s32 v1, v4;
	_ =	sdelay $0x1  }
0x8a: {  	v3 =	vadd.s32 v1, v3;
	_ =	sdelay $0x2  }
0x8b: {  	[tilespmem:s19], [sflag:$0x1] =	stream.indirect_vreg.gather [hbm4b:s2+s3], $0x80, v4, vm0, $0xb8;
	[tilespmem:$0x10100] =	vst v63  }
0x8c: {  	_ = 	snop  }
0x8d: {  	[tilespmem:s20], [sflag:$0x1] =	stream.indirect_vreg.gather [hbm4b:s2+s3], $0x80, v3, vm0, $0xb8;
	[tilespmem:$0x10100] =	vst v63  }
0x8e: {  	v3 =	vld [tilespmem:$0xB0];
	_ =	sdelay $0x4  }
0x8f: {  	v59 =	vshll.u32 v3, $0x1  }
0x90: {  	v3 =	vand.u32 $0x7, v3;
	v4 =	vand.u32 $0xFFFFFFF0, v59  }
0x91: {  	v3 =	vor.u32 v3, v4  }
0x92: {  	v4 =	vperm.xlane v3, v0;
	_ =	sdelay $0x1  }
0x93: {  	v3 =	vperm.xlane v3, v2;
	v4 =	vadd.s32 v1, v4;
	_ =	sdelay $0x1  }
0x94: {  	v3 =	vadd.s32 v1, v3;
	_ =	sdelay $0x2  }
0x95: {  	[tilespmem:s21], [sflag:$0x1] =	stream.indirect_vreg.gather [hbm4b:s2+s3], $0x80, v4, vm0, $0xb8;
	[tilespmem:$0x10100] =	vst v63  }
0x96: {  	_ = 	snop  }
0x97: {  	[tilespmem:s22], [sflag:$0x1] =	stream.indirect_vreg.gather [hbm4b:s2+s3], $0x80, v3, vm0, $0xb8;
	[tilespmem:$0x10100] =	vst v63  }
0x98: {  	v3 =	vld [tilespmem:$0xC0];
	_ =	sdelay $0x4  }
0x99: {  	v60 =	vshll.u32 v3, $0x1  }
0x9a: {  	v3 =	vand.u32 $0x7, v3;
	v4 =	vand.u32 $0xFFFFFFF0, v60  }
0x9b: {  	v3 =	vor.u32 v3, v4  }
0x9c: {  	v4 =	vperm.xlane v3, v0;
	_ =	sdelay $0x1  }
0x9d: {  	v3 =	vperm.xlane v3, v2;
	v4 =	vadd.s32 v1, v4;
	_ =	sdelay $0x1  }
0x9e: {  	v3 =	vadd.s32 v1, v3;
	_ =	sdelay $0x2  }
0x9f: {  	[tilespmem:s23], [sflag:$0x1] =	stream.indirect_vreg.gather [hbm4b:s2+s3], $0x80, v4, vm0, $0xb8;
	[tilespmem:$0x10100] =	vst v63  }
0xa0: {  	_ = 	snop  }
0xa1: {  	[tilespmem:s24], [sflag:$0x1] =	stream.indirect_vreg.gather [hbm4b:s2+s3], $0x80, v3, vm0, $0xb8;
	[tilespmem:$0x10100] =	vst v63  }
0xa2: {  	v3 =	vld [tilespmem:$0xD0];
	_ =	sdelay $0x4  }
0xa3: {  	v61 =	vshll.u32 v3, $0x1  }
0xa4: {  	v3 =	vand.u32 $0x7, v3;
	v4 =	vand.u32 $0xFFFFFFF0, v61  }
0xa5: {  	v3 =	vor.u32 v3, v4  }
0xa6: {  	v4 =	vperm.xlane v3, v0;
	_ =	sdelay $0x1  }
0xa7: {  	v3 =	vperm.xlane v3, v2;
	v4 =	vadd.s32 v1, v4;
	_ =	sdelay $0x1  }
0xa8: {  	v3 =	vadd.s32 v1, v3;
	_ =	sdelay $0x2  }
0xa9: {  	[tilespmem:s25], [sflag:$0x1] =	stream.indirect_vreg.gather [hbm4b:s2+s3], $0x80, v4, vm0, $0xb8;
	[tilespmem:$0x10100] =	vst v63  }
0xaa: {  	_ = 	snop  }
0xab: {  	[tilespmem:s26], [sflag:$0x1] =	stream.indirect_vreg.gather [hbm4b:s2+s3], $0x80, v3, vm0, $0xb8;
	[tilespmem:$0x10100] =	vst v63  }
0xac: {  	v3 =	vld [tilespmem:$0xE0];
	_ =	sdelay $0x4  }
0xad: {  	v62 =	vshll.u32 v3, $0x1  }
0xae: {  	v3 =	vand.u32 $0x7, v3;
	v4 =	vand.u32 $0xFFFFFFF0, v62  }
0xaf: {  	v3 =	vor.u32 v3, v4  }
0xb0: {  	v4 =	vperm.xlane v3, v0;
	_ =	sdelay $0x1  }
0xb1: {  	v3 =	vperm.xlane v3, v2;
	v4 =	vadd.s32 v1, v4;
	_ =	sdelay $0x1  }
0xb2: {  	v3 =	vadd.s32 v1, v3;
	_ =	sdelay $0x2  }
0xb3: {  	[tilespmem:s28], [sflag:$0x1] =	stream.indirect_vreg.gather [hbm4b:s2+s3], $0x80, v4, vm0, $0xb8;
	[tilespmem:$0x10100] =	vst v63  }
0xb4: {  	_ = 	snop  }
0xb5: {  	[tilespmem:s29], [sflag:$0x1] =	stream.indirect_vreg.gather [hbm4b:s2+s3], $0x80, v3, vm0, $0xb8;
	[tilespmem:$0x10100] =	vst v63  }
0xb6: {  	v3 =	vld [tilespmem:$0xF0];
	_ =	sdelay $0x4  }
0xb7: {  	v63 =	vshll.u32 v3, $0x1  }
0xb8: {  	v3 =	vand.u32 $0x7, v3;
	v4 =	vand.u32 $0xFFFFFFF0, v63  }
0xb9: {  	v3 =	vor.u32 v3, v4  }
0xba: {  	v4 =	vperm.xlane v3, v0;
	_ =	sdelay $0x1  }
0xbb: {  	v3 =	vperm.xlane v3, v2;
	v4 =	vadd.s32 v1, v4;
	_ =	sdelay $0x1  }
0xbc: {  	v3 =	vadd.s32 v1, v3;
	_ =	sdelay $0x2  }
0xbd: {  	[tilespmem:s30], [sflag:$0x1] =	stream.indirect_vreg.gather [hbm4b:s2+s3], $0x80, v4, vm0, $0xb8;
	[tilespmem:$0x10100] =	vst v63  }
0xbe: {  	_ = 	snop  }
0xbf: {  	[tilespmem:s31], [sflag:$0x1] =	stream.indirect_vreg.gather [hbm4b:s2+s3], $0x80, v3, vm0, $0xb8;
	[tilespmem:$0x10100] =	vst v63  }
0xc0: {  	_ =	swait.ge [sflag:s1], $0x8000  }
0xc1: {  	[sflag:s1] =	ssyncset.done $0x0  }
0xc2: {  	[sflag:s1] =	ssyncadd.s32 $0xFFFF8000  }
0xc3: {  	_ =	swait.ge [sflag:s1], $0x8000  }
0xc4: {  	p0 =	sne.s32 s4, $0x1;
	[sflag:s1] =	ssyncset.done $0x0  }
.Ltmp0:
0xc5: {  	s7 =	rddreg [dreg:$0x4];
	[sflag:s1] =	ssyncadd.s32 $0xFFFF8000;
	(pc) =	sbr.rel @p0 .LBB2_1-.Ltmp0, $4  }
0xc6: {  	[hbm4b:s7+s3] =	stream.linear.scatter [tilespmem:s6], [sflag:$0x2], $0x10000, $0x38;
	[tilespmem:$0x10100] =	vst v63  }
0xc7: {  	_ =	swait.ge [sflag:s5], $0x10000  }
0xc8: {  	[sflag:s5] =	ssyncset.done $0x0  }
0xc9: {  	s4 =	sadd.s32 $0xFFFFFFFF, s4;
	[sflag:s5] =	ssyncadd.s32 $0xFFFF0000  }
0xca: {  	_ =	sfence.sel $0x180000  }
0xcb: {  	[bflag:$0x0] =	sbarrier.arrive $0xFFFF  }
0xcc: {  	_ =	strace $0x9000005C  }
0xcd: {  	s0 =	stileid.u32;
	[bflag:$0x2] =	sbarrier.arrive $0xFFFF  }
0xce: {  	p0 =	sne.s32 s0, $0x0;
	s0 =	rddreg [dreg:$0x2]  }
0xcf: {  	s0 =	sadd.s32 @!p0 $0x100000, s0  }
0xd0: {  	[sflag:s0] =	ssyncadd.tile.s32 @!p0 $0x1;
	_ =	shalt  }
.Lfunc_end2:
_tile_overlayer_lowered:
.L_overlay_start_2:
0xd1: {  	(tag) =	ssettag $0x2  }
0xd2: {  	s0 =	rddreg [dreg:$0x0];
	s2 =	stileid.u32  }
0xd3: {  	s1 =	rddreg [dreg:$0x1];
	p0 =	sne.s32 s2, $0x0  }
0xd4: {  	s3 =	rddreg [dreg:$0x2];
	[bflag:$0x3] =	sbarrier.arrive $0xFFFF;
	s2 =	simm.s32 @!p0 $0x1C02  }
0xd5: {  	[timem:s3], [sflag:s2] =	dma.local @!p0 [hbm:s0], s1  }
0xd6: {  	s0 =	simm.s32 @!p0 $0x2  }
0xd7: {  	_ =	swait.ge @!p0 [sflag:s0], s1  }
0xd8: {  	s1 =	ssub.s32 @!p0 $0x0, s1;
	[sflag:s0] =	ssyncset.done @!p0 $0x0  }
0xd9: {  	[sflag:s0] =	ssyncadd.s32 @!p0 s1  }
0xda: {  	[bflag:$0x3] =	sbarrier.arrive $0xFFFF  }
0xdb: {  	_ =	shalt  }

// kernel: kernel.41.cloned.1.call-start
scs
__scs_entry_jumppad:
0x0: {  	(pc) =	sbr.rel $0x88, $3  }
0x1: {  	(tag) =	ssettag $0x0;
	lr =	simm.s32 $0x1  }
0x2: {  	[smem:$0x3F9C] =	sst lr;
	_ =	strace $0xD0000000  }
0x3: {  	_ = 	snop  }
0x4: {  	_ = 	snop  }
0x5: {  	_ = 	snop  }
0x6: {  	_ = 	snop  }
0x7: {  	_ = 	snop  }
__scs_overlays_trampoline_lowered:
0x8: {  	[smem:$0x3FAB] =	sst s0  }
0x9: {  	[smem:$0x3FAC] =	sst s1  }
0xa: {  	[smem:$0x3FAD] =	sst s2  }
0xb: {  	[smem:$0x3FAE] =	sst s3  }
0xc: {  	[smem:$0x3FAF] =	sst s4  }
0xd: {  	[smem:$0x3FB0] =	sst s5  }
0xe: {  	[smem:$0x3FB1] =	sst s6  }
0xf: {  	[smem:$0x3FB2] =	sst s7  }
0x10: {  	[smem:$0x3FB3] =	sst s8  }
0x11: {  	[smem:$0x3FB4] =	sst s9;
	s0 =	simm.s32 @!p0 $0x0  }
0x12: {  	s1 =	sld [smem:$0x3F9A];
	s0 =	simm.s32 @p0 $0x1  }
0x13: {  	[smem:$0x3FB5] =	sst s0;
	s0 =	simm.s32 @!p1 $0x0  }
0x14: {  	s2 =	sld [smem:$0x3F99];
	s0 =	simm.s32 @p1 $0x1  }
0x15: {  	[smem:$0x3FB6] =	sst s0;
	s0 =	simm.s32 @!p2 $0x0  }
0x16: {  	s3 =	sld [smem:$0x3FDB];
	s0 =	simm.s32 @p2 $0x1  }
0x17: {  	s4 =	simm.s32 $0x1BF5;
	[smem:$0x3FB8] =	sst s0  }
0x18: {  	s0 =	sld [smem:$0x3F9B];
	_ =	swait.ge [sflag:s4], $0x0  }
0x19: {  	s7 =	sld [smem:$0x3F9C]  }
0x1a: {  	s8 =	sadd.s32 $0xFFFFE003, lr  }
0x1b: {  	s9 =	sadd.s32 $0xFFFFFEF7, lr;
	s5 =	simm.s32 $0xFFFFFFFF;
	p2 =	slt.u32 s8, $0xFFFFF086  }
0x1c: {  	p1 =	slt.u32 s9, $0xF7A;
	s5 =	simm.s32 @!p2 $0x0  }
0x1d: {  	s5 =	simm.s32 @p1 $0x1;
	p0 =	seq.s32 s7, s2  }
0x1e: {  	s7 =	smul.u32 @!p0 $0xF7A, s2;
	p2 =	seq.s32 @!p0 s5, $0x0  }
0x1f: {  	s9 =	smul.u32 $0xF7A, s1;
	s8 =	simm.s32 @!p0 $0x1BF5;
	p2 =	por !p2, p0  }
0x20: {  	[sflag:s8] =	ssyncset.s32 @!p0 $0xFFFFF086;
	s6 =	sadd.s32 @!p0 s3, s7;
	s7 =	simm.s32 @!p0 $0x108  }
0x21: {  	s3 =	sadd.s32 s3, s9;
	s6 =	sadd.s32 @!p0 $0x88, s6;
	s7 =	simm.s32 @p2 $0x1082  }
0x22: {  	[simem:s7], [sflag:s8] =	dma.local @!p0 [hbm:s6], $0xF7A  }
0x23: {  	s9 =	sor.u32 $0xD0000000, s2;
	s6 =	simm.s32 $0x108;
	_ =	swait.ge @!p0 [sflag:s8], $0x0  }
0x24: {  	s3 =	sadd.s32 $0x88, s3;
	s6 =	simm.s32 @!p1 $0x1082;
	[sflag:s4] =	ssyncset.s32 $0xFFFFF086  }
0x25: {  	[simem:s6], [sflag:s4] =	dma.local [hbm:s3], $0xF7A  }
0x26: {  	[smem:$0x3F9C] =	sst s1;
	(tag) =	ssettag s2;
	_ =	strace s9  }
0x27: {  	s1 =	sld [smem:$0x3FAC]  }
0x28: {  	s2 =	sld [smem:$0x3FAD]  }
0x29: {  	s4 =	sld [smem:$0x3FAF]  }
0x2a: {  	p0 =	seq.s32 s5, $0x0;
	s5 =	sld [smem:$0x3FB0]  }
0x2b: {  	s6 =	sld [smem:$0x3FB1]  }
0x2c: {  	s7 =	sld [smem:$0x3FB2]  }
0x2d: {  	s3 =	simm.s32 $0x108;
	s8 =	sld [smem:$0x3FB3]  }
0x2e: {  	s3 =	simm.s32 @!p0 $0x1082;
	s9 =	sld [smem:$0x3FB4]  }
0x2f: {  	lr =	sadd.s32 s0, s3;
	s0 =	sld [smem:$0x3FAB]  }
0x30: {  	s3 =	sld [smem:$0x3FAE]  }
0x31: {  	[smem:$0x3FB7] =	sst s10  }
0x32: {  	s10 =	sld [smem:$0x3FB5];
	_ =	sdelay $0x3  }
0x33: {  	p0 =	seq.s32 s10, $0x1;
	s10 =	sld [smem:$0x3FB7];
	_ =	sdelay $0x3  }
0x34: {  	[smem:$0x3FB7] =	sst s10  }
0x35: {  	s10 =	sld [smem:$0x3FB6];
	_ =	sdelay $0x3  }
0x36: {  	p1 =	seq.s32 s10, $0x1;
	s10 =	sld [smem:$0x3FB7];
	_ =	sdelay $0x3  }
0x37: {  	[smem:$0x3FB7] =	sst s10  }
0x38: {  	s10 =	sld [smem:$0x3FB8]  }
0x39: {  	_ = 	snop;
	(pc) =	sbr.ind lr, $3  }
0x3a: {  	_ = 	snop  }
0x3b: {  	_ = 	snop  }
0x3c: {  	p2 =	seq.s32 s10, $0x1;
	s10 =	sld [smem:$0x3FB7]  }
0x3d: {  	_ =	shalt  }
0x3e: {  	_ =	shalt  }
0x3f: {  	_ =	shalt  }
0x40: {  	_ =	shalt  }
0x41: {  	_ =	shalt  }
0x42: {  	_ =	shalt  }
0x43: {  	_ =	shalt  }
0x44: {  	_ =	shalt  }
0x45: {  	_ =	shalt  }
0x46: {  	_ =	shalt  }
0x47: {  	_ =	shalt  }
0x48: {  	_ =	shalt  }
0x49: {  	_ =	shalt  }
0x4a: {  	_ =	shalt  }
0x4b: {  	_ =	shalt  }
0x4c: {  	_ =	shalt  }
0x4d: {  	_ =	shalt  }
0x4e: {  	_ =	shalt  }
0x4f: {  	_ =	shalt  }
0x50: {  	_ =	shalt  }
0x51: {  	_ =	shalt  }
0x52: {  	_ =	shalt  }
0x53: {  	_ =	shalt  }
0x54: {  	_ =	shalt  }
0x55: {  	_ =	shalt  }
0x56: {  	_ =	shalt  }
0x57: {  	_ =	shalt  }
0x58: {  	_ =	shalt  }
0x59: {  	_ =	shalt  }
0x5a: {  	_ =	shalt  }
0x5b: {  	_ =	shalt  }
0x5c: {  	_ =	shalt  }
0x5d: {  	_ =	shalt  }
0x5e: {  	_ =	shalt  }
0x5f: {  	_ =	shalt  }
0x60: {  	_ =	shalt  }
0x61: {  	_ =	shalt  }
0x62: {  	_ =	shalt  }
0x63: {  	_ =	shalt  }
0x64: {  	_ =	shalt  }
0x65: {  	_ =	shalt  }
0x66: {  	_ =	shalt  }
0x67: {  	_ =	shalt  }
0x68: {  	_ =	shalt  }
0x69: {  	_ =	shalt  }
0x6a: {  	_ =	shalt  }
0x6b: {  	_ =	shalt  }
0x6c: {  	_ =	shalt  }
0x6d: {  	_ =	shalt  }
0x6e: {  	_ =	shalt  }
0x6f: {  	_ =	shalt  }
0x70: {  	_ =	shalt  }
0x71: {  	_ =	shalt  }
0x72: {  	_ =	shalt  }
0x73: {  	_ =	shalt  }
0x74: {  	_ =	shalt  }
0x75: {  	_ =	shalt  }
0x76: {  	_ =	shalt  }
0x77: {  	_ =	shalt  }
0x78: {  	_ =	shalt  }
0x79: {  	_ =	shalt  }
0x7a: {  	_ =	shalt  }
0x7b: {  	_ =	shalt  }
0x7c: {  	_ =	shalt  }
0x7d: {  	_ =	shalt  }
0x7e: {  	_ =	shalt  }
0x7f: {  	_ =	shalt  }
0x80: {  	_ =	shalt  }
0x81: {  	_ =	shalt  }
0x82: {  	_ =	shalt  }
0x83: {  	_ =	shalt  }
0x84: {  	_ =	shalt  }
0x85: {  	_ =	shalt  }
0x86: {  	_ =	shalt  }
0x87: {  	_ =	shalt  }
.Lfunc_end0:
.L_simem_size_0:
called_computation.7_lowered:
.L_overlay_start_0:
0x88: {  	s2 =	sld [smem:$0x3FD9]  }
0x89: {  	s3 =	sld [smem:$0x3FFE];
	_ =	sdelay $0x1  }
0x8a: {  	s1 =	srdreg.scid  }
0x8b: {  	s0 =	sand.u32 $0x1, s1  }
0x8c: {  	s17 =	sshll.u32 s0, $0xA;
	s2 =	sadd.s32 s3, s2  }
0x8d: {  	s2 =	sadd.s32 s2, s17  }
0x8e: {  	[smem:$0x3FC3] =	sst s2  }
0x8f: {  	_ = 	snop  }
0x90: {  	s18 =	sld [smem:$0x3FC5];
	(tm) =	ssettm $0x1  }
0x91: {  	s19 =	sld [smem:$0x3FFB];
	_ =	sdelay $0x3  }
0x92: {  	_ =	strace s19  }
0x93: {  	s2 =	sld [smem:$0x3FFC];
	_ =	sdelay $0x3  }
0x94: {  	_ =	strace s2  }
0x95: {  	s2 =	sld [smem:$0x3FFD];
	_ =	sdelay $0x3  }
0x96: {  	_ =	strace s2  }
0x97: {  	_ =	strace $0x8FFFFFFF  }
0x98: {  	s20 =	sld [smem:$0x3FDB];
	_ =	sdelay $0x1  }
0x99: {  	s4 =	simm.s32 $_scs_section_size  }
0x9a: {  	s5 =	simm.s32 $_size__tile_overlayer_lowered;
	s6 =	simm.s32 $_tile_overlayer_lowered  }
0x9b: {  	s7 =	simm.s32 $0x1BFF;
	s21 =	sshll.u32 s6, $0x1;
	s4 =	sadd.s32 s4, s20  }
0x9c: {  	s22 =	simm.s32 $0x0;
	s5 =	sshll.u32 s5, $0x1;
	s6 =	sadd.s32 s21, s4  }
0x9d: {  	[timem:s22], [sflag:s7] =	dma.local [hbm:s6], s5  }
0x9e: {  	_ =	swait.ge [sflag:s7], s5  }
0x9f: {  	s5 =	ssub.s32 $0x0, s5;
	[sflag:s7] =	ssyncset.done $0x0  }
0xa0: {  	[sflag:s7] =	ssyncadd.s32 s5;
	_ =	sdelay $0x1  }
0xa1: {  	s23 =	simm.s32 $0x1B8B  }
0xa2: {  	_ =	swait.ge [sflag:s23], $0x1  }
0xa3: {  	[sflag:s23] =	ssyncset.done $0x0  }
0xa4: {  	[sflag:s23] =	ssyncadd.s32 $0xFFFFFFFF  }
0xa5: {  	s5 =	sld [smem:$0x0]  }
0xa6: {  	s6 =	sand.u32 $0xFFFFFFFE, s1  }
0xa7: {  	p0 =	sne.s32 s1, s6  }
0xa8: {  	s6 =	sshll.u32 @p0 s6, $0xE  }
0xa9: {  	s6 =	sadd.s32 @p0 $0x11B8D, s6;
	s7 =	sshll.u32 @p0 s5, $0x11  }
0xaa: {  	s6 =	sor.u32 @p0 s7, s6  }
0xab: {  	[sflag:s6] =	ssyncadd.remote.s32 @p0 $0x1;
	_ =	sdelay $0x1  }
0xac: {  	s6 =	simm.s32 @p0 $0x1B8D  }
0xad: {  	_ =	swait.eq @p0 [sflag:s6], $0x1  }
0xae: {  	[sflag:s6] =	ssyncadd.s32 @p0 $0xFFFFFFFF  }
0xaf: {  	s7 =	sshll.u32 @!p0 s1, $0xE  }
0xb0: {  	s7 =	sor.u32 @!p0 $0x4000, s7;
	s6 =	simm.s32 @!p0 $0x1B8D  }
0xb1: {  	s5 =	sshll.u32 @!p0 s5, $0x11;
	s7 =	sadd.s32 @!p0 $0x11B8D, s7;
	_ =	swait.eq @!p0 [sflag:s6], $0x1  }
0xb2: {  	s5 =	sor.u32 @!p0 s5, s7;
	[sflag:s6] =	ssyncadd.s32 @!p0 $0xFFFFFFFF  }
0xb3: {  	s25 =	simm.s32 $0x1B8E;
	s24 =	sld [smem:$0x3FFE];
	[sflag:s5] =	ssyncadd.remote.s32 @!p0 $0x1  }
0xb4: {  	s26 =	simm.s32 $execute0_lowered;
	[smem:$0x3FD2] =	sst s25  }
0xb5: {  	s6 =	sshll.u32 s26, $0x1;
	_ =	strace $0x80000058;
	[dreg:$0x1] =	wrdreg $0xFFFFFFFF  }
0xb6: {  	s28 =	simm.s32 $_size_execute0_lowered;
	s4 =	sadd.s32 s4, s6;
	[dreg:$0x0] =	wrdreg $0x0  }
0xb7: {  	s6 =	sshll.u32 s28, $0x1;
	[dreg:$0x2] =	wrdreg s4  }
0xb8: {  	[dreg:$0x3] =	wrdreg s6  }
0xb9: {  	[dreg:$0x4] =	wrdreg $0xC0  }
0xba: {  	_ =	task [dreg:s22], $0x5FFFF  }
0xbb: {  	[dreg:$0x1] =	wrdreg $0xFFFFFFFF  }
0xbc: {  	[dreg:$0x0] =	wrdreg $0x60  }
0xbd: {  	[dreg:$0x2] =	wrdreg s18  }
0xbe: {  	[dreg:$0x3] =	wrdreg s24  }
0xbf: {  	[dreg:$0x4] =	wrdreg $0xA  }
0xc0: {  	_ =	task.clear_ibuf [dreg:s22], $0x5FFFF;
	_ =	strace $0x90000058  }
0xc1: {  	s29 =	simm.s32 $0xA;
	_ =	strace $0x8000005A  }
0xc2: {  	_ =	swait.ge [sflag:s29], $0x1  }
0xc3: {  	[sflag:s29] =	ssyncadd.s32 $0xFFFFFFFF  }
0xc4: {  	_ =	strace $0x9000005A  }
0xc5: {  	_ =	sfence  }
0xc6: {  	s30 =	sld [smem:$0x0];
	_ =	sdelay $0x2  }
0xc7: {  	s31 =	sshll.u32 s1, $0xD;
	s1 =	sshrl.u32 s1, $0x2  }
0xc8: {  	s4 =	sand.u32 $0x4000, s31;
	s1 =	sadd.s32 s1, s30  }
0xc9: {  	s0 =	sor.u32 s4, s0;
	s1 =	sshll.u32 s1, $0x11  }
0xca: {  	s0 =	sor.u32 s1, s0  }
0xcb: {  	s0 =	sadd.s32 $0x8F2B, s0  }
0xcc: {  	[sflag:s0] =	ssyncadd.remote.s32 $0x1  }
0xcd: {  	_ =	sfence.sel $0xFFFF  }
0xce: {  	[dreg:$0x0] =	wrdreg $0xFFFFFFFF;
	(pc) =	sbr.abs _section_cstart, $3  }
0xcf: {  	[dreg:$0x1] =	wrdreg $0xFFFFFFFF  }
0xd0: {  	_ =	task.clear_ibuf [dreg:s22], $0x2FFFF;
	_ =	strace $0x9FFFFFFF  }
0xd1: {  	(tm) =	ssettm $0x7FFFFFFF  }
tec
execute0_lowered:
.L_overlay_start_1:
0x0: {  	(tag) =	ssettag $0x1  }
0x1: {  	s1 =	srdreg.scid  }
0x2: {  	s0 =	stileid.u32;
	s2 =	rddreg [dreg:$0x0]  }
0x3: {  	s5 =	rddreg [dreg:$0x1];
	s19 =	simm.s32 $0x900;
	s20 =	simm.s32 $0x1100  }
0x4: {  	s21 =	simm.s32 $0x1900;
	s23 =	simm.s32 $0x2100;
	s24 =	simm.s32 $0x2900  }
0x5: {  	s25 =	simm.s32 $0x3100;
	s26 =	simm.s32 $0x3900;
	s8 =	simm.s32 $0x4900  }
0x6: {  	s9 =	simm.s32 $0x5100;
	s10 =	simm.s32 $0x5900;
	s11 =	simm.s32 $0x6100  }
0x7: {  	s12 =	simm.s32 $0x6900;
	s13 =	simm.s32 $0x7100;
	s1 =	sand.u32 $0x1, s1  }
0x8: {  	s14 =	simm.s32 $0x7900;
	s3 =	sshll.u32 s0, $0x9;
	s4 =	sshll.u32 s1, $0x8  }
0x9: {  	s15 =	simm.s32 $0x8100;
	s4 =	sor.u32 s4, s3;
	s3 =	simm.s32 $0x0  }
0xa: {  	s16 =	simm.s32 $0x8900;
	s17 =	simm.s32 $0x9100;
	[smem:$0x7FF] =	sst s3  }
0xb: {  	s28 =	simm.s32 $0xE100;
	_ =	strace $0x80000059;
	[dreg:$0x5] =	wrdreg s19  }
0xc: {  	s29 =	simm.s32 $0xE900;
	s30 =	simm.s32 $0xF100;
	[dreg:$0x6] =	wrdreg s20  }
0xd: {  	s31 =	simm.s32 $0xF900;
	s1 =	ssub.s32 $0x2, s1;
	[dreg:$0x7] =	wrdreg s21  }
0xe: {  	s22 =	sshrl.u32 s1, $0x1;
	s6 =	sshrl.u32 s4, $0x3;
	[dreg:$0x8] =	wrdreg s23  }
0xf: {  	s4 =	sshll.u32 s4, $0x5;
	s1 =	ssub.s32 s1, s22;
	[dreg:$0x9] =	wrdreg s24  }
0x10: {  	s22 =	simm.s32 $0xB900;
	s6 =	sadd.s32 s6, s5;
	[dreg:$0xa] =	wrdreg s25  }
0x11: {  	s4 =	sadd.s32 s4, s5;
	s5 =	simm.s32 $0x2;
	[dreg:$0xb] =	wrdreg s26  }
0x12: {  	s19 =	simm.s32 $0xA100;
	s20 =	simm.s32 $0xA900;
	s21 =	simm.s32 $0xB100  }
0x13: {  	s23 =	simm.s32 $0xC100;
	s24 =	simm.s32 $0xC900;
	s18 =	sadd.s32 $0x6C00, s6  }
0x14: {  	v2 =	vlaneseq.u32;
	s25 =	simm.s32 $0xD100;
	s4 =	sadd.s32 $0xC6400, s4;
	[dreg:$0x3] =	wrdreg s18  }
0x15: {  	vm0 =	vmmov $0xffff;
	v1 =	vshrl.u32 v2, $0x3;
	s26 =	simm.s32 $0xD900;
	s6 =	simm.s32 $0x100;
	[dreg:$0x4] =	wrdreg s4  }
0x16: {  	v0 =	vand.u32 $0x7, v2;
	v2 =	vor.u32 $0x8, v2;
	v1 =	vmul.u32 $0x8, v1;
	s4 =	smax.u32 s1, $0x1;
	s18 =	simm.s32 $0x9900;
	s1 =	simm.s32 $0x1  }
.LBB2_1:
0x17: {  	s0 =	rddreg [dreg:$0x3]  }
0x18: {  	[tilespmem:s3], [sflag:$0x2] =	stream.linear.gather [hbm4b:s0+s3], $0x100, $0x38;
	[tilespmem:$0x10100] =	vst v63  }
0x19: {  	_ =	swait.ge [sflag:s5], $0x100  }
0x1a: {  	[sflag:s5] =	ssyncset.done $0x0  }
0x1b: {  	[sflag:s5] =	ssyncadd.s32 $0xFFFFFF00  }
0x1c: {  	v3 =	vld [tilespmem:$0x0];
	_ =	sdelay $0x4  }
0x1d: {  	v4 =	vshll.u32 v3, $0x1  }
0x1e: {  	v3 =	vand.u32 $0x7, v3;
	v4 =	vand.u32 $0xFFFFFFF0, v4  }
0x1f: {  	v3 =	vor.u32 v3, v4  }
0x20: {  	v4 =	vperm.xlane v3, v0;
	_ =	sdelay $0x1  }
0x21: {  	v3 =	vperm.xlane v3, v2;
	v4 =	vadd.s32 v1, v4;
	_ =	sdelay $0x1  }
0x22: {  	v3 =	vadd.s32 v1, v3;
	_ =	sdelay $0x2  }
0x23: {  	[tilespmem:s6], [sflag:$0x1] =	stream.indirect_vreg.gather [hbm4b:s2+s3], $0x80, v4, vm0, $0xb8;
	[tilespmem:$0x10100] =	vst v63  }
0x24: {  	s7 =	rddreg [dreg:$0x5]  }
0x25: {  	[tilespmem:s7], [sflag:$0x1] =	stream.indirect_vreg.gather [hbm4b:s2+s3], $0x80, v3, vm0, $0xb8;
	[tilespmem:$0x10100] =	vst v63  }
0x26: {  	v3 =	vld [tilespmem:$0x10];
	_ =	sdelay $0x4  }
0x27: {  	v49 =	vshll.u32 v3, $0x1  }
0x28: {  	v3 =	vand.u32 $0x7, v3;
	v4 =	vand.u32 $0xFFFFFFF0, v49  }
0x29: {  	v3 =	vor.u32 v3, v4  }
0x2a: {  	v4 =	vperm.xlane v3, v0;
	_ =	sdelay $0x1  }
0x2b: {  	v3 =	vperm.xlane v3, v2;
	v4 =	vadd.s32 v1, v4;
	_ =	sdelay $0x1  }
0x2c: {  	v3 =	vadd.s32 v1, v3;
	_ =	sdelay $0x1  }
0x2d: {  	s0 =	rddreg [dreg:$0x6]  }
0x2e: {  	[tilespmem:s0], [sflag:$0x1] =	stream.indirect_vreg.gather [hbm4b:s2+s3], $0x80, v4, vm0, $0xb8;
	[tilespmem:$0x10100] =	vst v63  }
0x2f: {  	s7 =	rddreg [dreg:$0x7]  }
0x30: {  	[tilespmem:s7], [sflag:$0x1] =	stream.indirect_vreg.gather [hbm4b:s2+s3], $0x80, v3, vm0, $0xb8;
	[tilespmem:$0x10100] =	vst v63  }
0x31: {  	v3 =	vld [tilespmem:$0x20];
	_ =	sdelay $0x4  }
0x32: {  	v50 =	vshll.u32 v3, $0x1  }
0x33: {  	v3 =	vand.u32 $0x7, v3;
	v4 =	vand.u32 $0xFFFFFFF0, v50  }
0x34: {  	v3 =	vor.u32 v3, v4  }
0x35: {  	v4 =	vperm.xlane v3, v0;
	_ =	sdelay $0x1  }
0x36: {  	v3 =	vperm.xlane v3, v2;
	v4 =	vadd.s32 v1, v4;
	_ =	sdelay $0x1  }
0x37: {  	v3 =	vadd.s32 v1, v3;
	_ =	sdelay $0x1  }
0x38: {  	s0 =	rddreg [dreg:$0x8]  }
0x39: {  	[tilespmem:s0], [sflag:$0x1] =	stream.indirect_vreg.gather [hbm4b:s2+s3], $0x80, v4, vm0, $0xb8;
	[tilespmem:$0x10100] =	vst v63  }
0x3a: {  	s7 =	rddreg [dreg:$0x9]  }
0x3b: {  	[tilespmem:s7], [sflag:$0x1] =	stream.indirect_vreg.gather [hbm4b:s2+s3], $0x80, v3, vm0, $0xb8;
	[tilespmem:$0x10100] =	vst v63  }
0x3c: {  	v3 =	vld [tilespmem:$0x30];
	_ =	sdelay $0x4  }
0x3d: {  	v51 =	vshll.u32 v3, $0x1  }
0x3e: {  	v3 =	vand.u32 $0x7, v3;
	v4 =	vand.u32 $0xFFFFFFF0, v51  }
0x3f: {  	v3 =	vor.u32 v3, v4  }
0x40: {  	v4 =	vperm.xlane v3, v0;
	_ =	sdelay $0x1  }
0x41: {  	v3 =	vperm.xlane v3, v2;
	v4 =	vadd.s32 v1, v4;
	_ =	sdelay $0x1  }
0x42: {  	v3 =	vadd.s32 v1, v3;
	_ =	sdelay $0x1  }
0x43: {  	s0 =	rddreg [dreg:$0xa]  }
0x44: {  	[tilespmem:s0], [sflag:$0x1] =	stream.indirect_vreg.gather [hbm4b:s2+s3], $0x80, v4, vm0, $0xb8;
	[tilespmem:$0x10100] =	vst v63  }
0x45: {  	s7 =	rddreg [dreg:$0xb]  }
0x46: {  	[tilespmem:s7], [sflag:$0x1] =	stream.indirect_vreg.gather [hbm4b:s2+s3], $0x80, v3, vm0, $0xb8;
	[tilespmem:$0x10100] =	vst v63  }
0x47: {  	v3 =	vld [tilespmem:$0x40];
	_ =	sdelay $0x4  }
0x48: {  	v52 =	vshll.u32 v3, $0x1  }
0x49: {  	v3 =	vand.u32 $0x7, v3;
	v4 =	vand.u32 $0xFFFFFFF0, v52  }
0x4a: {  	v3 =	vor.u32 v3, v4  }
0x4b: {  	v4 =	vperm.xlane v3, v0;
	_ =	sdelay $0x1  }
0x4c: {  	v3 =	vperm.xlane v3, v2;
	v4 =	vadd.s32 v1, v4;
	_ =	sdelay $0x1  }
0x4d: {  	v3 =	vadd.s32 v1, v3;
	_ =	sdelay $0x1  }
0x4e: {  	s7 =	simm.s32 $0x4100  }
0x4f: {  	[tilespmem:s7], [sflag:$0x1] =	stream.indirect_vreg.gather [hbm4b:s2+s3], $0x80, v4, vm0, $0xb8;
	[tilespmem:$0x10100] =	vst v63  }
0x50: {  	_ = 	snop  }
0x51: {  	[tilespmem:s8], [sflag:$0x1] =	stream.indirect_vreg.gather [hbm4b:s2+s3], $0x80, v3, vm0, $0xb8;
	[tilespmem:$0x10100] =	vst v63  }
0x52: {  	v3 =	vld [tilespmem:$0x50];
	_ =	sdelay $0x4  }
0x53: {  	v53 =	vshll.u32 v3, $0x1  }
0x54: {  	v3 =	vand.u32 $0x7, v3;
	v4 =	vand.u32 $0xFFFFFFF0, v53  }
0x55: {  	v3 =	vor.u32 v3, v4  }
0x56: {  	v4 =	vperm.xlane v3, v0;
	_ =	sdelay $0x1  }
0x57: {  	v3 =	vperm.xlane v3, v2;
	v4 =	vadd.s32 v1, v4;
	_ =	sdelay $0x1  }
0x58: {  	v3 =	vadd.s32 v1, v3;
	_ =	sdelay $0x2  }
0x59: {  	[tilespmem:s9], [sflag:$0x1] =	stream.indirect_vreg.gather [hbm4b:s2+s3], $0x80, v4, vm0, $0xb8;
	[tilespmem:$0x10100] =	vst v63  }
0x5a: {  	_ = 	snop  }
0x5b: {  	[tilespmem:s10], [sflag:$0x1] =	stream.indirect_vreg.gather [hbm4b:s2+s3], $0x80, v3, vm0, $0xb8;
	[tilespmem:$0x10100] =	vst v63  }
0x5c: {  	v3 =	vld [tilespmem:$0x60];
	_ =	sdelay $0x4  }
0x5d: {  	v54 =	vshll.u32 v3, $0x1  }
0x5e: {  	v3 =	vand.u32 $0x7, v3;
	v4 =	vand.u32 $0xFFFFFFF0, v54  }
0x5f: {  	v3 =	vor.u32 v3, v4  }
0x60: {  	v4 =	vperm.xlane v3, v0;
	_ =	sdelay $0x1  }
0x61: {  	v3 =	vperm.xlane v3, v2;
	v4 =	vadd.s32 v1, v4;
	_ =	sdelay $0x1  }
0x62: {  	v3 =	vadd.s32 v1, v3;
	_ =	sdelay $0x2  }
0x63: {  	[tilespmem:s11], [sflag:$0x1] =	stream.indirect_vreg.gather [hbm4b:s2+s3], $0x80, v4, vm0, $0xb8;
	[tilespmem:$0x10100] =	vst v63  }
0x64: {  	_ = 	snop  }
0x65: {  	[tilespmem:s12], [sflag:$0x1] =	stream.indirect_vreg.gather [hbm4b:s2+s3], $0x80, v3, vm0, $0xb8;
	[tilespmem:$0x10100] =	vst v63  }
0x66: {  	v3 =	vld [tilespmem:$0x70];
	_ =	sdelay $0x4  }
0x67: {  	v55 =	vshll.u32 v3, $0x1  }
0x68: {  	v3 =	vand.u32 $0x7, v3;
	v4 =	vand.u32 $0xFFFFFFF0, v55  }
0x69: {  	v3 =	vor.u32 v3, v4  }
0x6a: {  	v4 =	vperm.xlane v3, v0;
	_ =	sdelay $0x1  }
0x6b: {  	v3 =	vperm.xlane v3, v2;
	v4 =	vadd.s32 v1, v4;
	_ =	sdelay $0x1  }
0x6c: {  	v3 =	vadd.s32 v1, v3;
	_ =	sdelay $0x2  }
0x6d: {  	[tilespmem:s13], [sflag:$0x1] =	stream.indirect_vreg.gather [hbm4b:s2+s3], $0x80, v4, vm0, $0xb8;
	[tilespmem:$0x10100] =	vst v63  }
0x6e: {  	_ = 	snop  }
0x6f: {  	[tilespmem:s14], [sflag:$0x1] =	stream.indirect_vreg.gather [hbm4b:s2+s3], $0x80, v3, vm0, $0xb8;
	[tilespmem:$0x10100] =	vst v63  }
0x70: {  	v3 =	vld [tilespmem:$0x80];
	_ =	sdelay $0x4  }
0x71: {  	v56 =	vshll.u32 v3, $0x1  }
0x72: {  	v3 =	vand.u32 $0x7, v3;
	v4 =	vand.u32 $0xFFFFFFF0, v56  }
0x73: {  	v3 =	vor.u32 v3, v4  }
0x74: {  	v4 =	vperm.xlane v3, v0;
	_ =	sdelay $0x1  }
0x75: {  	v3 =	vperm.xlane v3, v2;
	v4 =	vadd.s32 v1, v4;
	_ =	sdelay $0x1  }
0x76: {  	v3 =	vadd.s32 v1, v3;
	_ =	sdelay $0x2  }
0x77: {  	[tilespmem:s15], [sflag:$0x1] =	stream.indirect_vreg.gather [hbm4b:s2+s3], $0x80, v4, vm0, $0xb8;
	[tilespmem:$0x10100] =	vst v63  }
0x78: {  	_ = 	snop  }
0x79: {  	[tilespmem:s16], [sflag:$0x1] =	stream.indirect_vreg.gather [hbm4b:s2+s3], $0x80, v3, vm0, $0xb8;
	[tilespmem:$0x10100] =	vst v63  }
0x7a: {  	v3 =	vld [tilespmem:$0x90];
	_ =	sdelay $0x4  }
0x7b: {  	v57 =	vshll.u32 v3, $0x1  }
0x7c: {  	v3 =	vand.u32 $0x7, v3;
	v4 =	vand.u32 $0xFFFFFFF0, v57  }
0x7d: {  	v3 =	vor.u32 v3, v4  }
0x7e: {  	v4 =	vperm.xlane v3, v0;
	_ =	sdelay $0x1  }
0x7f: {  	v3 =	vperm.xlane v3, v2;
	v4 =	vadd.s32 v1, v4;
	_ =	sdelay $0x1  }
0x80: {  	v3 =	vadd.s32 v1, v3;
	_ =	sdelay $0x2  }
0x81: {  	[tilespmem:s17], [sflag:$0x1] =	stream.indirect_vreg.gather [hbm4b:s2+s3], $0x80, v4, vm0, $0xb8;
	[tilespmem:$0x10100] =	vst v63  }
0x82: {  	_ = 	snop  }
0x83: {  	[tilespmem:s18], [sflag:$0x1] =	stream.indirect_vreg.gather [hbm4b:s2+s3], $0x80, v3, vm0, $0xb8;
	[tilespmem:$0x10100] =	vst v63  }
0x84: {  	v3 =	vld [tilespmem:$0xA0];
	_ =	sdelay $0x4  }
0x85: {  	v58 =	vshll.u32 v3, $0x1  }
0x86: {  	v3 =	vand.u32 $0x7, v3;
	v4 =	vand.u32 $0xFFFFFFF0, v58  }
0x87: {  	v3 =	vor.u32 v3, v4  }
0x88: {  	v4 =	vperm.xlane v3, v0;
	_ =	sdelay $0x1  }
0x89: {  	v3 =	vperm.xlane v3, v2;
	v4 =	vadd.s32 v1, v4;
	_ =	sdelay $0x1  }
0x8a: {  	v3 =	vadd.s32 v1, v3;
	_ =	sdelay $0x2  }
0x8b: {  	[tilespmem:s19], [sflag:$0x1] =	stream.indirect_vreg.gather [hbm4b:s2+s3], $0x80, v4, vm0, $0xb8;
	[tilespmem:$0x10100] =	vst v63  }
0x8c: {  	_ = 	snop  }
0x8d: {  	[tilespmem:s20], [sflag:$0x1] =	stream.indirect_vreg.gather [hbm4b:s2+s3], $0x80, v3, vm0, $0xb8;
	[tilespmem:$0x10100] =	vst v63  }
0x8e: {  	v3 =	vld [tilespmem:$0xB0];
	_ =	sdelay $0x4  }
0x8f: {  	v59 =	vshll.u32 v3, $0x1  }
0x90: {  	v3 =	vand.u32 $0x7, v3;
	v4 =	vand.u32 $0xFFFFFFF0, v59  }
0x91: {  	v3 =	vor.u32 v3, v4  }
0x92: {  	v4 =	vperm.xlane v3, v0;
	_ =	sdelay $0x1  }
0x93: {  	v3 =	vperm.xlane v3, v2;
	v4 =	vadd.s32 v1, v4;
	_ =	sdelay $0x1  }
0x94: {  	v3 =	vadd.s32 v1, v3;
	_ =	sdelay $0x2  }
0x95: {  	[tilespmem:s21], [sflag:$0x1] =	stream.indirect_vreg.gather [hbm4b:s2+s3], $0x80, v4, vm0, $0xb8;
	[tilespmem:$0x10100] =	vst v63  }
0x96: {  	_ = 	snop  }
0x97: {  	[tilespmem:s22], [sflag:$0x1] =	stream.indirect_vreg.gather [hbm4b:s2+s3], $0x80, v3, vm0, $0xb8;
	[tilespmem:$0x10100] =	vst v63  }
0x98: {  	v3 =	vld [tilespmem:$0xC0];
	_ =	sdelay $0x4  }
0x99: {  	v60 =	vshll.u32 v3, $0x1  }
0x9a: {  	v3 =	vand.u32 $0x7, v3;
	v4 =	vand.u32 $0xFFFFFFF0, v60  }
0x9b: {  	v3 =	vor.u32 v3, v4  }
0x9c: {  	v4 =	vperm.xlane v3, v0;
	_ =	sdelay $0x1  }
0x9d: {  	v3 =	vperm.xlane v3, v2;
	v4 =	vadd.s32 v1, v4;
	_ =	sdelay $0x1  }
0x9e: {  	v3 =	vadd.s32 v1, v3;
	_ =	sdelay $0x2  }
0x9f: {  	[tilespmem:s23], [sflag:$0x1] =	stream.indirect_vreg.gather [hbm4b:s2+s3], $0x80, v4, vm0, $0xb8;
	[tilespmem:$0x10100] =	vst v63  }
0xa0: {  	_ = 	snop  }
0xa1: {  	[tilespmem:s24], [sflag:$0x1] =	stream.indirect_vreg.gather [hbm4b:s2+s3], $0x80, v3, vm0, $0xb8;
	[tilespmem:$0x10100] =	vst v63  }
0xa2: {  	v3 =	vld [tilespmem:$0xD0];
	_ =	sdelay $0x4  }
0xa3: {  	v61 =	vshll.u32 v3, $0x1  }
0xa4: {  	v3 =	vand.u32 $0x7, v3;
	v4 =	vand.u32 $0xFFFFFFF0, v61  }
0xa5: {  	v3 =	vor.u32 v3, v4  }
0xa6: {  	v4 =	vperm.xlane v3, v0;
	_ =	sdelay $0x1  }
0xa7: {  	v3 =	vperm.xlane v3, v2;
	v4 =	vadd.s32 v1, v4;
	_ =	sdelay $0x1  }
0xa8: {  	v3 =	vadd.s32 v1, v3;
	_ =	sdelay $0x2  }
0xa9: {  	[tilespmem:s25], [sflag:$0x1] =	stream.indirect_vreg.gather [hbm4b:s2+s3], $0x80, v4, vm0, $0xb8;
	[tilespmem:$0x10100] =	vst v63  }
0xaa: {  	_ = 	snop  }
0xab: {  	[tilespmem:s26], [sflag:$0x1] =	stream.indirect_vreg.gather [hbm4b:s2+s3], $0x80, v3, vm0, $0xb8;
	[tilespmem:$0x10100] =	vst v63  }
0xac: {  	v3 =	vld [tilespmem:$0xE0];
	_ =	sdelay $0x4  }
0xad: {  	v62 =	vshll.u32 v3, $0x1  }
0xae: {  	v3 =	vand.u32 $0x7, v3;
	v4 =	vand.u32 $0xFFFFFFF0, v62  }
0xaf: {  	v3 =	vor.u32 v3, v4  }
0xb0: {  	v4 =	vperm.xlane v3, v0;
	_ =	sdelay $0x1  }
0xb1: {  	v3 =	vperm.xlane v3, v2;
	v4 =	vadd.s32 v1, v4;
	_ =	sdelay $0x1  }
0xb2: {  	v3 =	vadd.s32 v1, v3;
	_ =	sdelay $0x2  }
0xb3: {  	[tilespmem:s28], [sflag:$0x1] =	stream.indirect_vreg.gather [hbm4b:s2+s3], $0x80, v4, vm0, $0xb8;
	[tilespmem:$0x10100] =	vst v63  }
0xb4: {  	_ = 	snop  }
0xb5: {  	[tilespmem:s29], [sflag:$0x1] =	stream.indirect_vreg.gather [hbm4b:s2+s3], $0x80, v3, vm0, $0xb8;
	[tilespmem:$0x10100] =	vst v63  }
0xb6: {  	v3 =	vld [tilespmem:$0xF0];
	_ =	sdelay $0x4  }
0xb7: {  	v63 =	vshll.u32 v3, $0x1  }
0xb8: {  	v3 =	vand.u32 $0x7, v3;
	v4 =	vand.u32 $0xFFFFFFF0, v63  }
0xb9: {  	v3 =	vor.u32 v3, v4  }
0xba: {  	v4 =	vperm.xlane v3, v0;
	_ =	sdelay $0x1  }
0xbb: {  	v3 =	vperm.xlane v3, v2;
	v4 =	vadd.s32 v1, v4;
	_ =	sdelay $0x1  }
0xbc: {  	v3 =	vadd.s32 v1, v3;
	_ =	sdelay $0x2  }
0xbd: {  	[tilespmem:s30], [sflag:$0x1] =	stream.indirect_vreg.gather [hbm4b:s2+s3], $0x80, v4, vm0, $0xb8;
	[tilespmem:$0x10100] =	vst v63  }
0xbe: {  	_ = 	snop  }
0xbf: {  	[tilespmem:s31], [sflag:$0x1] =	stream.indirect_vreg.gather [hbm4b:s2+s3], $0x80, v3, vm0, $0xb8;
	[tilespmem:$0x10100] =	vst v63  }
0xc0: {  	_ =	swait.ge [sflag:s1], $0x8000  }
0xc1: {  	[sflag:s1] =	ssyncset.done $0x0  }
0xc2: {  	[sflag:s1] =	ssyncadd.s32 $0xFFFF8000  }
0xc3: {  	_ =	swait.ge [sflag:s1], $0x8000  }
0xc4: {  	p0 =	sne.s32 s4, $0x1;
	[sflag:s1] =	ssyncset.done $0x0  }
.Ltmp0:
0xc5: {  	s7 =	rddreg [dreg:$0x4];
	[sflag:s1] =	ssyncadd.s32 $0xFFFF8000;
	(pc) =	sbr.rel @p0 .LBB2_1-.Ltmp0, $4  }
0xc6: {  	[hbm4b:s7+s3] =	stream.linear.scatter [tilespmem:s6], [sflag:$0x2], $0x10000, $0x38;
	[tilespmem:$0x10100] =	vst v63  }
0xc7: {  	_ =	swait.ge [sflag:s5], $0x10000  }
0xc8: {  	[sflag:s5] =	ssyncset.done $0x0  }
0xc9: {  	s4 =	sadd.s32 $0xFFFFFFFF, s4;
	[sflag:s5] =	ssyncadd.s32 $0xFFFF0000  }
0xca: {  	_ =	sfence.sel $0x180000  }
0xcb: {  	[bflag:$0x0] =	sbarrier.arrive $0xFFFF  }
0xcc: {  	_ =	strace $0x90000059  }
0xcd: {  	s0 =	stileid.u32;
	[bflag:$0x2] =	sbarrier.arrive $0xFFFF  }
0xce: {  	p0 =	sne.s32 s0, $0x0;
	s0 =	rddreg [dreg:$0x2]  }
0xcf: {  	s0 =	sadd.s32 @!p0 $0x100000, s0  }
0xd0: {  	[sflag:s0] =	ssyncadd.tile.s32 @!p0 $0x1;
	_ =	shalt  }
.Lfunc_end2:
_tile_overlayer_lowered:
.L_overlay_start_2:
0xd1: {  	(tag) =	ssettag $0x2  }
0xd2: {  	s0 =	rddreg [dreg:$0x0];
	s2 =	stileid.u32  }
0xd3: {  	s1 =	rddreg [dreg:$0x1];
	p0 =	sne.s32 s2, $0x0  }
0xd4: {  	s3 =	rddreg [dreg:$0x2];
	[bflag:$0x3] =	sbarrier.arrive $0xFFFF;
	s2 =	simm.s32 @!p0 $0x1C02  }
0xd5: {  	[timem:s3], [sflag:s2] =	dma.local @!p0 [hbm:s0], s1  }
0xd6: {  	s0 =	simm.s32 @!p0 $0x2  }
0xd7: {  	_ =	swait.ge @!p0 [sflag:s0], s1  }
0xd8: {  	s1 =	ssub.s32 @!p0 $0x0, s1;
	[sflag:s0] =	ssyncset.done @!p0 $0x0  }
0xd9: {  	[sflag:s0] =	ssyncadd.s32 @!p0 s1  }
0xda: {  	[bflag:$0x3] =	sbarrier.arrive $0xFFFF  }
0xdb: {  	_ =	shalt  }

</sc_bundles>
